<compile_context>
chip_gen: v7x
topology: tpu7x:2x2x1
jax: 0.10.2.dev20260603
libtpu: 0.0.44.dev20260713+nightly
codegen_flags: <defaults>
</compile_context>

<pallas_src>
import functools

import jax
import jax.numpy as jnp
from jax import lax
from jax.experimental import pallas as pl
from jax.experimental.pallas import tpu as pltpu
from jax.experimental.pallas import tpu_sc as plsc

_B = 16
_M = 8192
_H = 512
_W = 512
_NC = 2
_CHUNKS = (104, 96, 56)
_BUFROWS = (104, 96)
_UNROLL = 16


@functools.cache
def _build_scatter_kernel():
    mesh = plsc.VectorSubcoreMesh(core_axis_name="c", subcore_axis_name="s")

    @functools.partial(
        pl.kernel,
        out_type=jax.ShapeDtypeStruct((_B, _H, _W), jnp.float32),
        mesh=mesh,
        scratch_types=[
            pltpu.VMEM((_M,), jnp.int32),
            pltpu.VMEM((_M,), jnp.int32),
            pltpu.VMEM((_M,), jnp.float32),
            pltpu.VMEM((16,), jnp.int32),
            pltpu.VMEM((_BUFROWS[0], _W), jnp.float32),
            pltpu.VMEM((_BUFROWS[1], _W), jnp.float32),
            pltpu.SemaphoreType.DMA,
            pltpu.SemaphoreType.DMA,
            pltpu.SemaphoreType.DMA,
        ],
        compiler_params=pltpu.CompilerParams(needs_layout_passes=False),
    )
    def k(rows_hbm, cols_hbm, vals_hbm, nv_hbm, out_hbm,
          rows_v, cols_v, vals_v, nv_v, slab_a, slab_b, sem, sem_a, sem_b):
        wid = lax.axis_index("s") * _NC + lax.axis_index("c")
        b = wid // 2
        h = wid % 2
        cp_r = pltpu.async_copy(rows_hbm.at[b], rows_v, sem)
        cp_c = pltpu.async_copy(cols_hbm.at[b], cols_v, sem)
        cp_v = pltpu.async_copy(vals_hbm.at[b], vals_v, sem)
        cp_nv = pltpu.async_copy(nv_hbm, nv_v, sem)

        lane = lax.iota(jnp.int32, 16)
        zeros_f = jnp.zeros((16,), jnp.float32)

        def zero_slab(slab, nrows):
            @plsc.parallel_loop(0, nrows, 1, unroll=4)
            def _(i):
                for j in range(_W // 16):
                    slab[i, pl.ds(j * 16, 16)] = zeros_f

        zero_slab(slab_a, _CHUNKS[0])
        zero_slab(slab_b, _CHUNKS[1])
        cp_r.wait()
        cp_c.wait()
        cp_v.wait()
        cp_nv.wait()

        n = jnp.max(jnp.where(lane == b, nv_v[...], 0))
        nsteps = (jnp.minimum((n + 15) // 16, _M // 16) + _UNROLL - 1) // _UNROLL

        half = h * 256
        row_off = 0
        out_cps = []
        for t, nrows in enumerate(_CHUNKS):
            slab = (slab_a, slab_b)[t % 2]
            osem = (sem_a, sem_b)[t % 2]
            lo = half + row_off
            if t >= 2:
                out_cps[t - 2].wait()
                zero_slab(slab, nrows)

            def scatter_step(g, carry, slab=slab, lo=lo, nrows=nrows):
                staged = []
                for u in range(_UNROLL):
                    base = (g * _UNROLL + u) * 16
                    pos = lane + base
                    r = rows_v[pl.ds(base, 16)]
                    c = cols_v[pl.ds(base, 16)]
                    v = vals_v[pl.ds(base, 16)]
                    rr = r - lo
                    m = (pos < n) & (rr.astype(jnp.uint32) < nrows)
                    staged.append((jnp.where(m, rr, 0), c, v, m))
                for rr, c, v, m in staged:
                    plsc.store_scatter(slab, [rr, c], v, mask=m)
                return carry

            lax.fori_loop(0, nsteps, scatter_step, 0)
            out_cps.append(pltpu.async_copy(
                slab.at[pl.ds(0, nrows)],
                out_hbm.at[b, pl.ds(lo, nrows)], osem))
            row_off += nrows
        out_cps[-2].wait()
        out_cps[-1].wait()

    return k


def kernel(indices, num_valid_coordinates, padded_features):
    rows = indices[..., 0]
    cols = indices[..., 1]
    vals = padded_features[..., 0]
    return _build_scatter_kernel()(rows, cols, vals, num_valid_coordinates)

# --- scband reference (transcript-rebuilt; emitter-appended) ---
"""Pipeline reference for scband-dense-from-sparse-11879879543232 (READ-ONLY COPY).

The authoritative reference and input builder live on the scoring server;
editing this copy changes nothing except your own understanding.
"""

import jax, jax.numpy as jnp
import numpy as np

B = 16
M = 8192
H = 512
W = 512


def setup_inputs(seed: int = 0) -> dict:
    key = jax.random.key(seed)
    k1, k2, k3 = jax.random.split(key, 3)
    indices = jax.random.randint(k1, (B, M, 2), 0, H).astype(jnp.int32)
    num_valid_coordinates = jax.random.randint(k2, (B,), 0, M).astype(jnp.int32)
    padded_features = jax.random.normal(k3, (B, M, 1), dtype=jnp.float32)
    return {
        "indices": indices,
        "num_valid_coordinates": num_valid_coordinates,
        "padded_features": padded_features,
    }


def reference(indices, num_valid_coordinates, padded_features):
    # Faithful port of DenseFromSparse: per batch item, build a sparse tensor from
    # the first num_valid_coordinates[i] (row, col) coords and squeezed features,
    # then densify into [B, H, W]. Padding entries contribute nothing.
    Bv = indices.shape[0]
    Mv = indices.shape[1]
    vals = jnp.squeeze(padded_features, axis=-1)  # [B, M]
    valid = jnp.arange(Mv, dtype=num_valid_coordinates.dtype)[None, :] < num_valid_coordinates[:, None]  # [B, M]
    # Route invalid (padded) entries to an out-of-bounds index so mode='drop' skips them.
    rows = jnp.where(valid, indices[..., 0], H)
    cols = jnp.where(valid, indices[..., 1], W)
    b_idx = jnp.broadcast_to(jnp.arange(Bv)[:, None], (Bv, Mv))
    dense = jnp.zeros((Bv, H, W), dtype=vals.dtype)
    dense = dense.at[b_idx, rows, cols].set(vals, mode="drop")
    return dense

if __name__ == "__main__":
    import jax
    _d = setup_inputs()
    print(jax.jit(kernel)(*tuple(_d.values())))

</pallas_src>

<mosaic_0001>
#map = affine_map<(d0, d1) -> (0, 0)>
#map1 = affine_map<(d0, d1) -> (0)>
#map2 = affine_map<(d0, d1) -> (0, 0, 0)>
module attributes {stable_mosaic.version = 14 : i64} {
  func.func @k(%arg0: i32, %arg1: i32, %arg2: memref<16x8192xi32, #tpu.memory_space<hbm>>, %arg3: memref<16x8192xi32, #tpu.memory_space<hbm>>, %arg4: memref<16x8192xf32, #tpu.memory_space<hbm>>, %arg5: memref<16xi32, #tpu.memory_space<hbm>>, %arg6: memref<16x512x512xf32, #tpu.memory_space<hbm>>, %arg7: memref<8192xi32, #tpu.memory_space<vmem>>, %arg8: memref<8192xi32, #tpu.memory_space<vmem>>, %arg9: memref<8192xf32, #tpu.memory_space<vmem>>, %arg10: memref<16xi32, #tpu.memory_space<vmem>>, %arg11: memref<104x512xf32, #tpu.memory_space<vmem>>, %arg12: memref<96x512xf32, #tpu.memory_space<vmem>>, %arg13: memref<!tpu.dma_semaphore, #tpu.memory_space<semaphore_mem>>, %arg14: memref<!tpu.dma_semaphore, #tpu.memory_space<semaphore_mem>>, %arg15: memref<!tpu.dma_semaphore, #tpu.memory_space<semaphore_mem>>) attributes {dimension_semantics = [#tpu.dimension_semantics<core_parallel>, #tpu.dimension_semantics<subcore_parallel>], iteration_bounds = array<i64: 2, 16>, scalar_prefetch = 0 : i64, scratch_operands = 9 : i64, tpu.core_type = #tpu.core_type<sc_vector_subcore>, window_params = [{transform_indices = #map}, {transform_indices = #map}, {transform_indices = #map}, {transform_indices = #map1}, {transform_indices = #map2}]} {
    %mul3A = arith.constant 2 : i32
    %mul3A_0 = arith.muli %arg1, %mul3A : i32
    %add3A = arith.addi %mul3A_0, %arg0 : i32
    %jit3A = arith.constant 2 : i32
    %div3A = arith.divsi %add3A, %jit3A : i32
    %sign3A = arith.constant 0 : i32
    %sign3A_1 = arith.cmpi sgt, %add3A, %sign3A : i32
    %sign3A_2 = arith.extui %sign3A_1 : i1 to i32
    %sign3A_3 = arith.constant 0 : i32
    %sign3A_4 = arith.cmpi slt, %add3A, %sign3A_3 : i32
    %sign3A_5 = arith.extui %sign3A_4 : i1 to i32
    %sign3A_6 = arith.subi %sign3A_2, %sign3A_5 : i32
    %sign3A_7 = arith.constant 0 : i32
    %sign3A_8 = arith.cmpi sgt, %jit3A, %sign3A_7 : i32
    %sign3A_9 = arith.extui %sign3A_8 : i1 to i32
    %sign3A_10 = arith.constant 0 : i32
    %sign3A_11 = arith.cmpi slt, %jit3A, %sign3A_10 : i32
    %sign3A_12 = arith.extui %sign3A_11 : i1 to i32
    %sign3A_13 = arith.subi %sign3A_9, %sign3A_12 : i32
    %ne3A = arith.cmpi ne, %sign3A_6, %sign3A_13 : i32
    %rem3A = arith.remsi %add3A, %jit3A : i32
    %ne3A_14 = arith.constant 0 : i32
    %ne3A_15 = arith.cmpi ne, %rem3A, %ne3A_14 : i32
    %and3A = arith.andi %ne3A, %ne3A_15 : i1
    %sub3A = arith.constant 1 : i32
    %sub3A_16 = arith.subi %div3A, %sub3A : i32
    %select_n3A = arith.select %and3A, %sub3A_16, %div3A : i32
    %jit3A_17 = arith.constant 2 : i32
    %eq3A = arith.constant 0 : i32
    %eq3A_18 = arith.cmpi eq, %jit3A_17, %eq3A : i32
    %jit3A_19 = arith.constant 1 : i32
    %select_n3A_20 = arith.select %eq3A_18, %jit3A_19, %jit3A_17 : i32
    %rem3A_21 = arith.remsi %add3A, %select_n3A_20 : i32
    %ne3A_22 = arith.constant 0 : i32
    %ne3A_23 = arith.cmpi ne, %rem3A_21, %ne3A_22 : i32
    %lt3A = arith.constant 0 : i32
    %lt3A_24 = arith.cmpi slt, %rem3A_21, %lt3A : i32
    %lt3A_25 = arith.constant 0 : i32
    %lt3A_26 = arith.cmpi slt, %select_n3A_20, %lt3A_25 : i32
    %ne3A_27 = arith.xori %lt3A_24, %lt3A_26 : i1
    %and3A_28 = arith.andi %ne3A_27, %ne3A_23 : i1
    %add3A_29 = arith.addi %rem3A_21, %select_n3A_20 : i32
    %select_n3A_30 = arith.select %and3A_28, %add3A_29, %rem3A_21 : i32
    %dma_start3A = arith.constant 0 : i32
    %dma_start3A_31 = tpu.memref_slice %arg2[%select_n3A, %dma_start3A] : memref<16x8192xi32, #tpu.memory_space<hbm>> -> memref<1x8192xi32, #tpu.memory_space<hbm>>
    %dma_start3A_32 = tpu.memref_squeeze %dma_start3A_31 : memref<1x8192xi32, #tpu.memory_space<hbm>> -> memref<8192xi32, #tpu.memory_space<hbm>>
    %dma_start3A_33 = arith.constant 0 : i32
    %dma_start3A_34 = tpu.memref_slice %arg2[%select_n3A, %dma_start3A_33] : memref<16x8192xi32, #tpu.memory_space<hbm>> -> memref<1x8192xi32, #tpu.memory_space<hbm>>
    %dma_start3A_35 = tpu.memref_squeeze %dma_start3A_34 : memref<1x8192xi32, #tpu.memory_space<hbm>> -> memref<8192xi32, #tpu.memory_space<hbm>>
    tpu.enqueue_dma source(%dma_start3A_35 : memref<8192xi32, #tpu.memory_space<hbm>>) target(%arg7 : memref<8192xi32, #tpu.memory_space<vmem>>) target_semaphore(%arg13 : memref<!tpu.dma_semaphore, #tpu.memory_space<semaphore_mem>>)
    %dma_start3A_36 = arith.constant 0 : i32
    %dma_start3A_37 = tpu.memref_slice %arg3[%select_n3A, %dma_start3A_36] : memref<16x8192xi32, #tpu.memory_space<hbm>> -> memref<1x8192xi32, #tpu.memory_space<hbm>>
    %dma_start3A_38 = tpu.memref_squeeze %dma_start3A_37 : memref<1x8192xi32, #tpu.memory_space<hbm>> -> memref<8192xi32, #tpu.memory_space<hbm>>
    %dma_start3A_39 = arith.constant 0 : i32
    %dma_start3A_40 = tpu.memref_slice %arg3[%select_n3A, %dma_start3A_39] : memref<16x8192xi32, #tpu.memory_space<hbm>> -> memref<1x8192xi32, #tpu.memory_space<hbm>>
    %dma_start3A_41 = tpu.memref_squeeze %dma_start3A_40 : memref<1x8192xi32, #tpu.memory_space<hbm>> -> memref<8192xi32, #tpu.memory_space<hbm>>
    tpu.enqueue_dma source(%dma_start3A_41 : memref<8192xi32, #tpu.memory_space<hbm>>) target(%arg8 : memref<8192xi32, #tpu.memory_space<vmem>>) target_semaphore(%arg13 : memref<!tpu.dma_semaphore, #tpu.memory_space<semaphore_mem>>)
    %dma_start3A_42 = arith.constant 0 : i32
    %dma_start3A_43 = tpu.memref_slice %arg4[%select_n3A, %dma_start3A_42] : memref<16x8192xf32, #tpu.memory_space<hbm>> -> memref<1x8192xf32, #tpu.memory_space<hbm>>
    %dma_start3A_44 = tpu.memref_squeeze %dma_start3A_43 : memref<1x8192xf32, #tpu.memory_space<hbm>> -> memref<8192xf32, #tpu.memory_space<hbm>>
    %dma_start3A_45 = arith.constant 0 : i32
    %dma_start3A_46 = tpu.memref_slice %arg4[%select_n3A, %dma_start3A_45] : memref<16x8192xf32, #tpu.memory_space<hbm>> -> memref<1x8192xf32, #tpu.memory_space<hbm>>
    %dma_start3A_47 = tpu.memref_squeeze %dma_start3A_46 : memref<1x8192xf32, #tpu.memory_space<hbm>> -> memref<8192xf32, #tpu.memory_space<hbm>>
    tpu.enqueue_dma source(%dma_start3A_47 : memref<8192xf32, #tpu.memory_space<hbm>>) target(%arg9 : memref<8192xf32, #tpu.memory_space<vmem>>) target_semaphore(%arg13 : memref<!tpu.dma_semaphore, #tpu.memory_space<semaphore_mem>>)
    tpu.enqueue_dma source(%arg5 : memref<16xi32, #tpu.memory_space<hbm>>) target(%arg10 : memref<16xi32, #tpu.memory_space<vmem>>) target_semaphore(%arg13 : memref<!tpu.dma_semaphore, #tpu.memory_space<semaphore_mem>>)
    %iota3A = tpu.iota {dimensions = array<i32: 0>} : vector<16xi32>
    %broadcast_in_dim3A = arith.constant 0.000000e+00 : f32
    %broadcast_in_dim3A_48 = vector.broadcast %broadcast_in_dim3A : f32 to vector<16xf32>
    %parallel_loop3A = arith.constant 0 : i32
    %parallel_loop3A_49 = arith.constant 104 : i32
    %parallel_loop3A_50 = arith.constant 1 : i32
    scf.for %parallel_loop3A_251 = %parallel_loop3A to %parallel_loop3A_49 step %parallel_loop3A_50  : i32 {
      %parallel_loop3A_252 = arith.index_cast %parallel_loop3A_251 : i32 to index
      %parallel_loop3A_253 = arith.constant 0 : index
      %parallel_loop3A_254 = tpu.vector_load %arg11[%parallel_loop3A_252, %parallel_loop3A_253] {strides = array<i32>} : memref<104x512xf32, #tpu.memory_space<vmem>>, vector<16xf32>,
      tpu.vector_store %arg11[%parallel_loop3A_252, %parallel_loop3A_253], %broadcast_in_dim3A_48 {strides = array<i32>} : memref<104x512xf32, #tpu.memory_space<vmem>>, vector<16xf32>,
      %parallel_loop3A_255 = arith.index_cast %parallel_loop3A_251 : i32 to index
      %parallel_loop3A_256 = arith.constant 16 : index
      %parallel_loop3A_257 = tpu.vector_load %arg11[%parallel_loop3A_255, %parallel_loop3A_256] {strides = array<i32>} : memref<104x512xf32, #tpu.memory_space<vmem>>, vector<16xf32>,
      tpu.vector_store %arg11[%parallel_loop3A_255, %parallel_loop3A_256], %broadcast_in_dim3A_48 {strides = array<i32>} : memref<104x512xf32, #tpu.memory_space<vmem>>, vector<16xf32>,
      %parallel_loop3A_258 = arith.index_cast %parallel_loop3A_251 : i32 to index
      %parallel_loop3A_259 = arith.constant 32 : index
      %parallel_loop3A_260 = tpu.vector_load %arg11[%parallel_loop3A_258, %parallel_loop3A_259] {strides = array<i32>} : memref<104x512xf32, #tpu.memory_space<vmem>>, vector<16xf32>,
      tpu.vector_store %arg11[%parallel_loop3A_258, %parallel_loop3A_259], %broadcast_in_dim3A_48 {strides = array<i32>} : memref<104x512xf32, #tpu.memory_space<vmem>>, vector<16xf32>,
      %parallel_loop3A_261 = arith.index_cast %parallel_loop3A_251 : i32 to index
      %parallel_loop3A_262 = arith.constant 48 : index
      %parallel_loop3A_263 = tpu.vector_load %arg11[%parallel_loop3A_261, %parallel_loop3A_262] {strides = array<i32>} : memref<104x512xf32, #tpu.memory_space<vmem>>, vector<16xf32>,
      tpu.vector_store %arg11[%parallel_loop3A_261, %parallel_loop3A_262], %broadcast_in_dim3A_48 {strides = array<i32>} : memref<104x512xf32, #tpu.memory_space<vmem>>, vector<16xf32>,
      %parallel_loop3A_264 = arith.index_cast %parallel_loop3A_251 : i32 to index
      %parallel_loop3A_265 = arith.constant 64 : index
      %parallel_loop3A_266 = tpu.vector_load %arg11[%parallel_loop3A_264, %parallel_loop3A_265] {strides = array<i32>} : memref<104x512xf32, #tpu.memory_space<vmem>>, vector<16xf32>,
      tpu.vector_store %arg11[%parallel_loop3A_264, %parallel_loop3A_265], %broadcast_in_dim3A_48 {strides = array<i32>} : memref<104x512xf32, #tpu.memory_space<vmem>>, vector<16xf32>,
      %parallel_loop3A_267 = arith.index_cast %parallel_loop3A_251 : i32 to index
      %parallel_loop3A_268 = arith.constant 80 : index
      %parallel_loop3A_269 = tpu.vector_load %arg11[%parallel_loop3A_267, %parallel_loop3A_268] {strides = array<i32>} : memref<104x512xf32, #tpu.memory_space<vmem>>, vector<16xf32>,
      tpu.vector_store %arg11[%parallel_loop3A_267, %parallel_loop3A_268], %broadcast_in_dim3A_48 {strides = array<i32>} : memref<104x512xf32, #tpu.memory_space<vmem>>, vector<16xf32>,
      %parallel_loop3A_270 = arith.index_cast %parallel_loop3A_251 : i32 to index
      %parallel_loop3A_271 = arith.constant 96 : index
      %parallel_loop3A_272 = tpu.vector_load %arg11[%parallel_loop3A_270, %parallel_loop3A_271] {strides = array<i32>} : memref<104x512xf32, #tpu.memory_space<vmem>>, vector<16xf32>,
      tpu.vector_store %arg11[%parallel_loop3A_270, %parallel_loop3A_271], %broadcast_in_dim3A_48 {strides = array<i32>} : memref<104x512xf32, #tpu.memory_space<vmem>>, vector<16xf32>,
      %parallel_loop3A_273 = arith.index_cast %parallel_loop3A_251 : i32 to index
      %parallel_loop3A_274 = arith.constant 112 : index
      %parallel_loop3A_275 = tpu.vector_load %arg11[%parallel_loop3A_273, %parallel_loop3A_274] {strides = array<i32>} : memref<104x512xf32, #tpu.memory_space<vmem>>, vector<16xf32>,
      tpu.vector_store %arg11[%parallel_loop3A_273, %parallel_loop3A_274], %broadcast_in_dim3A_48 {strides = array<i32>} : memref<104x512xf32, #tpu.memory_space<vmem>>, vector<16xf32>,
      %parallel_loop3A_276 = arith.index_cast %parallel_loop3A_251 : i32 to index
      %parallel_loop3A_277 = arith.constant 128 : index
      %parallel_loop3A_278 = tpu.vector_load %arg11[%parallel_loop3A_276, %parallel_loop3A_277] {strides = array<i32>} : memref<104x512xf32, #tpu.memory_space<vmem>>, vector<16xf32>,
      tpu.vector_store %arg11[%parallel_loop3A_276, %parallel_loop3A_277], %broadcast_in_dim3A_48 {strides = array<i32>} : memref<104x512xf32, #tpu.memory_space<vmem>>, vector<16xf32>,
      %parallel_loop3A_279 = arith.index_cast %parallel_loop3A_251 : i32 to index
      %parallel_loop3A_280 = arith.constant 144 : index
      %parallel_loop3A_281 = tpu.vector_load %arg11[%parallel_loop3A_279, %parallel_loop3A_280] {strides = array<i32>} : memref<104x512xf32, #tpu.memory_space<vmem>>, vector<16xf32>,
      tpu.vector_store %arg11[%parallel_loop3A_279, %parallel_loop3A_280], %broadcast_in_dim3A_48 {strides = array<i32>} : memref<104x512xf32, #tpu.memory_space<vmem>>, vector<16xf32>,
      %parallel_loop3A_282 = arith.index_cast %parallel_loop3A_251 : i32 to index
      %parallel_loop3A_283 = arith.constant 160 : index
      %parallel_loop3A_284 = tpu.vector_load %arg11[%parallel_loop3A_282, %parallel_loop3A_283] {strides = array<i32>} : memref<104x512xf32, #tpu.memory_space<vmem>>, vector<16xf32>,
      tpu.vector_store %arg11[%parallel_loop3A_282, %parallel_loop3A_283], %broadcast_in_dim3A_48 {strides = array<i32>} : memref<104x512xf32, #tpu.memory_space<vmem>>, vector<16xf32>,
      %parallel_loop3A_285 = arith.index_cast %parallel_loop3A_251 : i32 to index
      %parallel_loop3A_286 = arith.constant 176 : index
      %parallel_loop3A_287 = tpu.vector_load %arg11[%parallel_loop3A_285, %parallel_loop3A_286] {strides = array<i32>} : memref<104x512xf32, #tpu.memory_space<vmem>>, vector<16xf32>,
      tpu.vector_store %arg11[%parallel_loop3A_285, %parallel_loop3A_286], %broadcast_in_dim3A_48 {strides = array<i32>} : memref<104x512xf32, #tpu.memory_space<vmem>>, vector<16xf32>,
      %parallel_loop3A_288 = arith.index_cast %parallel_loop3A_251 : i32 to index
      %parallel_loop3A_289 = arith.constant 192 : index
      %parallel_loop3A_290 = tpu.vector_load %arg11[%parallel_loop3A_288, %parallel_loop3A_289] {strides = array<i32>} : memref<104x512xf32, #tpu.memory_space<vmem>>, vector<16xf32>,
      tpu.vector_store %arg11[%parallel_loop3A_288, %parallel_loop3A_289], %broadcast_in_dim3A_48 {strides = array<i32>} : memref<104x512xf32, #tpu.memory_space<vmem>>, vector<16xf32>,
      %parallel_loop3A_291 = arith.index_cast %parallel_loop3A_251 : i32 to index
      %parallel_loop3A_292 = arith.constant 208 : index
      %parallel_loop3A_293 = tpu.vector_load %arg11[%parallel_loop3A_291, %parallel_loop3A_292] {strides = array<i32>} : memref<104x512xf32, #tpu.memory_space<vmem>>, vector<16xf32>,
      tpu.vector_store %arg11[%parallel_loop3A_291, %parallel_loop3A_292], %broadcast_in_dim3A_48 {strides = array<i32>} : memref<104x512xf32, #tpu.memory_space<vmem>>, vector<16xf32>,
      %parallel_loop3A_294 = arith.index_cast %parallel_loop3A_251 : i32 to index
      %parallel_loop3A_295 = arith.constant 224 : index
      %parallel_loop3A_296 = tpu.vector_load %arg11[%parallel_loop3A_294, %parallel_loop3A_295] {strides = array<i32>} : memref<104x512xf32, #tpu.memory_space<vmem>>, vector<16xf32>,
      tpu.vector_store %arg11[%parallel_loop3A_294, %parallel_loop3A_295], %broadcast_in_dim3A_48 {strides = array<i32>} : memref<104x512xf32, #tpu.memory_space<vmem>>, vector<16xf32>,
      %parallel_loop3A_297 = arith.index_cast %parallel_loop3A_251 : i32 to index
      %parallel_loop3A_298 = arith.constant 240 : index
      %parallel_loop3A_299 = tpu.vector_load %arg11[%parallel_loop3A_297, %parallel_loop3A_298] {strides = array<i32>} : memref<104x512xf32, #tpu.memory_space<vmem>>, vector<16xf32>,
      tpu.vector_store %arg11[%parallel_loop3A_297, %parallel_loop3A_298], %broadcast_in_dim3A_48 {strides = array<i32>} : memref<104x512xf32, #tpu.memory_space<vmem>>, vector<16xf32>,
      %parallel_loop3A_300 = arith.index_cast %parallel_loop3A_251 : i32 to index
      %parallel_loop3A_301 = arith.constant 256 : index
      %parallel_loop3A_302 = tpu.vector_load %arg11[%parallel_loop3A_300, %parallel_loop3A_301] {strides = array<i32>} : memref<104x512xf32, #tpu.memory_space<vmem>>, vector<16xf32>,
      tpu.vector_store %arg11[%parallel_loop3A_300, %parallel_loop3A_301], %broadcast_in_dim3A_48 {strides = array<i32>} : memref<104x512xf32, #tpu.memory_space<vmem>>, vector<16xf32>,
      %parallel_loop3A_303 = arith.index_cast %parallel_loop3A_251 : i32 to index
      %parallel_loop3A_304 = arith.constant 272 : index
      %parallel_loop3A_305 = tpu.vector_load %arg11[%parallel_loop3A_303, %parallel_loop3A_304] {strides = array<i32>} : memref<104x512xf32, #tpu.memory_space<vmem>>, vector<16xf32>,
      tpu.vector_store %arg11[%parallel_loop3A_303, %parallel_loop3A_304], %broadcast_in_dim3A_48 {strides = array<i32>} : memref<104x512xf32, #tpu.memory_space<vmem>>, vector<16xf32>,
      %parallel_loop3A_306 = arith.index_cast %parallel_loop3A_251 : i32 to index
      %parallel_loop3A_307 = arith.constant 288 : index
      %parallel_loop3A_308 = tpu.vector_load %arg11[%parallel_loop3A_306, %parallel_loop3A_307] {strides = array<i32>} : memref<104x512xf32, #tpu.memory_space<vmem>>, vector<16xf32>,
      tpu.vector_store %arg11[%parallel_loop3A_306, %parallel_loop3A_307], %broadcast_in_dim3A_48 {strides = array<i32>} : memref<104x512xf32, #tpu.memory_space<vmem>>, vector<16xf32>,
      %parallel_loop3A_309 = arith.index_cast %parallel_loop3A_251 : i32 to index
      %parallel_loop3A_310 = arith.constant 304 : index
      %parallel_loop3A_311 = tpu.vector_load %arg11[%parallel_loop3A_309, %parallel_loop3A_310] {strides = array<i32>} : memref<104x512xf32, #tpu.memory_space<vmem>>, vector<16xf32>,
      tpu.vector_store %arg11[%parallel_loop3A_309, %parallel_loop3A_310], %broadcast_in_dim3A_48 {strides = array<i32>} : memref<104x512xf32, #tpu.memory_space<vmem>>, vector<16xf32>,
      %parallel_loop3A_312 = arith.index_cast %parallel_loop3A_251 : i32 to index
      %parallel_loop3A_313 = arith.constant 320 : index
      %parallel_loop3A_314 = tpu.vector_load %arg11[%parallel_loop3A_312, %parallel_loop3A_313] {strides = array<i32>} : memref<104x512xf32, #tpu.memory_space<vmem>>, vector<16xf32>,
      tpu.vector_store %arg11[%parallel_loop3A_312, %parallel_loop3A_313], %broadcast_in_dim3A_48 {strides = array<i32>} : memref<104x512xf32, #tpu.memory_space<vmem>>, vector<16xf32>,
      %parallel_loop3A_315 = arith.index_cast %parallel_loop3A_251 : i32 to index
      %parallel_loop3A_316 = arith.constant 336 : index
      %parallel_loop3A_317 = tpu.vector_load %arg11[%parallel_loop3A_315, %parallel_loop3A_316] {strides = array<i32>} : memref<104x512xf32, #tpu.memory_space<vmem>>, vector<16xf32>,
      tpu.vector_store %arg11[%parallel_loop3A_315, %parallel_loop3A_316], %broadcast_in_dim3A_48 {strides = array<i32>} : memref<104x512xf32, #tpu.memory_space<vmem>>, vector<16xf32>,
      %parallel_loop3A_318 = arith.index_cast %parallel_loop3A_251 : i32 to index
      %parallel_loop3A_319 = arith.constant 352 : index
      %parallel_loop3A_320 = tpu.vector_load %arg11[%parallel_loop3A_318, %parallel_loop3A_319] {strides = array<i32>} : memref<104x512xf32, #tpu.memory_space<vmem>>, vector<16xf32>,
      tpu.vector_store %arg11[%parallel_loop3A_318, %parallel_loop3A_319], %broadcast_in_dim3A_48 {strides = array<i32>} : memref<104x512xf32, #tpu.memory_space<vmem>>, vector<16xf32>,
      %parallel_loop3A_321 = arith.index_cast %parallel_loop3A_251 : i32 to index
      %parallel_loop3A_322 = arith.constant 368 : index
      %parallel_loop3A_323 = tpu.vector_load %arg11[%parallel_loop3A_321, %parallel_loop3A_322] {strides = array<i32>} : memref<104x512xf32, #tpu.memory_space<vmem>>, vector<16xf32>,
      tpu.vector_store %arg11[%parallel_loop3A_321, %parallel_loop3A_322], %broadcast_in_dim3A_48 {strides = array<i32>} : memref<104x512xf32, #tpu.memory_space<vmem>>, vector<16xf32>,
      %parallel_loop3A_324 = arith.index_cast %parallel_loop3A_251 : i32 to index
      %parallel_loop3A_325 = arith.constant 384 : index
      %parallel_loop3A_326 = tpu.vector_load %arg11[%parallel_loop3A_324, %parallel_loop3A_325] {strides = array<i32>} : memref<104x512xf32, #tpu.memory_space<vmem>>, vector<16xf32>,
      tpu.vector_store %arg11[%parallel_loop3A_324, %parallel_loop3A_325], %broadcast_in_dim3A_48 {strides = array<i32>} : memref<104x512xf32, #tpu.memory_space<vmem>>, vector<16xf32>,
      %parallel_loop3A_327 = arith.index_cast %parallel_loop3A_251 : i32 to index
      %parallel_loop3A_328 = arith.constant 400 : index
      %parallel_loop3A_329 = tpu.vector_load %arg11[%parallel_loop3A_327, %parallel_loop3A_328] {strides = array<i32>} : memref<104x512xf32, #tpu.memory_space<vmem>>, vector<16xf32>,
      tpu.vector_store %arg11[%parallel_loop3A_327, %parallel_loop3A_328], %broadcast_in_dim3A_48 {strides = array<i32>} : memref<104x512xf32, #tpu.memory_space<vmem>>, vector<16xf32>,
      %parallel_loop3A_330 = arith.index_cast %parallel_loop3A_251 : i32 to index
      %parallel_loop3A_331 = arith.constant 416 : index
      %parallel_loop3A_332 = tpu.vector_load %arg11[%parallel_loop3A_330, %parallel_loop3A_331] {strides = array<i32>} : memref<104x512xf32, #tpu.memory_space<vmem>>, vector<16xf32>,
      tpu.vector_store %arg11[%parallel_loop3A_330, %parallel_loop3A_331], %broadcast_in_dim3A_48 {strides = array<i32>} : memref<104x512xf32, #tpu.memory_space<vmem>>, vector<16xf32>,
      %parallel_loop3A_333 = arith.index_cast %parallel_loop3A_251 : i32 to index
      %parallel_loop3A_334 = arith.constant 432 : index
      %parallel_loop3A_335 = tpu.vector_load %arg11[%parallel_loop3A_333, %parallel_loop3A_334] {strides = array<i32>} : memref<104x512xf32, #tpu.memory_space<vmem>>, vector<16xf32>,
      tpu.vector_store %arg11[%parallel_loop3A_333, %parallel_loop3A_334], %broadcast_in_dim3A_48 {strides = array<i32>} : memref<104x512xf32, #tpu.memory_space<vmem>>, vector<16xf32>,
      %parallel_loop3A_336 = arith.index_cast %parallel_loop3A_251 : i32 to index
      %parallel_loop3A_337 = arith.constant 448 : index
      %parallel_loop3A_338 = tpu.vector_load %arg11[%parallel_loop3A_336, %parallel_loop3A_337] {strides = array<i32>} : memref<104x512xf32, #tpu.memory_space<vmem>>, vector<16xf32>,
      tpu.vector_store %arg11[%parallel_loop3A_336, %parallel_loop3A_337], %broadcast_in_dim3A_48 {strides = array<i32>} : memref<104x512xf32, #tpu.memory_space<vmem>>, vector<16xf32>,
      %parallel_loop3A_339 = arith.index_cast %parallel_loop3A_251 : i32 to index
      %parallel_loop3A_340 = arith.constant 464 : index
      %parallel_loop3A_341 = tpu.vector_load %arg11[%parallel_loop3A_339, %parallel_loop3A_340] {strides = array<i32>} : memref<104x512xf32, #tpu.memory_space<vmem>>, vector<16xf32>,
      tpu.vector_store %arg11[%parallel_loop3A_339, %parallel_loop3A_340], %broadcast_in_dim3A_48 {strides = array<i32>} : memref<104x512xf32, #tpu.memory_space<vmem>>, vector<16xf32>,
      %parallel_loop3A_342 = arith.index_cast %parallel_loop3A_251 : i32 to index
      %parallel_loop3A_343 = arith.constant 480 : index
      %parallel_loop3A_344 = tpu.vector_load %arg11[%parallel_loop3A_342, %parallel_loop3A_343] {strides = array<i32>} : memref<104x512xf32, #tpu.memory_space<vmem>>, vector<16xf32>,
      tpu.vector_store %arg11[%parallel_loop3A_342, %parallel_loop3A_343], %broadcast_in_dim3A_48 {strides = array<i32>} : memref<104x512xf32, #tpu.memory_space<vmem>>, vector<16xf32>,
      %parallel_loop3A_345 = arith.index_cast %parallel_loop3A_251 : i32 to index
      %parallel_loop3A_346 = arith.constant 496 : index
      %parallel_loop3A_347 = tpu.vector_load %arg11[%parallel_loop3A_345, %parallel_loop3A_346] {strides = array<i32>} : memref<104x512xf32, #tpu.memory_space<vmem>>, vector<16xf32>,
      tpu.vector_store %arg11[%parallel_loop3A_345, %parallel_loop3A_346], %broadcast_in_dim3A_48 {strides = array<i32>} : memref<104x512xf32, #tpu.memory_space<vmem>>, vector<16xf32>,
    } {sc.loop_unroll_factor = 4 : i64, sc.parallel_access}
    %parallel_loop3A_51 = arith.constant 0 : i32
    %parallel_loop3A_52 = arith.constant 96 : i32
    %parallel_loop3A_53 = arith.constant 1 : i32
    scf.for %parallel_loop3A_251 = %parallel_loop3A_51 to %parallel_loop3A_52 step %parallel_loop3A_53  : i32 {
      %parallel_loop3A_252 = arith.index_cast %parallel_loop3A_251 : i32 to index
      %parallel_loop3A_253 = arith.constant 0 : index
      %parallel_loop3A_254 = tpu.vector_load %arg12[%parallel_loop3A_252, %parallel_loop3A_253] {strides = array<i32>} : memref<96x512xf32, #tpu.memory_space<vmem>>, vector<16xf32>,
      tpu.vector_store %arg12[%parallel_loop3A_252, %parallel_loop3A_253], %broadcast_in_dim3A_48 {strides = array<i32>} : memref<96x512xf32, #tpu.memory_space<vmem>>, vector<16xf32>,
      %parallel_loop3A_255 = arith.index_cast %parallel_loop3A_251 : i32 to index
      %parallel_loop3A_256 = arith.constant 16 : index
      %parallel_loop3A_257 = tpu.vector_load %arg12[%parallel_loop3A_255, %parallel_loop3A_256] {strides = array<i32>} : memref<96x512xf32, #tpu.memory_space<vmem>>, vector<16xf32>,
      tpu.vector_store %arg12[%parallel_loop3A_255, %parallel_loop3A_256], %broadcast_in_dim3A_48 {strides = array<i32>} : memref<96x512xf32, #tpu.memory_space<vmem>>, vector<16xf32>,
      %parallel_loop3A_258 = arith.index_cast %parallel_loop3A_251 : i32 to index
      %parallel_loop3A_259 = arith.constant 32 : index
      %parallel_loop3A_260 = tpu.vector_load %arg12[%parallel_loop3A_258, %parallel_loop3A_259] {strides = array<i32>} : memref<96x512xf32, #tpu.memory_space<vmem>>, vector<16xf32>,
      tpu.vector_store %arg12[%parallel_loop3A_258, %parallel_loop3A_259], %broadcast_in_dim3A_48 {strides = array<i32>} : memref<96x512xf32, #tpu.memory_space<vmem>>, vector<16xf32>,
      %parallel_loop3A_261 = arith.index_cast %parallel_loop3A_251 : i32 to index
      %parallel_loop3A_262 = arith.constant 48 : index
      %parallel_loop3A_263 = tpu.vector_load %arg12[%parallel_loop3A_261, %parallel_loop3A_262] {strides = array<i32>} : memref<96x512xf32, #tpu.memory_space<vmem>>, vector<16xf32>,
      tpu.vector_store %arg12[%parallel_loop3A_261, %parallel_loop3A_262], %broadcast_in_dim3A_48 {strides = array<i32>} : memref<96x512xf32, #tpu.memory_space<vmem>>, vector<16xf32>,
      %parallel_loop3A_264 = arith.index_cast %parallel_loop3A_251 : i32 to index
      %parallel_loop3A_265 = arith.constant 64 : index
      %parallel_loop3A_266 = tpu.vector_load %arg12[%parallel_loop3A_264, %parallel_loop3A_265] {strides = array<i32>} : memref<96x512xf32, #tpu.memory_space<vmem>>, vector<16xf32>,
      tpu.vector_store %arg12[%parallel_loop3A_264, %parallel_loop3A_265], %broadcast_in_dim3A_48 {strides = array<i32>} : memref<96x512xf32, #tpu.memory_space<vmem>>, vector<16xf32>,
      %parallel_loop3A_267 = arith.index_cast %parallel_loop3A_251 : i32 to index
      %parallel_loop3A_268 = arith.constant 80 : index
      %parallel_loop3A_269 = tpu.vector_load %arg12[%parallel_loop3A_267, %parallel_loop3A_268] {strides = array<i32>} : memref<96x512xf32, #tpu.memory_space<vmem>>, vector<16xf32>,
      tpu.vector_store %arg12[%parallel_loop3A_267, %parallel_loop3A_268], %broadcast_in_dim3A_48 {strides = array<i32>} : memref<96x512xf32, #tpu.memory_space<vmem>>, vector<16xf32>,
      %parallel_loop3A_270 = arith.index_cast %parallel_loop3A_251 : i32 to index
      %parallel_loop3A_271 = arith.constant 96 : index
      %parallel_loop3A_272 = tpu.vector_load %arg12[%parallel_loop3A_270, %parallel_loop3A_271] {strides = array<i32>} : memref<96x512xf32, #tpu.memory_space<vmem>>, vector<16xf32>,
      tpu.vector_store %arg12[%parallel_loop3A_270, %parallel_loop3A_271], %broadcast_in_dim3A_48 {strides = array<i32>} : memref<96x512xf32, #tpu.memory_space<vmem>>, vector<16xf32>,
      %parallel_loop3A_273 = arith.index_cast %parallel_loop3A_251 : i32 to index
      %parallel_loop3A_274 = arith.constant 112 : index
      %parallel_loop3A_275 = tpu.vector_load %arg12[%parallel_loop3A_273, %parallel_loop3A_274] {strides = array<i32>} : memref<96x512xf32, #tpu.memory_space<vmem>>, vector<16xf32>,
      tpu.vector_store %arg12[%parallel_loop3A_273, %parallel_loop3A_274], %broadcast_in_dim3A_48 {strides = array<i32>} : memref<96x512xf32, #tpu.memory_space<vmem>>, vector<16xf32>,
      %parallel_loop3A_276 = arith.index_cast %parallel_loop3A_251 : i32 to index
      %parallel_loop3A_277 = arith.constant 128 : index
      %parallel_loop3A_278 = tpu.vector_load %arg12[%parallel_loop3A_276, %parallel_loop3A_277] {strides = array<i32>} : memref<96x512xf32, #tpu.memory_space<vmem>>, vector<16xf32>,
      tpu.vector_store %arg12[%parallel_loop3A_276, %parallel_loop3A_277], %broadcast_in_dim3A_48 {strides = array<i32>} : memref<96x512xf32, #tpu.memory_space<vmem>>, vector<16xf32>,
      %parallel_loop3A_279 = arith.index_cast %parallel_loop3A_251 : i32 to index
      %parallel_loop3A_280 = arith.constant 144 : index
      %parallel_loop3A_281 = tpu.vector_load %arg12[%parallel_loop3A_279, %parallel_loop3A_280] {strides = array<i32>} : memref<96x512xf32, #tpu.memory_space<vmem>>, vector<16xf32>,
      tpu.vector_store %arg12[%parallel_loop3A_279, %parallel_loop3A_280], %broadcast_in_dim3A_48 {strides = array<i32>} : memref<96x512xf32, #tpu.memory_space<vmem>>, vector<16xf32>,
      %parallel_loop3A_282 = arith.index_cast %parallel_loop3A_251 : i32 to index
      %parallel_loop3A_283 = arith.constant 160 : index
      %parallel_loop3A_284 = tpu.vector_load %arg12[%parallel_loop3A_282, %parallel_loop3A_283] {strides = array<i32>} : memref<96x512xf32, #tpu.memory_space<vmem>>, vector<16xf32>,
      tpu.vector_store %arg12[%parallel_loop3A_282, %parallel_loop3A_283], %broadcast_in_dim3A_48 {strides = array<i32>} : memref<96x512xf32, #tpu.memory_space<vmem>>, vector<16xf32>,
      %parallel_loop3A_285 = arith.index_cast %parallel_loop3A_251 : i32 to index
      %parallel_loop3A_286 = arith.constant 176 : index
      %parallel_loop3A_287 = tpu.vector_load %arg12[%parallel_loop3A_285, %parallel_loop3A_286] {strides = array<i32>} : memref<96x512xf32, #tpu.memory_space<vmem>>, vector<16xf32>,
      tpu.vector_store %arg12[%parallel_loop3A_285, %parallel_loop3A_286], %broadcast_in_dim3A_48 {strides = array<i32>} : memref<96x512xf32, #tpu.memory_space<vmem>>, vector<16xf32>,
      %parallel_loop3A_288 = arith.index_cast %parallel_loop3A_251 : i32 to index
      %parallel_loop3A_289 = arith.constant 192 : index
      %parallel_loop3A_290 = tpu.vector_load %arg12[%parallel_loop3A_288, %parallel_loop3A_289] {strides = array<i32>} : memref<96x512xf32, #tpu.memory_space<vmem>>, vector<16xf32>,
      tpu.vector_store %arg12[%parallel_loop3A_288, %parallel_loop3A_289], %broadcast_in_dim3A_48 {strides = array<i32>} : memref<96x512xf32, #tpu.memory_space<vmem>>, vector<16xf32>,
      %parallel_loop3A_291 = arith.index_cast %parallel_loop3A_251 : i32 to index
      %parallel_loop3A_292 = arith.constant 208 : index
      %parallel_loop3A_293 = tpu.vector_load %arg12[%parallel_loop3A_291, %parallel_loop3A_292] {strides = array<i32>} : memref<96x512xf32, #tpu.memory_space<vmem>>, vector<16xf32>,
      tpu.vector_store %arg12[%parallel_loop3A_291, %parallel_loop3A_292], %broadcast_in_dim3A_48 {strides = array<i32>} : memref<96x512xf32, #tpu.memory_space<vmem>>, vector<16xf32>,
      %parallel_loop3A_294 = arith.index_cast %parallel_loop3A_251 : i32 to index
      %parallel_loop3A_295 = arith.constant 224 : index
      %parallel_loop3A_296 = tpu.vector_load %arg12[%parallel_loop3A_294, %parallel_loop3A_295] {strides = array<i32>} : memref<96x512xf32, #tpu.memory_space<vmem>>, vector<16xf32>,
      tpu.vector_store %arg12[%parallel_loop3A_294, %parallel_loop3A_295], %broadcast_in_dim3A_48 {strides = array<i32>} : memref<96x512xf32, #tpu.memory_space<vmem>>, vector<16xf32>,
      %parallel_loop3A_297 = arith.index_cast %parallel_loop3A_251 : i32 to index
      %parallel_loop3A_298 = arith.constant 240 : index
      %parallel_loop3A_299 = tpu.vector_load %arg12[%parallel_loop3A_297, %parallel_loop3A_298] {strides = array<i32>} : memref<96x512xf32, #tpu.memory_space<vmem>>, vector<16xf32>,
      tpu.vector_store %arg12[%parallel_loop3A_297, %parallel_loop3A_298], %broadcast_in_dim3A_48 {strides = array<i32>} : memref<96x512xf32, #tpu.memory_space<vmem>>, vector<16xf32>,
      %parallel_loop3A_300 = arith.index_cast %parallel_loop3A_251 : i32 to index
      %parallel_loop3A_301 = arith.constant 256 : index
      %parallel_loop3A_302 = tpu.vector_load %arg12[%parallel_loop3A_300, %parallel_loop3A_301] {strides = array<i32>} : memref<96x512xf32, #tpu.memory_space<vmem>>, vector<16xf32>,
      tpu.vector_store %arg12[%parallel_loop3A_300, %parallel_loop3A_301], %broadcast_in_dim3A_48 {strides = array<i32>} : memref<96x512xf32, #tpu.memory_space<vmem>>, vector<16xf32>,
      %parallel_loop3A_303 = arith.index_cast %parallel_loop3A_251 : i32 to index
      %parallel_loop3A_304 = arith.constant 272 : index
      %parallel_loop3A_305 = tpu.vector_load %arg12[%parallel_loop3A_303, %parallel_loop3A_304] {strides = array<i32>} : memref<96x512xf32, #tpu.memory_space<vmem>>, vector<16xf32>,
      tpu.vector_store %arg12[%parallel_loop3A_303, %parallel_loop3A_304], %broadcast_in_dim3A_48 {strides = array<i32>} : memref<96x512xf32, #tpu.memory_space<vmem>>, vector<16xf32>,
      %parallel_loop3A_306 = arith.index_cast %parallel_loop3A_251 : i32 to index
      %parallel_loop3A_307 = arith.constant 288 : index
      %parallel_loop3A_308 = tpu.vector_load %arg12[%parallel_loop3A_306, %parallel_loop3A_307] {strides = array<i32>} : memref<96x512xf32, #tpu.memory_space<vmem>>, vector<16xf32>,
      tpu.vector_store %arg12[%parallel_loop3A_306, %parallel_loop3A_307], %broadcast_in_dim3A_48 {strides = array<i32>} : memref<96x512xf32, #tpu.memory_space<vmem>>, vector<16xf32>,
      %parallel_loop3A_309 = arith.index_cast %parallel_loop3A_251 : i32 to index
      %parallel_loop3A_310 = arith.constant 304 : index
      %parallel_loop3A_311 = tpu.vector_load %arg12[%parallel_loop3A_309, %parallel_loop3A_310] {strides = array<i32>} : memref<96x512xf32, #tpu.memory_space<vmem>>, vector<16xf32>,
      tpu.vector_store %arg12[%parallel_loop3A_309, %parallel_loop3A_310], %broadcast_in_dim3A_48 {strides = array<i32>} : memref<96x512xf32, #tpu.memory_space<vmem>>, vector<16xf32>,
      %parallel_loop3A_312 = arith.index_cast %parallel_loop3A_251 : i32 to index
      %parallel_loop3A_313 = arith.constant 320 : index
      %parallel_loop3A_314 = tpu.vector_load %arg12[%parallel_loop3A_312, %parallel_loop3A_313] {strides = array<i32>} : memref<96x512xf32, #tpu.memory_space<vmem>>, vector<16xf32>,
      tpu.vector_store %arg12[%parallel_loop3A_312, %parallel_loop3A_313], %broadcast_in_dim3A_48 {strides = array<i32>} : memref<96x512xf32, #tpu.memory_space<vmem>>, vector<16xf32>,
      %parallel_loop3A_315 = arith.index_cast %parallel_loop3A_251 : i32 to index
      %parallel_loop3A_316 = arith.constant 336 : index
      %parallel_loop3A_317 = tpu.vector_load %arg12[%parallel_loop3A_315, %parallel_loop3A_316] {strides = array<i32>} : memref<96x512xf32, #tpu.memory_space<vmem>>, vector<16xf32>,
      tpu.vector_store %arg12[%parallel_loop3A_315, %parallel_loop3A_316], %broadcast_in_dim3A_48 {strides = array<i32>} : memref<96x512xf32, #tpu.memory_space<vmem>>, vector<16xf32>,
      %parallel_loop3A_318 = arith.index_cast %parallel_loop3A_251 : i32 to index
      %parallel_loop3A_319 = arith.constant 352 : index
      %parallel_loop3A_320 = tpu.vector_load %arg12[%parallel_loop3A_318, %parallel_loop3A_319] {strides = array<i32>} : memref<96x512xf32, #tpu.memory_space<vmem>>, vector<16xf32>,
      tpu.vector_store %arg12[%parallel_loop3A_318, %parallel_loop3A_319], %broadcast_in_dim3A_48 {strides = array<i32>} : memref<96x512xf32, #tpu.memory_space<vmem>>, vector<16xf32>,
      %parallel_loop3A_321 = arith.index_cast %parallel_loop3A_251 : i32 to index
      %parallel_loop3A_322 = arith.constant 368 : index
      %parallel_loop3A_323 = tpu.vector_load %arg12[%parallel_loop3A_321, %parallel_loop3A_322] {strides = array<i32>} : memref<96x512xf32, #tpu.memory_space<vmem>>, vector<16xf32>,
      tpu.vector_store %arg12[%parallel_loop3A_321, %parallel_loop3A_322], %broadcast_in_dim3A_48 {strides = array<i32>} : memref<96x512xf32, #tpu.memory_space<vmem>>, vector<16xf32>,
      %parallel_loop3A_324 = arith.index_cast %parallel_loop3A_251 : i32 to index
      %parallel_loop3A_325 = arith.constant 384 : index
      %parallel_loop3A_326 = tpu.vector_load %arg12[%parallel_loop3A_324, %parallel_loop3A_325] {strides = array<i32>} : memref<96x512xf32, #tpu.memory_space<vmem>>, vector<16xf32>,
      tpu.vector_store %arg12[%parallel_loop3A_324, %parallel_loop3A_325], %broadcast_in_dim3A_48 {strides = array<i32>} : memref<96x512xf32, #tpu.memory_space<vmem>>, vector<16xf32>,
      %parallel_loop3A_327 = arith.index_cast %parallel_loop3A_251 : i32 to index
      %parallel_loop3A_328 = arith.constant 400 : index
      %parallel_loop3A_329 = tpu.vector_load %arg12[%parallel_loop3A_327, %parallel_loop3A_328] {strides = array<i32>} : memref<96x512xf32, #tpu.memory_space<vmem>>, vector<16xf32>,
      tpu.vector_store %arg12[%parallel_loop3A_327, %parallel_loop3A_328], %broadcast_in_dim3A_48 {strides = array<i32>} : memref<96x512xf32, #tpu.memory_space<vmem>>, vector<16xf32>,
      %parallel_loop3A_330 = arith.index_cast %parallel_loop3A_251 : i32 to index
      %parallel_loop3A_331 = arith.constant 416 : index
      %parallel_loop3A_332 = tpu.vector_load %arg12[%parallel_loop3A_330, %parallel_loop3A_331] {strides = array<i32>} : memref<96x512xf32, #tpu.memory_space<vmem>>, vector<16xf32>,
      tpu.vector_store %arg12[%parallel_loop3A_330, %parallel_loop3A_331], %broadcast_in_dim3A_48 {strides = array<i32>} : memref<96x512xf32, #tpu.memory_space<vmem>>, vector<16xf32>,
      %parallel_loop3A_333 = arith.index_cast %parallel_loop3A_251 : i32 to index
      %parallel_loop3A_334 = arith.constant 432 : index
      %parallel_loop3A_335 = tpu.vector_load %arg12[%parallel_loop3A_333, %parallel_loop3A_334] {strides = array<i32>} : memref<96x512xf32, #tpu.memory_space<vmem>>, vector<16xf32>,
      tpu.vector_store %arg12[%parallel_loop3A_333, %parallel_loop3A_334], %broadcast_in_dim3A_48 {strides = array<i32>} : memref<96x512xf32, #tpu.memory_space<vmem>>, vector<16xf32>,
      %parallel_loop3A_336 = arith.index_cast %parallel_loop3A_251 : i32 to index
      %parallel_loop3A_337 = arith.constant 448 : index
      %parallel_loop3A_338 = tpu.vector_load %arg12[%parallel_loop3A_336, %parallel_loop3A_337] {strides = array<i32>} : memref<96x512xf32, #tpu.memory_space<vmem>>, vector<16xf32>,
      tpu.vector_store %arg12[%parallel_loop3A_336, %parallel_loop3A_337], %broadcast_in_dim3A_48 {strides = array<i32>} : memref<96x512xf32, #tpu.memory_space<vmem>>, vector<16xf32>,
      %parallel_loop3A_339 = arith.index_cast %parallel_loop3A_251 : i32 to index
      %parallel_loop3A_340 = arith.constant 464 : index
      %parallel_loop3A_341 = tpu.vector_load %arg12[%parallel_loop3A_339, %parallel_loop3A_340] {strides = array<i32>} : memref<96x512xf32, #tpu.memory_space<vmem>>, vector<16xf32>,
      tpu.vector_store %arg12[%parallel_loop3A_339, %parallel_loop3A_340], %broadcast_in_dim3A_48 {strides = array<i32>} : memref<96x512xf32, #tpu.memory_space<vmem>>, vector<16xf32>,
      %parallel_loop3A_342 = arith.index_cast %parallel_loop3A_251 : i32 to index
      %parallel_loop3A_343 = arith.constant 480 : index
      %parallel_loop3A_344 = tpu.vector_load %arg12[%parallel_loop3A_342, %parallel_loop3A_343] {strides = array<i32>} : memref<96x512xf32, #tpu.memory_space<vmem>>, vector<16xf32>,
      tpu.vector_store %arg12[%parallel_loop3A_342, %parallel_loop3A_343], %broadcast_in_dim3A_48 {strides = array<i32>} : memref<96x512xf32, #tpu.memory_space<vmem>>, vector<16xf32>,
      %parallel_loop3A_345 = arith.index_cast %parallel_loop3A_251 : i32 to index
      %parallel_loop3A_346 = arith.constant 496 : index
      %parallel_loop3A_347 = tpu.vector_load %arg12[%parallel_loop3A_345, %parallel_loop3A_346] {strides = array<i32>} : memref<96x512xf32, #tpu.memory_space<vmem>>, vector<16xf32>,
      tpu.vector_store %arg12[%parallel_loop3A_345, %parallel_loop3A_346], %broadcast_in_dim3A_48 {strides = array<i32>} : memref<96x512xf32, #tpu.memory_space<vmem>>, vector<16xf32>,
    } {sc.loop_unroll_factor = 4 : i64, sc.parallel_access}
    %dma_wait3A = arith.constant 0 : i32
    %dma_wait3A_54 = tpu.memref_slice %arg2[%select_n3A, %dma_wait3A] : memref<16x8192xi32, #tpu.memory_space<hbm>> -> memref<1x8192xi32, #tpu.memory_space<hbm>>
    %dma_wait3A_55 = tpu.memref_squeeze %dma_wait3A_54 : memref<1x8192xi32, #tpu.memory_space<hbm>> -> memref<8192xi32, #tpu.memory_space<hbm>>
    %dma_wait3A_56 = arith.constant 0 : i32
    %dma_wait3A_57 = tpu.memref_slice %arg2[%select_n3A, %dma_wait3A_56] : memref<16x8192xi32, #tpu.memory_space<hbm>> -> memref<1x8192xi32, #tpu.memory_space<hbm>>
    %dma_wait3A_58 = tpu.memref_squeeze %dma_wait3A_57 : memref<1x8192xi32, #tpu.memory_space<hbm>> -> memref<8192xi32, #tpu.memory_space<hbm>>
    tpu.wait_dma2 semaphore(%arg13 : memref<!tpu.dma_semaphore, #tpu.memory_space<semaphore_mem>>) src(%dma_wait3A_58 : memref<8192xi32, #tpu.memory_space<hbm>>) dst(%arg7 : memref<8192xi32, #tpu.memory_space<vmem>>)
    %dma_wait3A_59 = arith.constant 0 : i32
    %dma_wait3A_60 = tpu.memref_slice %arg3[%select_n3A, %dma_wait3A_59] : memref<16x8192xi32, #tpu.memory_space<hbm>> -> memref<1x8192xi32, #tpu.memory_space<hbm>>
    %dma_wait3A_61 = tpu.memref_squeeze %dma_wait3A_60 : memref<1x8192xi32, #tpu.memory_space<hbm>> -> memref<8192xi32, #tpu.memory_space<hbm>>
    %dma_wait3A_62 = arith.constant 0 : i32
    %dma_wait3A_63 = tpu.memref_slice %arg3[%select_n3A, %dma_wait3A_62] : memref<16x8192xi32, #tpu.memory_space<hbm>> -> memref<1x8192xi32, #tpu.memory_space<hbm>>
    %dma_wait3A_64 = tpu.memref_squeeze %dma_wait3A_63 : memref<1x8192xi32, #tpu.memory_space<hbm>> -> memref<8192xi32, #tpu.memory_space<hbm>>
    tpu.wait_dma2 semaphore(%arg13 : memref<!tpu.dma_semaphore, #tpu.memory_space<semaphore_mem>>) src(%dma_wait3A_64 : memref<8192xi32, #tpu.memory_space<hbm>>) dst(%arg8 : memref<8192xi32, #tpu.memory_space<vmem>>)
    %dma_wait3A_65 = arith.constant 0 : i32
    %dma_wait3A_66 = tpu.memref_slice %arg4[%select_n3A, %dma_wait3A_65] : memref<16x8192xf32, #tpu.memory_space<hbm>> -> memref<1x8192xf32, #tpu.memory_space<hbm>>
    %dma_wait3A_67 = tpu.memref_squeeze %dma_wait3A_66 : memref<1x8192xf32, #tpu.memory_space<hbm>> -> memref<8192xf32, #tpu.memory_space<hbm>>
    %dma_wait3A_68 = arith.constant 0 : i32
    %dma_wait3A_69 = tpu.memref_slice %arg4[%select_n3A, %dma_wait3A_68] : memref<16x8192xf32, #tpu.memory_space<hbm>> -> memref<1x8192xf32, #tpu.memory_space<hbm>>
    %dma_wait3A_70 = tpu.memref_squeeze %dma_wait3A_69 : memref<1x8192xf32, #tpu.memory_space<hbm>> -> memref<8192xf32, #tpu.memory_space<hbm>>
    tpu.wait_dma2 semaphore(%arg13 : memref<!tpu.dma_semaphore, #tpu.memory_space<semaphore_mem>>) src(%dma_wait3A_70 : memref<8192xf32, #tpu.memory_space<hbm>>) dst(%arg9 : memref<8192xf32, #tpu.memory_space<vmem>>)
    tpu.wait_dma2 semaphore(%arg13 : memref<!tpu.dma_semaphore, #tpu.memory_space<semaphore_mem>>) src(%arg5 : memref<16xi32, #tpu.memory_space<hbm>>) dst(%arg10 : memref<16xi32, #tpu.memory_space<vmem>>)
    %eq3A_71 = vector.broadcast %select_n3A : i32 to vector<16xi32>
    %eq3A_72 = arith.cmpi eq, %iota3A, %eq3A_71 : vector<16xi32>
    %get3A = arith.constant 0 : index
    %get3A_73 = tpu.vector_load %arg10[%get3A] {strides = array<i32>} : memref<16xi32, #tpu.memory_space<vmem>>, vector<16xi32>,
    %jit3A_74 = arith.constant 0 : i32
    %broadcast_in_dim3A_75 = vector.broadcast %jit3A_74 : i32 to vector<16xi32>
    %select_n3A_76 = arith.select %eq3A_72, %get3A_73, %broadcast_in_dim3A_75 : vector<16xi1>, vector<16xi32>
    %reduce_max3A = arith.constant true
    %reduce_max3A_77 = vector.broadcast %reduce_max3A : i1 to vector<16xi1>
    %reduce_max3A_78 = arith.constant -2147483648 : i32
    %reduce_max3A_79 = vector.broadcast %reduce_max3A_78 : i32 to vector<16xi32>
    %reduce_max3A_80 = arith.xori %select_n3A_76, %reduce_max3A_79 : vector<16xi32>
    %reduce_max3A_81 = tpu.scan <max>, %reduce_max3A_80 masked %reduce_max3A_77 : vector<16xi32>, vector<16xi1> -> vector<16xi32>
    %reduce_max3A_82 = arith.xori %reduce_max3A_81, %reduce_max3A_79 : vector<16xi32>
    %reduce_max3A_83 = vector.extract %reduce_max3A_82[15] : i32 from vector<16xi32>
    %add3A_84 = arith.constant 15 : i32
    %add3A_85 = arith.addi %reduce_max3A_83, %add3A_84 : i32
    %jit3A_86 = arith.constant 16 : i32
    %div3A_87 = arith.divsi %add3A_85, %jit3A_86 : i32
    %sign3A_88 = arith.constant 0 : i32
    %sign3A_89 = arith.cmpi sgt, %add3A_85, %sign3A_88 : i32
    %sign3A_90 = arith.extui %sign3A_89 : i1 to i32
    %sign3A_91 = arith.constant 0 : i32
    %sign3A_92 = arith.cmpi slt, %add3A_85, %sign3A_91 : i32
    %sign3A_93 = arith.extui %sign3A_92 : i1 to i32
    %sign3A_94 = arith.subi %sign3A_90, %sign3A_93 : i32
    %sign3A_95 = arith.constant 0 : i32
    %sign3A_96 = arith.cmpi sgt, %jit3A_86, %sign3A_95 : i32
    %sign3A_97 = arith.extui %sign3A_96 : i1 to i32
    %sign3A_98 = arith.constant 0 : i32
    %sign3A_99 = arith.cmpi slt, %jit3A_86, %sign3A_98 : i32
    %sign3A_100 = arith.extui %sign3A_99 : i1 to i32
    %sign3A_101 = arith.subi %sign3A_97, %sign3A_100 : i32
    %ne3A_102 = arith.cmpi ne, %sign3A_94, %sign3A_101 : i32
    %rem3A_103 = arith.remsi %add3A_85, %jit3A_86 : i32
    %ne3A_104 = arith.constant 0 : i32
    %ne3A_105 = arith.cmpi ne, %rem3A_103, %ne3A_104 : i32
    %and3A_106 = arith.andi %ne3A_102, %ne3A_105 : i1
    %sub3A_107 = arith.constant 1 : i32
    %sub3A_108 = arith.subi %div3A_87, %sub3A_107 : i32
    %select_n3A_109 = arith.select %and3A_106, %sub3A_108, %div3A_87 : i32
    %min3A = arith.constant 512 : i32
    %min3A_110 = arith.minsi %select_n3A_109, %min3A : i32
    %add3A_111 = arith.constant 16 : i32
    %add3A_112 = arith.addi %min3A_110, %add3A_111 : i32
    %sub3A_113 = arith.constant 1 : i32
    %sub3A_114 = arith.subi %add3A_112, %sub3A_113 : i32
    %jit3A_115 = arith.constant 16 : i32
    %div3A_116 = arith.divsi %sub3A_114, %jit3A_115 : i32
    %sign3A_117 = arith.constant 0 : i32
    %sign3A_118 = arith.cmpi sgt, %sub3A_114, %sign3A_117 : i32
    %sign3A_119 = arith.extui %sign3A_118 : i1 to i32
    %sign3A_120 = arith.constant 0 : i32
    %sign3A_121 = arith.cmpi slt, %sub3A_114, %sign3A_120 : i32
    %sign3A_122 = arith.extui %sign3A_121 : i1 to i32
    %sign3A_123 = arith.subi %sign3A_119, %sign3A_122 : i32
    %sign3A_124 = arith.constant 0 : i32
    %sign3A_125 = arith.cmpi sgt, %jit3A_115, %sign3A_124 : i32
    %sign3A_126 = arith.extui %sign3A_125 : i1 to i32
    %sign3A_127 = arith.constant 0 : i32
    %sign3A_128 = arith.cmpi slt, %jit3A_115, %sign3A_127 : i32
    %sign3A_129 = arith.extui %sign3A_128 : i1 to i32
    %sign3A_130 = arith.subi %sign3A_126, %sign3A_129 : i32
    %ne3A_131 = arith.cmpi ne, %sign3A_123, %sign3A_130 : i32
    %rem3A_132 = arith.remsi %sub3A_114, %jit3A_115 : i32
    %ne3A_133 = arith.constant 0 : i32
    %ne3A_134 = arith.cmpi ne, %rem3A_132, %ne3A_133 : i32
    %and3A_135 = arith.andi %ne3A_131, %ne3A_134 : i1
    %sub3A_136 = arith.constant 1 : i32
    %sub3A_137 = arith.subi %div3A_116, %sub3A_136 : i32
    %select_n3A_138 = arith.select %and3A_135, %sub3A_137, %div3A_116 : i32
    %mul3A_139 = arith.constant 256 : i32
    %mul3A_140 = arith.muli %select_n3A_30, %mul3A_139 : i32
    %add3A_141 = arith.constant 0 : i32
    %add3A_142 = arith.addi %mul3A_140, %add3A_141 : i32
    %while3A = arith.constant 0 : i32
    %while3A_143 = arith.constant 0 : i32
    %while3A_144 = arith.subi %select_n3A_138, %while3A_143 : i32
    %while3A_145 = arith.addi %while3A_143, %while3A_144 : i32
    %while3A_146 = arith.constant 1 : i32
    %while3A_147 = arith.divsi %while3A_144, %while3A_146 : i32
    %while3A_148 = arith.muli %while3A_147, %while3A_146 : i32
    %while3A_149 = arith.addi %while3A_143, %while3A_148 : i32
    %while3A_150 = arith.constant 1 : i32
    scf.for %while3A_251 = %while3A_143 to %while3A_149 step %while3A_150  : i32 {
      %mul3A_252 = arith.constant 16 : i32
      %mul3A_253 = arith.muli %while3A_251, %mul3A_252 : i32
      %add3A_254 = arith.constant 0 : i32
      %add3A_255 = arith.addi %mul3A_253, %add3A_254 : i32
      %mul3A_256 = arith.constant 16 : i32
      %mul3A_257 = arith.muli %add3A_255, %mul3A_256 : i32
      %add3A_258 = vector.broadcast %mul3A_257 : i32 to vector<16xi32>
      %add3A_259 = arith.addi %iota3A, %add3A_258 : vector<16xi32>
      %get3A_260 = arith.index_cast %mul3A_257 : i32 to index
      %get3A_261 = tpu.vector_load %arg7[%get3A_260] {strides = array<i32>} : memref<8192xi32, #tpu.memory_space<vmem>>, vector<16xi32>,
      %get3A_262 = arith.index_cast %mul3A_257 : i32 to index
      %get3A_263 = tpu.vector_load %arg8[%get3A_262] {strides = array<i32>} : memref<8192xi32, #tpu.memory_space<vmem>>, vector<16xi32>,
      %get3A_264 = arith.index_cast %mul3A_257 : i32 to index
      %get3A_265 = tpu.vector_load %arg9[%get3A_264] {strides = array<i32>} : memref<8192xf32, #tpu.memory_space<vmem>>, vector<16xf32>,
      %sub3A_266 = vector.broadcast %add3A_142 : i32 to vector<16xi32>
      %sub3A_267 = arith.subi %get3A_261, %sub3A_266 : vector<16xi32>
      %lt3A_268 = vector.broadcast %reduce_max3A_83 : i32 to vector<16xi32>
      %lt3A_269 = arith.cmpi slt, %add3A_259, %lt3A_268 : vector<16xi32>
      %lt3A_270 = arith.constant 104 : i32
      %lt3A_271 = vector.broadcast %lt3A_270 : i32 to vector<16xi32>
      %lt3A_272 = arith.cmpi ult, %sub3A_267, %lt3A_271 : vector<16xi32>
      %and3A_273 = arith.andi %lt3A_269, %lt3A_272 : vector<16xi1>
      %jit3A_274 = arith.constant 0 : i32
      %broadcast_in_dim3A_275 = vector.broadcast %jit3A_274 : i32 to vector<16xi32>
      %select_n3A_276 = arith.select %and3A_273, %sub3A_267, %broadcast_in_dim3A_275 : vector<16xi1>, vector<16xi32>
      %mul3A_277 = arith.constant 16 : i32
      %mul3A_278 = arith.muli %while3A_251, %mul3A_277 : i32
      %add3A_279 = arith.constant 1 : i32
      %add3A_280 = arith.addi %mul3A_278, %add3A_279 : i32
      %mul3A_281 = arith.constant 16 : i32
      %mul3A_282 = arith.muli %add3A_280, %mul3A_281 : i32
      %add3A_283 = vector.broadcast %mul3A_282 : i32 to vector<16xi32>
      %add3A_284 = arith.addi %iota3A, %add3A_283 : vector<16xi32>
      %get3A_285 = arith.index_cast %mul3A_282 : i32 to index
      %get3A_286 = tpu.vector_load %arg7[%get3A_285] {strides = array<i32>} : memref<8192xi32, #tpu.memory_space<vmem>>, vector<16xi32>,
      %get3A_287 = arith.index_cast %mul3A_282 : i32 to index
      %get3A_288 = tpu.vector_load %arg8[%get3A_287] {strides = array<i32>} : memref<8192xi32, #tpu.memory_space<vmem>>, vector<16xi32>,
      %get3A_289 = arith.index_cast %mul3A_282 : i32 to index
      %get3A_290 = tpu.vector_load %arg9[%get3A_289] {strides = array<i32>} : memref<8192xf32, #tpu.memory_space<vmem>>, vector<16xf32>,
      %sub3A_291 = vector.broadcast %add3A_142 : i32 to vector<16xi32>
      %sub3A_292 = arith.subi %get3A_286, %sub3A_291 : vector<16xi32>
      %lt3A_293 = vector.broadcast %reduce_max3A_83 : i32 to vector<16xi32>
      %lt3A_294 = arith.cmpi slt, %add3A_284, %lt3A_293 : vector<16xi32>
      %lt3A_295 = arith.constant 104 : i32
      %lt3A_296 = vector.broadcast %lt3A_295 : i32 to vector<16xi32>
      %lt3A_297 = arith.cmpi ult, %sub3A_292, %lt3A_296 : vector<16xi32>
      %and3A_298 = arith.andi %lt3A_294, %lt3A_297 : vector<16xi1>
      %jit3A_299 = arith.constant 0 : i32
      %broadcast_in_dim3A_300 = vector.broadcast %jit3A_299 : i32 to vector<16xi32>
      %select_n3A_301 = arith.select %and3A_298, %sub3A_292, %broadcast_in_dim3A_300 : vector<16xi1>, vector<16xi32>
      %mul3A_302 = arith.constant 16 : i32
      %mul3A_303 = arith.muli %while3A_251, %mul3A_302 : i32
      %add3A_304 = arith.constant 2 : i32
      %add3A_305 = arith.addi %mul3A_303, %add3A_304 : i32
      %mul3A_306 = arith.constant 16 : i32
      %mul3A_307 = arith.muli %add3A_305, %mul3A_306 : i32
      %add3A_308 = vector.broadcast %mul3A_307 : i32 to vector<16xi32>
      %add3A_309 = arith.addi %iota3A, %add3A_308 : vector<16xi32>
      %get3A_310 = arith.index_cast %mul3A_307 : i32 to index
      %get3A_311 = tpu.vector_load %arg7[%get3A_310] {strides = array<i32>} : memref<8192xi32, #tpu.memory_space<vmem>>, vector<16xi32>,
      %get3A_312 = arith.index_cast %mul3A_307 : i32 to index
      %get3A_313 = tpu.vector_load %arg8[%get3A_312] {strides = array<i32>} : memref<8192xi32, #tpu.memory_space<vmem>>, vector<16xi32>,
      %get3A_314 = arith.index_cast %mul3A_307 : i32 to index
      %get3A_315 = tpu.vector_load %arg9[%get3A_314] {strides = array<i32>} : memref<8192xf32, #tpu.memory_space<vmem>>, vector<16xf32>,
      %sub3A_316 = vector.broadcast %add3A_142 : i32 to vector<16xi32>
      %sub3A_317 = arith.subi %get3A_311, %sub3A_316 : vector<16xi32>
      %lt3A_318 = vector.broadcast %reduce_max3A_83 : i32 to vector<16xi32>
      %lt3A_319 = arith.cmpi slt, %add3A_309, %lt3A_318 : vector<16xi32>
      %lt3A_320 = arith.constant 104 : i32
      %lt3A_321 = vector.broadcast %lt3A_320 : i32 to vector<16xi32>
      %lt3A_322 = arith.cmpi ult, %sub3A_317, %lt3A_321 : vector<16xi32>
      %and3A_323 = arith.andi %lt3A_319, %lt3A_322 : vector<16xi1>
      %jit3A_324 = arith.constant 0 : i32
      %broadcast_in_dim3A_325 = vector.broadcast %jit3A_324 : i32 to vector<16xi32>
      %select_n3A_326 = arith.select %and3A_323, %sub3A_317, %broadcast_in_dim3A_325 : vector<16xi1>, vector<16xi32>
      %mul3A_327 = arith.constant 16 : i32
      %mul3A_328 = arith.muli %while3A_251, %mul3A_327 : i32
      %add3A_329 = arith.constant 3 : i32
      %add3A_330 = arith.addi %mul3A_328, %add3A_329 : i32
      %mul3A_331 = arith.constant 16 : i32
      %mul3A_332 = arith.muli %add3A_330, %mul3A_331 : i32
      %add3A_333 = vector.broadcast %mul3A_332 : i32 to vector<16xi32>
      %add3A_334 = arith.addi %iota3A, %add3A_333 : vector<16xi32>
      %get3A_335 = arith.index_cast %mul3A_332 : i32 to index
      %get3A_336 = tpu.vector_load %arg7[%get3A_335] {strides = array<i32>} : memref<8192xi32, #tpu.memory_space<vmem>>, vector<16xi32>,
      %get3A_337 = arith.index_cast %mul3A_332 : i32 to index
      %get3A_338 = tpu.vector_load %arg8[%get3A_337] {strides = array<i32>} : memref<8192xi32, #tpu.memory_space<vmem>>, vector<16xi32>,
      %get3A_339 = arith.index_cast %mul3A_332 : i32 to index
      %get3A_340 = tpu.vector_load %arg9[%get3A_339] {strides = array<i32>} : memref<8192xf32, #tpu.memory_space<vmem>>, vector<16xf32>,
      %sub3A_341 = vector.broadcast %add3A_142 : i32 to vector<16xi32>
      %sub3A_342 = arith.subi %get3A_336, %sub3A_341 : vector<16xi32>
      %lt3A_343 = vector.broadcast %reduce_max3A_83 : i32 to vector<16xi32>
      %lt3A_344 = arith.cmpi slt, %add3A_334, %lt3A_343 : vector<16xi32>
      %lt3A_345 = arith.constant 104 : i32
      %lt3A_346 = vector.broadcast %lt3A_345 : i32 to vector<16xi32>
      %lt3A_347 = arith.cmpi ult, %sub3A_342, %lt3A_346 : vector<16xi32>
      %and3A_348 = arith.andi %lt3A_344, %lt3A_347 : vector<16xi1>
      %jit3A_349 = arith.constant 0 : i32
      %broadcast_in_dim3A_350 = vector.broadcast %jit3A_349 : i32 to vector<16xi32>
      %select_n3A_351 = arith.select %and3A_348, %sub3A_342, %broadcast_in_dim3A_350 : vector<16xi1>, vector<16xi32>
      %mul3A_352 = arith.constant 16 : i32
      %mul3A_353 = arith.muli %while3A_251, %mul3A_352 : i32
      %add3A_354 = arith.constant 4 : i32
      %add3A_355 = arith.addi %mul3A_353, %add3A_354 : i32
      %mul3A_356 = arith.constant 16 : i32
      %mul3A_357 = arith.muli %add3A_355, %mul3A_356 : i32
      %add3A_358 = vector.broadcast %mul3A_357 : i32 to vector<16xi32>
      %add3A_359 = arith.addi %iota3A, %add3A_358 : vector<16xi32>
      %get3A_360 = arith.index_cast %mul3A_357 : i32 to index
      %get3A_361 = tpu.vector_load %arg7[%get3A_360] {strides = array<i32>} : memref<8192xi32, #tpu.memory_space<vmem>>, vector<16xi32>,
      %get3A_362 = arith.index_cast %mul3A_357 : i32 to index
      %get3A_363 = tpu.vector_load %arg8[%get3A_362] {strides = array<i32>} : memref<8192xi32, #tpu.memory_space<vmem>>, vector<16xi32>,
      %get3A_364 = arith.index_cast %mul3A_357 : i32 to index
      %get3A_365 = tpu.vector_load %arg9[%get3A_364] {strides = array<i32>} : memref<8192xf32, #tpu.memory_space<vmem>>, vector<16xf32>,
      %sub3A_366 = vector.broadcast %add3A_142 : i32 to vector<16xi32>
      %sub3A_367 = arith.subi %get3A_361, %sub3A_366 : vector<16xi32>
      %lt3A_368 = vector.broadcast %reduce_max3A_83 : i32 to vector<16xi32>
      %lt3A_369 = arith.cmpi slt, %add3A_359, %lt3A_368 : vector<16xi32>
      %lt3A_370 = arith.constant 104 : i32
      %lt3A_371 = vector.broadcast %lt3A_370 : i32 to vector<16xi32>
      %lt3A_372 = arith.cmpi ult, %sub3A_367, %lt3A_371 : vector<16xi32>
      %and3A_373 = arith.andi %lt3A_369, %lt3A_372 : vector<16xi1>
      %jit3A_374 = arith.constant 0 : i32
      %broadcast_in_dim3A_375 = vector.broadcast %jit3A_374 : i32 to vector<16xi32>
      %select_n3A_376 = arith.select %and3A_373, %sub3A_367, %broadcast_in_dim3A_375 : vector<16xi1>, vector<16xi32>
      %mul3A_377 = arith.constant 16 : i32
      %mul3A_378 = arith.muli %while3A_251, %mul3A_377 : i32
      %add3A_379 = arith.constant 5 : i32
      %add3A_380 = arith.addi %mul3A_378, %add3A_379 : i32
      %mul3A_381 = arith.constant 16 : i32
      %mul3A_382 = arith.muli %add3A_380, %mul3A_381 : i32
      %add3A_383 = vector.broadcast %mul3A_382 : i32 to vector<16xi32>
      %add3A_384 = arith.addi %iota3A, %add3A_383 : vector<16xi32>
      %get3A_385 = arith.index_cast %mul3A_382 : i32 to index
      %get3A_386 = tpu.vector_load %arg7[%get3A_385] {strides = array<i32>} : memref<8192xi32, #tpu.memory_space<vmem>>, vector<16xi32>,
      %get3A_387 = arith.index_cast %mul3A_382 : i32 to index
      %get3A_388 = tpu.vector_load %arg8[%get3A_387] {strides = array<i32>} : memref<8192xi32, #tpu.memory_space<vmem>>, vector<16xi32>,
      %get3A_389 = arith.index_cast %mul3A_382 : i32 to index
      %get3A_390 = tpu.vector_load %arg9[%get3A_389] {strides = array<i32>} : memref<8192xf32, #tpu.memory_space<vmem>>, vector<16xf32>,
      %sub3A_391 = vector.broadcast %add3A_142 : i32 to vector<16xi32>
      %sub3A_392 = arith.subi %get3A_386, %sub3A_391 : vector<16xi32>
      %lt3A_393 = vector.broadcast %reduce_max3A_83 : i32 to vector<16xi32>
      %lt3A_394 = arith.cmpi slt, %add3A_384, %lt3A_393 : vector<16xi32>
      %lt3A_395 = arith.constant 104 : i32
      %lt3A_396 = vector.broadcast %lt3A_395 : i32 to vector<16xi32>
      %lt3A_397 = arith.cmpi ult, %sub3A_392, %lt3A_396 : vector<16xi32>
      %and3A_398 = arith.andi %lt3A_394, %lt3A_397 : vector<16xi1>
      %jit3A_399 = arith.constant 0 : i32
      %broadcast_in_dim3A_400 = vector.broadcast %jit3A_399 : i32 to vector<16xi32>
      %select_n3A_401 = arith.select %and3A_398, %sub3A_392, %broadcast_in_dim3A_400 : vector<16xi1>, vector<16xi32>
      %mul3A_402 = arith.constant 16 : i32
      %mul3A_403 = arith.muli %while3A_251, %mul3A_402 : i32
      %add3A_404 = arith.constant 6 : i32
      %add3A_405 = arith.addi %mul3A_403, %add3A_404 : i32
      %mul3A_406 = arith.constant 16 : i32
      %mul3A_407 = arith.muli %add3A_405, %mul3A_406 : i32
      %add3A_408 = vector.broadcast %mul3A_407 : i32 to vector<16xi32>
      %add3A_409 = arith.addi %iota3A, %add3A_408 : vector<16xi32>
      %get3A_410 = arith.index_cast %mul3A_407 : i32 to index
      %get3A_411 = tpu.vector_load %arg7[%get3A_410] {strides = array<i32>} : memref<8192xi32, #tpu.memory_space<vmem>>, vector<16xi32>,
      %get3A_412 = arith.index_cast %mul3A_407 : i32 to index
      %get3A_413 = tpu.vector_load %arg8[%get3A_412] {strides = array<i32>} : memref<8192xi32, #tpu.memory_space<vmem>>, vector<16xi32>,
      %get3A_414 = arith.index_cast %mul3A_407 : i32 to index
      %get3A_415 = tpu.vector_load %arg9[%get3A_414] {strides = array<i32>} : memref<8192xf32, #tpu.memory_space<vmem>>, vector<16xf32>,
      %sub3A_416 = vector.broadcast %add3A_142 : i32 to vector<16xi32>
      %sub3A_417 = arith.subi %get3A_411, %sub3A_416 : vector<16xi32>
      %lt3A_418 = vector.broadcast %reduce_max3A_83 : i32 to vector<16xi32>
      %lt3A_419 = arith.cmpi slt, %add3A_409, %lt3A_418 : vector<16xi32>
      %lt3A_420 = arith.constant 104 : i32
      %lt3A_421 = vector.broadcast %lt3A_420 : i32 to vector<16xi32>
      %lt3A_422 = arith.cmpi ult, %sub3A_417, %lt3A_421 : vector<16xi32>
      %and3A_423 = arith.andi %lt3A_419, %lt3A_422 : vector<16xi1>
      %jit3A_424 = arith.constant 0 : i32
      %broadcast_in_dim3A_425 = vector.broadcast %jit3A_424 : i32 to vector<16xi32>
      %select_n3A_426 = arith.select %and3A_423, %sub3A_417, %broadcast_in_dim3A_425 : vector<16xi1>, vector<16xi32>
      %mul3A_427 = arith.constant 16 : i32
      %mul3A_428 = arith.muli %while3A_251, %mul3A_427 : i32
      %add3A_429 = arith.constant 7 : i32
      %add3A_430 = arith.addi %mul3A_428, %add3A_429 : i32
      %mul3A_431 = arith.constant 16 : i32
      %mul3A_432 = arith.muli %add3A_430, %mul3A_431 : i32
      %add3A_433 = vector.broadcast %mul3A_432 : i32 to vector<16xi32>
      %add3A_434 = arith.addi %iota3A, %add3A_433 : vector<16xi32>
      %get3A_435 = arith.index_cast %mul3A_432 : i32 to index
      %get3A_436 = tpu.vector_load %arg7[%get3A_435] {strides = array<i32>} : memref<8192xi32, #tpu.memory_space<vmem>>, vector<16xi32>,
      %get3A_437 = arith.index_cast %mul3A_432 : i32 to index
      %get3A_438 = tpu.vector_load %arg8[%get3A_437] {strides = array<i32>} : memref<8192xi32, #tpu.memory_space<vmem>>, vector<16xi32>,
      %get3A_439 = arith.index_cast %mul3A_432 : i32 to index
      %get3A_440 = tpu.vector_load %arg9[%get3A_439] {strides = array<i32>} : memref<8192xf32, #tpu.memory_space<vmem>>, vector<16xf32>,
      %sub3A_441 = vector.broadcast %add3A_142 : i32 to vector<16xi32>
      %sub3A_442 = arith.subi %get3A_436, %sub3A_441 : vector<16xi32>
      %lt3A_443 = vector.broadcast %reduce_max3A_83 : i32 to vector<16xi32>
      %lt3A_444 = arith.cmpi slt, %add3A_434, %lt3A_443 : vector<16xi32>
      %lt3A_445 = arith.constant 104 : i32
      %lt3A_446 = vector.broadcast %lt3A_445 : i32 to vector<16xi32>
      %lt3A_447 = arith.cmpi ult, %sub3A_442, %lt3A_446 : vector<16xi32>
      %and3A_448 = arith.andi %lt3A_444, %lt3A_447 : vector<16xi1>
      %jit3A_449 = arith.constant 0 : i32
      %broadcast_in_dim3A_450 = vector.broadcast %jit3A_449 : i32 to vector<16xi32>
      %select_n3A_451 = arith.select %and3A_448, %sub3A_442, %broadcast_in_dim3A_450 : vector<16xi1>, vector<16xi32>
      %mul3A_452 = arith.constant 16 : i32
      %mul3A_453 = arith.muli %while3A_251, %mul3A_452 : i32
      %add3A_454 = arith.constant 8 : i32
      %add3A_455 = arith.addi %mul3A_453, %add3A_454 : i32
      %mul3A_456 = arith.constant 16 : i32
      %mul3A_457 = arith.muli %add3A_455, %mul3A_456 : i32
      %add3A_458 = vector.broadcast %mul3A_457 : i32 to vector<16xi32>
      %add3A_459 = arith.addi %iota3A, %add3A_458 : vector<16xi32>
      %get3A_460 = arith.index_cast %mul3A_457 : i32 to index
      %get3A_461 = tpu.vector_load %arg7[%get3A_460] {strides = array<i32>} : memref<8192xi32, #tpu.memory_space<vmem>>, vector<16xi32>,
      %get3A_462 = arith.index_cast %mul3A_457 : i32 to index
      %get3A_463 = tpu.vector_load %arg8[%get3A_462] {strides = array<i32>} : memref<8192xi32, #tpu.memory_space<vmem>>, vector<16xi32>,
      %get3A_464 = arith.index_cast %mul3A_457 : i32 to index
      %get3A_465 = tpu.vector_load %arg9[%get3A_464] {strides = array<i32>} : memref<8192xf32, #tpu.memory_space<vmem>>, vector<16xf32>,
      %sub3A_466 = vector.broadcast %add3A_142 : i32 to vector<16xi32>
      %sub3A_467 = arith.subi %get3A_461, %sub3A_466 : vector<16xi32>
      %lt3A_468 = vector.broadcast %reduce_max3A_83 : i32 to vector<16xi32>
      %lt3A_469 = arith.cmpi slt, %add3A_459, %lt3A_468 : vector<16xi32>
      %lt3A_470 = arith.constant 104 : i32
      %lt3A_471 = vector.broadcast %lt3A_470 : i32 to vector<16xi32>
      %lt3A_472 = arith.cmpi ult, %sub3A_467, %lt3A_471 : vector<16xi32>
      %and3A_473 = arith.andi %lt3A_469, %lt3A_472 : vector<16xi1>
      %jit3A_474 = arith.constant 0 : i32
      %broadcast_in_dim3A_475 = vector.broadcast %jit3A_474 : i32 to vector<16xi32>
      %select_n3A_476 = arith.select %and3A_473, %sub3A_467, %broadcast_in_dim3A_475 : vector<16xi1>, vector<16xi32>
      %mul3A_477 = arith.constant 16 : i32
      %mul3A_478 = arith.muli %while3A_251, %mul3A_477 : i32
      %add3A_479 = arith.constant 9 : i32
      %add3A_480 = arith.addi %mul3A_478, %add3A_479 : i32
      %mul3A_481 = arith.constant 16 : i32
      %mul3A_482 = arith.muli %add3A_480, %mul3A_481 : i32
      %add3A_483 = vector.broadcast %mul3A_482 : i32 to vector<16xi32>
      %add3A_484 = arith.addi %iota3A, %add3A_483 : vector<16xi32>
      %get3A_485 = arith.index_cast %mul3A_482 : i32 to index
      %get3A_486 = tpu.vector_load %arg7[%get3A_485] {strides = array<i32>} : memref<8192xi32, #tpu.memory_space<vmem>>, vector<16xi32>,
      %get3A_487 = arith.index_cast %mul3A_482 : i32 to index
      %get3A_488 = tpu.vector_load %arg8[%get3A_487] {strides = array<i32>} : memref<8192xi32, #tpu.memory_space<vmem>>, vector<16xi32>,
      %get3A_489 = arith.index_cast %mul3A_482 : i32 to index
      %get3A_490 = tpu.vector_load %arg9[%get3A_489] {strides = array<i32>} : memref<8192xf32, #tpu.memory_space<vmem>>, vector<16xf32>,
      %sub3A_491 = vector.broadcast %add3A_142 : i32 to vector<16xi32>
      %sub3A_492 = arith.subi %get3A_486, %sub3A_491 : vector<16xi32>
      %lt3A_493 = vector.broadcast %reduce_max3A_83 : i32 to vector<16xi32>
      %lt3A_494 = arith.cmpi slt, %add3A_484, %lt3A_493 : vector<16xi32>
      %lt3A_495 = arith.constant 104 : i32
      %lt3A_496 = vector.broadcast %lt3A_495 : i32 to vector<16xi32>
      %lt3A_497 = arith.cmpi ult, %sub3A_492, %lt3A_496 : vector<16xi32>
      %and3A_498 = arith.andi %lt3A_494, %lt3A_497 : vector<16xi1>
      %jit3A_499 = arith.constant 0 : i32
      %broadcast_in_dim3A_500 = vector.broadcast %jit3A_499 : i32 to vector<16xi32>
      %select_n3A_501 = arith.select %and3A_498, %sub3A_492, %broadcast_in_dim3A_500 : vector<16xi1>, vector<16xi32>
      %mul3A_502 = arith.constant 16 : i32
      %mul3A_503 = arith.muli %while3A_251, %mul3A_502 : i32
      %add3A_504 = arith.constant 10 : i32
      %add3A_505 = arith.addi %mul3A_503, %add3A_504 : i32
      %mul3A_506 = arith.constant 16 : i32
      %mul3A_507 = arith.muli %add3A_505, %mul3A_506 : i32
      %add3A_508 = vector.broadcast %mul3A_507 : i32 to vector<16xi32>
      %add3A_509 = arith.addi %iota3A, %add3A_508 : vector<16xi32>
      %get3A_510 = arith.index_cast %mul3A_507 : i32 to index
      %get3A_511 = tpu.vector_load %arg7[%get3A_510] {strides = array<i32>} : memref<8192xi32, #tpu.memory_space<vmem>>, vector<16xi32>,
      %get3A_512 = arith.index_cast %mul3A_507 : i32 to index
      %get3A_513 = tpu.vector_load %arg8[%get3A_512] {strides = array<i32>} : memref<8192xi32, #tpu.memory_space<vmem>>, vector<16xi32>,
      %get3A_514 = arith.index_cast %mul3A_507 : i32 to index
      %get3A_515 = tpu.vector_load %arg9[%get3A_514] {strides = array<i32>} : memref<8192xf32, #tpu.memory_space<vmem>>, vector<16xf32>,
      %sub3A_516 = vector.broadcast %add3A_142 : i32 to vector<16xi32>
      %sub3A_517 = arith.subi %get3A_511, %sub3A_516 : vector<16xi32>
      %lt3A_518 = vector.broadcast %reduce_max3A_83 : i32 to vector<16xi32>
      %lt3A_519 = arith.cmpi slt, %add3A_509, %lt3A_518 : vector<16xi32>
      %lt3A_520 = arith.constant 104 : i32
      %lt3A_521 = vector.broadcast %lt3A_520 : i32 to vector<16xi32>
      %lt3A_522 = arith.cmpi ult, %sub3A_517, %lt3A_521 : vector<16xi32>
      %and3A_523 = arith.andi %lt3A_519, %lt3A_522 : vector<16xi1>
      %jit3A_524 = arith.constant 0 : i32
      %broadcast_in_dim3A_525 = vector.broadcast %jit3A_524 : i32 to vector<16xi32>
      %select_n3A_526 = arith.select %and3A_523, %sub3A_517, %broadcast_in_dim3A_525 : vector<16xi1>, vector<16xi32>
      %mul3A_527 = arith.constant 16 : i32
      %mul3A_528 = arith.muli %while3A_251, %mul3A_527 : i32
      %add3A_529 = arith.constant 11 : i32
      %add3A_530 = arith.addi %mul3A_528, %add3A_529 : i32
      %mul3A_531 = arith.constant 16 : i32
      %mul3A_532 = arith.muli %add3A_530, %mul3A_531 : i32
      %add3A_533 = vector.broadcast %mul3A_532 : i32 to vector<16xi32>
      %add3A_534 = arith.addi %iota3A, %add3A_533 : vector<16xi32>
      %get3A_535 = arith.index_cast %mul3A_532 : i32 to index
      %get3A_536 = tpu.vector_load %arg7[%get3A_535] {strides = array<i32>} : memref<8192xi32, #tpu.memory_space<vmem>>, vector<16xi32>,
      %get3A_537 = arith.index_cast %mul3A_532 : i32 to index
      %get3A_538 = tpu.vector_load %arg8[%get3A_537] {strides = array<i32>} : memref<8192xi32, #tpu.memory_space<vmem>>, vector<16xi32>,
      %get3A_539 = arith.index_cast %mul3A_532 : i32 to index
      %get3A_540 = tpu.vector_load %arg9[%get3A_539] {strides = array<i32>} : memref<8192xf32, #tpu.memory_space<vmem>>, vector<16xf32>,
      %sub3A_541 = vector.broadcast %add3A_142 : i32 to vector<16xi32>
      %sub3A_542 = arith.subi %get3A_536, %sub3A_541 : vector<16xi32>
      %lt3A_543 = vector.broadcast %reduce_max3A_83 : i32 to vector<16xi32>
      %lt3A_544 = arith.cmpi slt, %add3A_534, %lt3A_543 : vector<16xi32>
      %lt3A_545 = arith.constant 104 : i32
      %lt3A_546 = vector.broadcast %lt3A_545 : i32 to vector<16xi32>
      %lt3A_547 = arith.cmpi ult, %sub3A_542, %lt3A_546 : vector<16xi32>
      %and3A_548 = arith.andi %lt3A_544, %lt3A_547 : vector<16xi1>
      %jit3A_549 = arith.constant 0 : i32
      %broadcast_in_dim3A_550 = vector.broadcast %jit3A_549 : i32 to vector<16xi32>
      %select_n3A_551 = arith.select %and3A_548, %sub3A_542, %broadcast_in_dim3A_550 : vector<16xi1>, vector<16xi32>
      %mul3A_552 = arith.constant 16 : i32
      %mul3A_553 = arith.muli %while3A_251, %mul3A_552 : i32
      %add3A_554 = arith.constant 12 : i32
      %add3A_555 = arith.addi %mul3A_553, %add3A_554 : i32
      %mul3A_556 = arith.constant 16 : i32
      %mul3A_557 = arith.muli %add3A_555, %mul3A_556 : i32
      %add3A_558 = vector.broadcast %mul3A_557 : i32 to vector<16xi32>
      %add3A_559 = arith.addi %iota3A, %add3A_558 : vector<16xi32>
      %get3A_560 = arith.index_cast %mul3A_557 : i32 to index
      %get3A_561 = tpu.vector_load %arg7[%get3A_560] {strides = array<i32>} : memref<8192xi32, #tpu.memory_space<vmem>>, vector<16xi32>,
      %get3A_562 = arith.index_cast %mul3A_557 : i32 to index
      %get3A_563 = tpu.vector_load %arg8[%get3A_562] {strides = array<i32>} : memref<8192xi32, #tpu.memory_space<vmem>>, vector<16xi32>,
      %get3A_564 = arith.index_cast %mul3A_557 : i32 to index
      %get3A_565 = tpu.vector_load %arg9[%get3A_564] {strides = array<i32>} : memref<8192xf32, #tpu.memory_space<vmem>>, vector<16xf32>,
      %sub3A_566 = vector.broadcast %add3A_142 : i32 to vector<16xi32>
      %sub3A_567 = arith.subi %get3A_561, %sub3A_566 : vector<16xi32>
      %lt3A_568 = vector.broadcast %reduce_max3A_83 : i32 to vector<16xi32>
      %lt3A_569 = arith.cmpi slt, %add3A_559, %lt3A_568 : vector<16xi32>
      %lt3A_570 = arith.constant 104 : i32
      %lt3A_571 = vector.broadcast %lt3A_570 : i32 to vector<16xi32>
      %lt3A_572 = arith.cmpi ult, %sub3A_567, %lt3A_571 : vector<16xi32>
      %and3A_573 = arith.andi %lt3A_569, %lt3A_572 : vector<16xi1>
      %jit3A_574 = arith.constant 0 : i32
      %broadcast_in_dim3A_575 = vector.broadcast %jit3A_574 : i32 to vector<16xi32>
      %select_n3A_576 = arith.select %and3A_573, %sub3A_567, %broadcast_in_dim3A_575 : vector<16xi1>, vector<16xi32>
      %mul3A_577 = arith.constant 16 : i32
      %mul3A_578 = arith.muli %while3A_251, %mul3A_577 : i32
      %add3A_579 = arith.constant 13 : i32
      %add3A_580 = arith.addi %mul3A_578, %add3A_579 : i32
      %mul3A_581 = arith.constant 16 : i32
      %mul3A_582 = arith.muli %add3A_580, %mul3A_581 : i32
      %add3A_583 = vector.broadcast %mul3A_582 : i32 to vector<16xi32>
      %add3A_584 = arith.addi %iota3A, %add3A_583 : vector<16xi32>
      %get3A_585 = arith.index_cast %mul3A_582 : i32 to index
      %get3A_586 = tpu.vector_load %arg7[%get3A_585] {strides = array<i32>} : memref<8192xi32, #tpu.memory_space<vmem>>, vector<16xi32>,
      %get3A_587 = arith.index_cast %mul3A_582 : i32 to index
      %get3A_588 = tpu.vector_load %arg8[%get3A_587] {strides = array<i32>} : memref<8192xi32, #tpu.memory_space<vmem>>, vector<16xi32>,
      %get3A_589 = arith.index_cast %mul3A_582 : i32 to index
      %get3A_590 = tpu.vector_load %arg9[%get3A_589] {strides = array<i32>} : memref<8192xf32, #tpu.memory_space<vmem>>, vector<16xf32>,
      %sub3A_591 = vector.broadcast %add3A_142 : i32 to vector<16xi32>
      %sub3A_592 = arith.subi %get3A_586, %sub3A_591 : vector<16xi32>
      %lt3A_593 = vector.broadcast %reduce_max3A_83 : i32 to vector<16xi32>
      %lt3A_594 = arith.cmpi slt, %add3A_584, %lt3A_593 : vector<16xi32>
      %lt3A_595 = arith.constant 104 : i32
      %lt3A_596 = vector.broadcast %lt3A_595 : i32 to vector<16xi32>
      %lt3A_597 = arith.cmpi ult, %sub3A_592, %lt3A_596 : vector<16xi32>
      %and3A_598 = arith.andi %lt3A_594, %lt3A_597 : vector<16xi1>
      %jit3A_599 = arith.constant 0 : i32
      %broadcast_in_dim3A_600 = vector.broadcast %jit3A_599 : i32 to vector<16xi32>
      %select_n3A_601 = arith.select %and3A_598, %sub3A_592, %broadcast_in_dim3A_600 : vector<16xi1>, vector<16xi32>
      %mul3A_602 = arith.constant 16 : i32
      %mul3A_603 = arith.muli %while3A_251, %mul3A_602 : i32
      %add3A_604 = arith.constant 14 : i32
      %add3A_605 = arith.addi %mul3A_603, %add3A_604 : i32
      %mul3A_606 = arith.constant 16 : i32
      %mul3A_607 = arith.muli %add3A_605, %mul3A_606 : i32
      %add3A_608 = vector.broadcast %mul3A_607 : i32 to vector<16xi32>
      %add3A_609 = arith.addi %iota3A, %add3A_608 : vector<16xi32>
      %get3A_610 = arith.index_cast %mul3A_607 : i32 to index
      %get3A_611 = tpu.vector_load %arg7[%get3A_610] {strides = array<i32>} : memref<8192xi32, #tpu.memory_space<vmem>>, vector<16xi32>,
      %get3A_612 = arith.index_cast %mul3A_607 : i32 to index
      %get3A_613 = tpu.vector_load %arg8[%get3A_612] {strides = array<i32>} : memref<8192xi32, #tpu.memory_space<vmem>>, vector<16xi32>,
      %get3A_614 = arith.index_cast %mul3A_607 : i32 to index
      %get3A_615 = tpu.vector_load %arg9[%get3A_614] {strides = array<i32>} : memref<8192xf32, #tpu.memory_space<vmem>>, vector<16xf32>,
      %sub3A_616 = vector.broadcast %add3A_142 : i32 to vector<16xi32>
      %sub3A_617 = arith.subi %get3A_611, %sub3A_616 : vector<16xi32>
      %lt3A_618 = vector.broadcast %reduce_max3A_83 : i32 to vector<16xi32>
      %lt3A_619 = arith.cmpi slt, %add3A_609, %lt3A_618 : vector<16xi32>
      %lt3A_620 = arith.constant 104 : i32
      %lt3A_621 = vector.broadcast %lt3A_620 : i32 to vector<16xi32>
      %lt3A_622 = arith.cmpi ult, %sub3A_617, %lt3A_621 : vector<16xi32>
      %and3A_623 = arith.andi %lt3A_619, %lt3A_622 : vector<16xi1>
      %jit3A_624 = arith.constant 0 : i32
      %broadcast_in_dim3A_625 = vector.broadcast %jit3A_624 : i32 to vector<16xi32>
      %select_n3A_626 = arith.select %and3A_623, %sub3A_617, %broadcast_in_dim3A_625 : vector<16xi1>, vector<16xi32>
      %mul3A_627 = arith.constant 16 : i32
      %mul3A_628 = arith.muli %while3A_251, %mul3A_627 : i32
      %add3A_629 = arith.constant 15 : i32
      %add3A_630 = arith.addi %mul3A_628, %add3A_629 : i32
      %mul3A_631 = arith.constant 16 : i32
      %mul3A_632 = arith.muli %add3A_630, %mul3A_631 : i32
      %add3A_633 = vector.broadcast %mul3A_632 : i32 to vector<16xi32>
      %add3A_634 = arith.addi %iota3A, %add3A_633 : vector<16xi32>
      %get3A_635 = arith.index_cast %mul3A_632 : i32 to index
      %get3A_636 = tpu.vector_load %arg7[%get3A_635] {strides = array<i32>} : memref<8192xi32, #tpu.memory_space<vmem>>, vector<16xi32>,
      %get3A_637 = arith.index_cast %mul3A_632 : i32 to index
      %get3A_638 = tpu.vector_load %arg8[%get3A_637] {strides = array<i32>} : memref<8192xi32, #tpu.memory_space<vmem>>, vector<16xi32>,
      %get3A_639 = arith.index_cast %mul3A_632 : i32 to index
      %get3A_640 = tpu.vector_load %arg9[%get3A_639] {strides = array<i32>} : memref<8192xf32, #tpu.memory_space<vmem>>, vector<16xf32>,
      %sub3A_641 = vector.broadcast %add3A_142 : i32 to vector<16xi32>
      %sub3A_642 = arith.subi %get3A_636, %sub3A_641 : vector<16xi32>
      %lt3A_643 = vector.broadcast %reduce_max3A_83 : i32 to vector<16xi32>
      %lt3A_644 = arith.cmpi slt, %add3A_634, %lt3A_643 : vector<16xi32>
      %lt3A_645 = arith.constant 104 : i32
      %lt3A_646 = vector.broadcast %lt3A_645 : i32 to vector<16xi32>
      %lt3A_647 = arith.cmpi ult, %sub3A_642, %lt3A_646 : vector<16xi32>
      %and3A_648 = arith.andi %lt3A_644, %lt3A_647 : vector<16xi1>
      %jit3A_649 = arith.constant 0 : i32
      %broadcast_in_dim3A_650 = vector.broadcast %jit3A_649 : i32 to vector<16xi32>
      %select_n3A_651 = arith.select %and3A_648, %sub3A_642, %broadcast_in_dim3A_650 : vector<16xi1>, vector<16xi32>
      tpu.vector_store_idx %arg11[%select_n3A_276, %get3A_263], %get3A_265 masked %and3A_273 : memref<104x512xf32, #tpu.memory_space<vmem>>[vector<16xi32>, vector<16xi32>], vector<16xf32>, vector<16xi1>
      tpu.vector_store_idx %arg11[%select_n3A_301, %get3A_288], %get3A_290 masked %and3A_298 : memref<104x512xf32, #tpu.memory_space<vmem>>[vector<16xi32>, vector<16xi32>], vector<16xf32>, vector<16xi1>
      tpu.vector_store_idx %arg11[%select_n3A_326, %get3A_313], %get3A_315 masked %and3A_323 : memref<104x512xf32, #tpu.memory_space<vmem>>[vector<16xi32>, vector<16xi32>], vector<16xf32>, vector<16xi1>
      tpu.vector_store_idx %arg11[%select_n3A_351, %get3A_338], %get3A_340 masked %and3A_348 : memref<104x512xf32, #tpu.memory_space<vmem>>[vector<16xi32>, vector<16xi32>], vector<16xf32>, vector<16xi1>
      tpu.vector_store_idx %arg11[%select_n3A_376, %get3A_363], %get3A_365 masked %and3A_373 : memref<104x512xf32, #tpu.memory_space<vmem>>[vector<16xi32>, vector<16xi32>], vector<16xf32>, vector<16xi1>
      tpu.vector_store_idx %arg11[%select_n3A_401, %get3A_388], %get3A_390 masked %and3A_398 : memref<104x512xf32, #tpu.memory_space<vmem>>[vector<16xi32>, vector<16xi32>], vector<16xf32>, vector<16xi1>
      tpu.vector_store_idx %arg11[%select_n3A_426, %get3A_413], %get3A_415 masked %and3A_423 : memref<104x512xf32, #tpu.memory_space<vmem>>[vector<16xi32>, vector<16xi32>], vector<16xf32>, vector<16xi1>
      tpu.vector_store_idx %arg11[%select_n3A_451, %get3A_438], %get3A_440 masked %and3A_448 : memref<104x512xf32, #tpu.memory_space<vmem>>[vector<16xi32>, vector<16xi32>], vector<16xf32>, vector<16xi1>
      tpu.vector_store_idx %arg11[%select_n3A_476, %get3A_463], %get3A_465 masked %and3A_473 : memref<104x512xf32, #tpu.memory_space<vmem>>[vector<16xi32>, vector<16xi32>], vector<16xf32>, vector<16xi1>
      tpu.vector_store_idx %arg11[%select_n3A_501, %get3A_488], %get3A_490 masked %and3A_498 : memref<104x512xf32, #tpu.memory_space<vmem>>[vector<16xi32>, vector<16xi32>], vector<16xf32>, vector<16xi1>
      tpu.vector_store_idx %arg11[%select_n3A_526, %get3A_513], %get3A_515 masked %and3A_523 : memref<104x512xf32, #tpu.memory_space<vmem>>[vector<16xi32>, vector<16xi32>], vector<16xf32>, vector<16xi1>
      tpu.vector_store_idx %arg11[%select_n3A_551, %get3A_538], %get3A_540 masked %and3A_548 : memref<104x512xf32, #tpu.memory_space<vmem>>[vector<16xi32>, vector<16xi32>], vector<16xf32>, vector<16xi1>
      tpu.vector_store_idx %arg11[%select_n3A_576, %get3A_563], %get3A_565 masked %and3A_573 : memref<104x512xf32, #tpu.memory_space<vmem>>[vector<16xi32>, vector<16xi32>], vector<16xf32>, vector<16xi1>
      tpu.vector_store_idx %arg11[%select_n3A_601, %get3A_588], %get3A_590 masked %and3A_598 : memref<104x512xf32, #tpu.memory_space<vmem>>[vector<16xi32>, vector<16xi32>], vector<16xf32>, vector<16xi1>
      tpu.vector_store_idx %arg11[%select_n3A_626, %get3A_613], %get3A_615 masked %and3A_623 : memref<104x512xf32, #tpu.memory_space<vmem>>[vector<16xi32>, vector<16xi32>], vector<16xf32>, vector<16xi1>
      tpu.vector_store_idx %arg11[%select_n3A_651, %get3A_638], %get3A_640 masked %and3A_648 : memref<104x512xf32, #tpu.memory_space<vmem>>[vector<16xi32>, vector<16xi32>], vector<16xf32>, vector<16xi1>
    }
    %while3A_151 = arith.constant 1 : i32
    scf.for %while3A_251 = %while3A_149 to %while3A_145 step %while3A_151  : i32 {
      %mul3A_252 = arith.constant 16 : i32
      %mul3A_253 = arith.muli %while3A_251, %mul3A_252 : i32
      %add3A_254 = arith.constant 0 : i32
      %add3A_255 = arith.addi %mul3A_253, %add3A_254 : i32
      %mul3A_256 = arith.constant 16 : i32
      %mul3A_257 = arith.muli %add3A_255, %mul3A_256 : i32
      %add3A_258 = vector.broadcast %mul3A_257 : i32 to vector<16xi32>
      %add3A_259 = arith.addi %iota3A, %add3A_258 : vector<16xi32>
      %get3A_260 = arith.index_cast %mul3A_257 : i32 to index
      %get3A_261 = tpu.vector_load %arg7[%get3A_260] {strides = array<i32>} : memref<8192xi32, #tpu.memory_space<vmem>>, vector<16xi32>,
      %get3A_262 = arith.index_cast %mul3A_257 : i32 to index
      %get3A_263 = tpu.vector_load %arg8[%get3A_262] {strides = array<i32>} : memref<8192xi32, #tpu.memory_space<vmem>>, vector<16xi32>,
      %get3A_264 = arith.index_cast %mul3A_257 : i32 to index
      %get3A_265 = tpu.vector_load %arg9[%get3A_264] {strides = array<i32>} : memref<8192xf32, #tpu.memory_space<vmem>>, vector<16xf32>,
      %sub3A_266 = vector.broadcast %add3A_142 : i32 to vector<16xi32>
      %sub3A_267 = arith.subi %get3A_261, %sub3A_266 : vector<16xi32>
      %lt3A_268 = vector.broadcast %reduce_max3A_83 : i32 to vector<16xi32>
      %lt3A_269 = arith.cmpi slt, %add3A_259, %lt3A_268 : vector<16xi32>
      %lt3A_270 = arith.constant 104 : i32
      %lt3A_271 = vector.broadcast %lt3A_270 : i32 to vector<16xi32>
      %lt3A_272 = arith.cmpi ult, %sub3A_267, %lt3A_271 : vector<16xi32>
      %and3A_273 = arith.andi %lt3A_269, %lt3A_272 : vector<16xi1>
      %jit3A_274 = arith.constant 0 : i32
      %broadcast_in_dim3A_275 = vector.broadcast %jit3A_274 : i32 to vector<16xi32>
      %select_n3A_276 = arith.select %and3A_273, %sub3A_267, %broadcast_in_dim3A_275 : vector<16xi1>, vector<16xi32>
      %mul3A_277 = arith.constant 16 : i32
      %mul3A_278 = arith.muli %while3A_251, %mul3A_277 : i32
      %add3A_279 = arith.constant 1 : i32
      %add3A_280 = arith.addi %mul3A_278, %add3A_279 : i32
      %mul3A_281 = arith.constant 16 : i32
      %mul3A_282 = arith.muli %add3A_280, %mul3A_281 : i32
      %add3A_283 = vector.broadcast %mul3A_282 : i32 to vector<16xi32>
      %add3A_284 = arith.addi %iota3A, %add3A_283 : vector<16xi32>
      %get3A_285 = arith.index_cast %mul3A_282 : i32 to index
      %get3A_286 = tpu.vector_load %arg7[%get3A_285] {strides = array<i32>} : memref<8192xi32, #tpu.memory_space<vmem>>, vector<16xi32>,
      %get3A_287 = arith.index_cast %mul3A_282 : i32 to index
      %get3A_288 = tpu.vector_load %arg8[%get3A_287] {strides = array<i32>} : memref<8192xi32, #tpu.memory_space<vmem>>, vector<16xi32>,
      %get3A_289 = arith.index_cast %mul3A_282 : i32 to index
      %get3A_290 = tpu.vector_load %arg9[%get3A_289] {strides = array<i32>} : memref<8192xf32, #tpu.memory_space<vmem>>, vector<16xf32>,
      %sub3A_291 = vector.broadcast %add3A_142 : i32 to vector<16xi32>
      %sub3A_292 = arith.subi %get3A_286, %sub3A_291 : vector<16xi32>
      %lt3A_293 = vector.broadcast %reduce_max3A_83 : i32 to vector<16xi32>
      %lt3A_294 = arith.cmpi slt, %add3A_284, %lt3A_293 : vector<16xi32>
      %lt3A_295 = arith.constant 104 : i32
      %lt3A_296 = vector.broadcast %lt3A_295 : i32 to vector<16xi32>
      %lt3A_297 = arith.cmpi ult, %sub3A_292, %lt3A_296 : vector<16xi32>
      %and3A_298 = arith.andi %lt3A_294, %lt3A_297 : vector<16xi1>
      %jit3A_299 = arith.constant 0 : i32
      %broadcast_in_dim3A_300 = vector.broadcast %jit3A_299 : i32 to vector<16xi32>
      %select_n3A_301 = arith.select %and3A_298, %sub3A_292, %broadcast_in_dim3A_300 : vector<16xi1>, vector<16xi32>
      %mul3A_302 = arith.constant 16 : i32
      %mul3A_303 = arith.muli %while3A_251, %mul3A_302 : i32
      %add3A_304 = arith.constant 2 : i32
      %add3A_305 = arith.addi %mul3A_303, %add3A_304 : i32
      %mul3A_306 = arith.constant 16 : i32
      %mul3A_307 = arith.muli %add3A_305, %mul3A_306 : i32
      %add3A_308 = vector.broadcast %mul3A_307 : i32 to vector<16xi32>
      %add3A_309 = arith.addi %iota3A, %add3A_308 : vector<16xi32>
      %get3A_310 = arith.index_cast %mul3A_307 : i32 to index
      %get3A_311 = tpu.vector_load %arg7[%get3A_310] {strides = array<i32>} : memref<8192xi32, #tpu.memory_space<vmem>>, vector<16xi32>,
      %get3A_312 = arith.index_cast %mul3A_307 : i32 to index
      %get3A_313 = tpu.vector_load %arg8[%get3A_312] {strides = array<i32>} : memref<8192xi32, #tpu.memory_space<vmem>>, vector<16xi32>,
      %get3A_314 = arith.index_cast %mul3A_307 : i32 to index
      %get3A_315 = tpu.vector_load %arg9[%get3A_314] {strides = array<i32>} : memref<8192xf32, #tpu.memory_space<vmem>>, vector<16xf32>,
      %sub3A_316 = vector.broadcast %add3A_142 : i32 to vector<16xi32>
      %sub3A_317 = arith.subi %get3A_311, %sub3A_316 : vector<16xi32>
      %lt3A_318 = vector.broadcast %reduce_max3A_83 : i32 to vector<16xi32>
      %lt3A_319 = arith.cmpi slt, %add3A_309, %lt3A_318 : vector<16xi32>
      %lt3A_320 = arith.constant 104 : i32
      %lt3A_321 = vector.broadcast %lt3A_320 : i32 to vector<16xi32>
      %lt3A_322 = arith.cmpi ult, %sub3A_317, %lt3A_321 : vector<16xi32>
      %and3A_323 = arith.andi %lt3A_319, %lt3A_322 : vector<16xi1>
      %jit3A_324 = arith.constant 0 : i32
      %broadcast_in_dim3A_325 = vector.broadcast %jit3A_324 : i32 to vector<16xi32>
      %select_n3A_326 = arith.select %and3A_323, %sub3A_317, %broadcast_in_dim3A_325 : vector<16xi1>, vector<16xi32>
      %mul3A_327 = arith.constant 16 : i32
      %mul3A_328 = arith.muli %while3A_251, %mul3A_327 : i32
      %add3A_329 = arith.constant 3 : i32
      %add3A_330 = arith.addi %mul3A_328, %add3A_329 : i32
      %mul3A_331 = arith.constant 16 : i32
      %mul3A_332 = arith.muli %add3A_330, %mul3A_331 : i32
      %add3A_333 = vector.broadcast %mul3A_332 : i32 to vector<16xi32>
      %add3A_334 = arith.addi %iota3A, %add3A_333 : vector<16xi32>
      %get3A_335 = arith.index_cast %mul3A_332 : i32 to index
      %get3A_336 = tpu.vector_load %arg7[%get3A_335] {strides = array<i32>} : memref<8192xi32, #tpu.memory_space<vmem>>, vector<16xi32>,
      %get3A_337 = arith.index_cast %mul3A_332 : i32 to index
      %get3A_338 = tpu.vector_load %arg8[%get3A_337] {strides = array<i32>} : memref<8192xi32, #tpu.memory_space<vmem>>, vector<16xi32>,
      %get3A_339 = arith.index_cast %mul3A_332 : i32 to index
      %get3A_340 = tpu.vector_load %arg9[%get3A_339] {strides = array<i32>} : memref<8192xf32, #tpu.memory_space<vmem>>, vector<16xf32>,
      %sub3A_341 = vector.broadcast %add3A_142 : i32 to vector<16xi32>
      %sub3A_342 = arith.subi %get3A_336, %sub3A_341 : vector<16xi32>
      %lt3A_343 = vector.broadcast %reduce_max3A_83 : i32 to vector<16xi32>
      %lt3A_344 = arith.cmpi slt, %add3A_334, %lt3A_343 : vector<16xi32>
      %lt3A_345 = arith.constant 104 : i32
      %lt3A_346 = vector.broadcast %lt3A_345 : i32 to vector<16xi32>
      %lt3A_347 = arith.cmpi ult, %sub3A_342, %lt3A_346 : vector<16xi32>
      %and3A_348 = arith.andi %lt3A_344, %lt3A_347 : vector<16xi1>
      %jit3A_349 = arith.constant 0 : i32
      %broadcast_in_dim3A_350 = vector.broadcast %jit3A_349 : i32 to vector<16xi32>
      %select_n3A_351 = arith.select %and3A_348, %sub3A_342, %broadcast_in_dim3A_350 : vector<16xi1>, vector<16xi32>
      %mul3A_352 = arith.constant 16 : i32
      %mul3A_353 = arith.muli %while3A_251, %mul3A_352 : i32
      %add3A_354 = arith.constant 4 : i32
      %add3A_355 = arith.addi %mul3A_353, %add3A_354 : i32
      %mul3A_356 = arith.constant 16 : i32
      %mul3A_357 = arith.muli %add3A_355, %mul3A_356 : i32
      %add3A_358 = vector.broadcast %mul3A_357 : i32 to vector<16xi32>
      %add3A_359 = arith.addi %iota3A, %add3A_358 : vector<16xi32>
      %get3A_360 = arith.index_cast %mul3A_357 : i32 to index
      %get3A_361 = tpu.vector_load %arg7[%get3A_360] {strides = array<i32>} : memref<8192xi32, #tpu.memory_space<vmem>>, vector<16xi32>,
      %get3A_362 = arith.index_cast %mul3A_357 : i32 to index
      %get3A_363 = tpu.vector_load %arg8[%get3A_362] {strides = array<i32>} : memref<8192xi32, #tpu.memory_space<vmem>>, vector<16xi32>,
      %get3A_364 = arith.index_cast %mul3A_357 : i32 to index
      %get3A_365 = tpu.vector_load %arg9[%get3A_364] {strides = array<i32>} : memref<8192xf32, #tpu.memory_space<vmem>>, vector<16xf32>,
      %sub3A_366 = vector.broadcast %add3A_142 : i32 to vector<16xi32>
      %sub3A_367 = arith.subi %get3A_361, %sub3A_366 : vector<16xi32>
      %lt3A_368 = vector.broadcast %reduce_max3A_83 : i32 to vector<16xi32>
      %lt3A_369 = arith.cmpi slt, %add3A_359, %lt3A_368 : vector<16xi32>
      %lt3A_370 = arith.constant 104 : i32
      %lt3A_371 = vector.broadcast %lt3A_370 : i32 to vector<16xi32>
      %lt3A_372 = arith.cmpi ult, %sub3A_367, %lt3A_371 : vector<16xi32>
      %and3A_373 = arith.andi %lt3A_369, %lt3A_372 : vector<16xi1>
      %jit3A_374 = arith.constant 0 : i32
      %broadcast_in_dim3A_375 = vector.broadcast %jit3A_374 : i32 to vector<16xi32>
      %select_n3A_376 = arith.select %and3A_373, %sub3A_367, %broadcast_in_dim3A_375 : vector<16xi1>, vector<16xi32>
      %mul3A_377 = arith.constant 16 : i32
      %mul3A_378 = arith.muli %while3A_251, %mul3A_377 : i32
      %add3A_379 = arith.constant 5 : i32
      %add3A_380 = arith.addi %mul3A_378, %add3A_379 : i32
      %mul3A_381 = arith.constant 16 : i32
      %mul3A_382 = arith.muli %add3A_380, %mul3A_381 : i32
      %add3A_383 = vector.broadcast %mul3A_382 : i32 to vector<16xi32>
      %add3A_384 = arith.addi %iota3A, %add3A_383 : vector<16xi32>
      %get3A_385 = arith.index_cast %mul3A_382 : i32 to index
      %get3A_386 = tpu.vector_load %arg7[%get3A_385] {strides = array<i32>} : memref<8192xi32, #tpu.memory_space<vmem>>, vector<16xi32>,
      %get3A_387 = arith.index_cast %mul3A_382 : i32 to index
      %get3A_388 = tpu.vector_load %arg8[%get3A_387] {strides = array<i32>} : memref<8192xi32, #tpu.memory_space<vmem>>, vector<16xi32>,
      %get3A_389 = arith.index_cast %mul3A_382 : i32 to index
      %get3A_390 = tpu.vector_load %arg9[%get3A_389] {strides = array<i32>} : memref<8192xf32, #tpu.memory_space<vmem>>, vector<16xf32>,
      %sub3A_391 = vector.broadcast %add3A_142 : i32 to vector<16xi32>
      %sub3A_392 = arith.subi %get3A_386, %sub3A_391 : vector<16xi32>
      %lt3A_393 = vector.broadcast %reduce_max3A_83 : i32 to vector<16xi32>
      %lt3A_394 = arith.cmpi slt, %add3A_384, %lt3A_393 : vector<16xi32>
      %lt3A_395 = arith.constant 104 : i32
      %lt3A_396 = vector.broadcast %lt3A_395 : i32 to vector<16xi32>
      %lt3A_397 = arith.cmpi ult, %sub3A_392, %lt3A_396 : vector<16xi32>
      %and3A_398 = arith.andi %lt3A_394, %lt3A_397 : vector<16xi1>
      %jit3A_399 = arith.constant 0 : i32
      %broadcast_in_dim3A_400 = vector.broadcast %jit3A_399 : i32 to vector<16xi32>
      %select_n3A_401 = arith.select %and3A_398, %sub3A_392, %broadcast_in_dim3A_400 : vector<16xi1>, vector<16xi32>
      %mul3A_402 = arith.constant 16 : i32
      %mul3A_403 = arith.muli %while3A_251, %mul3A_402 : i32
      %add3A_404 = arith.constant 6 : i32
      %add3A_405 = arith.addi %mul3A_403, %add3A_404 : i32
      %mul3A_406 = arith.constant 16 : i32
      %mul3A_407 = arith.muli %add3A_405, %mul3A_406 : i32
      %add3A_408 = vector.broadcast %mul3A_407 : i32 to vector<16xi32>
      %add3A_409 = arith.addi %iota3A, %add3A_408 : vector<16xi32>
      %get3A_410 = arith.index_cast %mul3A_407 : i32 to index
      %get3A_411 = tpu.vector_load %arg7[%get3A_410] {strides = array<i32>} : memref<8192xi32, #tpu.memory_space<vmem>>, vector<16xi32>,
      %get3A_412 = arith.index_cast %mul3A_407 : i32 to index
      %get3A_413 = tpu.vector_load %arg8[%get3A_412] {strides = array<i32>} : memref<8192xi32, #tpu.memory_space<vmem>>, vector<16xi32>,
      %get3A_414 = arith.index_cast %mul3A_407 : i32 to index
      %get3A_415 = tpu.vector_load %arg9[%get3A_414] {strides = array<i32>} : memref<8192xf32, #tpu.memory_space<vmem>>, vector<16xf32>,
      %sub3A_416 = vector.broadcast %add3A_142 : i32 to vector<16xi32>
      %sub3A_417 = arith.subi %get3A_411, %sub3A_416 : vector<16xi32>
      %lt3A_418 = vector.broadcast %reduce_max3A_83 : i32 to vector<16xi32>
      %lt3A_419 = arith.cmpi slt, %add3A_409, %lt3A_418 : vector<16xi32>
      %lt3A_420 = arith.constant 104 : i32
      %lt3A_421 = vector.broadcast %lt3A_420 : i32 to vector<16xi32>
      %lt3A_422 = arith.cmpi ult, %sub3A_417, %lt3A_421 : vector<16xi32>
      %and3A_423 = arith.andi %lt3A_419, %lt3A_422 : vector<16xi1>
      %jit3A_424 = arith.constant 0 : i32
      %broadcast_in_dim3A_425 = vector.broadcast %jit3A_424 : i32 to vector<16xi32>
      %select_n3A_426 = arith.select %and3A_423, %sub3A_417, %broadcast_in_dim3A_425 : vector<16xi1>, vector<16xi32>
      %mul3A_427 = arith.constant 16 : i32
      %mul3A_428 = arith.muli %while3A_251, %mul3A_427 : i32
      %add3A_429 = arith.constant 7 : i32
      %add3A_430 = arith.addi %mul3A_428, %add3A_429 : i32
      %mul3A_431 = arith.constant 16 : i32
      %mul3A_432 = arith.muli %add3A_430, %mul3A_431 : i32
      %add3A_433 = vector.broadcast %mul3A_432 : i32 to vector<16xi32>
      %add3A_434 = arith.addi %iota3A, %add3A_433 : vector<16xi32>
      %get3A_435 = arith.index_cast %mul3A_432 : i32 to index
      %get3A_436 = tpu.vector_load %arg7[%get3A_435] {strides = array<i32>} : memref<8192xi32, #tpu.memory_space<vmem>>, vector<16xi32>,
      %get3A_437 = arith.index_cast %mul3A_432 : i32 to index
      %get3A_438 = tpu.vector_load %arg8[%get3A_437] {strides = array<i32>} : memref<8192xi32, #tpu.memory_space<vmem>>, vector<16xi32>,
      %get3A_439 = arith.index_cast %mul3A_432 : i32 to index
      %get3A_440 = tpu.vector_load %arg9[%get3A_439] {strides = array<i32>} : memref<8192xf32, #tpu.memory_space<vmem>>, vector<16xf32>,
      %sub3A_441 = vector.broadcast %add3A_142 : i32 to vector<16xi32>
      %sub3A_442 = arith.subi %get3A_436, %sub3A_441 : vector<16xi32>
      %lt3A_443 = vector.broadcast %reduce_max3A_83 : i32 to vector<16xi32>
      %lt3A_444 = arith.cmpi slt, %add3A_434, %lt3A_443 : vector<16xi32>
      %lt3A_445 = arith.constant 104 : i32
      %lt3A_446 = vector.broadcast %lt3A_445 : i32 to vector<16xi32>
      %lt3A_447 = arith.cmpi ult, %sub3A_442, %lt3A_446 : vector<16xi32>
      %and3A_448 = arith.andi %lt3A_444, %lt3A_447 : vector<16xi1>
      %jit3A_449 = arith.constant 0 : i32
      %broadcast_in_dim3A_450 = vector.broadcast %jit3A_449 : i32 to vector<16xi32>
      %select_n3A_451 = arith.select %and3A_448, %sub3A_442, %broadcast_in_dim3A_450 : vector<16xi1>, vector<16xi32>
      %mul3A_452 = arith.constant 16 : i32
      %mul3A_453 = arith.muli %while3A_251, %mul3A_452 : i32
      %add3A_454 = arith.constant 8 : i32
      %add3A_455 = arith.addi %mul3A_453, %add3A_454 : i32
      %mul3A_456 = arith.constant 16 : i32
      %mul3A_457 = arith.muli %add3A_455, %mul3A_456 : i32
      %add3A_458 = vector.broadcast %mul3A_457 : i32 to vector<16xi32>
      %add3A_459 = arith.addi %iota3A, %add3A_458 : vector<16xi32>
      %get3A_460 = arith.index_cast %mul3A_457 : i32 to index
      %get3A_461 = tpu.vector_load %arg7[%get3A_460] {strides = array<i32>} : memref<8192xi32, #tpu.memory_space<vmem>>, vector<16xi32>,
      %get3A_462 = arith.index_cast %mul3A_457 : i32 to index
      %get3A_463 = tpu.vector_load %arg8[%get3A_462] {strides = array<i32>} : memref<8192xi32, #tpu.memory_space<vmem>>, vector<16xi32>,
      %get3A_464 = arith.index_cast %mul3A_457 : i32 to index
      %get3A_465 = tpu.vector_load %arg9[%get3A_464] {strides = array<i32>} : memref<8192xf32, #tpu.memory_space<vmem>>, vector<16xf32>,
      %sub3A_466 = vector.broadcast %add3A_142 : i32 to vector<16xi32>
      %sub3A_467 = arith.subi %get3A_461, %sub3A_466 : vector<16xi32>
      %lt3A_468 = vector.broadcast %reduce_max3A_83 : i32 to vector<16xi32>
      %lt3A_469 = arith.cmpi slt, %add3A_459, %lt3A_468 : vector<16xi32>
      %lt3A_470 = arith.constant 104 : i32
      %lt3A_471 = vector.broadcast %lt3A_470 : i32 to vector<16xi32>
      %lt3A_472 = arith.cmpi ult, %sub3A_467, %lt3A_471 : vector<16xi32>
      %and3A_473 = arith.andi %lt3A_469, %lt3A_472 : vector<16xi1>
      %jit3A_474 = arith.constant 0 : i32
      %broadcast_in_dim3A_475 = vector.broadcast %jit3A_474 : i32 to vector<16xi32>
      %select_n3A_476 = arith.select %and3A_473, %sub3A_467, %broadcast_in_dim3A_475 : vector<16xi1>, vector<16xi32>
      %mul3A_477 = arith.constant 16 : i32
      %mul3A_478 = arith.muli %while3A_251, %mul3A_477 : i32
      %add3A_479 = arith.constant 9 : i32
      %add3A_480 = arith.addi %mul3A_478, %add3A_479 : i32
      %mul3A_481 = arith.constant 16 : i32
      %mul3A_482 = arith.muli %add3A_480, %mul3A_481 : i32
      %add3A_483 = vector.broadcast %mul3A_482 : i32 to vector<16xi32>
      %add3A_484 = arith.addi %iota3A, %add3A_483 : vector<16xi32>
      %get3A_485 = arith.index_cast %mul3A_482 : i32 to index
      %get3A_486 = tpu.vector_load %arg7[%get3A_485] {strides = array<i32>} : memref<8192xi32, #tpu.memory_space<vmem>>, vector<16xi32>,
      %get3A_487 = arith.index_cast %mul3A_482 : i32 to index
      %get3A_488 = tpu.vector_load %arg8[%get3A_487] {strides = array<i32>} : memref<8192xi32, #tpu.memory_space<vmem>>, vector<16xi32>,
      %get3A_489 = arith.index_cast %mul3A_482 : i32 to index
      %get3A_490 = tpu.vector_load %arg9[%get3A_489] {strides = array<i32>} : memref<8192xf32, #tpu.memory_space<vmem>>, vector<16xf32>,
      %sub3A_491 = vector.broadcast %add3A_142 : i32 to vector<16xi32>
      %sub3A_492 = arith.subi %get3A_486, %sub3A_491 : vector<16xi32>
      %lt3A_493 = vector.broadcast %reduce_max3A_83 : i32 to vector<16xi32>
      %lt3A_494 = arith.cmpi slt, %add3A_484, %lt3A_493 : vector<16xi32>
      %lt3A_495 = arith.constant 104 : i32
      %lt3A_496 = vector.broadcast %lt3A_495 : i32 to vector<16xi32>
      %lt3A_497 = arith.cmpi ult, %sub3A_492, %lt3A_496 : vector<16xi32>
      %and3A_498 = arith.andi %lt3A_494, %lt3A_497 : vector<16xi1>
      %jit3A_499 = arith.constant 0 : i32
      %broadcast_in_dim3A_500 = vector.broadcast %jit3A_499 : i32 to vector<16xi32>
      %select_n3A_501 = arith.select %and3A_498, %sub3A_492, %broadcast_in_dim3A_500 : vector<16xi1>, vector<16xi32>
      %mul3A_502 = arith.constant 16 : i32
      %mul3A_503 = arith.muli %while3A_251, %mul3A_502 : i32
      %add3A_504 = arith.constant 10 : i32
      %add3A_505 = arith.addi %mul3A_503, %add3A_504 : i32
      %mul3A_506 = arith.constant 16 : i32
      %mul3A_507 = arith.muli %add3A_505, %mul3A_506 : i32
      %add3A_508 = vector.broadcast %mul3A_507 : i32 to vector<16xi32>
      %add3A_509 = arith.addi %iota3A, %add3A_508 : vector<16xi32>
      %get3A_510 = arith.index_cast %mul3A_507 : i32 to index
      %get3A_511 = tpu.vector_load %arg7[%get3A_510] {strides = array<i32>} : memref<8192xi32, #tpu.memory_space<vmem>>, vector<16xi32>,
      %get3A_512 = arith.index_cast %mul3A_507 : i32 to index
      %get3A_513 = tpu.vector_load %arg8[%get3A_512] {strides = array<i32>} : memref<8192xi32, #tpu.memory_space<vmem>>, vector<16xi32>,
      %get3A_514 = arith.index_cast %mul3A_507 : i32 to index
      %get3A_515 = tpu.vector_load %arg9[%get3A_514] {strides = array<i32>} : memref<8192xf32, #tpu.memory_space<vmem>>, vector<16xf32>,
      %sub3A_516 = vector.broadcast %add3A_142 : i32 to vector<16xi32>
      %sub3A_517 = arith.subi %get3A_511, %sub3A_516 : vector<16xi32>
      %lt3A_518 = vector.broadcast %reduce_max3A_83 : i32 to vector<16xi32>
      %lt3A_519 = arith.cmpi slt, %add3A_509, %lt3A_518 : vector<16xi32>
      %lt3A_520 = arith.constant 104 : i32
      %lt3A_521 = vector.broadcast %lt3A_520 : i32 to vector<16xi32>
      %lt3A_522 = arith.cmpi ult, %sub3A_517, %lt3A_521 : vector<16xi32>
      %and3A_523 = arith.andi %lt3A_519, %lt3A_522 : vector<16xi1>
      %jit3A_524 = arith.constant 0 : i32
      %broadcast_in_dim3A_525 = vector.broadcast %jit3A_524 : i32 to vector<16xi32>
      %select_n3A_526 = arith.select %and3A_523, %sub3A_517, %broadcast_in_dim3A_525 : vector<16xi1>, vector<16xi32>
      %mul3A_527 = arith.constant 16 : i32
      %mul3A_528 = arith.muli %while3A_251, %mul3A_527 : i32
      %add3A_529 = arith.constant 11 : i32
      %add3A_530 = arith.addi %mul3A_528, %add3A_529 : i32
      %mul3A_531 = arith.constant 16 : i32
      %mul3A_532 = arith.muli %add3A_530, %mul3A_531 : i32
      %add3A_533 = vector.broadcast %mul3A_532 : i32 to vector<16xi32>
      %add3A_534 = arith.addi %iota3A, %add3A_533 : vector<16xi32>
      %get3A_535 = arith.index_cast %mul3A_532 : i32 to index
      %get3A_536 = tpu.vector_load %arg7[%get3A_535] {strides = array<i32>} : memref<8192xi32, #tpu.memory_space<vmem>>, vector<16xi32>,
      %get3A_537 = arith.index_cast %mul3A_532 : i32 to index
      %get3A_538 = tpu.vector_load %arg8[%get3A_537] {strides = array<i32>} : memref<8192xi32, #tpu.memory_space<vmem>>, vector<16xi32>,
      %get3A_539 = arith.index_cast %mul3A_532 : i32 to index
      %get3A_540 = tpu.vector_load %arg9[%get3A_539] {strides = array<i32>} : memref<8192xf32, #tpu.memory_space<vmem>>, vector<16xf32>,
      %sub3A_541 = vector.broadcast %add3A_142 : i32 to vector<16xi32>
      %sub3A_542 = arith.subi %get3A_536, %sub3A_541 : vector<16xi32>
      %lt3A_543 = vector.broadcast %reduce_max3A_83 : i32 to vector<16xi32>
      %lt3A_544 = arith.cmpi slt, %add3A_534, %lt3A_543 : vector<16xi32>
      %lt3A_545 = arith.constant 104 : i32
      %lt3A_546 = vector.broadcast %lt3A_545 : i32 to vector<16xi32>
      %lt3A_547 = arith.cmpi ult, %sub3A_542, %lt3A_546 : vector<16xi32>
      %and3A_548 = arith.andi %lt3A_544, %lt3A_547 : vector<16xi1>
      %jit3A_549 = arith.constant 0 : i32
      %broadcast_in_dim3A_550 = vector.broadcast %jit3A_549 : i32 to vector<16xi32>
      %select_n3A_551 = arith.select %and3A_548, %sub3A_542, %broadcast_in_dim3A_550 : vector<16xi1>, vector<16xi32>
      %mul3A_552 = arith.constant 16 : i32
      %mul3A_553 = arith.muli %while3A_251, %mul3A_552 : i32
      %add3A_554 = arith.constant 12 : i32
      %add3A_555 = arith.addi %mul3A_553, %add3A_554 : i32
      %mul3A_556 = arith.constant 16 : i32
      %mul3A_557 = arith.muli %add3A_555, %mul3A_556 : i32
      %add3A_558 = vector.broadcast %mul3A_557 : i32 to vector<16xi32>
      %add3A_559 = arith.addi %iota3A, %add3A_558 : vector<16xi32>
      %get3A_560 = arith.index_cast %mul3A_557 : i32 to index
      %get3A_561 = tpu.vector_load %arg7[%get3A_560] {strides = array<i32>} : memref<8192xi32, #tpu.memory_space<vmem>>, vector<16xi32>,
      %get3A_562 = arith.index_cast %mul3A_557 : i32 to index
      %get3A_563 = tpu.vector_load %arg8[%get3A_562] {strides = array<i32>} : memref<8192xi32, #tpu.memory_space<vmem>>, vector<16xi32>,
      %get3A_564 = arith.index_cast %mul3A_557 : i32 to index
      %get3A_565 = tpu.vector_load %arg9[%get3A_564] {strides = array<i32>} : memref<8192xf32, #tpu.memory_space<vmem>>, vector<16xf32>,
      %sub3A_566 = vector.broadcast %add3A_142 : i32 to vector<16xi32>
      %sub3A_567 = arith.subi %get3A_561, %sub3A_566 : vector<16xi32>
      %lt3A_568 = vector.broadcast %reduce_max3A_83 : i32 to vector<16xi32>
      %lt3A_569 = arith.cmpi slt, %add3A_559, %lt3A_568 : vector<16xi32>
      %lt3A_570 = arith.constant 104 : i32
      %lt3A_571 = vector.broadcast %lt3A_570 : i32 to vector<16xi32>
      %lt3A_572 = arith.cmpi ult, %sub3A_567, %lt3A_571 : vector<16xi32>
      %and3A_573 = arith.andi %lt3A_569, %lt3A_572 : vector<16xi1>
      %jit3A_574 = arith.constant 0 : i32
      %broadcast_in_dim3A_575 = vector.broadcast %jit3A_574 : i32 to vector<16xi32>
      %select_n3A_576 = arith.select %and3A_573, %sub3A_567, %broadcast_in_dim3A_575 : vector<16xi1>, vector<16xi32>
      %mul3A_577 = arith.constant 16 : i32
      %mul3A_578 = arith.muli %while3A_251, %mul3A_577 : i32
      %add3A_579 = arith.constant 13 : i32
      %add3A_580 = arith.addi %mul3A_578, %add3A_579 : i32
      %mul3A_581 = arith.constant 16 : i32
      %mul3A_582 = arith.muli %add3A_580, %mul3A_581 : i32
      %add3A_583 = vector.broadcast %mul3A_582 : i32 to vector<16xi32>
      %add3A_584 = arith.addi %iota3A, %add3A_583 : vector<16xi32>
      %get3A_585 = arith.index_cast %mul3A_582 : i32 to index
      %get3A_586 = tpu.vector_load %arg7[%get3A_585] {strides = array<i32>} : memref<8192xi32, #tpu.memory_space<vmem>>, vector<16xi32>,
      %get3A_587 = arith.index_cast %mul3A_582 : i32 to index
      %get3A_588 = tpu.vector_load %arg8[%get3A_587] {strides = array<i32>} : memref<8192xi32, #tpu.memory_space<vmem>>, vector<16xi32>,
      %get3A_589 = arith.index_cast %mul3A_582 : i32 to index
      %get3A_590 = tpu.vector_load %arg9[%get3A_589] {strides = array<i32>} : memref<8192xf32, #tpu.memory_space<vmem>>, vector<16xf32>,
      %sub3A_591 = vector.broadcast %add3A_142 : i32 to vector<16xi32>
      %sub3A_592 = arith.subi %get3A_586, %sub3A_591 : vector<16xi32>
      %lt3A_593 = vector.broadcast %reduce_max3A_83 : i32 to vector<16xi32>
      %lt3A_594 = arith.cmpi slt, %add3A_584, %lt3A_593 : vector<16xi32>
      %lt3A_595 = arith.constant 104 : i32
      %lt3A_596 = vector.broadcast %lt3A_595 : i32 to vector<16xi32>
      %lt3A_597 = arith.cmpi ult, %sub3A_592, %lt3A_596 : vector<16xi32>
      %and3A_598 = arith.andi %lt3A_594, %lt3A_597 : vector<16xi1>
      %jit3A_599 = arith.constant 0 : i32
      %broadcast_in_dim3A_600 = vector.broadcast %jit3A_599 : i32 to vector<16xi32>
      %select_n3A_601 = arith.select %and3A_598, %sub3A_592, %broadcast_in_dim3A_600 : vector<16xi1>, vector<16xi32>
      %mul3A_602 = arith.constant 16 : i32
      %mul3A_603 = arith.muli %while3A_251, %mul3A_602 : i32
      %add3A_604 = arith.constant 14 : i32
      %add3A_605 = arith.addi %mul3A_603, %add3A_604 : i32
      %mul3A_606 = arith.constant 16 : i32
      %mul3A_607 = arith.muli %add3A_605, %mul3A_606 : i32
      %add3A_608 = vector.broadcast %mul3A_607 : i32 to vector<16xi32>
      %add3A_609 = arith.addi %iota3A, %add3A_608 : vector<16xi32>
      %get3A_610 = arith.index_cast %mul3A_607 : i32 to index
      %get3A_611 = tpu.vector_load %arg7[%get3A_610] {strides = array<i32>} : memref<8192xi32, #tpu.memory_space<vmem>>, vector<16xi32>,
      %get3A_612 = arith.index_cast %mul3A_607 : i32 to index
      %get3A_613 = tpu.vector_load %arg8[%get3A_612] {strides = array<i32>} : memref<8192xi32, #tpu.memory_space<vmem>>, vector<16xi32>,
      %get3A_614 = arith.index_cast %mul3A_607 : i32 to index
      %get3A_615 = tpu.vector_load %arg9[%get3A_614] {strides = array<i32>} : memref<8192xf32, #tpu.memory_space<vmem>>, vector<16xf32>,
      %sub3A_616 = vector.broadcast %add3A_142 : i32 to vector<16xi32>
      %sub3A_617 = arith.subi %get3A_611, %sub3A_616 : vector<16xi32>
      %lt3A_618 = vector.broadcast %reduce_max3A_83 : i32 to vector<16xi32>
      %lt3A_619 = arith.cmpi slt, %add3A_609, %lt3A_618 : vector<16xi32>
      %lt3A_620 = arith.constant 104 : i32
      %lt3A_621 = vector.broadcast %lt3A_620 : i32 to vector<16xi32>
      %lt3A_622 = arith.cmpi ult, %sub3A_617, %lt3A_621 : vector<16xi32>
      %and3A_623 = arith.andi %lt3A_619, %lt3A_622 : vector<16xi1>
      %jit3A_624 = arith.constant 0 : i32
      %broadcast_in_dim3A_625 = vector.broadcast %jit3A_624 : i32 to vector<16xi32>
      %select_n3A_626 = arith.select %and3A_623, %sub3A_617, %broadcast_in_dim3A_625 : vector<16xi1>, vector<16xi32>
      %mul3A_627 = arith.constant 16 : i32
      %mul3A_628 = arith.muli %while3A_251, %mul3A_627 : i32
      %add3A_629 = arith.constant 15 : i32
      %add3A_630 = arith.addi %mul3A_628, %add3A_629 : i32
      %mul3A_631 = arith.constant 16 : i32
      %mul3A_632 = arith.muli %add3A_630, %mul3A_631 : i32
      %add3A_633 = vector.broadcast %mul3A_632 : i32 to vector<16xi32>
      %add3A_634 = arith.addi %iota3A, %add3A_633 : vector<16xi32>
      %get3A_635 = arith.index_cast %mul3A_632 : i32 to index
      %get3A_636 = tpu.vector_load %arg7[%get3A_635] {strides = array<i32>} : memref<8192xi32, #tpu.memory_space<vmem>>, vector<16xi32>,
      %get3A_637 = arith.index_cast %mul3A_632 : i32 to index
      %get3A_638 = tpu.vector_load %arg8[%get3A_637] {strides = array<i32>} : memref<8192xi32, #tpu.memory_space<vmem>>, vector<16xi32>,
      %get3A_639 = arith.index_cast %mul3A_632 : i32 to index
      %get3A_640 = tpu.vector_load %arg9[%get3A_639] {strides = array<i32>} : memref<8192xf32, #tpu.memory_space<vmem>>, vector<16xf32>,
      %sub3A_641 = vector.broadcast %add3A_142 : i32 to vector<16xi32>
      %sub3A_642 = arith.subi %get3A_636, %sub3A_641 : vector<16xi32>
      %lt3A_643 = vector.broadcast %reduce_max3A_83 : i32 to vector<16xi32>
      %lt3A_644 = arith.cmpi slt, %add3A_634, %lt3A_643 : vector<16xi32>
      %lt3A_645 = arith.constant 104 : i32
      %lt3A_646 = vector.broadcast %lt3A_645 : i32 to vector<16xi32>
      %lt3A_647 = arith.cmpi ult, %sub3A_642, %lt3A_646 : vector<16xi32>
      %and3A_648 = arith.andi %lt3A_644, %lt3A_647 : vector<16xi1>
      %jit3A_649 = arith.constant 0 : i32
      %broadcast_in_dim3A_650 = vector.broadcast %jit3A_649 : i32 to vector<16xi32>
      %select_n3A_651 = arith.select %and3A_648, %sub3A_642, %broadcast_in_dim3A_650 : vector<16xi1>, vector<16xi32>
      tpu.vector_store_idx %arg11[%select_n3A_276, %get3A_263], %get3A_265 masked %and3A_273 : memref<104x512xf32, #tpu.memory_space<vmem>>[vector<16xi32>, vector<16xi32>], vector<16xf32>, vector<16xi1>
      tpu.vector_store_idx %arg11[%select_n3A_301, %get3A_288], %get3A_290 masked %and3A_298 : memref<104x512xf32, #tpu.memory_space<vmem>>[vector<16xi32>, vector<16xi32>], vector<16xf32>, vector<16xi1>
      tpu.vector_store_idx %arg11[%select_n3A_326, %get3A_313], %get3A_315 masked %and3A_323 : memref<104x512xf32, #tpu.memory_space<vmem>>[vector<16xi32>, vector<16xi32>], vector<16xf32>, vector<16xi1>
      tpu.vector_store_idx %arg11[%select_n3A_351, %get3A_338], %get3A_340 masked %and3A_348 : memref<104x512xf32, #tpu.memory_space<vmem>>[vector<16xi32>, vector<16xi32>], vector<16xf32>, vector<16xi1>
      tpu.vector_store_idx %arg11[%select_n3A_376, %get3A_363], %get3A_365 masked %and3A_373 : memref<104x512xf32, #tpu.memory_space<vmem>>[vector<16xi32>, vector<16xi32>], vector<16xf32>, vector<16xi1>
      tpu.vector_store_idx %arg11[%select_n3A_401, %get3A_388], %get3A_390 masked %and3A_398 : memref<104x512xf32, #tpu.memory_space<vmem>>[vector<16xi32>, vector<16xi32>], vector<16xf32>, vector<16xi1>
      tpu.vector_store_idx %arg11[%select_n3A_426, %get3A_413], %get3A_415 masked %and3A_423 : memref<104x512xf32, #tpu.memory_space<vmem>>[vector<16xi32>, vector<16xi32>], vector<16xf32>, vector<16xi1>
      tpu.vector_store_idx %arg11[%select_n3A_451, %get3A_438], %get3A_440 masked %and3A_448 : memref<104x512xf32, #tpu.memory_space<vmem>>[vector<16xi32>, vector<16xi32>], vector<16xf32>, vector<16xi1>
      tpu.vector_store_idx %arg11[%select_n3A_476, %get3A_463], %get3A_465 masked %and3A_473 : memref<104x512xf32, #tpu.memory_space<vmem>>[vector<16xi32>, vector<16xi32>], vector<16xf32>, vector<16xi1>
      tpu.vector_store_idx %arg11[%select_n3A_501, %get3A_488], %get3A_490 masked %and3A_498 : memref<104x512xf32, #tpu.memory_space<vmem>>[vector<16xi32>, vector<16xi32>], vector<16xf32>, vector<16xi1>
      tpu.vector_store_idx %arg11[%select_n3A_526, %get3A_513], %get3A_515 masked %and3A_523 : memref<104x512xf32, #tpu.memory_space<vmem>>[vector<16xi32>, vector<16xi32>], vector<16xf32>, vector<16xi1>
      tpu.vector_store_idx %arg11[%select_n3A_551, %get3A_538], %get3A_540 masked %and3A_548 : memref<104x512xf32, #tpu.memory_space<vmem>>[vector<16xi32>, vector<16xi32>], vector<16xf32>, vector<16xi1>
      tpu.vector_store_idx %arg11[%select_n3A_576, %get3A_563], %get3A_565 masked %and3A_573 : memref<104x512xf32, #tpu.memory_space<vmem>>[vector<16xi32>, vector<16xi32>], vector<16xf32>, vector<16xi1>
      tpu.vector_store_idx %arg11[%select_n3A_601, %get3A_588], %get3A_590 masked %and3A_598 : memref<104x512xf32, #tpu.memory_space<vmem>>[vector<16xi32>, vector<16xi32>], vector<16xf32>, vector<16xi1>
      tpu.vector_store_idx %arg11[%select_n3A_626, %get3A_613], %get3A_615 masked %and3A_623 : memref<104x512xf32, #tpu.memory_space<vmem>>[vector<16xi32>, vector<16xi32>], vector<16xf32>, vector<16xi1>
      tpu.vector_store_idx %arg11[%select_n3A_651, %get3A_638], %get3A_640 masked %and3A_648 : memref<104x512xf32, #tpu.memory_space<vmem>>[vector<16xi32>, vector<16xi32>], vector<16xf32>, vector<16xi1>
    }
    %dma_start3A_152 = arith.constant 0 : i32
    %dma_start3A_153 = arith.constant 0 : i32
    %dma_start3A_154 = tpu.memref_slice %arg11[%dma_start3A_152, %dma_start3A_153] : memref<104x512xf32, #tpu.memory_space<vmem>> -> memref<104x512xf32, #tpu.memory_space<vmem>>
    %dma_start3A_155 = arith.constant 0 : i32
    %dma_start3A_156 = tpu.memref_slice %arg6[%select_n3A, %add3A_142, %dma_start3A_155] : memref<16x512x512xf32, #tpu.memory_space<hbm>> -> memref<1x104x512xf32, #tpu.memory_space<hbm>>
    %dma_start3A_157 = tpu.memref_squeeze %dma_start3A_156 : memref<1x104x512xf32, #tpu.memory_space<hbm>> -> memref<104x512xf32, #tpu.memory_space<hbm>>
    %dma_start3A_158 = arith.constant 0 : i32
    %dma_start3A_159 = tpu.memref_slice %arg6[%select_n3A, %add3A_142, %dma_start3A_158] : memref<16x512x512xf32, #tpu.memory_space<hbm>> -> memref<1x104x512xf32, #tpu.memory_space<hbm>>
    %dma_start3A_160 = tpu.memref_squeeze %dma_start3A_159 : memref<1x104x512xf32, #tpu.memory_space<hbm>> -> memref<104x512xf32, #tpu.memory_space<hbm>>
    %dma_start3A_161 = arith.constant 0 : i32
    %dma_start3A_162 = arith.constant 0 : i32
    %dma_start3A_163 = tpu.memref_slice %arg11[%dma_start3A_161, %dma_start3A_162] : memref<104x512xf32, #tpu.memory_space<vmem>> -> memref<104x512xf32, #tpu.memory_space<vmem>>
    tpu.enqueue_dma source(%dma_start3A_163 : memref<104x512xf32, #tpu.memory_space<vmem>>) target(%dma_start3A_160 : memref<104x512xf32, #tpu.memory_space<hbm>>) target_semaphore(%arg14 : memref<!tpu.dma_semaphore, #tpu.memory_space<semaphore_mem>>)
    %add3A_164 = arith.constant 104 : i32
    %add3A_165 = arith.addi %mul3A_140, %add3A_164 : i32
    %while3A_166 = arith.constant 0 : i32
    %while3A_167 = arith.constant 0 : i32
    %while3A_168 = arith.subi %select_n3A_138, %while3A_167 : i32
    %while3A_169 = arith.addi %while3A_167, %while3A_168 : i32
    %while3A_170 = arith.constant 1 : i32
    %while3A_171 = arith.divsi %while3A_168, %while3A_170 : i32
    %while3A_172 = arith.muli %while3A_171, %while3A_170 : i32
    %while3A_173 = arith.addi %while3A_167, %while3A_172 : i32
    %while3A_174 = arith.constant 1 : i32
    scf.for %while3A_251 = %while3A_167 to %while3A_173 step %while3A_174  : i32 {
      %mul3A_252 = arith.constant 16 : i32
      %mul3A_253 = arith.muli %while3A_251, %mul3A_252 : i32
      %add3A_254 = arith.constant 0 : i32
      %add3A_255 = arith.addi %mul3A_253, %add3A_254 : i32
      %mul3A_256 = arith.constant 16 : i32
      %mul3A_257 = arith.muli %add3A_255, %mul3A_256 : i32
      %add3A_258 = vector.broadcast %mul3A_257 : i32 to vector<16xi32>
      %add3A_259 = arith.addi %iota3A, %add3A_258 : vector<16xi32>
      %get3A_260 = arith.index_cast %mul3A_257 : i32 to index
      %get3A_261 = tpu.vector_load %arg7[%get3A_260] {strides = array<i32>} : memref<8192xi32, #tpu.memory_space<vmem>>, vector<16xi32>,
      %get3A_262 = arith.index_cast %mul3A_257 : i32 to index
      %get3A_263 = tpu.vector_load %arg8[%get3A_262] {strides = array<i32>} : memref<8192xi32, #tpu.memory_space<vmem>>, vector<16xi32>,
      %get3A_264 = arith.index_cast %mul3A_257 : i32 to index
      %get3A_265 = tpu.vector_load %arg9[%get3A_264] {strides = array<i32>} : memref<8192xf32, #tpu.memory_space<vmem>>, vector<16xf32>,
      %sub3A_266 = vector.broadcast %add3A_165 : i32 to vector<16xi32>
      %sub3A_267 = arith.subi %get3A_261, %sub3A_266 : vector<16xi32>
      %lt3A_268 = vector.broadcast %reduce_max3A_83 : i32 to vector<16xi32>
      %lt3A_269 = arith.cmpi slt, %add3A_259, %lt3A_268 : vector<16xi32>
      %lt3A_270 = arith.constant 96 : i32
      %lt3A_271 = vector.broadcast %lt3A_270 : i32 to vector<16xi32>
      %lt3A_272 = arith.cmpi ult, %sub3A_267, %lt3A_271 : vector<16xi32>
      %and3A_273 = arith.andi %lt3A_269, %lt3A_272 : vector<16xi1>
      %jit3A_274 = arith.constant 0 : i32
      %broadcast_in_dim3A_275 = vector.broadcast %jit3A_274 : i32 to vector<16xi32>
      %select_n3A_276 = arith.select %and3A_273, %sub3A_267, %broadcast_in_dim3A_275 : vector<16xi1>, vector<16xi32>
      %mul3A_277 = arith.constant 16 : i32
      %mul3A_278 = arith.muli %while3A_251, %mul3A_277 : i32
      %add3A_279 = arith.constant 1 : i32
      %add3A_280 = arith.addi %mul3A_278, %add3A_279 : i32
      %mul3A_281 = arith.constant 16 : i32
      %mul3A_282 = arith.muli %add3A_280, %mul3A_281 : i32
      %add3A_283 = vector.broadcast %mul3A_282 : i32 to vector<16xi32>
      %add3A_284 = arith.addi %iota3A, %add3A_283 : vector<16xi32>
      %get3A_285 = arith.index_cast %mul3A_282 : i32 to index
      %get3A_286 = tpu.vector_load %arg7[%get3A_285] {strides = array<i32>} : memref<8192xi32, #tpu.memory_space<vmem>>, vector<16xi32>,
      %get3A_287 = arith.index_cast %mul3A_282 : i32 to index
      %get3A_288 = tpu.vector_load %arg8[%get3A_287] {strides = array<i32>} : memref<8192xi32, #tpu.memory_space<vmem>>, vector<16xi32>,
      %get3A_289 = arith.index_cast %mul3A_282 : i32 to index
      %get3A_290 = tpu.vector_load %arg9[%get3A_289] {strides = array<i32>} : memref<8192xf32, #tpu.memory_space<vmem>>, vector<16xf32>,
      %sub3A_291 = vector.broadcast %add3A_165 : i32 to vector<16xi32>
      %sub3A_292 = arith.subi %get3A_286, %sub3A_291 : vector<16xi32>
      %lt3A_293 = vector.broadcast %reduce_max3A_83 : i32 to vector<16xi32>
      %lt3A_294 = arith.cmpi slt, %add3A_284, %lt3A_293 : vector<16xi32>
      %lt3A_295 = arith.constant 96 : i32
      %lt3A_296 = vector.broadcast %lt3A_295 : i32 to vector<16xi32>
      %lt3A_297 = arith.cmpi ult, %sub3A_292, %lt3A_296 : vector<16xi32>
      %and3A_298 = arith.andi %lt3A_294, %lt3A_297 : vector<16xi1>
      %jit3A_299 = arith.constant 0 : i32
      %broadcast_in_dim3A_300 = vector.broadcast %jit3A_299 : i32 to vector<16xi32>
      %select_n3A_301 = arith.select %and3A_298, %sub3A_292, %broadcast_in_dim3A_300 : vector<16xi1>, vector<16xi32>
      %mul3A_302 = arith.constant 16 : i32
      %mul3A_303 = arith.muli %while3A_251, %mul3A_302 : i32
      %add3A_304 = arith.constant 2 : i32
      %add3A_305 = arith.addi %mul3A_303, %add3A_304 : i32
      %mul3A_306 = arith.constant 16 : i32
      %mul3A_307 = arith.muli %add3A_305, %mul3A_306 : i32
      %add3A_308 = vector.broadcast %mul3A_307 : i32 to vector<16xi32>
      %add3A_309 = arith.addi %iota3A, %add3A_308 : vector<16xi32>
      %get3A_310 = arith.index_cast %mul3A_307 : i32 to index
      %get3A_311 = tpu.vector_load %arg7[%get3A_310] {strides = array<i32>} : memref<8192xi32, #tpu.memory_space<vmem>>, vector<16xi32>,
      %get3A_312 = arith.index_cast %mul3A_307 : i32 to index
      %get3A_313 = tpu.vector_load %arg8[%get3A_312] {strides = array<i32>} : memref<8192xi32, #tpu.memory_space<vmem>>, vector<16xi32>,
      %get3A_314 = arith.index_cast %mul3A_307 : i32 to index
      %get3A_315 = tpu.vector_load %arg9[%get3A_314] {strides = array<i32>} : memref<8192xf32, #tpu.memory_space<vmem>>, vector<16xf32>,
      %sub3A_316 = vector.broadcast %add3A_165 : i32 to vector<16xi32>
      %sub3A_317 = arith.subi %get3A_311, %sub3A_316 : vector<16xi32>
      %lt3A_318 = vector.broadcast %reduce_max3A_83 : i32 to vector<16xi32>
      %lt3A_319 = arith.cmpi slt, %add3A_309, %lt3A_318 : vector<16xi32>
      %lt3A_320 = arith.constant 96 : i32
      %lt3A_321 = vector.broadcast %lt3A_320 : i32 to vector<16xi32>
      %lt3A_322 = arith.cmpi ult, %sub3A_317, %lt3A_321 : vector<16xi32>
      %and3A_323 = arith.andi %lt3A_319, %lt3A_322 : vector<16xi1>
      %jit3A_324 = arith.constant 0 : i32
      %broadcast_in_dim3A_325 = vector.broadcast %jit3A_324 : i32 to vector<16xi32>
      %select_n3A_326 = arith.select %and3A_323, %sub3A_317, %broadcast_in_dim3A_325 : vector<16xi1>, vector<16xi32>
      %mul3A_327 = arith.constant 16 : i32
      %mul3A_328 = arith.muli %while3A_251, %mul3A_327 : i32
      %add3A_329 = arith.constant 3 : i32
      %add3A_330 = arith.addi %mul3A_328, %add3A_329 : i32
      %mul3A_331 = arith.constant 16 : i32
      %mul3A_332 = arith.muli %add3A_330, %mul3A_331 : i32
      %add3A_333 = vector.broadcast %mul3A_332 : i32 to vector<16xi32>
      %add3A_334 = arith.addi %iota3A, %add3A_333 : vector<16xi32>
      %get3A_335 = arith.index_cast %mul3A_332 : i32 to index
      %get3A_336 = tpu.vector_load %arg7[%get3A_335] {strides = array<i32>} : memref<8192xi32, #tpu.memory_space<vmem>>, vector<16xi32>,
      %get3A_337 = arith.index_cast %mul3A_332 : i32 to index
      %get3A_338 = tpu.vector_load %arg8[%get3A_337] {strides = array<i32>} : memref<8192xi32, #tpu.memory_space<vmem>>, vector<16xi32>,
      %get3A_339 = arith.index_cast %mul3A_332 : i32 to index
      %get3A_340 = tpu.vector_load %arg9[%get3A_339] {strides = array<i32>} : memref<8192xf32, #tpu.memory_space<vmem>>, vector<16xf32>,
      %sub3A_341 = vector.broadcast %add3A_165 : i32 to vector<16xi32>
      %sub3A_342 = arith.subi %get3A_336, %sub3A_341 : vector<16xi32>
      %lt3A_343 = vector.broadcast %reduce_max3A_83 : i32 to vector<16xi32>
      %lt3A_344 = arith.cmpi slt, %add3A_334, %lt3A_343 : vector<16xi32>
      %lt3A_345 = arith.constant 96 : i32
      %lt3A_346 = vector.broadcast %lt3A_345 : i32 to vector<16xi32>
      %lt3A_347 = arith.cmpi ult, %sub3A_342, %lt3A_346 : vector<16xi32>
      %and3A_348 = arith.andi %lt3A_344, %lt3A_347 : vector<16xi1>
      %jit3A_349 = arith.constant 0 : i32
      %broadcast_in_dim3A_350 = vector.broadcast %jit3A_349 : i32 to vector<16xi32>
      %select_n3A_351 = arith.select %and3A_348, %sub3A_342, %broadcast_in_dim3A_350 : vector<16xi1>, vector<16xi32>
      %mul3A_352 = arith.constant 16 : i32
      %mul3A_353 = arith.muli %while3A_251, %mul3A_352 : i32
      %add3A_354 = arith.constant 4 : i32
      %add3A_355 = arith.addi %mul3A_353, %add3A_354 : i32
      %mul3A_356 = arith.constant 16 : i32
      %mul3A_357 = arith.muli %add3A_355, %mul3A_356 : i32
      %add3A_358 = vector.broadcast %mul3A_357 : i32 to vector<16xi32>
      %add3A_359 = arith.addi %iota3A, %add3A_358 : vector<16xi32>
      %get3A_360 = arith.index_cast %mul3A_357 : i32 to index
      %get3A_361 = tpu.vector_load %arg7[%get3A_360] {strides = array<i32>} : memref<8192xi32, #tpu.memory_space<vmem>>, vector<16xi32>,
      %get3A_362 = arith.index_cast %mul3A_357 : i32 to index
      %get3A_363 = tpu.vector_load %arg8[%get3A_362] {strides = array<i32>} : memref<8192xi32, #tpu.memory_space<vmem>>, vector<16xi32>,
      %get3A_364 = arith.index_cast %mul3A_357 : i32 to index
      %get3A_365 = tpu.vector_load %arg9[%get3A_364] {strides = array<i32>} : memref<8192xf32, #tpu.memory_space<vmem>>, vector<16xf32>,
      %sub3A_366 = vector.broadcast %add3A_165 : i32 to vector<16xi32>
      %sub3A_367 = arith.subi %get3A_361, %sub3A_366 : vector<16xi32>
      %lt3A_368 = vector.broadcast %reduce_max3A_83 : i32 to vector<16xi32>
      %lt3A_369 = arith.cmpi slt, %add3A_359, %lt3A_368 : vector<16xi32>
      %lt3A_370 = arith.constant 96 : i32
      %lt3A_371 = vector.broadcast %lt3A_370 : i32 to vector<16xi32>
      %lt3A_372 = arith.cmpi ult, %sub3A_367, %lt3A_371 : vector<16xi32>
      %and3A_373 = arith.andi %lt3A_369, %lt3A_372 : vector<16xi1>
      %jit3A_374 = arith.constant 0 : i32
      %broadcast_in_dim3A_375 = vector.broadcast %jit3A_374 : i32 to vector<16xi32>
      %select_n3A_376 = arith.select %and3A_373, %sub3A_367, %broadcast_in_dim3A_375 : vector<16xi1>, vector<16xi32>
      %mul3A_377 = arith.constant 16 : i32
      %mul3A_378 = arith.muli %while3A_251, %mul3A_377 : i32
      %add3A_379 = arith.constant 5 : i32
      %add3A_380 = arith.addi %mul3A_378, %add3A_379 : i32
      %mul3A_381 = arith.constant 16 : i32
      %mul3A_382 = arith.muli %add3A_380, %mul3A_381 : i32
      %add3A_383 = vector.broadcast %mul3A_382 : i32 to vector<16xi32>
      %add3A_384 = arith.addi %iota3A, %add3A_383 : vector<16xi32>
      %get3A_385 = arith.index_cast %mul3A_382 : i32 to index
      %get3A_386 = tpu.vector_load %arg7[%get3A_385] {strides = array<i32>} : memref<8192xi32, #tpu.memory_space<vmem>>, vector<16xi32>,
      %get3A_387 = arith.index_cast %mul3A_382 : i32 to index
      %get3A_388 = tpu.vector_load %arg8[%get3A_387] {strides = array<i32>} : memref<8192xi32, #tpu.memory_space<vmem>>, vector<16xi32>,
      %get3A_389 = arith.index_cast %mul3A_382 : i32 to index
      %get3A_390 = tpu.vector_load %arg9[%get3A_389] {strides = array<i32>} : memref<8192xf32, #tpu.memory_space<vmem>>, vector<16xf32>,
      %sub3A_391 = vector.broadcast %add3A_165 : i32 to vector<16xi32>
      %sub3A_392 = arith.subi %get3A_386, %sub3A_391 : vector<16xi32>
      %lt3A_393 = vector.broadcast %reduce_max3A_83 : i32 to vector<16xi32>
      %lt3A_394 = arith.cmpi slt, %add3A_384, %lt3A_393 : vector<16xi32>
      %lt3A_395 = arith.constant 96 : i32
      %lt3A_396 = vector.broadcast %lt3A_395 : i32 to vector<16xi32>
      %lt3A_397 = arith.cmpi ult, %sub3A_392, %lt3A_396 : vector<16xi32>
      %and3A_398 = arith.andi %lt3A_394, %lt3A_397 : vector<16xi1>
      %jit3A_399 = arith.constant 0 : i32
      %broadcast_in_dim3A_400 = vector.broadcast %jit3A_399 : i32 to vector<16xi32>
      %select_n3A_401 = arith.select %and3A_398, %sub3A_392, %broadcast_in_dim3A_400 : vector<16xi1>, vector<16xi32>
      %mul3A_402 = arith.constant 16 : i32
      %mul3A_403 = arith.muli %while3A_251, %mul3A_402 : i32
      %add3A_404 = arith.constant 6 : i32
      %add3A_405 = arith.addi %mul3A_403, %add3A_404 : i32
      %mul3A_406 = arith.constant 16 : i32
      %mul3A_407 = arith.muli %add3A_405, %mul3A_406 : i32
      %add3A_408 = vector.broadcast %mul3A_407 : i32 to vector<16xi32>
      %add3A_409 = arith.addi %iota3A, %add3A_408 : vector<16xi32>
      %get3A_410 = arith.index_cast %mul3A_407 : i32 to index
      %get3A_411 = tpu.vector_load %arg7[%get3A_410] {strides = array<i32>} : memref<8192xi32, #tpu.memory_space<vmem>>, vector<16xi32>,
      %get3A_412 = arith.index_cast %mul3A_407 : i32 to index
      %get3A_413 = tpu.vector_load %arg8[%get3A_412] {strides = array<i32>} : memref<8192xi32, #tpu.memory_space<vmem>>, vector<16xi32>,
      %get3A_414 = arith.index_cast %mul3A_407 : i32 to index
      %get3A_415 = tpu.vector_load %arg9[%get3A_414] {strides = array<i32>} : memref<8192xf32, #tpu.memory_space<vmem>>, vector<16xf32>,
      %sub3A_416 = vector.broadcast %add3A_165 : i32 to vector<16xi32>
      %sub3A_417 = arith.subi %get3A_411, %sub3A_416 : vector<16xi32>
      %lt3A_418 = vector.broadcast %reduce_max3A_83 : i32 to vector<16xi32>
      %lt3A_419 = arith.cmpi slt, %add3A_409, %lt3A_418 : vector<16xi32>
      %lt3A_420 = arith.constant 96 : i32
      %lt3A_421 = vector.broadcast %lt3A_420 : i32 to vector<16xi32>
      %lt3A_422 = arith.cmpi ult, %sub3A_417, %lt3A_421 : vector<16xi32>
      %and3A_423 = arith.andi %lt3A_419, %lt3A_422 : vector<16xi1>
      %jit3A_424 = arith.constant 0 : i32
      %broadcast_in_dim3A_425 = vector.broadcast %jit3A_424 : i32 to vector<16xi32>
      %select_n3A_426 = arith.select %and3A_423, %sub3A_417, %broadcast_in_dim3A_425 : vector<16xi1>, vector<16xi32>
      %mul3A_427 = arith.constant 16 : i32
      %mul3A_428 = arith.muli %while3A_251, %mul3A_427 : i32
      %add3A_429 = arith.constant 7 : i32
      %add3A_430 = arith.addi %mul3A_428, %add3A_429 : i32
      %mul3A_431 = arith.constant 16 : i32
      %mul3A_432 = arith.muli %add3A_430, %mul3A_431 : i32
      %add3A_433 = vector.broadcast %mul3A_432 : i32 to vector<16xi32>
      %add3A_434 = arith.addi %iota3A, %add3A_433 : vector<16xi32>
      %get3A_435 = arith.index_cast %mul3A_432 : i32 to index
      %get3A_436 = tpu.vector_load %arg7[%get3A_435] {strides = array<i32>} : memref<8192xi32, #tpu.memory_space<vmem>>, vector<16xi32>,
      %get3A_437 = arith.index_cast %mul3A_432 : i32 to index
      %get3A_438 = tpu.vector_load %arg8[%get3A_437] {strides = array<i32>} : memref<8192xi32, #tpu.memory_space<vmem>>, vector<16xi32>,
      %get3A_439 = arith.index_cast %mul3A_432 : i32 to index
      %get3A_440 = tpu.vector_load %arg9[%get3A_439] {strides = array<i32>} : memref<8192xf32, #tpu.memory_space<vmem>>, vector<16xf32>,
      %sub3A_441 = vector.broadcast %add3A_165 : i32 to vector<16xi32>
      %sub3A_442 = arith.subi %get3A_436, %sub3A_441 : vector<16xi32>
      %lt3A_443 = vector.broadcast %reduce_max3A_83 : i32 to vector<16xi32>
      %lt3A_444 = arith.cmpi slt, %add3A_434, %lt3A_443 : vector<16xi32>
      %lt3A_445 = arith.constant 96 : i32
      %lt3A_446 = vector.broadcast %lt3A_445 : i32 to vector<16xi32>
      %lt3A_447 = arith.cmpi ult, %sub3A_442, %lt3A_446 : vector<16xi32>
      %and3A_448 = arith.andi %lt3A_444, %lt3A_447 : vector<16xi1>
      %jit3A_449 = arith.constant 0 : i32
      %broadcast_in_dim3A_450 = vector.broadcast %jit3A_449 : i32 to vector<16xi32>
      %select_n3A_451 = arith.select %and3A_448, %sub3A_442, %broadcast_in_dim3A_450 : vector<16xi1>, vector<16xi32>
      %mul3A_452 = arith.constant 16 : i32
      %mul3A_453 = arith.muli %while3A_251, %mul3A_452 : i32
      %add3A_454 = arith.constant 8 : i32
      %add3A_455 = arith.addi %mul3A_453, %add3A_454 : i32
      %mul3A_456 = arith.constant 16 : i32
      %mul3A_457 = arith.muli %add3A_455, %mul3A_456 : i32
      %add3A_458 = vector.broadcast %mul3A_457 : i32 to vector<16xi32>
      %add3A_459 = arith.addi %iota3A, %add3A_458 : vector<16xi32>
      %get3A_460 = arith.index_cast %mul3A_457 : i32 to index
      %get3A_461 = tpu.vector_load %arg7[%get3A_460] {strides = array<i32>} : memref<8192xi32, #tpu.memory_space<vmem>>, vector<16xi32>,
      %get3A_462 = arith.index_cast %mul3A_457 : i32 to index
      %get3A_463 = tpu.vector_load %arg8[%get3A_462] {strides = array<i32>} : memref<8192xi32, #tpu.memory_space<vmem>>, vector<16xi32>,
      %get3A_464 = arith.index_cast %mul3A_457 : i32 to index
      %get3A_465 = tpu.vector_load %arg9[%get3A_464] {strides = array<i32>} : memref<8192xf32, #tpu.memory_space<vmem>>, vector<16xf32>,
      %sub3A_466 = vector.broadcast %add3A_165 : i32 to vector<16xi32>
      %sub3A_467 = arith.subi %get3A_461, %sub3A_466 : vector<16xi32>
      %lt3A_468 = vector.broadcast %reduce_max3A_83 : i32 to vector<16xi32>
      %lt3A_469 = arith.cmpi slt, %add3A_459, %lt3A_468 : vector<16xi32>
      %lt3A_470 = arith.constant 96 : i32
      %lt3A_471 = vector.broadcast %lt3A_470 : i32 to vector<16xi32>
      %lt3A_472 = arith.cmpi ult, %sub3A_467, %lt3A_471 : vector<16xi32>
      %and3A_473 = arith.andi %lt3A_469, %lt3A_472 : vector<16xi1>
      %jit3A_474 = arith.constant 0 : i32
      %broadcast_in_dim3A_475 = vector.broadcast %jit3A_474 : i32 to vector<16xi32>
      %select_n3A_476 = arith.select %and3A_473, %sub3A_467, %broadcast_in_dim3A_475 : vector<16xi1>, vector<16xi32>
      %mul3A_477 = arith.constant 16 : i32
      %mul3A_478 = arith.muli %while3A_251, %mul3A_477 : i32
      %add3A_479 = arith.constant 9 : i32
      %add3A_480 = arith.addi %mul3A_478, %add3A_479 : i32
      %mul3A_481 = arith.constant 16 : i32
      %mul3A_482 = arith.muli %add3A_480, %mul3A_481 : i32
      %add3A_483 = vector.broadcast %mul3A_482 : i32 to vector<16xi32>
      %add3A_484 = arith.addi %iota3A, %add3A_483 : vector<16xi32>
      %get3A_485 = arith.index_cast %mul3A_482 : i32 to index
      %get3A_486 = tpu.vector_load %arg7[%get3A_485] {strides = array<i32>} : memref<8192xi32, #tpu.memory_space<vmem>>, vector<16xi32>,
      %get3A_487 = arith.index_cast %mul3A_482 : i32 to index
      %get3A_488 = tpu.vector_load %arg8[%get3A_487] {strides = array<i32>} : memref<8192xi32, #tpu.memory_space<vmem>>, vector<16xi32>,
      %get3A_489 = arith.index_cast %mul3A_482 : i32 to index
      %get3A_490 = tpu.vector_load %arg9[%get3A_489] {strides = array<i32>} : memref<8192xf32, #tpu.memory_space<vmem>>, vector<16xf32>,
      %sub3A_491 = vector.broadcast %add3A_165 : i32 to vector<16xi32>
      %sub3A_492 = arith.subi %get3A_486, %sub3A_491 : vector<16xi32>
      %lt3A_493 = vector.broadcast %reduce_max3A_83 : i32 to vector<16xi32>
      %lt3A_494 = arith.cmpi slt, %add3A_484, %lt3A_493 : vector<16xi32>
      %lt3A_495 = arith.constant 96 : i32
      %lt3A_496 = vector.broadcast %lt3A_495 : i32 to vector<16xi32>
      %lt3A_497 = arith.cmpi ult, %sub3A_492, %lt3A_496 : vector<16xi32>
      %and3A_498 = arith.andi %lt3A_494, %lt3A_497 : vector<16xi1>
      %jit3A_499 = arith.constant 0 : i32
      %broadcast_in_dim3A_500 = vector.broadcast %jit3A_499 : i32 to vector<16xi32>
      %select_n3A_501 = arith.select %and3A_498, %sub3A_492, %broadcast_in_dim3A_500 : vector<16xi1>, vector<16xi32>
      %mul3A_502 = arith.constant 16 : i32
      %mul3A_503 = arith.muli %while3A_251, %mul3A_502 : i32
      %add3A_504 = arith.constant 10 : i32
      %add3A_505 = arith.addi %mul3A_503, %add3A_504 : i32
      %mul3A_506 = arith.constant 16 : i32
      %mul3A_507 = arith.muli %add3A_505, %mul3A_506 : i32
      %add3A_508 = vector.broadcast %mul3A_507 : i32 to vector<16xi32>
      %add3A_509 = arith.addi %iota3A, %add3A_508 : vector<16xi32>
      %get3A_510 = arith.index_cast %mul3A_507 : i32 to index
      %get3A_511 = tpu.vector_load %arg7[%get3A_510] {strides = array<i32>} : memref<8192xi32, #tpu.memory_space<vmem>>, vector<16xi32>,
      %get3A_512 = arith.index_cast %mul3A_507 : i32 to index
      %get3A_513 = tpu.vector_load %arg8[%get3A_512] {strides = array<i32>} : memref<8192xi32, #tpu.memory_space<vmem>>, vector<16xi32>,
      %get3A_514 = arith.index_cast %mul3A_507 : i32 to index
      %get3A_515 = tpu.vector_load %arg9[%get3A_514] {strides = array<i32>} : memref<8192xf32, #tpu.memory_space<vmem>>, vector<16xf32>,
      %sub3A_516 = vector.broadcast %add3A_165 : i32 to vector<16xi32>
      %sub3A_517 = arith.subi %get3A_511, %sub3A_516 : vector<16xi32>
      %lt3A_518 = vector.broadcast %reduce_max3A_83 : i32 to vector<16xi32>
      %lt3A_519 = arith.cmpi slt, %add3A_509, %lt3A_518 : vector<16xi32>
      %lt3A_520 = arith.constant 96 : i32
      %lt3A_521 = vector.broadcast %lt3A_520 : i32 to vector<16xi32>
      %lt3A_522 = arith.cmpi ult, %sub3A_517, %lt3A_521 : vector<16xi32>
      %and3A_523 = arith.andi %lt3A_519, %lt3A_522 : vector<16xi1>
      %jit3A_524 = arith.constant 0 : i32
      %broadcast_in_dim3A_525 = vector.broadcast %jit3A_524 : i32 to vector<16xi32>
      %select_n3A_526 = arith.select %and3A_523, %sub3A_517, %broadcast_in_dim3A_525 : vector<16xi1>, vector<16xi32>
      %mul3A_527 = arith.constant 16 : i32
      %mul3A_528 = arith.muli %while3A_251, %mul3A_527 : i32
      %add3A_529 = arith.constant 11 : i32
      %add3A_530 = arith.addi %mul3A_528, %add3A_529 : i32
      %mul3A_531 = arith.constant 16 : i32
      %mul3A_532 = arith.muli %add3A_530, %mul3A_531 : i32
      %add3A_533 = vector.broadcast %mul3A_532 : i32 to vector<16xi32>
      %add3A_534 = arith.addi %iota3A, %add3A_533 : vector<16xi32>
      %get3A_535 = arith.index_cast %mul3A_532 : i32 to index
      %get3A_536 = tpu.vector_load %arg7[%get3A_535] {strides = array<i32>} : memref<8192xi32, #tpu.memory_space<vmem>>, vector<16xi32>,
      %get3A_537 = arith.index_cast %mul3A_532 : i32 to index
      %get3A_538 = tpu.vector_load %arg8[%get3A_537] {strides = array<i32>} : memref<8192xi32, #tpu.memory_space<vmem>>, vector<16xi32>,
      %get3A_539 = arith.index_cast %mul3A_532 : i32 to index
      %get3A_540 = tpu.vector_load %arg9[%get3A_539] {strides = array<i32>} : memref<8192xf32, #tpu.memory_space<vmem>>, vector<16xf32>,
      %sub3A_541 = vector.broadcast %add3A_165 : i32 to vector<16xi32>
      %sub3A_542 = arith.subi %get3A_536, %sub3A_541 : vector<16xi32>
      %lt3A_543 = vector.broadcast %reduce_max3A_83 : i32 to vector<16xi32>
      %lt3A_544 = arith.cmpi slt, %add3A_534, %lt3A_543 : vector<16xi32>
      %lt3A_545 = arith.constant 96 : i32
      %lt3A_546 = vector.broadcast %lt3A_545 : i32 to vector<16xi32>
      %lt3A_547 = arith.cmpi ult, %sub3A_542, %lt3A_546 : vector<16xi32>
      %and3A_548 = arith.andi %lt3A_544, %lt3A_547 : vector<16xi1>
      %jit3A_549 = arith.constant 0 : i32
      %broadcast_in_dim3A_550 = vector.broadcast %jit3A_549 : i32 to vector<16xi32>
      %select_n3A_551 = arith.select %and3A_548, %sub3A_542, %broadcast_in_dim3A_550 : vector<16xi1>, vector<16xi32>
      %mul3A_552 = arith.constant 16 : i32
      %mul3A_553 = arith.muli %while3A_251, %mul3A_552 : i32
      %add3A_554 = arith.constant 12 : i32
      %add3A_555 = arith.addi %mul3A_553, %add3A_554 : i32
      %mul3A_556 = arith.constant 16 : i32
      %mul3A_557 = arith.muli %add3A_555, %mul3A_556 : i32
      %add3A_558 = vector.broadcast %mul3A_557 : i32 to vector<16xi32>
      %add3A_559 = arith.addi %iota3A, %add3A_558 : vector<16xi32>
      %get3A_560 = arith.index_cast %mul3A_557 : i32 to index
      %get3A_561 = tpu.vector_load %arg7[%get3A_560] {strides = array<i32>} : memref<8192xi32, #tpu.memory_space<vmem>>, vector<16xi32>,
      %get3A_562 = arith.index_cast %mul3A_557 : i32 to index
      %get3A_563 = tpu.vector_load %arg8[%get3A_562] {strides = array<i32>} : memref<8192xi32, #tpu.memory_space<vmem>>, vector<16xi32>,
      %get3A_564 = arith.index_cast %mul3A_557 : i32 to index
      %get3A_565 = tpu.vector_load %arg9[%get3A_564] {strides = array<i32>} : memref<8192xf32, #tpu.memory_space<vmem>>, vector<16xf32>,
      %sub3A_566 = vector.broadcast %add3A_165 : i32 to vector<16xi32>
      %sub3A_567 = arith.subi %get3A_561, %sub3A_566 : vector<16xi32>
      %lt3A_568 = vector.broadcast %reduce_max3A_83 : i32 to vector<16xi32>
      %lt3A_569 = arith.cmpi slt, %add3A_559, %lt3A_568 : vector<16xi32>
      %lt3A_570 = arith.constant 96 : i32
      %lt3A_571 = vector.broadcast %lt3A_570 : i32 to vector<16xi32>
      %lt3A_572 = arith.cmpi ult, %sub3A_567, %lt3A_571 : vector<16xi32>
      %and3A_573 = arith.andi %lt3A_569, %lt3A_572 : vector<16xi1>
      %jit3A_574 = arith.constant 0 : i32
      %broadcast_in_dim3A_575 = vector.broadcast %jit3A_574 : i32 to vector<16xi32>
      %select_n3A_576 = arith.select %and3A_573, %sub3A_567, %broadcast_in_dim3A_575 : vector<16xi1>, vector<16xi32>
      %mul3A_577 = arith.constant 16 : i32
      %mul3A_578 = arith.muli %while3A_251, %mul3A_577 : i32
      %add3A_579 = arith.constant 13 : i32
      %add3A_580 = arith.addi %mul3A_578, %add3A_579 : i32
      %mul3A_581 = arith.constant 16 : i32
      %mul3A_582 = arith.muli %add3A_580, %mul3A_581 : i32
      %add3A_583 = vector.broadcast %mul3A_582 : i32 to vector<16xi32>
      %add3A_584 = arith.addi %iota3A, %add3A_583 : vector<16xi32>
      %get3A_585 = arith.index_cast %mul3A_582 : i32 to index
      %get3A_586 = tpu.vector_load %arg7[%get3A_585] {strides = array<i32>} : memref<8192xi32, #tpu.memory_space<vmem>>, vector<16xi32>,
      %get3A_587 = arith.index_cast %mul3A_582 : i32 to index
      %get3A_588 = tpu.vector_load %arg8[%get3A_587] {strides = array<i32>} : memref<8192xi32, #tpu.memory_space<vmem>>, vector<16xi32>,
      %get3A_589 = arith.index_cast %mul3A_582 : i32 to index
      %get3A_590 = tpu.vector_load %arg9[%get3A_589] {strides = array<i32>} : memref<8192xf32, #tpu.memory_space<vmem>>, vector<16xf32>,
      %sub3A_591 = vector.broadcast %add3A_165 : i32 to vector<16xi32>
      %sub3A_592 = arith.subi %get3A_586, %sub3A_591 : vector<16xi32>
      %lt3A_593 = vector.broadcast %reduce_max3A_83 : i32 to vector<16xi32>
      %lt3A_594 = arith.cmpi slt, %add3A_584, %lt3A_593 : vector<16xi32>
      %lt3A_595 = arith.constant 96 : i32
      %lt3A_596 = vector.broadcast %lt3A_595 : i32 to vector<16xi32>
      %lt3A_597 = arith.cmpi ult, %sub3A_592, %lt3A_596 : vector<16xi32>
      %and3A_598 = arith.andi %lt3A_594, %lt3A_597 : vector<16xi1>
      %jit3A_599 = arith.constant 0 : i32
      %broadcast_in_dim3A_600 = vector.broadcast %jit3A_599 : i32 to vector<16xi32>
      %select_n3A_601 = arith.select %and3A_598, %sub3A_592, %broadcast_in_dim3A_600 : vector<16xi1>, vector<16xi32>
      %mul3A_602 = arith.constant 16 : i32
      %mul3A_603 = arith.muli %while3A_251, %mul3A_602 : i32
      %add3A_604 = arith.constant 14 : i32
      %add3A_605 = arith.addi %mul3A_603, %add3A_604 : i32
      %mul3A_606 = arith.constant 16 : i32
      %mul3A_607 = arith.muli %add3A_605, %mul3A_606 : i32
      %add3A_608 = vector.broadcast %mul3A_607 : i32 to vector<16xi32>
      %add3A_609 = arith.addi %iota3A, %add3A_608 : vector<16xi32>
      %get3A_610 = arith.index_cast %mul3A_607 : i32 to index
      %get3A_611 = tpu.vector_load %arg7[%get3A_610] {strides = array<i32>} : memref<8192xi32, #tpu.memory_space<vmem>>, vector<16xi32>,
      %get3A_612 = arith.index_cast %mul3A_607 : i32 to index
      %get3A_613 = tpu.vector_load %arg8[%get3A_612] {strides = array<i32>} : memref<8192xi32, #tpu.memory_space<vmem>>, vector<16xi32>,
      %get3A_614 = arith.index_cast %mul3A_607 : i32 to index
      %get3A_615 = tpu.vector_load %arg9[%get3A_614] {strides = array<i32>} : memref<8192xf32, #tpu.memory_space<vmem>>, vector<16xf32>,
      %sub3A_616 = vector.broadcast %add3A_165 : i32 to vector<16xi32>
      %sub3A_617 = arith.subi %get3A_611, %sub3A_616 : vector<16xi32>
      %lt3A_618 = vector.broadcast %reduce_max3A_83 : i32 to vector<16xi32>
      %lt3A_619 = arith.cmpi slt, %add3A_609, %lt3A_618 : vector<16xi32>
      %lt3A_620 = arith.constant 96 : i32
      %lt3A_621 = vector.broadcast %lt3A_620 : i32 to vector<16xi32>
      %lt3A_622 = arith.cmpi ult, %sub3A_617, %lt3A_621 : vector<16xi32>
      %and3A_623 = arith.andi %lt3A_619, %lt3A_622 : vector<16xi1>
      %jit3A_624 = arith.constant 0 : i32
      %broadcast_in_dim3A_625 = vector.broadcast %jit3A_624 : i32 to vector<16xi32>
      %select_n3A_626 = arith.select %and3A_623, %sub3A_617, %broadcast_in_dim3A_625 : vector<16xi1>, vector<16xi32>
      %mul3A_627 = arith.constant 16 : i32
      %mul3A_628 = arith.muli %while3A_251, %mul3A_627 : i32
      %add3A_629 = arith.constant 15 : i32
      %add3A_630 = arith.addi %mul3A_628, %add3A_629 : i32
      %mul3A_631 = arith.constant 16 : i32
      %mul3A_632 = arith.muli %add3A_630, %mul3A_631 : i32
      %add3A_633 = vector.broadcast %mul3A_632 : i32 to vector<16xi32>
      %add3A_634 = arith.addi %iota3A, %add3A_633 : vector<16xi32>
      %get3A_635 = arith.index_cast %mul3A_632 : i32 to index
      %get3A_636 = tpu.vector_load %arg7[%get3A_635] {strides = array<i32>} : memref<8192xi32, #tpu.memory_space<vmem>>, vector<16xi32>,
      %get3A_637 = arith.index_cast %mul3A_632 : i32 to index
      %get3A_638 = tpu.vector_load %arg8[%get3A_637] {strides = array<i32>} : memref<8192xi32, #tpu.memory_space<vmem>>, vector<16xi32>,
      %get3A_639 = arith.index_cast %mul3A_632 : i32 to index
      %get3A_640 = tpu.vector_load %arg9[%get3A_639] {strides = array<i32>} : memref<8192xf32, #tpu.memory_space<vmem>>, vector<16xf32>,
      %sub3A_641 = vector.broadcast %add3A_165 : i32 to vector<16xi32>
      %sub3A_642 = arith.subi %get3A_636, %sub3A_641 : vector<16xi32>
      %lt3A_643 = vector.broadcast %reduce_max3A_83 : i32 to vector<16xi32>
      %lt3A_644 = arith.cmpi slt, %add3A_634, %lt3A_643 : vector<16xi32>
      %lt3A_645 = arith.constant 96 : i32
      %lt3A_646 = vector.broadcast %lt3A_645 : i32 to vector<16xi32>
      %lt3A_647 = arith.cmpi ult, %sub3A_642, %lt3A_646 : vector<16xi32>
      %and3A_648 = arith.andi %lt3A_644, %lt3A_647 : vector<16xi1>
      %jit3A_649 = arith.constant 0 : i32
      %broadcast_in_dim3A_650 = vector.broadcast %jit3A_649 : i32 to vector<16xi32>
      %select_n3A_651 = arith.select %and3A_648, %sub3A_642, %broadcast_in_dim3A_650 : vector<16xi1>, vector<16xi32>
      tpu.vector_store_idx %arg12[%select_n3A_276, %get3A_263], %get3A_265 masked %and3A_273 : memref<96x512xf32, #tpu.memory_space<vmem>>[vector<16xi32>, vector<16xi32>], vector<16xf32>, vector<16xi1>
      tpu.vector_store_idx %arg12[%select_n3A_301, %get3A_288], %get3A_290 masked %and3A_298 : memref<96x512xf32, #tpu.memory_space<vmem>>[vector<16xi32>, vector<16xi32>], vector<16xf32>, vector<16xi1>
      tpu.vector_store_idx %arg12[%select_n3A_326, %get3A_313], %get3A_315 masked %and3A_323 : memref<96x512xf32, #tpu.memory_space<vmem>>[vector<16xi32>, vector<16xi32>], vector<16xf32>, vector<16xi1>
      tpu.vector_store_idx %arg12[%select_n3A_351, %get3A_338], %get3A_340 masked %and3A_348 : memref<96x512xf32, #tpu.memory_space<vmem>>[vector<16xi32>, vector<16xi32>], vector<16xf32>, vector<16xi1>
      tpu.vector_store_idx %arg12[%select_n3A_376, %get3A_363], %get3A_365 masked %and3A_373 : memref<96x512xf32, #tpu.memory_space<vmem>>[vector<16xi32>, vector<16xi32>], vector<16xf32>, vector<16xi1>
      tpu.vector_store_idx %arg12[%select_n3A_401, %get3A_388], %get3A_390 masked %and3A_398 : memref<96x512xf32, #tpu.memory_space<vmem>>[vector<16xi32>, vector<16xi32>], vector<16xf32>, vector<16xi1>
      tpu.vector_store_idx %arg12[%select_n3A_426, %get3A_413], %get3A_415 masked %and3A_423 : memref<96x512xf32, #tpu.memory_space<vmem>>[vector<16xi32>, vector<16xi32>], vector<16xf32>, vector<16xi1>
      tpu.vector_store_idx %arg12[%select_n3A_451, %get3A_438], %get3A_440 masked %and3A_448 : memref<96x512xf32, #tpu.memory_space<vmem>>[vector<16xi32>, vector<16xi32>], vector<16xf32>, vector<16xi1>
      tpu.vector_store_idx %arg12[%select_n3A_476, %get3A_463], %get3A_465 masked %and3A_473 : memref<96x512xf32, #tpu.memory_space<vmem>>[vector<16xi32>, vector<16xi32>], vector<16xf32>, vector<16xi1>
      tpu.vector_store_idx %arg12[%select_n3A_501, %get3A_488], %get3A_490 masked %and3A_498 : memref<96x512xf32, #tpu.memory_space<vmem>>[vector<16xi32>, vector<16xi32>], vector<16xf32>, vector<16xi1>
      tpu.vector_store_idx %arg12[%select_n3A_526, %get3A_513], %get3A_515 masked %and3A_523 : memref<96x512xf32, #tpu.memory_space<vmem>>[vector<16xi32>, vector<16xi32>], vector<16xf32>, vector<16xi1>
      tpu.vector_store_idx %arg12[%select_n3A_551, %get3A_538], %get3A_540 masked %and3A_548 : memref<96x512xf32, #tpu.memory_space<vmem>>[vector<16xi32>, vector<16xi32>], vector<16xf32>, vector<16xi1>
      tpu.vector_store_idx %arg12[%select_n3A_576, %get3A_563], %get3A_565 masked %and3A_573 : memref<96x512xf32, #tpu.memory_space<vmem>>[vector<16xi32>, vector<16xi32>], vector<16xf32>, vector<16xi1>
      tpu.vector_store_idx %arg12[%select_n3A_601, %get3A_588], %get3A_590 masked %and3A_598 : memref<96x512xf32, #tpu.memory_space<vmem>>[vector<16xi32>, vector<16xi32>], vector<16xf32>, vector<16xi1>
      tpu.vector_store_idx %arg12[%select_n3A_626, %get3A_613], %get3A_615 masked %and3A_623 : memref<96x512xf32, #tpu.memory_space<vmem>>[vector<16xi32>, vector<16xi32>], vector<16xf32>, vector<16xi1>
      tpu.vector_store_idx %arg12[%select_n3A_651, %get3A_638], %get3A_640 masked %and3A_648 : memref<96x512xf32, #tpu.memory_space<vmem>>[vector<16xi32>, vector<16xi32>], vector<16xf32>, vector<16xi1>
    }
    %while3A_175 = arith.constant 1 : i32
    scf.for %while3A_251 = %while3A_173 to %while3A_169 step %while3A_175  : i32 {
      %mul3A_252 = arith.constant 16 : i32
      %mul3A_253 = arith.muli %while3A_251, %mul3A_252 : i32
      %add3A_254 = arith.constant 0 : i32
      %add3A_255 = arith.addi %mul3A_253, %add3A_254 : i32
      %mul3A_256 = arith.constant 16 : i32
      %mul3A_257 = arith.muli %add3A_255, %mul3A_256 : i32
      %add3A_258 = vector.broadcast %mul3A_257 : i32 to vector<16xi32>
      %add3A_259 = arith.addi %iota3A, %add3A_258 : vector<16xi32>
      %get3A_260 = arith.index_cast %mul3A_257 : i32 to index
      %get3A_261 = tpu.vector_load %arg7[%get3A_260] {strides = array<i32>} : memref<8192xi32, #tpu.memory_space<vmem>>, vector<16xi32>,
      %get3A_262 = arith.index_cast %mul3A_257 : i32 to index
      %get3A_263 = tpu.vector_load %arg8[%get3A_262] {strides = array<i32>} : memref<8192xi32, #tpu.memory_space<vmem>>, vector<16xi32>,
      %get3A_264 = arith.index_cast %mul3A_257 : i32 to index
      %get3A_265 = tpu.vector_load %arg9[%get3A_264] {strides = array<i32>} : memref<8192xf32, #tpu.memory_space<vmem>>, vector<16xf32>,
      %sub3A_266 = vector.broadcast %add3A_165 : i32 to vector<16xi32>
      %sub3A_267 = arith.subi %get3A_261, %sub3A_266 : vector<16xi32>
      %lt3A_268 = vector.broadcast %reduce_max3A_83 : i32 to vector<16xi32>
      %lt3A_269 = arith.cmpi slt, %add3A_259, %lt3A_268 : vector<16xi32>
      %lt3A_270 = arith.constant 96 : i32
      %lt3A_271 = vector.broadcast %lt3A_270 : i32 to vector<16xi32>
      %lt3A_272 = arith.cmpi ult, %sub3A_267, %lt3A_271 : vector<16xi32>
      %and3A_273 = arith.andi %lt3A_269, %lt3A_272 : vector<16xi1>
      %jit3A_274 = arith.constant 0 : i32
      %broadcast_in_dim3A_275 = vector.broadcast %jit3A_274 : i32 to vector<16xi32>
      %select_n3A_276 = arith.select %and3A_273, %sub3A_267, %broadcast_in_dim3A_275 : vector<16xi1>, vector<16xi32>
      %mul3A_277 = arith.constant 16 : i32
      %mul3A_278 = arith.muli %while3A_251, %mul3A_277 : i32
      %add3A_279 = arith.constant 1 : i32
      %add3A_280 = arith.addi %mul3A_278, %add3A_279 : i32
      %mul3A_281 = arith.constant 16 : i32
      %mul3A_282 = arith.muli %add3A_280, %mul3A_281 : i32
      %add3A_283 = vector.broadcast %mul3A_282 : i32 to vector<16xi32>
      %add3A_284 = arith.addi %iota3A, %add3A_283 : vector<16xi32>
      %get3A_285 = arith.index_cast %mul3A_282 : i32 to index
      %get3A_286 = tpu.vector_load %arg7[%get3A_285] {strides = array<i32>} : memref<8192xi32, #tpu.memory_space<vmem>>, vector<16xi32>,
      %get3A_287 = arith.index_cast %mul3A_282 : i32 to index
      %get3A_288 = tpu.vector_load %arg8[%get3A_287] {strides = array<i32>} : memref<8192xi32, #tpu.memory_space<vmem>>, vector<16xi32>,
      %get3A_289 = arith.index_cast %mul3A_282 : i32 to index
      %get3A_290 = tpu.vector_load %arg9[%get3A_289] {strides = array<i32>} : memref<8192xf32, #tpu.memory_space<vmem>>, vector<16xf32>,
      %sub3A_291 = vector.broadcast %add3A_165 : i32 to vector<16xi32>
      %sub3A_292 = arith.subi %get3A_286, %sub3A_291 : vector<16xi32>
      %lt3A_293 = vector.broadcast %reduce_max3A_83 : i32 to vector<16xi32>
      %lt3A_294 = arith.cmpi slt, %add3A_284, %lt3A_293 : vector<16xi32>
      %lt3A_295 = arith.constant 96 : i32
      %lt3A_296 = vector.broadcast %lt3A_295 : i32 to vector<16xi32>
      %lt3A_297 = arith.cmpi ult, %sub3A_292, %lt3A_296 : vector<16xi32>
      %and3A_298 = arith.andi %lt3A_294, %lt3A_297 : vector<16xi1>
      %jit3A_299 = arith.constant 0 : i32
      %broadcast_in_dim3A_300 = vector.broadcast %jit3A_299 : i32 to vector<16xi32>
      %select_n3A_301 = arith.select %and3A_298, %sub3A_292, %broadcast_in_dim3A_300 : vector<16xi1>, vector<16xi32>
      %mul3A_302 = arith.constant 16 : i32
      %mul3A_303 = arith.muli %while3A_251, %mul3A_302 : i32
      %add3A_304 = arith.constant 2 : i32
      %add3A_305 = arith.addi %mul3A_303, %add3A_304 : i32
      %mul3A_306 = arith.constant 16 : i32
      %mul3A_307 = arith.muli %add3A_305, %mul3A_306 : i32
      %add3A_308 = vector.broadcast %mul3A_307 : i32 to vector<16xi32>
      %add3A_309 = arith.addi %iota3A, %add3A_308 : vector<16xi32>
      %get3A_310 = arith.index_cast %mul3A_307 : i32 to index
      %get3A_311 = tpu.vector_load %arg7[%get3A_310] {strides = array<i32>} : memref<8192xi32, #tpu.memory_space<vmem>>, vector<16xi32>,
      %get3A_312 = arith.index_cast %mul3A_307 : i32 to index
      %get3A_313 = tpu.vector_load %arg8[%get3A_312] {strides = array<i32>} : memref<8192xi32, #tpu.memory_space<vmem>>, vector<16xi32>,
      %get3A_314 = arith.index_cast %mul3A_307 : i32 to index
      %get3A_315 = tpu.vector_load %arg9[%get3A_314] {strides = array<i32>} : memref<8192xf32, #tpu.memory_space<vmem>>, vector<16xf32>,
      %sub3A_316 = vector.broadcast %add3A_165 : i32 to vector<16xi32>
      %sub3A_317 = arith.subi %get3A_311, %sub3A_316 : vector<16xi32>
      %lt3A_318 = vector.broadcast %reduce_max3A_83 : i32 to vector<16xi32>
      %lt3A_319 = arith.cmpi slt, %add3A_309, %lt3A_318 : vector<16xi32>
      %lt3A_320 = arith.constant 96 : i32
      %lt3A_321 = vector.broadcast %lt3A_320 : i32 to vector<16xi32>
      %lt3A_322 = arith.cmpi ult, %sub3A_317, %lt3A_321 : vector<16xi32>
      %and3A_323 = arith.andi %lt3A_319, %lt3A_322 : vector<16xi1>
      %jit3A_324 = arith.constant 0 : i32
      %broadcast_in_dim3A_325 = vector.broadcast %jit3A_324 : i32 to vector<16xi32>
      %select_n3A_326 = arith.select %and3A_323, %sub3A_317, %broadcast_in_dim3A_325 : vector<16xi1>, vector<16xi32>
      %mul3A_327 = arith.constant 16 : i32
      %mul3A_328 = arith.muli %while3A_251, %mul3A_327 : i32
      %add3A_329 = arith.constant 3 : i32
      %add3A_330 = arith.addi %mul3A_328, %add3A_329 : i32
      %mul3A_331 = arith.constant 16 : i32
      %mul3A_332 = arith.muli %add3A_330, %mul3A_331 : i32
      %add3A_333 = vector.broadcast %mul3A_332 : i32 to vector<16xi32>
      %add3A_334 = arith.addi %iota3A, %add3A_333 : vector<16xi32>
      %get3A_335 = arith.index_cast %mul3A_332 : i32 to index
      %get3A_336 = tpu.vector_load %arg7[%get3A_335] {strides = array<i32>} : memref<8192xi32, #tpu.memory_space<vmem>>, vector<16xi32>,
      %get3A_337 = arith.index_cast %mul3A_332 : i32 to index
      %get3A_338 = tpu.vector_load %arg8[%get3A_337] {strides = array<i32>} : memref<8192xi32, #tpu.memory_space<vmem>>, vector<16xi32>,
      %get3A_339 = arith.index_cast %mul3A_332 : i32 to index
      %get3A_340 = tpu.vector_load %arg9[%get3A_339] {strides = array<i32>} : memref<8192xf32, #tpu.memory_space<vmem>>, vector<16xf32>,
      %sub3A_341 = vector.broadcast %add3A_165 : i32 to vector<16xi32>
      %sub3A_342 = arith.subi %get3A_336, %sub3A_341 : vector<16xi32>
      %lt3A_343 = vector.broadcast %reduce_max3A_83 : i32 to vector<16xi32>
      %lt3A_344 = arith.cmpi slt, %add3A_334, %lt3A_343 : vector<16xi32>
      %lt3A_345 = arith.constant 96 : i32
      %lt3A_346 = vector.broadcast %lt3A_345 : i32 to vector<16xi32>
      %lt3A_347 = arith.cmpi ult, %sub3A_342, %lt3A_346 : vector<16xi32>
      %and3A_348 = arith.andi %lt3A_344, %lt3A_347 : vector<16xi1>
      %jit3A_349 = arith.constant 0 : i32
      %broadcast_in_dim3A_350 = vector.broadcast %jit3A_349 : i32 to vector<16xi32>
      %select_n3A_351 = arith.select %and3A_348, %sub3A_342, %broadcast_in_dim3A_350 : vector<16xi1>, vector<16xi32>
      %mul3A_352 = arith.constant 16 : i32
      %mul3A_353 = arith.muli %while3A_251, %mul3A_352 : i32
      %add3A_354 = arith.constant 4 : i32
      %add3A_355 = arith.addi %mul3A_353, %add3A_354 : i32
      %mul3A_356 = arith.constant 16 : i32
      %mul3A_357 = arith.muli %add3A_355, %mul3A_356 : i32
      %add3A_358 = vector.broadcast %mul3A_357 : i32 to vector<16xi32>
      %add3A_359 = arith.addi %iota3A, %add3A_358 : vector<16xi32>
      %get3A_360 = arith.index_cast %mul3A_357 : i32 to index
      %get3A_361 = tpu.vector_load %arg7[%get3A_360] {strides = array<i32>} : memref<8192xi32, #tpu.memory_space<vmem>>, vector<16xi32>,
      %get3A_362 = arith.index_cast %mul3A_357 : i32 to index
      %get3A_363 = tpu.vector_load %arg8[%get3A_362] {strides = array<i32>} : memref<8192xi32, #tpu.memory_space<vmem>>, vector<16xi32>,
      %get3A_364 = arith.index_cast %mul3A_357 : i32 to index
      %get3A_365 = tpu.vector_load %arg9[%get3A_364] {strides = array<i32>} : memref<8192xf32, #tpu.memory_space<vmem>>, vector<16xf32>,
      %sub3A_366 = vector.broadcast %add3A_165 : i32 to vector<16xi32>
      %sub3A_367 = arith.subi %get3A_361, %sub3A_366 : vector<16xi32>
      %lt3A_368 = vector.broadcast %reduce_max3A_83 : i32 to vector<16xi32>
      %lt3A_369 = arith.cmpi slt, %add3A_359, %lt3A_368 : vector<16xi32>
      %lt3A_370 = arith.constant 96 : i32
      %lt3A_371 = vector.broadcast %lt3A_370 : i32 to vector<16xi32>
      %lt3A_372 = arith.cmpi ult, %sub3A_367, %lt3A_371 : vector<16xi32>
      %and3A_373 = arith.andi %lt3A_369, %lt3A_372 : vector<16xi1>
      %jit3A_374 = arith.constant 0 : i32
      %broadcast_in_dim3A_375 = vector.broadcast %jit3A_374 : i32 to vector<16xi32>
      %select_n3A_376 = arith.select %and3A_373, %sub3A_367, %broadcast_in_dim3A_375 : vector<16xi1>, vector<16xi32>
      %mul3A_377 = arith.constant 16 : i32
      %mul3A_378 = arith.muli %while3A_251, %mul3A_377 : i32
      %add3A_379 = arith.constant 5 : i32
      %add3A_380 = arith.addi %mul3A_378, %add3A_379 : i32
      %mul3A_381 = arith.constant 16 : i32
      %mul3A_382 = arith.muli %add3A_380, %mul3A_381 : i32
      %add3A_383 = vector.broadcast %mul3A_382 : i32 to vector<16xi32>
      %add3A_384 = arith.addi %iota3A, %add3A_383 : vector<16xi32>
      %get3A_385 = arith.index_cast %mul3A_382 : i32 to index
      %get3A_386 = tpu.vector_load %arg7[%get3A_385] {strides = array<i32>} : memref<8192xi32, #tpu.memory_space<vmem>>, vector<16xi32>,
      %get3A_387 = arith.index_cast %mul3A_382 : i32 to index
      %get3A_388 = tpu.vector_load %arg8[%get3A_387] {strides = array<i32>} : memref<8192xi32, #tpu.memory_space<vmem>>, vector<16xi32>,
      %get3A_389 = arith.index_cast %mul3A_382 : i32 to index
      %get3A_390 = tpu.vector_load %arg9[%get3A_389] {strides = array<i32>} : memref<8192xf32, #tpu.memory_space<vmem>>, vector<16xf32>,
      %sub3A_391 = vector.broadcast %add3A_165 : i32 to vector<16xi32>
      %sub3A_392 = arith.subi %get3A_386, %sub3A_391 : vector<16xi32>
      %lt3A_393 = vector.broadcast %reduce_max3A_83 : i32 to vector<16xi32>
      %lt3A_394 = arith.cmpi slt, %add3A_384, %lt3A_393 : vector<16xi32>
      %lt3A_395 = arith.constant 96 : i32
      %lt3A_396 = vector.broadcast %lt3A_395 : i32 to vector<16xi32>
      %lt3A_397 = arith.cmpi ult, %sub3A_392, %lt3A_396 : vector<16xi32>
      %and3A_398 = arith.andi %lt3A_394, %lt3A_397 : vector<16xi1>
      %jit3A_399 = arith.constant 0 : i32
      %broadcast_in_dim3A_400 = vector.broadcast %jit3A_399 : i32 to vector<16xi32>
      %select_n3A_401 = arith.select %and3A_398, %sub3A_392, %broadcast_in_dim3A_400 : vector<16xi1>, vector<16xi32>
      %mul3A_402 = arith.constant 16 : i32
      %mul3A_403 = arith.muli %while3A_251, %mul3A_402 : i32
      %add3A_404 = arith.constant 6 : i32
      %add3A_405 = arith.addi %mul3A_403, %add3A_404 : i32
      %mul3A_406 = arith.constant 16 : i32
      %mul3A_407 = arith.muli %add3A_405, %mul3A_406 : i32
      %add3A_408 = vector.broadcast %mul3A_407 : i32 to vector<16xi32>
      %add3A_409 = arith.addi %iota3A, %add3A_408 : vector<16xi32>
      %get3A_410 = arith.index_cast %mul3A_407 : i32 to index
      %get3A_411 = tpu.vector_load %arg7[%get3A_410] {strides = array<i32>} : memref<8192xi32, #tpu.memory_space<vmem>>, vector<16xi32>,
      %get3A_412 = arith.index_cast %mul3A_407 : i32 to index
      %get3A_413 = tpu.vector_load %arg8[%get3A_412] {strides = array<i32>} : memref<8192xi32, #tpu.memory_space<vmem>>, vector<16xi32>,
      %get3A_414 = arith.index_cast %mul3A_407 : i32 to index
      %get3A_415 = tpu.vector_load %arg9[%get3A_414] {strides = array<i32>} : memref<8192xf32, #tpu.memory_space<vmem>>, vector<16xf32>,
      %sub3A_416 = vector.broadcast %add3A_165 : i32 to vector<16xi32>
      %sub3A_417 = arith.subi %get3A_411, %sub3A_416 : vector<16xi32>
      %lt3A_418 = vector.broadcast %reduce_max3A_83 : i32 to vector<16xi32>
      %lt3A_419 = arith.cmpi slt, %add3A_409, %lt3A_418 : vector<16xi32>
      %lt3A_420 = arith.constant 96 : i32
      %lt3A_421 = vector.broadcast %lt3A_420 : i32 to vector<16xi32>
      %lt3A_422 = arith.cmpi ult, %sub3A_417, %lt3A_421 : vector<16xi32>
      %and3A_423 = arith.andi %lt3A_419, %lt3A_422 : vector<16xi1>
      %jit3A_424 = arith.constant 0 : i32
      %broadcast_in_dim3A_425 = vector.broadcast %jit3A_424 : i32 to vector<16xi32>
      %select_n3A_426 = arith.select %and3A_423, %sub3A_417, %broadcast_in_dim3A_425 : vector<16xi1>, vector<16xi32>
      %mul3A_427 = arith.constant 16 : i32
      %mul3A_428 = arith.muli %while3A_251, %mul3A_427 : i32
      %add3A_429 = arith.constant 7 : i32
      %add3A_430 = arith.addi %mul3A_428, %add3A_429 : i32
      %mul3A_431 = arith.constant 16 : i32
      %mul3A_432 = arith.muli %add3A_430, %mul3A_431 : i32
      %add3A_433 = vector.broadcast %mul3A_432 : i32 to vector<16xi32>
      %add3A_434 = arith.addi %iota3A, %add3A_433 : vector<16xi32>
      %get3A_435 = arith.index_cast %mul3A_432 : i32 to index
      %get3A_436 = tpu.vector_load %arg7[%get3A_435] {strides = array<i32>} : memref<8192xi32, #tpu.memory_space<vmem>>, vector<16xi32>,
      %get3A_437 = arith.index_cast %mul3A_432 : i32 to index
      %get3A_438 = tpu.vector_load %arg8[%get3A_437] {strides = array<i32>} : memref<8192xi32, #tpu.memory_space<vmem>>, vector<16xi32>,
      %get3A_439 = arith.index_cast %mul3A_432 : i32 to index
      %get3A_440 = tpu.vector_load %arg9[%get3A_439] {strides = array<i32>} : memref<8192xf32, #tpu.memory_space<vmem>>, vector<16xf32>,
      %sub3A_441 = vector.broadcast %add3A_165 : i32 to vector<16xi32>
      %sub3A_442 = arith.subi %get3A_436, %sub3A_441 : vector<16xi32>
      %lt3A_443 = vector.broadcast %reduce_max3A_83 : i32 to vector<16xi32>
      %lt3A_444 = arith.cmpi slt, %add3A_434, %lt3A_443 : vector<16xi32>
      %lt3A_445 = arith.constant 96 : i32
      %lt3A_446 = vector.broadcast %lt3A_445 : i32 to vector<16xi32>
      %lt3A_447 = arith.cmpi ult, %sub3A_442, %lt3A_446 : vector<16xi32>
      %and3A_448 = arith.andi %lt3A_444, %lt3A_447 : vector<16xi1>
      %jit3A_449 = arith.constant 0 : i32
      %broadcast_in_dim3A_450 = vector.broadcast %jit3A_449 : i32 to vector<16xi32>
      %select_n3A_451 = arith.select %and3A_448, %sub3A_442, %broadcast_in_dim3A_450 : vector<16xi1>, vector<16xi32>
      %mul3A_452 = arith.constant 16 : i32
      %mul3A_453 = arith.muli %while3A_251, %mul3A_452 : i32
      %add3A_454 = arith.constant 8 : i32
      %add3A_455 = arith.addi %mul3A_453, %add3A_454 : i32
      %mul3A_456 = arith.constant 16 : i32
      %mul3A_457 = arith.muli %add3A_455, %mul3A_456 : i32
      %add3A_458 = vector.broadcast %mul3A_457 : i32 to vector<16xi32>
      %add3A_459 = arith.addi %iota3A, %add3A_458 : vector<16xi32>
      %get3A_460 = arith.index_cast %mul3A_457 : i32 to index
      %get3A_461 = tpu.vector_load %arg7[%get3A_460] {strides = array<i32>} : memref<8192xi32, #tpu.memory_space<vmem>>, vector<16xi32>,
      %get3A_462 = arith.index_cast %mul3A_457 : i32 to index
      %get3A_463 = tpu.vector_load %arg8[%get3A_462] {strides = array<i32>} : memref<8192xi32, #tpu.memory_space<vmem>>, vector<16xi32>,
      %get3A_464 = arith.index_cast %mul3A_457 : i32 to index
      %get3A_465 = tpu.vector_load %arg9[%get3A_464] {strides = array<i32>} : memref<8192xf32, #tpu.memory_space<vmem>>, vector<16xf32>,
      %sub3A_466 = vector.broadcast %add3A_165 : i32 to vector<16xi32>
      %sub3A_467 = arith.subi %get3A_461, %sub3A_466 : vector<16xi32>
      %lt3A_468 = vector.broadcast %reduce_max3A_83 : i32 to vector<16xi32>
      %lt3A_469 = arith.cmpi slt, %add3A_459, %lt3A_468 : vector<16xi32>
      %lt3A_470 = arith.constant 96 : i32
      %lt3A_471 = vector.broadcast %lt3A_470 : i32 to vector<16xi32>
      %lt3A_472 = arith.cmpi ult, %sub3A_467, %lt3A_471 : vector<16xi32>
      %and3A_473 = arith.andi %lt3A_469, %lt3A_472 : vector<16xi1>
      %jit3A_474 = arith.constant 0 : i32
      %broadcast_in_dim3A_475 = vector.broadcast %jit3A_474 : i32 to vector<16xi32>
      %select_n3A_476 = arith.select %and3A_473, %sub3A_467, %broadcast_in_dim3A_475 : vector<16xi1>, vector<16xi32>
      %mul3A_477 = arith.constant 16 : i32
      %mul3A_478 = arith.muli %while3A_251, %mul3A_477 : i32
      %add3A_479 = arith.constant 9 : i32
      %add3A_480 = arith.addi %mul3A_478, %add3A_479 : i32
      %mul3A_481 = arith.constant 16 : i32
      %mul3A_482 = arith.muli %add3A_480, %mul3A_481 : i32
      %add3A_483 = vector.broadcast %mul3A_482 : i32 to vector<16xi32>
      %add3A_484 = arith.addi %iota3A, %add3A_483 : vector<16xi32>
      %get3A_485 = arith.index_cast %mul3A_482 : i32 to index
      %get3A_486 = tpu.vector_load %arg7[%get3A_485] {strides = array<i32>} : memref<8192xi32, #tpu.memory_space<vmem>>, vector<16xi32>,
      %get3A_487 = arith.index_cast %mul3A_482 : i32 to index
      %get3A_488 = tpu.vector_load %arg8[%get3A_487] {strides = array<i32>} : memref<8192xi32, #tpu.memory_space<vmem>>, vector<16xi32>,
      %get3A_489 = arith.index_cast %mul3A_482 : i32 to index
      %get3A_490 = tpu.vector_load %arg9[%get3A_489] {strides = array<i32>} : memref<8192xf32, #tpu.memory_space<vmem>>, vector<16xf32>,
      %sub3A_491 = vector.broadcast %add3A_165 : i32 to vector<16xi32>
      %sub3A_492 = arith.subi %get3A_486, %sub3A_491 : vector<16xi32>
      %lt3A_493 = vector.broadcast %reduce_max3A_83 : i32 to vector<16xi32>
      %lt3A_494 = arith.cmpi slt, %add3A_484, %lt3A_493 : vector<16xi32>
      %lt3A_495 = arith.constant 96 : i32
      %lt3A_496 = vector.broadcast %lt3A_495 : i32 to vector<16xi32>
      %lt3A_497 = arith.cmpi ult, %sub3A_492, %lt3A_496 : vector<16xi32>
      %and3A_498 = arith.andi %lt3A_494, %lt3A_497 : vector<16xi1>
      %jit3A_499 = arith.constant 0 : i32
      %broadcast_in_dim3A_500 = vector.broadcast %jit3A_499 : i32 to vector<16xi32>
      %select_n3A_501 = arith.select %and3A_498, %sub3A_492, %broadcast_in_dim3A_500 : vector<16xi1>, vector<16xi32>
      %mul3A_502 = arith.constant 16 : i32
      %mul3A_503 = arith.muli %while3A_251, %mul3A_502 : i32
      %add3A_504 = arith.constant 10 : i32
      %add3A_505 = arith.addi %mul3A_503, %add3A_504 : i32
      %mul3A_506 = arith.constant 16 : i32
      %mul3A_507 = arith.muli %add3A_505, %mul3A_506 : i32
      %add3A_508 = vector.broadcast %mul3A_507 : i32 to vector<16xi32>
      %add3A_509 = arith.addi %iota3A, %add3A_508 : vector<16xi32>
      %get3A_510 = arith.index_cast %mul3A_507 : i32 to index
      %get3A_511 = tpu.vector_load %arg7[%get3A_510] {strides = array<i32>} : memref<8192xi32, #tpu.memory_space<vmem>>, vector<16xi32>,
      %get3A_512 = arith.index_cast %mul3A_507 : i32 to index
      %get3A_513 = tpu.vector_load %arg8[%get3A_512] {strides = array<i32>} : memref<8192xi32, #tpu.memory_space<vmem>>, vector<16xi32>,
      %get3A_514 = arith.index_cast %mul3A_507 : i32 to index
      %get3A_515 = tpu.vector_load %arg9[%get3A_514] {strides = array<i32>} : memref<8192xf32, #tpu.memory_space<vmem>>, vector<16xf32>,
      %sub3A_516 = vector.broadcast %add3A_165 : i32 to vector<16xi32>
      %sub3A_517 = arith.subi %get3A_511, %sub3A_516 : vector<16xi32>
      %lt3A_518 = vector.broadcast %reduce_max3A_83 : i32 to vector<16xi32>
      %lt3A_519 = arith.cmpi slt, %add3A_509, %lt3A_518 : vector<16xi32>
      %lt3A_520 = arith.constant 96 : i32
      %lt3A_521 = vector.broadcast %lt3A_520 : i32 to vector<16xi32>
      %lt3A_522 = arith.cmpi ult, %sub3A_517, %lt3A_521 : vector<16xi32>
      %and3A_523 = arith.andi %lt3A_519, %lt3A_522 : vector<16xi1>
      %jit3A_524 = arith.constant 0 : i32
      %broadcast_in_dim3A_525 = vector.broadcast %jit3A_524 : i32 to vector<16xi32>
      %select_n3A_526 = arith.select %and3A_523, %sub3A_517, %broadcast_in_dim3A_525 : vector<16xi1>, vector<16xi32>
      %mul3A_527 = arith.constant 16 : i32
      %mul3A_528 = arith.muli %while3A_251, %mul3A_527 : i32
      %add3A_529 = arith.constant 11 : i32
      %add3A_530 = arith.addi %mul3A_528, %add3A_529 : i32
      %mul3A_531 = arith.constant 16 : i32
      %mul3A_532 = arith.muli %add3A_530, %mul3A_531 : i32
      %add3A_533 = vector.broadcast %mul3A_532 : i32 to vector<16xi32>
      %add3A_534 = arith.addi %iota3A, %add3A_533 : vector<16xi32>
      %get3A_535 = arith.index_cast %mul3A_532 : i32 to index
      %get3A_536 = tpu.vector_load %arg7[%get3A_535] {strides = array<i32>} : memref<8192xi32, #tpu.memory_space<vmem>>, vector<16xi32>,
      %get3A_537 = arith.index_cast %mul3A_532 : i32 to index
      %get3A_538 = tpu.vector_load %arg8[%get3A_537] {strides = array<i32>} : memref<8192xi32, #tpu.memory_space<vmem>>, vector<16xi32>,
      %get3A_539 = arith.index_cast %mul3A_532 : i32 to index
      %get3A_540 = tpu.vector_load %arg9[%get3A_539] {strides = array<i32>} : memref<8192xf32, #tpu.memory_space<vmem>>, vector<16xf32>,
      %sub3A_541 = vector.broadcast %add3A_165 : i32 to vector<16xi32>
      %sub3A_542 = arith.subi %get3A_536, %sub3A_541 : vector<16xi32>
      %lt3A_543 = vector.broadcast %reduce_max3A_83 : i32 to vector<16xi32>
      %lt3A_544 = arith.cmpi slt, %add3A_534, %lt3A_543 : vector<16xi32>
      %lt3A_545 = arith.constant 96 : i32
      %lt3A_546 = vector.broadcast %lt3A_545 : i32 to vector<16xi32>
      %lt3A_547 = arith.cmpi ult, %sub3A_542, %lt3A_546 : vector<16xi32>
      %and3A_548 = arith.andi %lt3A_544, %lt3A_547 : vector<16xi1>
      %jit3A_549 = arith.constant 0 : i32
      %broadcast_in_dim3A_550 = vector.broadcast %jit3A_549 : i32 to vector<16xi32>
      %select_n3A_551 = arith.select %and3A_548, %sub3A_542, %broadcast_in_dim3A_550 : vector<16xi1>, vector<16xi32>
      %mul3A_552 = arith.constant 16 : i32
      %mul3A_553 = arith.muli %while3A_251, %mul3A_552 : i32
      %add3A_554 = arith.constant 12 : i32
      %add3A_555 = arith.addi %mul3A_553, %add3A_554 : i32
      %mul3A_556 = arith.constant 16 : i32
      %mul3A_557 = arith.muli %add3A_555, %mul3A_556 : i32
      %add3A_558 = vector.broadcast %mul3A_557 : i32 to vector<16xi32>
      %add3A_559 = arith.addi %iota3A, %add3A_558 : vector<16xi32>
      %get3A_560 = arith.index_cast %mul3A_557 : i32 to index
      %get3A_561 = tpu.vector_load %arg7[%get3A_560] {strides = array<i32>} : memref<8192xi32, #tpu.memory_space<vmem>>, vector<16xi32>,
      %get3A_562 = arith.index_cast %mul3A_557 : i32 to index
      %get3A_563 = tpu.vector_load %arg8[%get3A_562] {strides = array<i32>} : memref<8192xi32, #tpu.memory_space<vmem>>, vector<16xi32>,
      %get3A_564 = arith.index_cast %mul3A_557 : i32 to index
      %get3A_565 = tpu.vector_load %arg9[%get3A_564] {strides = array<i32>} : memref<8192xf32, #tpu.memory_space<vmem>>, vector<16xf32>,
      %sub3A_566 = vector.broadcast %add3A_165 : i32 to vector<16xi32>
      %sub3A_567 = arith.subi %get3A_561, %sub3A_566 : vector<16xi32>
      %lt3A_568 = vector.broadcast %reduce_max3A_83 : i32 to vector<16xi32>
      %lt3A_569 = arith.cmpi slt, %add3A_559, %lt3A_568 : vector<16xi32>
      %lt3A_570 = arith.constant 96 : i32
      %lt3A_571 = vector.broadcast %lt3A_570 : i32 to vector<16xi32>
      %lt3A_572 = arith.cmpi ult, %sub3A_567, %lt3A_571 : vector<16xi32>
      %and3A_573 = arith.andi %lt3A_569, %lt3A_572 : vector<16xi1>
      %jit3A_574 = arith.constant 0 : i32
      %broadcast_in_dim3A_575 = vector.broadcast %jit3A_574 : i32 to vector<16xi32>
      %select_n3A_576 = arith.select %and3A_573, %sub3A_567, %broadcast_in_dim3A_575 : vector<16xi1>, vector<16xi32>
      %mul3A_577 = arith.constant 16 : i32
      %mul3A_578 = arith.muli %while3A_251, %mul3A_577 : i32
      %add3A_579 = arith.constant 13 : i32
      %add3A_580 = arith.addi %mul3A_578, %add3A_579 : i32
      %mul3A_581 = arith.constant 16 : i32
      %mul3A_582 = arith.muli %add3A_580, %mul3A_581 : i32
      %add3A_583 = vector.broadcast %mul3A_582 : i32 to vector<16xi32>
      %add3A_584 = arith.addi %iota3A, %add3A_583 : vector<16xi32>
      %get3A_585 = arith.index_cast %mul3A_582 : i32 to index
      %get3A_586 = tpu.vector_load %arg7[%get3A_585] {strides = array<i32>} : memref<8192xi32, #tpu.memory_space<vmem>>, vector<16xi32>,
      %get3A_587 = arith.index_cast %mul3A_582 : i32 to index
      %get3A_588 = tpu.vector_load %arg8[%get3A_587] {strides = array<i32>} : memref<8192xi32, #tpu.memory_space<vmem>>, vector<16xi32>,
      %get3A_589 = arith.index_cast %mul3A_582 : i32 to index
      %get3A_590 = tpu.vector_load %arg9[%get3A_589] {strides = array<i32>} : memref<8192xf32, #tpu.memory_space<vmem>>, vector<16xf32>,
      %sub3A_591 = vector.broadcast %add3A_165 : i32 to vector<16xi32>
      %sub3A_592 = arith.subi %get3A_586, %sub3A_591 : vector<16xi32>
      %lt3A_593 = vector.broadcast %reduce_max3A_83 : i32 to vector<16xi32>
      %lt3A_594 = arith.cmpi slt, %add3A_584, %lt3A_593 : vector<16xi32>
      %lt3A_595 = arith.constant 96 : i32
      %lt3A_596 = vector.broadcast %lt3A_595 : i32 to vector<16xi32>
      %lt3A_597 = arith.cmpi ult, %sub3A_592, %lt3A_596 : vector<16xi32>
      %and3A_598 = arith.andi %lt3A_594, %lt3A_597 : vector<16xi1>
      %jit3A_599 = arith.constant 0 : i32
      %broadcast_in_dim3A_600 = vector.broadcast %jit3A_599 : i32 to vector<16xi32>
      %select_n3A_601 = arith.select %and3A_598, %sub3A_592, %broadcast_in_dim3A_600 : vector<16xi1>, vector<16xi32>
      %mul3A_602 = arith.constant 16 : i32
      %mul3A_603 = arith.muli %while3A_251, %mul3A_602 : i32
      %add3A_604 = arith.constant 14 : i32
      %add3A_605 = arith.addi %mul3A_603, %add3A_604 : i32
      %mul3A_606 = arith.constant 16 : i32
      %mul3A_607 = arith.muli %add3A_605, %mul3A_606 : i32
      %add3A_608 = vector.broadcast %mul3A_607 : i32 to vector<16xi32>
      %add3A_609 = arith.addi %iota3A, %add3A_608 : vector<16xi32>
      %get3A_610 = arith.index_cast %mul3A_607 : i32 to index
      %get3A_611 = tpu.vector_load %arg7[%get3A_610] {strides = array<i32>} : memref<8192xi32, #tpu.memory_space<vmem>>, vector<16xi32>,
      %get3A_612 = arith.index_cast %mul3A_607 : i32 to index
      %get3A_613 = tpu.vector_load %arg8[%get3A_612] {strides = array<i32>} : memref<8192xi32, #tpu.memory_space<vmem>>, vector<16xi32>,
      %get3A_614 = arith.index_cast %mul3A_607 : i32 to index
      %get3A_615 = tpu.vector_load %arg9[%get3A_614] {strides = array<i32>} : memref<8192xf32, #tpu.memory_space<vmem>>, vector<16xf32>,
      %sub3A_616 = vector.broadcast %add3A_165 : i32 to vector<16xi32>
      %sub3A_617 = arith.subi %get3A_611, %sub3A_616 : vector<16xi32>
      %lt3A_618 = vector.broadcast %reduce_max3A_83 : i32 to vector<16xi32>
      %lt3A_619 = arith.cmpi slt, %add3A_609, %lt3A_618 : vector<16xi32>
      %lt3A_620 = arith.constant 96 : i32
      %lt3A_621 = vector.broadcast %lt3A_620 : i32 to vector<16xi32>
      %lt3A_622 = arith.cmpi ult, %sub3A_617, %lt3A_621 : vector<16xi32>
      %and3A_623 = arith.andi %lt3A_619, %lt3A_622 : vector<16xi1>
      %jit3A_624 = arith.constant 0 : i32
      %broadcast_in_dim3A_625 = vector.broadcast %jit3A_624 : i32 to vector<16xi32>
      %select_n3A_626 = arith.select %and3A_623, %sub3A_617, %broadcast_in_dim3A_625 : vector<16xi1>, vector<16xi32>
      %mul3A_627 = arith.constant 16 : i32
      %mul3A_628 = arith.muli %while3A_251, %mul3A_627 : i32
      %add3A_629 = arith.constant 15 : i32
      %add3A_630 = arith.addi %mul3A_628, %add3A_629 : i32
      %mul3A_631 = arith.constant 16 : i32
      %mul3A_632 = arith.muli %add3A_630, %mul3A_631 : i32
      %add3A_633 = vector.broadcast %mul3A_632 : i32 to vector<16xi32>
      %add3A_634 = arith.addi %iota3A, %add3A_633 : vector<16xi32>
      %get3A_635 = arith.index_cast %mul3A_632 : i32 to index
      %get3A_636 = tpu.vector_load %arg7[%get3A_635] {strides = array<i32>} : memref<8192xi32, #tpu.memory_space<vmem>>, vector<16xi32>,
      %get3A_637 = arith.index_cast %mul3A_632 : i32 to index
      %get3A_638 = tpu.vector_load %arg8[%get3A_637] {strides = array<i32>} : memref<8192xi32, #tpu.memory_space<vmem>>, vector<16xi32>,
      %get3A_639 = arith.index_cast %mul3A_632 : i32 to index
      %get3A_640 = tpu.vector_load %arg9[%get3A_639] {strides = array<i32>} : memref<8192xf32, #tpu.memory_space<vmem>>, vector<16xf32>,
      %sub3A_641 = vector.broadcast %add3A_165 : i32 to vector<16xi32>
      %sub3A_642 = arith.subi %get3A_636, %sub3A_641 : vector<16xi32>
      %lt3A_643 = vector.broadcast %reduce_max3A_83 : i32 to vector<16xi32>
      %lt3A_644 = arith.cmpi slt, %add3A_634, %lt3A_643 : vector<16xi32>
      %lt3A_645 = arith.constant 96 : i32
      %lt3A_646 = vector.broadcast %lt3A_645 : i32 to vector<16xi32>
      %lt3A_647 = arith.cmpi ult, %sub3A_642, %lt3A_646 : vector<16xi32>
      %and3A_648 = arith.andi %lt3A_644, %lt3A_647 : vector<16xi1>
      %jit3A_649 = arith.constant 0 : i32
      %broadcast_in_dim3A_650 = vector.broadcast %jit3A_649 : i32 to vector<16xi32>
      %select_n3A_651 = arith.select %and3A_648, %sub3A_642, %broadcast_in_dim3A_650 : vector<16xi1>, vector<16xi32>
      tpu.vector_store_idx %arg12[%select_n3A_276, %get3A_263], %get3A_265 masked %and3A_273 : memref<96x512xf32, #tpu.memory_space<vmem>>[vector<16xi32>, vector<16xi32>], vector<16xf32>, vector<16xi1>
      tpu.vector_store_idx %arg12[%select_n3A_301, %get3A_288], %get3A_290 masked %and3A_298 : memref<96x512xf32, #tpu.memory_space<vmem>>[vector<16xi32>, vector<16xi32>], vector<16xf32>, vector<16xi1>
      tpu.vector_store_idx %arg12[%select_n3A_326, %get3A_313], %get3A_315 masked %and3A_323 : memref<96x512xf32, #tpu.memory_space<vmem>>[vector<16xi32>, vector<16xi32>], vector<16xf32>, vector<16xi1>
      tpu.vector_store_idx %arg12[%select_n3A_351, %get3A_338], %get3A_340 masked %and3A_348 : memref<96x512xf32, #tpu.memory_space<vmem>>[vector<16xi32>, vector<16xi32>], vector<16xf32>, vector<16xi1>
      tpu.vector_store_idx %arg12[%select_n3A_376, %get3A_363], %get3A_365 masked %and3A_373 : memref<96x512xf32, #tpu.memory_space<vmem>>[vector<16xi32>, vector<16xi32>], vector<16xf32>, vector<16xi1>
      tpu.vector_store_idx %arg12[%select_n3A_401, %get3A_388], %get3A_390 masked %and3A_398 : memref<96x512xf32, #tpu.memory_space<vmem>>[vector<16xi32>, vector<16xi32>], vector<16xf32>, vector<16xi1>
      tpu.vector_store_idx %arg12[%select_n3A_426, %get3A_413], %get3A_415 masked %and3A_423 : memref<96x512xf32, #tpu.memory_space<vmem>>[vector<16xi32>, vector<16xi32>], vector<16xf32>, vector<16xi1>
      tpu.vector_store_idx %arg12[%select_n3A_451, %get3A_438], %get3A_440 masked %and3A_448 : memref<96x512xf32, #tpu.memory_space<vmem>>[vector<16xi32>, vector<16xi32>], vector<16xf32>, vector<16xi1>
      tpu.vector_store_idx %arg12[%select_n3A_476, %get3A_463], %get3A_465 masked %and3A_473 : memref<96x512xf32, #tpu.memory_space<vmem>>[vector<16xi32>, vector<16xi32>], vector<16xf32>, vector<16xi1>
      tpu.vector_store_idx %arg12[%select_n3A_501, %get3A_488], %get3A_490 masked %and3A_498 : memref<96x512xf32, #tpu.memory_space<vmem>>[vector<16xi32>, vector<16xi32>], vector<16xf32>, vector<16xi1>
      tpu.vector_store_idx %arg12[%select_n3A_526, %get3A_513], %get3A_515 masked %and3A_523 : memref<96x512xf32, #tpu.memory_space<vmem>>[vector<16xi32>, vector<16xi32>], vector<16xf32>, vector<16xi1>
      tpu.vector_store_idx %arg12[%select_n3A_551, %get3A_538], %get3A_540 masked %and3A_548 : memref<96x512xf32, #tpu.memory_space<vmem>>[vector<16xi32>, vector<16xi32>], vector<16xf32>, vector<16xi1>
      tpu.vector_store_idx %arg12[%select_n3A_576, %get3A_563], %get3A_565 masked %and3A_573 : memref<96x512xf32, #tpu.memory_space<vmem>>[vector<16xi32>, vector<16xi32>], vector<16xf32>, vector<16xi1>
      tpu.vector_store_idx %arg12[%select_n3A_601, %get3A_588], %get3A_590 masked %and3A_598 : memref<96x512xf32, #tpu.memory_space<vmem>>[vector<16xi32>, vector<16xi32>], vector<16xf32>, vector<16xi1>
      tpu.vector_store_idx %arg12[%select_n3A_626, %get3A_613], %get3A_615 masked %and3A_623 : memref<96x512xf32, #tpu.memory_space<vmem>>[vector<16xi32>, vector<16xi32>], vector<16xf32>, vector<16xi1>
      tpu.vector_store_idx %arg12[%select_n3A_651, %get3A_638], %get3A_640 masked %and3A_648 : memref<96x512xf32, #tpu.memory_space<vmem>>[vector<16xi32>, vector<16xi32>], vector<16xf32>, vector<16xi1>
    }
    %dma_start3A_176 = arith.constant 0 : i32
    %dma_start3A_177 = arith.constant 0 : i32
    %dma_start3A_178 = tpu.memref_slice %arg12[%dma_start3A_176, %dma_start3A_177] : memref<96x512xf32, #tpu.memory_space<vmem>> -> memref<96x512xf32, #tpu.memory_space<vmem>>
    %dma_start3A_179 = arith.constant 0 : i32
    %dma_start3A_180 = tpu.memref_slice %arg6[%select_n3A, %add3A_165, %dma_start3A_179] : memref<16x512x512xf32, #tpu.memory_space<hbm>> -> memref<1x96x512xf32, #tpu.memory_space<hbm>>
    %dma_start3A_181 = tpu.memref_squeeze %dma_start3A_180 : memref<1x96x512xf32, #tpu.memory_space<hbm>> -> memref<96x512xf32, #tpu.memory_space<hbm>>
    %dma_start3A_182 = arith.constant 0 : i32
    %dma_start3A_183 = tpu.memref_slice %arg6[%select_n3A, %add3A_165, %dma_start3A_182] : memref<16x512x512xf32, #tpu.memory_space<hbm>> -> memref<1x96x512xf32, #tpu.memory_space<hbm>>
    %dma_start3A_184 = tpu.memref_squeeze %dma_start3A_183 : memref<1x96x512xf32, #tpu.memory_space<hbm>> -> memref<96x512xf32, #tpu.memory_space<hbm>>
    %dma_start3A_185 = arith.constant 0 : i32
    %dma_start3A_186 = arith.constant 0 : i32
    %dma_start3A_187 = tpu.memref_slice %arg12[%dma_start3A_185, %dma_start3A_186] : memref<96x512xf32, #tpu.memory_space<vmem>> -> memref<96x512xf32, #tpu.memory_space<vmem>>
    tpu.enqueue_dma source(%dma_start3A_187 : memref<96x512xf32, #tpu.memory_space<vmem>>) target(%dma_start3A_184 : memref<96x512xf32, #tpu.memory_space<hbm>>) target_semaphore(%arg15 : memref<!tpu.dma_semaphore, #tpu.memory_space<semaphore_mem>>)
    %add3A_188 = arith.constant 200 : i32
    %add3A_189 = arith.addi %mul3A_140, %add3A_188 : i32
    %dma_wait3A_190 = arith.constant 0 : i32
    %dma_wait3A_191 = arith.constant 0 : i32
    %dma_wait3A_192 = tpu.memref_slice %arg11[%dma_wait3A_190, %dma_wait3A_191] : memref<104x512xf32, #tpu.memory_space<vmem>> -> memref<104x512xf32, #tpu.memory_space<vmem>>
    %dma_wait3A_193 = arith.constant 0 : i32
    %dma_wait3A_194 = tpu.memref_slice %arg6[%select_n3A, %add3A_142, %dma_wait3A_193] : memref<16x512x512xf32, #tpu.memory_space<hbm>> -> memref<1x104x512xf32, #tpu.memory_space<hbm>>
    %dma_wait3A_195 = tpu.memref_squeeze %dma_wait3A_194 : memref<1x104x512xf32, #tpu.memory_space<hbm>> -> memref<104x512xf32, #tpu.memory_space<hbm>>
    %dma_wait3A_196 = arith.constant 0 : i32
    %dma_wait3A_197 = tpu.memref_slice %arg6[%select_n3A, %add3A_142, %dma_wait3A_196] : memref<16x512x512xf32, #tpu.memory_space<hbm>> -> memref<1x104x512xf32, #tpu.memory_space<hbm>>
    %dma_wait3A_198 = tpu.memref_squeeze %dma_wait3A_197 : memref<1x104x512xf32, #tpu.memory_space<hbm>> -> memref<104x512xf32, #tpu.memory_space<hbm>>
    %dma_wait3A_199 = arith.constant 0 : i32
    %dma_wait3A_200 = arith.constant 0 : i32
    %dma_wait3A_201 = tpu.memref_slice %arg11[%dma_wait3A_199, %dma_wait3A_200] : memref<104x512xf32, #tpu.memory_space<vmem>> -> memref<104x512xf32, #tpu.memory_space<vmem>>
    tpu.wait_dma2 semaphore(%arg14 : memref<!tpu.dma_semaphore, #tpu.memory_space<semaphore_mem>>) src(%dma_wait3A_201 : memref<104x512xf32, #tpu.memory_space<vmem>>) dst(%dma_wait3A_198 : memref<104x512xf32, #tpu.memory_space<hbm>>)
    %parallel_loop3A_202 = arith.constant 0 : i32
    %parallel_loop3A_203 = arith.constant 56 : i32
    %parallel_loop3A_204 = arith.constant 1 : i32
    scf.for %parallel_loop3A_251 = %parallel_loop3A_202 to %parallel_loop3A_203 step %parallel_loop3A_204  : i32 {
      %parallel_loop3A_252 = arith.index_cast %parallel_loop3A_251 : i32 to index
      %parallel_loop3A_253 = arith.constant 0 : index
      %parallel_loop3A_254 = tpu.vector_load %arg11[%parallel_loop3A_252, %parallel_loop3A_253] {strides = array<i32>} : memref<104x512xf32, #tpu.memory_space<vmem>>, vector<16xf32>,
      tpu.vector_store %arg11[%parallel_loop3A_252, %parallel_loop3A_253], %broadcast_in_dim3A_48 {strides = array<i32>} : memref<104x512xf32, #tpu.memory_space<vmem>>, vector<16xf32>,
      %parallel_loop3A_255 = arith.index_cast %parallel_loop3A_251 : i32 to index
      %parallel_loop3A_256 = arith.constant 16 : index
      %parallel_loop3A_257 = tpu.vector_load %arg11[%parallel_loop3A_255, %parallel_loop3A_256] {strides = array<i32>} : memref<104x512xf32, #tpu.memory_space<vmem>>, vector<16xf32>,
      tpu.vector_store %arg11[%parallel_loop3A_255, %parallel_loop3A_256], %broadcast_in_dim3A_48 {strides = array<i32>} : memref<104x512xf32, #tpu.memory_space<vmem>>, vector<16xf32>,
      %parallel_loop3A_258 = arith.index_cast %parallel_loop3A_251 : i32 to index
      %parallel_loop3A_259 = arith.constant 32 : index
      %parallel_loop3A_260 = tpu.vector_load %arg11[%parallel_loop3A_258, %parallel_loop3A_259] {strides = array<i32>} : memref<104x512xf32, #tpu.memory_space<vmem>>, vector<16xf32>,
      tpu.vector_store %arg11[%parallel_loop3A_258, %parallel_loop3A_259], %broadcast_in_dim3A_48 {strides = array<i32>} : memref<104x512xf32, #tpu.memory_space<vmem>>, vector<16xf32>,
      %parallel_loop3A_261 = arith.index_cast %parallel_loop3A_251 : i32 to index
      %parallel_loop3A_262 = arith.constant 48 : index
      %parallel_loop3A_263 = tpu.vector_load %arg11[%parallel_loop3A_261, %parallel_loop3A_262] {strides = array<i32>} : memref<104x512xf32, #tpu.memory_space<vmem>>, vector<16xf32>,
      tpu.vector_store %arg11[%parallel_loop3A_261, %parallel_loop3A_262], %broadcast_in_dim3A_48 {strides = array<i32>} : memref<104x512xf32, #tpu.memory_space<vmem>>, vector<16xf32>,
      %parallel_loop3A_264 = arith.index_cast %parallel_loop3A_251 : i32 to index
      %parallel_loop3A_265 = arith.constant 64 : index
      %parallel_loop3A_266 = tpu.vector_load %arg11[%parallel_loop3A_264, %parallel_loop3A_265] {strides = array<i32>} : memref<104x512xf32, #tpu.memory_space<vmem>>, vector<16xf32>,
      tpu.vector_store %arg11[%parallel_loop3A_264, %parallel_loop3A_265], %broadcast_in_dim3A_48 {strides = array<i32>} : memref<104x512xf32, #tpu.memory_space<vmem>>, vector<16xf32>,
      %parallel_loop3A_267 = arith.index_cast %parallel_loop3A_251 : i32 to index
      %parallel_loop3A_268 = arith.constant 80 : index
      %parallel_loop3A_269 = tpu.vector_load %arg11[%parallel_loop3A_267, %parallel_loop3A_268] {strides = array<i32>} : memref<104x512xf32, #tpu.memory_space<vmem>>, vector<16xf32>,
      tpu.vector_store %arg11[%parallel_loop3A_267, %parallel_loop3A_268], %broadcast_in_dim3A_48 {strides = array<i32>} : memref<104x512xf32, #tpu.memory_space<vmem>>, vector<16xf32>,
      %parallel_loop3A_270 = arith.index_cast %parallel_loop3A_251 : i32 to index
      %parallel_loop3A_271 = arith.constant 96 : index
      %parallel_loop3A_272 = tpu.vector_load %arg11[%parallel_loop3A_270, %parallel_loop3A_271] {strides = array<i32>} : memref<104x512xf32, #tpu.memory_space<vmem>>, vector<16xf32>,
      tpu.vector_store %arg11[%parallel_loop3A_270, %parallel_loop3A_271], %broadcast_in_dim3A_48 {strides = array<i32>} : memref<104x512xf32, #tpu.memory_space<vmem>>, vector<16xf32>,
      %parallel_loop3A_273 = arith.index_cast %parallel_loop3A_251 : i32 to index
      %parallel_loop3A_274 = arith.constant 112 : index
      %parallel_loop3A_275 = tpu.vector_load %arg11[%parallel_loop3A_273, %parallel_loop3A_274] {strides = array<i32>} : memref<104x512xf32, #tpu.memory_space<vmem>>, vector<16xf32>,
      tpu.vector_store %arg11[%parallel_loop3A_273, %parallel_loop3A_274], %broadcast_in_dim3A_48 {strides = array<i32>} : memref<104x512xf32, #tpu.memory_space<vmem>>, vector<16xf32>,
      %parallel_loop3A_276 = arith.index_cast %parallel_loop3A_251 : i32 to index
      %parallel_loop3A_277 = arith.constant 128 : index
      %parallel_loop3A_278 = tpu.vector_load %arg11[%parallel_loop3A_276, %parallel_loop3A_277] {strides = array<i32>} : memref<104x512xf32, #tpu.memory_space<vmem>>, vector<16xf32>,
      tpu.vector_store %arg11[%parallel_loop3A_276, %parallel_loop3A_277], %broadcast_in_dim3A_48 {strides = array<i32>} : memref<104x512xf32, #tpu.memory_space<vmem>>, vector<16xf32>,
      %parallel_loop3A_279 = arith.index_cast %parallel_loop3A_251 : i32 to index
      %parallel_loop3A_280 = arith.constant 144 : index
      %parallel_loop3A_281 = tpu.vector_load %arg11[%parallel_loop3A_279, %parallel_loop3A_280] {strides = array<i32>} : memref<104x512xf32, #tpu.memory_space<vmem>>, vector<16xf32>,
      tpu.vector_store %arg11[%parallel_loop3A_279, %parallel_loop3A_280], %broadcast_in_dim3A_48 {strides = array<i32>} : memref<104x512xf32, #tpu.memory_space<vmem>>, vector<16xf32>,
      %parallel_loop3A_282 = arith.index_cast %parallel_loop3A_251 : i32 to index
      %parallel_loop3A_283 = arith.constant 160 : index
      %parallel_loop3A_284 = tpu.vector_load %arg11[%parallel_loop3A_282, %parallel_loop3A_283] {strides = array<i32>} : memref<104x512xf32, #tpu.memory_space<vmem>>, vector<16xf32>,
      tpu.vector_store %arg11[%parallel_loop3A_282, %parallel_loop3A_283], %broadcast_in_dim3A_48 {strides = array<i32>} : memref<104x512xf32, #tpu.memory_space<vmem>>, vector<16xf32>,
      %parallel_loop3A_285 = arith.index_cast %parallel_loop3A_251 : i32 to index
      %parallel_loop3A_286 = arith.constant 176 : index
      %parallel_loop3A_287 = tpu.vector_load %arg11[%parallel_loop3A_285, %parallel_loop3A_286] {strides = array<i32>} : memref<104x512xf32, #tpu.memory_space<vmem>>, vector<16xf32>,
      tpu.vector_store %arg11[%parallel_loop3A_285, %parallel_loop3A_286], %broadcast_in_dim3A_48 {strides = array<i32>} : memref<104x512xf32, #tpu.memory_space<vmem>>, vector<16xf32>,
      %parallel_loop3A_288 = arith.index_cast %parallel_loop3A_251 : i32 to index
      %parallel_loop3A_289 = arith.constant 192 : index
      %parallel_loop3A_290 = tpu.vector_load %arg11[%parallel_loop3A_288, %parallel_loop3A_289] {strides = array<i32>} : memref<104x512xf32, #tpu.memory_space<vmem>>, vector<16xf32>,
      tpu.vector_store %arg11[%parallel_loop3A_288, %parallel_loop3A_289], %broadcast_in_dim3A_48 {strides = array<i32>} : memref<104x512xf32, #tpu.memory_space<vmem>>, vector<16xf32>,
      %parallel_loop3A_291 = arith.index_cast %parallel_loop3A_251 : i32 to index
      %parallel_loop3A_292 = arith.constant 208 : index
      %parallel_loop3A_293 = tpu.vector_load %arg11[%parallel_loop3A_291, %parallel_loop3A_292] {strides = array<i32>} : memref<104x512xf32, #tpu.memory_space<vmem>>, vector<16xf32>,
      tpu.vector_store %arg11[%parallel_loop3A_291, %parallel_loop3A_292], %broadcast_in_dim3A_48 {strides = array<i32>} : memref<104x512xf32, #tpu.memory_space<vmem>>, vector<16xf32>,
      %parallel_loop3A_294 = arith.index_cast %parallel_loop3A_251 : i32 to index
      %parallel_loop3A_295 = arith.constant 224 : index
      %parallel_loop3A_296 = tpu.vector_load %arg11[%parallel_loop3A_294, %parallel_loop3A_295] {strides = array<i32>} : memref<104x512xf32, #tpu.memory_space<vmem>>, vector<16xf32>,
      tpu.vector_store %arg11[%parallel_loop3A_294, %parallel_loop3A_295], %broadcast_in_dim3A_48 {strides = array<i32>} : memref<104x512xf32, #tpu.memory_space<vmem>>, vector<16xf32>,
      %parallel_loop3A_297 = arith.index_cast %parallel_loop3A_251 : i32 to index
      %parallel_loop3A_298 = arith.constant 240 : index
      %parallel_loop3A_299 = tpu.vector_load %arg11[%parallel_loop3A_297, %parallel_loop3A_298] {strides = array<i32>} : memref<104x512xf32, #tpu.memory_space<vmem>>, vector<16xf32>,
      tpu.vector_store %arg11[%parallel_loop3A_297, %parallel_loop3A_298], %broadcast_in_dim3A_48 {strides = array<i32>} : memref<104x512xf32, #tpu.memory_space<vmem>>, vector<16xf32>,
      %parallel_loop3A_300 = arith.index_cast %parallel_loop3A_251 : i32 to index
      %parallel_loop3A_301 = arith.constant 256 : index
      %parallel_loop3A_302 = tpu.vector_load %arg11[%parallel_loop3A_300, %parallel_loop3A_301] {strides = array<i32>} : memref<104x512xf32, #tpu.memory_space<vmem>>, vector<16xf32>,
      tpu.vector_store %arg11[%parallel_loop3A_300, %parallel_loop3A_301], %broadcast_in_dim3A_48 {strides = array<i32>} : memref<104x512xf32, #tpu.memory_space<vmem>>, vector<16xf32>,
      %parallel_loop3A_303 = arith.index_cast %parallel_loop3A_251 : i32 to index
      %parallel_loop3A_304 = arith.constant 272 : index
      %parallel_loop3A_305 = tpu.vector_load %arg11[%parallel_loop3A_303, %parallel_loop3A_304] {strides = array<i32>} : memref<104x512xf32, #tpu.memory_space<vmem>>, vector<16xf32>,
      tpu.vector_store %arg11[%parallel_loop3A_303, %parallel_loop3A_304], %broadcast_in_dim3A_48 {strides = array<i32>} : memref<104x512xf32, #tpu.memory_space<vmem>>, vector<16xf32>,
      %parallel_loop3A_306 = arith.index_cast %parallel_loop3A_251 : i32 to index
      %parallel_loop3A_307 = arith.constant 288 : index
      %parallel_loop3A_308 = tpu.vector_load %arg11[%parallel_loop3A_306, %parallel_loop3A_307] {strides = array<i32>} : memref<104x512xf32, #tpu.memory_space<vmem>>, vector<16xf32>,
      tpu.vector_store %arg11[%parallel_loop3A_306, %parallel_loop3A_307], %broadcast_in_dim3A_48 {strides = array<i32>} : memref<104x512xf32, #tpu.memory_space<vmem>>, vector<16xf32>,
      %parallel_loop3A_309 = arith.index_cast %parallel_loop3A_251 : i32 to index
      %parallel_loop3A_310 = arith.constant 304 : index
      %parallel_loop3A_311 = tpu.vector_load %arg11[%parallel_loop3A_309, %parallel_loop3A_310] {strides = array<i32>} : memref<104x512xf32, #tpu.memory_space<vmem>>, vector<16xf32>,
      tpu.vector_store %arg11[%parallel_loop3A_309, %parallel_loop3A_310], %broadcast_in_dim3A_48 {strides = array<i32>} : memref<104x512xf32, #tpu.memory_space<vmem>>, vector<16xf32>,
      %parallel_loop3A_312 = arith.index_cast %parallel_loop3A_251 : i32 to index
      %parallel_loop3A_313 = arith.constant 320 : index
      %parallel_loop3A_314 = tpu.vector_load %arg11[%parallel_loop3A_312, %parallel_loop3A_313] {strides = array<i32>} : memref<104x512xf32, #tpu.memory_space<vmem>>, vector<16xf32>,
      tpu.vector_store %arg11[%parallel_loop3A_312, %parallel_loop3A_313], %broadcast_in_dim3A_48 {strides = array<i32>} : memref<104x512xf32, #tpu.memory_space<vmem>>, vector<16xf32>,
      %parallel_loop3A_315 = arith.index_cast %parallel_loop3A_251 : i32 to index
      %parallel_loop3A_316 = arith.constant 336 : index
      %parallel_loop3A_317 = tpu.vector_load %arg11[%parallel_loop3A_315, %parallel_loop3A_316] {strides = array<i32>} : memref<104x512xf32, #tpu.memory_space<vmem>>, vector<16xf32>,
      tpu.vector_store %arg11[%parallel_loop3A_315, %parallel_loop3A_316], %broadcast_in_dim3A_48 {strides = array<i32>} : memref<104x512xf32, #tpu.memory_space<vmem>>, vector<16xf32>,
      %parallel_loop3A_318 = arith.index_cast %parallel_loop3A_251 : i32 to index
      %parallel_loop3A_319 = arith.constant 352 : index
      %parallel_loop3A_320 = tpu.vector_load %arg11[%parallel_loop3A_318, %parallel_loop3A_319] {strides = array<i32>} : memref<104x512xf32, #tpu.memory_space<vmem>>, vector<16xf32>,
      tpu.vector_store %arg11[%parallel_loop3A_318, %parallel_loop3A_319], %broadcast_in_dim3A_48 {strides = array<i32>} : memref<104x512xf32, #tpu.memory_space<vmem>>, vector<16xf32>,
      %parallel_loop3A_321 = arith.index_cast %parallel_loop3A_251 : i32 to index
      %parallel_loop3A_322 = arith.constant 368 : index
      %parallel_loop3A_323 = tpu.vector_load %arg11[%parallel_loop3A_321, %parallel_loop3A_322] {strides = array<i32>} : memref<104x512xf32, #tpu.memory_space<vmem>>, vector<16xf32>,
      tpu.vector_store %arg11[%parallel_loop3A_321, %parallel_loop3A_322], %broadcast_in_dim3A_48 {strides = array<i32>} : memref<104x512xf32, #tpu.memory_space<vmem>>, vector<16xf32>,
      %parallel_loop3A_324 = arith.index_cast %parallel_loop3A_251 : i32 to index
      %parallel_loop3A_325 = arith.constant 384 : index
      %parallel_loop3A_326 = tpu.vector_load %arg11[%parallel_loop3A_324, %parallel_loop3A_325] {strides = array<i32>} : memref<104x512xf32, #tpu.memory_space<vmem>>, vector<16xf32>,
      tpu.vector_store %arg11[%parallel_loop3A_324, %parallel_loop3A_325], %broadcast_in_dim3A_48 {strides = array<i32>} : memref<104x512xf32, #tpu.memory_space<vmem>>, vector<16xf32>,
      %parallel_loop3A_327 = arith.index_cast %parallel_loop3A_251 : i32 to index
      %parallel_loop3A_328 = arith.constant 400 : index
      %parallel_loop3A_329 = tpu.vector_load %arg11[%parallel_loop3A_327, %parallel_loop3A_328] {strides = array<i32>} : memref<104x512xf32, #tpu.memory_space<vmem>>, vector<16xf32>,
      tpu.vector_store %arg11[%parallel_loop3A_327, %parallel_loop3A_328], %broadcast_in_dim3A_48 {strides = array<i32>} : memref<104x512xf32, #tpu.memory_space<vmem>>, vector<16xf32>,
      %parallel_loop3A_330 = arith.index_cast %parallel_loop3A_251 : i32 to index
      %parallel_loop3A_331 = arith.constant 416 : index
      %parallel_loop3A_332 = tpu.vector_load %arg11[%parallel_loop3A_330, %parallel_loop3A_331] {strides = array<i32>} : memref<104x512xf32, #tpu.memory_space<vmem>>, vector<16xf32>,
      tpu.vector_store %arg11[%parallel_loop3A_330, %parallel_loop3A_331], %broadcast_in_dim3A_48 {strides = array<i32>} : memref<104x512xf32, #tpu.memory_space<vmem>>, vector<16xf32>,
      %parallel_loop3A_333 = arith.index_cast %parallel_loop3A_251 : i32 to index
      %parallel_loop3A_334 = arith.constant 432 : index
      %parallel_loop3A_335 = tpu.vector_load %arg11[%parallel_loop3A_333, %parallel_loop3A_334] {strides = array<i32>} : memref<104x512xf32, #tpu.memory_space<vmem>>, vector<16xf32>,
      tpu.vector_store %arg11[%parallel_loop3A_333, %parallel_loop3A_334], %broadcast_in_dim3A_48 {strides = array<i32>} : memref<104x512xf32, #tpu.memory_space<vmem>>, vector<16xf32>,
      %parallel_loop3A_336 = arith.index_cast %parallel_loop3A_251 : i32 to index
      %parallel_loop3A_337 = arith.constant 448 : index
      %parallel_loop3A_338 = tpu.vector_load %arg11[%parallel_loop3A_336, %parallel_loop3A_337] {strides = array<i32>} : memref<104x512xf32, #tpu.memory_space<vmem>>, vector<16xf32>,
      tpu.vector_store %arg11[%parallel_loop3A_336, %parallel_loop3A_337], %broadcast_in_dim3A_48 {strides = array<i32>} : memref<104x512xf32, #tpu.memory_space<vmem>>, vector<16xf32>,
      %parallel_loop3A_339 = arith.index_cast %parallel_loop3A_251 : i32 to index
      %parallel_loop3A_340 = arith.constant 464 : index
      %parallel_loop3A_341 = tpu.vector_load %arg11[%parallel_loop3A_339, %parallel_loop3A_340] {strides = array<i32>} : memref<104x512xf32, #tpu.memory_space<vmem>>, vector<16xf32>,
      tpu.vector_store %arg11[%parallel_loop3A_339, %parallel_loop3A_340], %broadcast_in_dim3A_48 {strides = array<i32>} : memref<104x512xf32, #tpu.memory_space<vmem>>, vector<16xf32>,
      %parallel_loop3A_342 = arith.index_cast %parallel_loop3A_251 : i32 to index
      %parallel_loop3A_343 = arith.constant 480 : index
      %parallel_loop3A_344 = tpu.vector_load %arg11[%parallel_loop3A_342, %parallel_loop3A_343] {strides = array<i32>} : memref<104x512xf32, #tpu.memory_space<vmem>>, vector<16xf32>,
      tpu.vector_store %arg11[%parallel_loop3A_342, %parallel_loop3A_343], %broadcast_in_dim3A_48 {strides = array<i32>} : memref<104x512xf32, #tpu.memory_space<vmem>>, vector<16xf32>,
      %parallel_loop3A_345 = arith.index_cast %parallel_loop3A_251 : i32 to index
      %parallel_loop3A_346 = arith.constant 496 : index
      %parallel_loop3A_347 = tpu.vector_load %arg11[%parallel_loop3A_345, %parallel_loop3A_346] {strides = array<i32>} : memref<104x512xf32, #tpu.memory_space<vmem>>, vector<16xf32>,
      tpu.vector_store %arg11[%parallel_loop3A_345, %parallel_loop3A_346], %broadcast_in_dim3A_48 {strides = array<i32>} : memref<104x512xf32, #tpu.memory_space<vmem>>, vector<16xf32>,
    } {sc.loop_unroll_factor = 4 : i64, sc.parallel_access}
    %while3A_205 = arith.constant 0 : i32
    %while3A_206 = arith.constant 0 : i32
    %while3A_207 = arith.subi %select_n3A_138, %while3A_206 : i32
    %while3A_208 = arith.addi %while3A_206, %while3A_207 : i32
    %while3A_209 = arith.constant 1 : i32
    %while3A_210 = arith.divsi %while3A_207, %while3A_209 : i32
    %while3A_211 = arith.muli %while3A_210, %while3A_209 : i32
    %while3A_212 = arith.addi %while3A_206, %while3A_211 : i32
    %while3A_213 = arith.constant 1 : i32
    scf.for %while3A_251 = %while3A_206 to %while3A_212 step %while3A_213  : i32 {
      %mul3A_252 = arith.constant 16 : i32
      %mul3A_253 = arith.muli %while3A_251, %mul3A_252 : i32
      %add3A_254 = arith.constant 0 : i32
      %add3A_255 = arith.addi %mul3A_253, %add3A_254 : i32
      %mul3A_256 = arith.constant 16 : i32
      %mul3A_257 = arith.muli %add3A_255, %mul3A_256 : i32
      %add3A_258 = vector.broadcast %mul3A_257 : i32 to vector<16xi32>
      %add3A_259 = arith.addi %iota3A, %add3A_258 : vector<16xi32>
      %get3A_260 = arith.index_cast %mul3A_257 : i32 to index
      %get3A_261 = tpu.vector_load %arg7[%get3A_260] {strides = array<i32>} : memref<8192xi32, #tpu.memory_space<vmem>>, vector<16xi32>,
      %get3A_262 = arith.index_cast %mul3A_257 : i32 to index
      %get3A_263 = tpu.vector_load %arg8[%get3A_262] {strides = array<i32>} : memref<8192xi32, #tpu.memory_space<vmem>>, vector<16xi32>,
      %get3A_264 = arith.index_cast %mul3A_257 : i32 to index
      %get3A_265 = tpu.vector_load %arg9[%get3A_264] {strides = array<i32>} : memref<8192xf32, #tpu.memory_space<vmem>>, vector<16xf32>,
      %sub3A_266 = vector.broadcast %add3A_189 : i32 to vector<16xi32>
      %sub3A_267 = arith.subi %get3A_261, %sub3A_266 : vector<16xi32>
      %lt3A_268 = vector.broadcast %reduce_max3A_83 : i32 to vector<16xi32>
      %lt3A_269 = arith.cmpi slt, %add3A_259, %lt3A_268 : vector<16xi32>
      %lt3A_270 = arith.constant 56 : i32
      %lt3A_271 = vector.broadcast %lt3A_270 : i32 to vector<16xi32>
      %lt3A_272 = arith.cmpi ult, %sub3A_267, %lt3A_271 : vector<16xi32>
      %and3A_273 = arith.andi %lt3A_269, %lt3A_272 : vector<16xi1>
      %jit3A_274 = arith.constant 0 : i32
      %broadcast_in_dim3A_275 = vector.broadcast %jit3A_274 : i32 to vector<16xi32>
      %select_n3A_276 = arith.select %and3A_273, %sub3A_267, %broadcast_in_dim3A_275 : vector<16xi1>, vector<16xi32>
      %mul3A_277 = arith.constant 16 : i32
      %mul3A_278 = arith.muli %while3A_251, %mul3A_277 : i32
      %add3A_279 = arith.constant 1 : i32
      %add3A_280 = arith.addi %mul3A_278, %add3A_279 : i32
      %mul3A_281 = arith.constant 16 : i32
      %mul3A_282 = arith.muli %add3A_280, %mul3A_281 : i32
      %add3A_283 = vector.broadcast %mul3A_282 : i32 to vector<16xi32>
      %add3A_284 = arith.addi %iota3A, %add3A_283 : vector<16xi32>
      %get3A_285 = arith.index_cast %mul3A_282 : i32 to index
      %get3A_286 = tpu.vector_load %arg7[%get3A_285] {strides = array<i32>} : memref<8192xi32, #tpu.memory_space<vmem>>, vector<16xi32>,
      %get3A_287 = arith.index_cast %mul3A_282 : i32 to index
      %get3A_288 = tpu.vector_load %arg8[%get3A_287] {strides = array<i32>} : memref<8192xi32, #tpu.memory_space<vmem>>, vector<16xi32>,
      %get3A_289 = arith.index_cast %mul3A_282 : i32 to index
      %get3A_290 = tpu.vector_load %arg9[%get3A_289] {strides = array<i32>} : memref<8192xf32, #tpu.memory_space<vmem>>, vector<16xf32>,
      %sub3A_291 = vector.broadcast %add3A_189 : i32 to vector<16xi32>
      %sub3A_292 = arith.subi %get3A_286, %sub3A_291 : vector<16xi32>
      %lt3A_293 = vector.broadcast %reduce_max3A_83 : i32 to vector<16xi32>
      %lt3A_294 = arith.cmpi slt, %add3A_284, %lt3A_293 : vector<16xi32>
      %lt3A_295 = arith.constant 56 : i32
      %lt3A_296 = vector.broadcast %lt3A_295 : i32 to vector<16xi32>
      %lt3A_297 = arith.cmpi ult, %sub3A_292, %lt3A_296 : vector<16xi32>
      %and3A_298 = arith.andi %lt3A_294, %lt3A_297 : vector<16xi1>
      %jit3A_299 = arith.constant 0 : i32
      %broadcast_in_dim3A_300 = vector.broadcast %jit3A_299 : i32 to vector<16xi32>
      %select_n3A_301 = arith.select %and3A_298, %sub3A_292, %broadcast_in_dim3A_300 : vector<16xi1>, vector<16xi32>
      %mul3A_302 = arith.constant 16 : i32
      %mul3A_303 = arith.muli %while3A_251, %mul3A_302 : i32
      %add3A_304 = arith.constant 2 : i32
      %add3A_305 = arith.addi %mul3A_303, %add3A_304 : i32
      %mul3A_306 = arith.constant 16 : i32
      %mul3A_307 = arith.muli %add3A_305, %mul3A_306 : i32
      %add3A_308 = vector.broadcast %mul3A_307 : i32 to vector<16xi32>
      %add3A_309 = arith.addi %iota3A, %add3A_308 : vector<16xi32>
      %get3A_310 = arith.index_cast %mul3A_307 : i32 to index
      %get3A_311 = tpu.vector_load %arg7[%get3A_310] {strides = array<i32>} : memref<8192xi32, #tpu.memory_space<vmem>>, vector<16xi32>,
      %get3A_312 = arith.index_cast %mul3A_307 : i32 to index
      %get3A_313 = tpu.vector_load %arg8[%get3A_312] {strides = array<i32>} : memref<8192xi32, #tpu.memory_space<vmem>>, vector<16xi32>,
      %get3A_314 = arith.index_cast %mul3A_307 : i32 to index
      %get3A_315 = tpu.vector_load %arg9[%get3A_314] {strides = array<i32>} : memref<8192xf32, #tpu.memory_space<vmem>>, vector<16xf32>,
      %sub3A_316 = vector.broadcast %add3A_189 : i32 to vector<16xi32>
      %sub3A_317 = arith.subi %get3A_311, %sub3A_316 : vector<16xi32>
      %lt3A_318 = vector.broadcast %reduce_max3A_83 : i32 to vector<16xi32>
      %lt3A_319 = arith.cmpi slt, %add3A_309, %lt3A_318 : vector<16xi32>
      %lt3A_320 = arith.constant 56 : i32
      %lt3A_321 = vector.broadcast %lt3A_320 : i32 to vector<16xi32>
      %lt3A_322 = arith.cmpi ult, %sub3A_317, %lt3A_321 : vector<16xi32>
      %and3A_323 = arith.andi %lt3A_319, %lt3A_322 : vector<16xi1>
      %jit3A_324 = arith.constant 0 : i32
      %broadcast_in_dim3A_325 = vector.broadcast %jit3A_324 : i32 to vector<16xi32>
      %select_n3A_326 = arith.select %and3A_323, %sub3A_317, %broadcast_in_dim3A_325 : vector<16xi1>, vector<16xi32>
      %mul3A_327 = arith.constant 16 : i32
      %mul3A_328 = arith.muli %while3A_251, %mul3A_327 : i32
      %add3A_329 = arith.constant 3 : i32
      %add3A_330 = arith.addi %mul3A_328, %add3A_329 : i32
      %mul3A_331 = arith.constant 16 : i32
      %mul3A_332 = arith.muli %add3A_330, %mul3A_331 : i32
      %add3A_333 = vector.broadcast %mul3A_332 : i32 to vector<16xi32>
      %add3A_334 = arith.addi %iota3A, %add3A_333 : vector<16xi32>
      %get3A_335 = arith.index_cast %mul3A_332 : i32 to index
      %get3A_336 = tpu.vector_load %arg7[%get3A_335] {strides = array<i32>} : memref<8192xi32, #tpu.memory_space<vmem>>, vector<16xi32>,
      %get3A_337 = arith.index_cast %mul3A_332 : i32 to index
      %get3A_338 = tpu.vector_load %arg8[%get3A_337] {strides = array<i32>} : memref<8192xi32, #tpu.memory_space<vmem>>, vector<16xi32>,
      %get3A_339 = arith.index_cast %mul3A_332 : i32 to index
      %get3A_340 = tpu.vector_load %arg9[%get3A_339] {strides = array<i32>} : memref<8192xf32, #tpu.memory_space<vmem>>, vector<16xf32>,
      %sub3A_341 = vector.broadcast %add3A_189 : i32 to vector<16xi32>
      %sub3A_342 = arith.subi %get3A_336, %sub3A_341 : vector<16xi32>
      %lt3A_343 = vector.broadcast %reduce_max3A_83 : i32 to vector<16xi32>
      %lt3A_344 = arith.cmpi slt, %add3A_334, %lt3A_343 : vector<16xi32>
      %lt3A_345 = arith.constant 56 : i32
      %lt3A_346 = vector.broadcast %lt3A_345 : i32 to vector<16xi32>
      %lt3A_347 = arith.cmpi ult, %sub3A_342, %lt3A_346 : vector<16xi32>
      %and3A_348 = arith.andi %lt3A_344, %lt3A_347 : vector<16xi1>
      %jit3A_349 = arith.constant 0 : i32
      %broadcast_in_dim3A_350 = vector.broadcast %jit3A_349 : i32 to vector<16xi32>
      %select_n3A_351 = arith.select %and3A_348, %sub3A_342, %broadcast_in_dim3A_350 : vector<16xi1>, vector<16xi32>
      %mul3A_352 = arith.constant 16 : i32
      %mul3A_353 = arith.muli %while3A_251, %mul3A_352 : i32
      %add3A_354 = arith.constant 4 : i32
      %add3A_355 = arith.addi %mul3A_353, %add3A_354 : i32
      %mul3A_356 = arith.constant 16 : i32
      %mul3A_357 = arith.muli %add3A_355, %mul3A_356 : i32
      %add3A_358 = vector.broadcast %mul3A_357 : i32 to vector<16xi32>
      %add3A_359 = arith.addi %iota3A, %add3A_358 : vector<16xi32>
      %get3A_360 = arith.index_cast %mul3A_357 : i32 to index
      %get3A_361 = tpu.vector_load %arg7[%get3A_360] {strides = array<i32>} : memref<8192xi32, #tpu.memory_space<vmem>>, vector<16xi32>,
      %get3A_362 = arith.index_cast %mul3A_357 : i32 to index
      %get3A_363 = tpu.vector_load %arg8[%get3A_362] {strides = array<i32>} : memref<8192xi32, #tpu.memory_space<vmem>>, vector<16xi32>,
      %get3A_364 = arith.index_cast %mul3A_357 : i32 to index
      %get3A_365 = tpu.vector_load %arg9[%get3A_364] {strides = array<i32>} : memref<8192xf32, #tpu.memory_space<vmem>>, vector<16xf32>,
      %sub3A_366 = vector.broadcast %add3A_189 : i32 to vector<16xi32>
      %sub3A_367 = arith.subi %get3A_361, %sub3A_366 : vector<16xi32>
      %lt3A_368 = vector.broadcast %reduce_max3A_83 : i32 to vector<16xi32>
      %lt3A_369 = arith.cmpi slt, %add3A_359, %lt3A_368 : vector<16xi32>
      %lt3A_370 = arith.constant 56 : i32
      %lt3A_371 = vector.broadcast %lt3A_370 : i32 to vector<16xi32>
      %lt3A_372 = arith.cmpi ult, %sub3A_367, %lt3A_371 : vector<16xi32>
      %and3A_373 = arith.andi %lt3A_369, %lt3A_372 : vector<16xi1>
      %jit3A_374 = arith.constant 0 : i32
      %broadcast_in_dim3A_375 = vector.broadcast %jit3A_374 : i32 to vector<16xi32>
      %select_n3A_376 = arith.select %and3A_373, %sub3A_367, %broadcast_in_dim3A_375 : vector<16xi1>, vector<16xi32>
      %mul3A_377 = arith.constant 16 : i32
      %mul3A_378 = arith.muli %while3A_251, %mul3A_377 : i32
      %add3A_379 = arith.constant 5 : i32
      %add3A_380 = arith.addi %mul3A_378, %add3A_379 : i32
      %mul3A_381 = arith.constant 16 : i32
      %mul3A_382 = arith.muli %add3A_380, %mul3A_381 : i32
      %add3A_383 = vector.broadcast %mul3A_382 : i32 to vector<16xi32>
      %add3A_384 = arith.addi %iota3A, %add3A_383 : vector<16xi32>
      %get3A_385 = arith.index_cast %mul3A_382 : i32 to index
      %get3A_386 = tpu.vector_load %arg7[%get3A_385] {strides = array<i32>} : memref<8192xi32, #tpu.memory_space<vmem>>, vector<16xi32>,
      %get3A_387 = arith.index_cast %mul3A_382 : i32 to index
      %get3A_388 = tpu.vector_load %arg8[%get3A_387] {strides = array<i32>} : memref<8192xi32, #tpu.memory_space<vmem>>, vector<16xi32>,
      %get3A_389 = arith.index_cast %mul3A_382 : i32 to index
      %get3A_390 = tpu.vector_load %arg9[%get3A_389] {strides = array<i32>} : memref<8192xf32, #tpu.memory_space<vmem>>, vector<16xf32>,
      %sub3A_391 = vector.broadcast %add3A_189 : i32 to vector<16xi32>
      %sub3A_392 = arith.subi %get3A_386, %sub3A_391 : vector<16xi32>
      %lt3A_393 = vector.broadcast %reduce_max3A_83 : i32 to vector<16xi32>
      %lt3A_394 = arith.cmpi slt, %add3A_384, %lt3A_393 : vector<16xi32>
      %lt3A_395 = arith.constant 56 : i32
      %lt3A_396 = vector.broadcast %lt3A_395 : i32 to vector<16xi32>
      %lt3A_397 = arith.cmpi ult, %sub3A_392, %lt3A_396 : vector<16xi32>
      %and3A_398 = arith.andi %lt3A_394, %lt3A_397 : vector<16xi1>
      %jit3A_399 = arith.constant 0 : i32
      %broadcast_in_dim3A_400 = vector.broadcast %jit3A_399 : i32 to vector<16xi32>
      %select_n3A_401 = arith.select %and3A_398, %sub3A_392, %broadcast_in_dim3A_400 : vector<16xi1>, vector<16xi32>
      %mul3A_402 = arith.constant 16 : i32
      %mul3A_403 = arith.muli %while3A_251, %mul3A_402 : i32
      %add3A_404 = arith.constant 6 : i32
      %add3A_405 = arith.addi %mul3A_403, %add3A_404 : i32
      %mul3A_406 = arith.constant 16 : i32
      %mul3A_407 = arith.muli %add3A_405, %mul3A_406 : i32
      %add3A_408 = vector.broadcast %mul3A_407 : i32 to vector<16xi32>
      %add3A_409 = arith.addi %iota3A, %add3A_408 : vector<16xi32>
      %get3A_410 = arith.index_cast %mul3A_407 : i32 to index
      %get3A_411 = tpu.vector_load %arg7[%get3A_410] {strides = array<i32>} : memref<8192xi32, #tpu.memory_space<vmem>>, vector<16xi32>,
      %get3A_412 = arith.index_cast %mul3A_407 : i32 to index
      %get3A_413 = tpu.vector_load %arg8[%get3A_412] {strides = array<i32>} : memref<8192xi32, #tpu.memory_space<vmem>>, vector<16xi32>,
      %get3A_414 = arith.index_cast %mul3A_407 : i32 to index
      %get3A_415 = tpu.vector_load %arg9[%get3A_414] {strides = array<i32>} : memref<8192xf32, #tpu.memory_space<vmem>>, vector<16xf32>,
      %sub3A_416 = vector.broadcast %add3A_189 : i32 to vector<16xi32>
      %sub3A_417 = arith.subi %get3A_411, %sub3A_416 : vector<16xi32>
      %lt3A_418 = vector.broadcast %reduce_max3A_83 : i32 to vector<16xi32>
      %lt3A_419 = arith.cmpi slt, %add3A_409, %lt3A_418 : vector<16xi32>
      %lt3A_420 = arith.constant 56 : i32
      %lt3A_421 = vector.broadcast %lt3A_420 : i32 to vector<16xi32>
      %lt3A_422 = arith.cmpi ult, %sub3A_417, %lt3A_421 : vector<16xi32>
      %and3A_423 = arith.andi %lt3A_419, %lt3A_422 : vector<16xi1>
      %jit3A_424 = arith.constant 0 : i32
      %broadcast_in_dim3A_425 = vector.broadcast %jit3A_424 : i32 to vector<16xi32>
      %select_n3A_426 = arith.select %and3A_423, %sub3A_417, %broadcast_in_dim3A_425 : vector<16xi1>, vector<16xi32>
      %mul3A_427 = arith.constant 16 : i32
      %mul3A_428 = arith.muli %while3A_251, %mul3A_427 : i32
      %add3A_429 = arith.constant 7 : i32
      %add3A_430 = arith.addi %mul3A_428, %add3A_429 : i32
      %mul3A_431 = arith.constant 16 : i32
      %mul3A_432 = arith.muli %add3A_430, %mul3A_431 : i32
      %add3A_433 = vector.broadcast %mul3A_432 : i32 to vector<16xi32>
      %add3A_434 = arith.addi %iota3A, %add3A_433 : vector<16xi32>
      %get3A_435 = arith.index_cast %mul3A_432 : i32 to index
      %get3A_436 = tpu.vector_load %arg7[%get3A_435] {strides = array<i32>} : memref<8192xi32, #tpu.memory_space<vmem>>, vector<16xi32>,
      %get3A_437 = arith.index_cast %mul3A_432 : i32 to index
      %get3A_438 = tpu.vector_load %arg8[%get3A_437] {strides = array<i32>} : memref<8192xi32, #tpu.memory_space<vmem>>, vector<16xi32>,
      %get3A_439 = arith.index_cast %mul3A_432 : i32 to index
      %get3A_440 = tpu.vector_load %arg9[%get3A_439] {strides = array<i32>} : memref<8192xf32, #tpu.memory_space<vmem>>, vector<16xf32>,
      %sub3A_441 = vector.broadcast %add3A_189 : i32 to vector<16xi32>
      %sub3A_442 = arith.subi %get3A_436, %sub3A_441 : vector<16xi32>
      %lt3A_443 = vector.broadcast %reduce_max3A_83 : i32 to vector<16xi32>
      %lt3A_444 = arith.cmpi slt, %add3A_434, %lt3A_443 : vector<16xi32>
      %lt3A_445 = arith.constant 56 : i32
      %lt3A_446 = vector.broadcast %lt3A_445 : i32 to vector<16xi32>
      %lt3A_447 = arith.cmpi ult, %sub3A_442, %lt3A_446 : vector<16xi32>
      %and3A_448 = arith.andi %lt3A_444, %lt3A_447 : vector<16xi1>
      %jit3A_449 = arith.constant 0 : i32
      %broadcast_in_dim3A_450 = vector.broadcast %jit3A_449 : i32 to vector<16xi32>
      %select_n3A_451 = arith.select %and3A_448, %sub3A_442, %broadcast_in_dim3A_450 : vector<16xi1>, vector<16xi32>
      %mul3A_452 = arith.constant 16 : i32
      %mul3A_453 = arith.muli %while3A_251, %mul3A_452 : i32
      %add3A_454 = arith.constant 8 : i32
      %add3A_455 = arith.addi %mul3A_453, %add3A_454 : i32
      %mul3A_456 = arith.constant 16 : i32
      %mul3A_457 = arith.muli %add3A_455, %mul3A_456 : i32
      %add3A_458 = vector.broadcast %mul3A_457 : i32 to vector<16xi32>
      %add3A_459 = arith.addi %iota3A, %add3A_458 : vector<16xi32>
      %get3A_460 = arith.index_cast %mul3A_457 : i32 to index
      %get3A_461 = tpu.vector_load %arg7[%get3A_460] {strides = array<i32>} : memref<8192xi32, #tpu.memory_space<vmem>>, vector<16xi32>,
      %get3A_462 = arith.index_cast %mul3A_457 : i32 to index
      %get3A_463 = tpu.vector_load %arg8[%get3A_462] {strides = array<i32>} : memref<8192xi32, #tpu.memory_space<vmem>>, vector<16xi32>,
      %get3A_464 = arith.index_cast %mul3A_457 : i32 to index
      %get3A_465 = tpu.vector_load %arg9[%get3A_464] {strides = array<i32>} : memref<8192xf32, #tpu.memory_space<vmem>>, vector<16xf32>,
      %sub3A_466 = vector.broadcast %add3A_189 : i32 to vector<16xi32>
      %sub3A_467 = arith.subi %get3A_461, %sub3A_466 : vector<16xi32>
      %lt3A_468 = vector.broadcast %reduce_max3A_83 : i32 to vector<16xi32>
      %lt3A_469 = arith.cmpi slt, %add3A_459, %lt3A_468 : vector<16xi32>
      %lt3A_470 = arith.constant 56 : i32
      %lt3A_471 = vector.broadcast %lt3A_470 : i32 to vector<16xi32>
      %lt3A_472 = arith.cmpi ult, %sub3A_467, %lt3A_471 : vector<16xi32>
      %and3A_473 = arith.andi %lt3A_469, %lt3A_472 : vector<16xi1>
      %jit3A_474 = arith.constant 0 : i32
      %broadcast_in_dim3A_475 = vector.broadcast %jit3A_474 : i32 to vector<16xi32>
      %select_n3A_476 = arith.select %and3A_473, %sub3A_467, %broadcast_in_dim3A_475 : vector<16xi1>, vector<16xi32>
      %mul3A_477 = arith.constant 16 : i32
      %mul3A_478 = arith.muli %while3A_251, %mul3A_477 : i32
      %add3A_479 = arith.constant 9 : i32
      %add3A_480 = arith.addi %mul3A_478, %add3A_479 : i32
      %mul3A_481 = arith.constant 16 : i32
      %mul3A_482 = arith.muli %add3A_480, %mul3A_481 : i32
      %add3A_483 = vector.broadcast %mul3A_482 : i32 to vector<16xi32>
      %add3A_484 = arith.addi %iota3A, %add3A_483 : vector<16xi32>
      %get3A_485 = arith.index_cast %mul3A_482 : i32 to index
      %get3A_486 = tpu.vector_load %arg7[%get3A_485] {strides = array<i32>} : memref<8192xi32, #tpu.memory_space<vmem>>, vector<16xi32>,
      %get3A_487 = arith.index_cast %mul3A_482 : i32 to index
      %get3A_488 = tpu.vector_load %arg8[%get3A_487] {strides = array<i32>} : memref<8192xi32, #tpu.memory_space<vmem>>, vector<16xi32>,
      %get3A_489 = arith.index_cast %mul3A_482 : i32 to index
      %get3A_490 = tpu.vector_load %arg9[%get3A_489] {strides = array<i32>} : memref<8192xf32, #tpu.memory_space<vmem>>, vector<16xf32>,
      %sub3A_491 = vector.broadcast %add3A_189 : i32 to vector<16xi32>
      %sub3A_492 = arith.subi %get3A_486, %sub3A_491 : vector<16xi32>
      %lt3A_493 = vector.broadcast %reduce_max3A_83 : i32 to vector<16xi32>
      %lt3A_494 = arith.cmpi slt, %add3A_484, %lt3A_493 : vector<16xi32>
      %lt3A_495 = arith.constant 56 : i32
      %lt3A_496 = vector.broadcast %lt3A_495 : i32 to vector<16xi32>
      %lt3A_497 = arith.cmpi ult, %sub3A_492, %lt3A_496 : vector<16xi32>
      %and3A_498 = arith.andi %lt3A_494, %lt3A_497 : vector<16xi1>
      %jit3A_499 = arith.constant 0 : i32
      %broadcast_in_dim3A_500 = vector.broadcast %jit3A_499 : i32 to vector<16xi32>
      %select_n3A_501 = arith.select %and3A_498, %sub3A_492, %broadcast_in_dim3A_500 : vector<16xi1>, vector<16xi32>
      %mul3A_502 = arith.constant 16 : i32
      %mul3A_503 = arith.muli %while3A_251, %mul3A_502 : i32
      %add3A_504 = arith.constant 10 : i32
      %add3A_505 = arith.addi %mul3A_503, %add3A_504 : i32
      %mul3A_506 = arith.constant 16 : i32
      %mul3A_507 = arith.muli %add3A_505, %mul3A_506 : i32
      %add3A_508 = vector.broadcast %mul3A_507 : i32 to vector<16xi32>
      %add3A_509 = arith.addi %iota3A, %add3A_508 : vector<16xi32>
      %get3A_510 = arith.index_cast %mul3A_507 : i32 to index
      %get3A_511 = tpu.vector_load %arg7[%get3A_510] {strides = array<i32>} : memref<8192xi32, #tpu.memory_space<vmem>>, vector<16xi32>,
      %get3A_512 = arith.index_cast %mul3A_507 : i32 to index
      %get3A_513 = tpu.vector_load %arg8[%get3A_512] {strides = array<i32>} : memref<8192xi32, #tpu.memory_space<vmem>>, vector<16xi32>,
      %get3A_514 = arith.index_cast %mul3A_507 : i32 to index
      %get3A_515 = tpu.vector_load %arg9[%get3A_514] {strides = array<i32>} : memref<8192xf32, #tpu.memory_space<vmem>>, vector<16xf32>,
      %sub3A_516 = vector.broadcast %add3A_189 : i32 to vector<16xi32>
      %sub3A_517 = arith.subi %get3A_511, %sub3A_516 : vector<16xi32>
      %lt3A_518 = vector.broadcast %reduce_max3A_83 : i32 to vector<16xi32>
      %lt3A_519 = arith.cmpi slt, %add3A_509, %lt3A_518 : vector<16xi32>
      %lt3A_520 = arith.constant 56 : i32
      %lt3A_521 = vector.broadcast %lt3A_520 : i32 to vector<16xi32>
      %lt3A_522 = arith.cmpi ult, %sub3A_517, %lt3A_521 : vector<16xi32>
      %and3A_523 = arith.andi %lt3A_519, %lt3A_522 : vector<16xi1>
      %jit3A_524 = arith.constant 0 : i32
      %broadcast_in_dim3A_525 = vector.broadcast %jit3A_524 : i32 to vector<16xi32>
      %select_n3A_526 = arith.select %and3A_523, %sub3A_517, %broadcast_in_dim3A_525 : vector<16xi1>, vector<16xi32>
      %mul3A_527 = arith.constant 16 : i32
      %mul3A_528 = arith.muli %while3A_251, %mul3A_527 : i32
      %add3A_529 = arith.constant 11 : i32
      %add3A_530 = arith.addi %mul3A_528, %add3A_529 : i32
      %mul3A_531 = arith.constant 16 : i32
      %mul3A_532 = arith.muli %add3A_530, %mul3A_531 : i32
      %add3A_533 = vector.broadcast %mul3A_532 : i32 to vector<16xi32>
      %add3A_534 = arith.addi %iota3A, %add3A_533 : vector<16xi32>
      %get3A_535 = arith.index_cast %mul3A_532 : i32 to index
      %get3A_536 = tpu.vector_load %arg7[%get3A_535] {strides = array<i32>} : memref<8192xi32, #tpu.memory_space<vmem>>, vector<16xi32>,
      %get3A_537 = arith.index_cast %mul3A_532 : i32 to index
      %get3A_538 = tpu.vector_load %arg8[%get3A_537] {strides = array<i32>} : memref<8192xi32, #tpu.memory_space<vmem>>, vector<16xi32>,
      %get3A_539 = arith.index_cast %mul3A_532 : i32 to index
      %get3A_540 = tpu.vector_load %arg9[%get3A_539] {strides = array<i32>} : memref<8192xf32, #tpu.memory_space<vmem>>, vector<16xf32>,
      %sub3A_541 = vector.broadcast %add3A_189 : i32 to vector<16xi32>
      %sub3A_542 = arith.subi %get3A_536, %sub3A_541 : vector<16xi32>
      %lt3A_543 = vector.broadcast %reduce_max3A_83 : i32 to vector<16xi32>
      %lt3A_544 = arith.cmpi slt, %add3A_534, %lt3A_543 : vector<16xi32>
      %lt3A_545 = arith.constant 56 : i32
      %lt3A_546 = vector.broadcast %lt3A_545 : i32 to vector<16xi32>
      %lt3A_547 = arith.cmpi ult, %sub3A_542, %lt3A_546 : vector<16xi32>
      %and3A_548 = arith.andi %lt3A_544, %lt3A_547 : vector<16xi1>
      %jit3A_549 = arith.constant 0 : i32
      %broadcast_in_dim3A_550 = vector.broadcast %jit3A_549 : i32 to vector<16xi32>
      %select_n3A_551 = arith.select %and3A_548, %sub3A_542, %broadcast_in_dim3A_550 : vector<16xi1>, vector<16xi32>
      %mul3A_552 = arith.constant 16 : i32
      %mul3A_553 = arith.muli %while3A_251, %mul3A_552 : i32
      %add3A_554 = arith.constant 12 : i32
      %add3A_555 = arith.addi %mul3A_553, %add3A_554 : i32
      %mul3A_556 = arith.constant 16 : i32
      %mul3A_557 = arith.muli %add3A_555, %mul3A_556 : i32
      %add3A_558 = vector.broadcast %mul3A_557 : i32 to vector<16xi32>
      %add3A_559 = arith.addi %iota3A, %add3A_558 : vector<16xi32>
      %get3A_560 = arith.index_cast %mul3A_557 : i32 to index
      %get3A_561 = tpu.vector_load %arg7[%get3A_560] {strides = array<i32>} : memref<8192xi32, #tpu.memory_space<vmem>>, vector<16xi32>,
      %get3A_562 = arith.index_cast %mul3A_557 : i32 to index
      %get3A_563 = tpu.vector_load %arg8[%get3A_562] {strides = array<i32>} : memref<8192xi32, #tpu.memory_space<vmem>>, vector<16xi32>,
      %get3A_564 = arith.index_cast %mul3A_557 : i32 to index
      %get3A_565 = tpu.vector_load %arg9[%get3A_564] {strides = array<i32>} : memref<8192xf32, #tpu.memory_space<vmem>>, vector<16xf32>,
      %sub3A_566 = vector.broadcast %add3A_189 : i32 to vector<16xi32>
      %sub3A_567 = arith.subi %get3A_561, %sub3A_566 : vector<16xi32>
      %lt3A_568 = vector.broadcast %reduce_max3A_83 : i32 to vector<16xi32>
      %lt3A_569 = arith.cmpi slt, %add3A_559, %lt3A_568 : vector<16xi32>
      %lt3A_570 = arith.constant 56 : i32
      %lt3A_571 = vector.broadcast %lt3A_570 : i32 to vector<16xi32>
      %lt3A_572 = arith.cmpi ult, %sub3A_567, %lt3A_571 : vector<16xi32>
      %and3A_573 = arith.andi %lt3A_569, %lt3A_572 : vector<16xi1>
      %jit3A_574 = arith.constant 0 : i32
      %broadcast_in_dim3A_575 = vector.broadcast %jit3A_574 : i32 to vector<16xi32>
      %select_n3A_576 = arith.select %and3A_573, %sub3A_567, %broadcast_in_dim3A_575 : vector<16xi1>, vector<16xi32>
      %mul3A_577 = arith.constant 16 : i32
      %mul3A_578 = arith.muli %while3A_251, %mul3A_577 : i32
      %add3A_579 = arith.constant 13 : i32
      %add3A_580 = arith.addi %mul3A_578, %add3A_579 : i32
      %mul3A_581 = arith.constant 16 : i32
      %mul3A_582 = arith.muli %add3A_580, %mul3A_581 : i32
      %add3A_583 = vector.broadcast %mul3A_582 : i32 to vector<16xi32>
      %add3A_584 = arith.addi %iota3A, %add3A_583 : vector<16xi32>
      %get3A_585 = arith.index_cast %mul3A_582 : i32 to index
      %get3A_586 = tpu.vector_load %arg7[%get3A_585] {strides = array<i32>} : memref<8192xi32, #tpu.memory_space<vmem>>, vector<16xi32>,
      %get3A_587 = arith.index_cast %mul3A_582 : i32 to index
      %get3A_588 = tpu.vector_load %arg8[%get3A_587] {strides = array<i32>} : memref<8192xi32, #tpu.memory_space<vmem>>, vector<16xi32>,
      %get3A_589 = arith.index_cast %mul3A_582 : i32 to index
      %get3A_590 = tpu.vector_load %arg9[%get3A_589] {strides = array<i32>} : memref<8192xf32, #tpu.memory_space<vmem>>, vector<16xf32>,
      %sub3A_591 = vector.broadcast %add3A_189 : i32 to vector<16xi32>
      %sub3A_592 = arith.subi %get3A_586, %sub3A_591 : vector<16xi32>
      %lt3A_593 = vector.broadcast %reduce_max3A_83 : i32 to vector<16xi32>
      %lt3A_594 = arith.cmpi slt, %add3A_584, %lt3A_593 : vector<16xi32>
      %lt3A_595 = arith.constant 56 : i32
      %lt3A_596 = vector.broadcast %lt3A_595 : i32 to vector<16xi32>
      %lt3A_597 = arith.cmpi ult, %sub3A_592, %lt3A_596 : vector<16xi32>
      %and3A_598 = arith.andi %lt3A_594, %lt3A_597 : vector<16xi1>
      %jit3A_599 = arith.constant 0 : i32
      %broadcast_in_dim3A_600 = vector.broadcast %jit3A_599 : i32 to vector<16xi32>
      %select_n3A_601 = arith.select %and3A_598, %sub3A_592, %broadcast_in_dim3A_600 : vector<16xi1>, vector<16xi32>
      %mul3A_602 = arith.constant 16 : i32
      %mul3A_603 = arith.muli %while3A_251, %mul3A_602 : i32
      %add3A_604 = arith.constant 14 : i32
      %add3A_605 = arith.addi %mul3A_603, %add3A_604 : i32
      %mul3A_606 = arith.constant 16 : i32
      %mul3A_607 = arith.muli %add3A_605, %mul3A_606 : i32
      %add3A_608 = vector.broadcast %mul3A_607 : i32 to vector<16xi32>
      %add3A_609 = arith.addi %iota3A, %add3A_608 : vector<16xi32>
      %get3A_610 = arith.index_cast %mul3A_607 : i32 to index
      %get3A_611 = tpu.vector_load %arg7[%get3A_610] {strides = array<i32>} : memref<8192xi32, #tpu.memory_space<vmem>>, vector<16xi32>,
      %get3A_612 = arith.index_cast %mul3A_607 : i32 to index
      %get3A_613 = tpu.vector_load %arg8[%get3A_612] {strides = array<i32>} : memref<8192xi32, #tpu.memory_space<vmem>>, vector<16xi32>,
      %get3A_614 = arith.index_cast %mul3A_607 : i32 to index
      %get3A_615 = tpu.vector_load %arg9[%get3A_614] {strides = array<i32>} : memref<8192xf32, #tpu.memory_space<vmem>>, vector<16xf32>,
      %sub3A_616 = vector.broadcast %add3A_189 : i32 to vector<16xi32>
      %sub3A_617 = arith.subi %get3A_611, %sub3A_616 : vector<16xi32>
      %lt3A_618 = vector.broadcast %reduce_max3A_83 : i32 to vector<16xi32>
      %lt3A_619 = arith.cmpi slt, %add3A_609, %lt3A_618 : vector<16xi32>
      %lt3A_620 = arith.constant 56 : i32
      %lt3A_621 = vector.broadcast %lt3A_620 : i32 to vector<16xi32>
      %lt3A_622 = arith.cmpi ult, %sub3A_617, %lt3A_621 : vector<16xi32>
      %and3A_623 = arith.andi %lt3A_619, %lt3A_622 : vector<16xi1>
      %jit3A_624 = arith.constant 0 : i32
      %broadcast_in_dim3A_625 = vector.broadcast %jit3A_624 : i32 to vector<16xi32>
      %select_n3A_626 = arith.select %and3A_623, %sub3A_617, %broadcast_in_dim3A_625 : vector<16xi1>, vector<16xi32>
      %mul3A_627 = arith.constant 16 : i32
      %mul3A_628 = arith.muli %while3A_251, %mul3A_627 : i32
      %add3A_629 = arith.constant 15 : i32
      %add3A_630 = arith.addi %mul3A_628, %add3A_629 : i32
      %mul3A_631 = arith.constant 16 : i32
      %mul3A_632 = arith.muli %add3A_630, %mul3A_631 : i32
      %add3A_633 = vector.broadcast %mul3A_632 : i32 to vector<16xi32>
      %add3A_634 = arith.addi %iota3A, %add3A_633 : vector<16xi32>
      %get3A_635 = arith.index_cast %mul3A_632 : i32 to index
      %get3A_636 = tpu.vector_load %arg7[%get3A_635] {strides = array<i32>} : memref<8192xi32, #tpu.memory_space<vmem>>, vector<16xi32>,
      %get3A_637 = arith.index_cast %mul3A_632 : i32 to index
      %get3A_638 = tpu.vector_load %arg8[%get3A_637] {strides = array<i32>} : memref<8192xi32, #tpu.memory_space<vmem>>, vector<16xi32>,
      %get3A_639 = arith.index_cast %mul3A_632 : i32 to index
      %get3A_640 = tpu.vector_load %arg9[%get3A_639] {strides = array<i32>} : memref<8192xf32, #tpu.memory_space<vmem>>, vector<16xf32>,
      %sub3A_641 = vector.broadcast %add3A_189 : i32 to vector<16xi32>
      %sub3A_642 = arith.subi %get3A_636, %sub3A_641 : vector<16xi32>
      %lt3A_643 = vector.broadcast %reduce_max3A_83 : i32 to vector<16xi32>
      %lt3A_644 = arith.cmpi slt, %add3A_634, %lt3A_643 : vector<16xi32>
      %lt3A_645 = arith.constant 56 : i32
      %lt3A_646 = vector.broadcast %lt3A_645 : i32 to vector<16xi32>
      %lt3A_647 = arith.cmpi ult, %sub3A_642, %lt3A_646 : vector<16xi32>
      %and3A_648 = arith.andi %lt3A_644, %lt3A_647 : vector<16xi1>
      %jit3A_649 = arith.constant 0 : i32
      %broadcast_in_dim3A_650 = vector.broadcast %jit3A_649 : i32 to vector<16xi32>
      %select_n3A_651 = arith.select %and3A_648, %sub3A_642, %broadcast_in_dim3A_650 : vector<16xi1>, vector<16xi32>
      tpu.vector_store_idx %arg11[%select_n3A_276, %get3A_263], %get3A_265 masked %and3A_273 : memref<104x512xf32, #tpu.memory_space<vmem>>[vector<16xi32>, vector<16xi32>], vector<16xf32>, vector<16xi1>
      tpu.vector_store_idx %arg11[%select_n3A_301, %get3A_288], %get3A_290 masked %and3A_298 : memref<104x512xf32, #tpu.memory_space<vmem>>[vector<16xi32>, vector<16xi32>], vector<16xf32>, vector<16xi1>
      tpu.vector_store_idx %arg11[%select_n3A_326, %get3A_313], %get3A_315 masked %and3A_323 : memref<104x512xf32, #tpu.memory_space<vmem>>[vector<16xi32>, vector<16xi32>], vector<16xf32>, vector<16xi1>
      tpu.vector_store_idx %arg11[%select_n3A_351, %get3A_338], %get3A_340 masked %and3A_348 : memref<104x512xf32, #tpu.memory_space<vmem>>[vector<16xi32>, vector<16xi32>], vector<16xf32>, vector<16xi1>
      tpu.vector_store_idx %arg11[%select_n3A_376, %get3A_363], %get3A_365 masked %and3A_373 : memref<104x512xf32, #tpu.memory_space<vmem>>[vector<16xi32>, vector<16xi32>], vector<16xf32>, vector<16xi1>
      tpu.vector_store_idx %arg11[%select_n3A_401, %get3A_388], %get3A_390 masked %and3A_398 : memref<104x512xf32, #tpu.memory_space<vmem>>[vector<16xi32>, vector<16xi32>], vector<16xf32>, vector<16xi1>
      tpu.vector_store_idx %arg11[%select_n3A_426, %get3A_413], %get3A_415 masked %and3A_423 : memref<104x512xf32, #tpu.memory_space<vmem>>[vector<16xi32>, vector<16xi32>], vector<16xf32>, vector<16xi1>
      tpu.vector_store_idx %arg11[%select_n3A_451, %get3A_438], %get3A_440 masked %and3A_448 : memref<104x512xf32, #tpu.memory_space<vmem>>[vector<16xi32>, vector<16xi32>], vector<16xf32>, vector<16xi1>
      tpu.vector_store_idx %arg11[%select_n3A_476, %get3A_463], %get3A_465 masked %and3A_473 : memref<104x512xf32, #tpu.memory_space<vmem>>[vector<16xi32>, vector<16xi32>], vector<16xf32>, vector<16xi1>
      tpu.vector_store_idx %arg11[%select_n3A_501, %get3A_488], %get3A_490 masked %and3A_498 : memref<104x512xf32, #tpu.memory_space<vmem>>[vector<16xi32>, vector<16xi32>], vector<16xf32>, vector<16xi1>
      tpu.vector_store_idx %arg11[%select_n3A_526, %get3A_513], %get3A_515 masked %and3A_523 : memref<104x512xf32, #tpu.memory_space<vmem>>[vector<16xi32>, vector<16xi32>], vector<16xf32>, vector<16xi1>
      tpu.vector_store_idx %arg11[%select_n3A_551, %get3A_538], %get3A_540 masked %and3A_548 : memref<104x512xf32, #tpu.memory_space<vmem>>[vector<16xi32>, vector<16xi32>], vector<16xf32>, vector<16xi1>
      tpu.vector_store_idx %arg11[%select_n3A_576, %get3A_563], %get3A_565 masked %and3A_573 : memref<104x512xf32, #tpu.memory_space<vmem>>[vector<16xi32>, vector<16xi32>], vector<16xf32>, vector<16xi1>
      tpu.vector_store_idx %arg11[%select_n3A_601, %get3A_588], %get3A_590 masked %and3A_598 : memref<104x512xf32, #tpu.memory_space<vmem>>[vector<16xi32>, vector<16xi32>], vector<16xf32>, vector<16xi1>
      tpu.vector_store_idx %arg11[%select_n3A_626, %get3A_613], %get3A_615 masked %and3A_623 : memref<104x512xf32, #tpu.memory_space<vmem>>[vector<16xi32>, vector<16xi32>], vector<16xf32>, vector<16xi1>
      tpu.vector_store_idx %arg11[%select_n3A_651, %get3A_638], %get3A_640 masked %and3A_648 : memref<104x512xf32, #tpu.memory_space<vmem>>[vector<16xi32>, vector<16xi32>], vector<16xf32>, vector<16xi1>
    }
    %while3A_214 = arith.constant 1 : i32
    scf.for %while3A_251 = %while3A_212 to %while3A_208 step %while3A_214  : i32 {
      %mul3A_252 = arith.constant 16 : i32
      %mul3A_253 = arith.muli %while3A_251, %mul3A_252 : i32
      %add3A_254 = arith.constant 0 : i32
      %add3A_255 = arith.addi %mul3A_253, %add3A_254 : i32
      %mul3A_256 = arith.constant 16 : i32
      %mul3A_257 = arith.muli %add3A_255, %mul3A_256 : i32
      %add3A_258 = vector.broadcast %mul3A_257 : i32 to vector<16xi32>
      %add3A_259 = arith.addi %iota3A, %add3A_258 : vector<16xi32>
      %get3A_260 = arith.index_cast %mul3A_257 : i32 to index
      %get3A_261 = tpu.vector_load %arg7[%get3A_260] {strides = array<i32>} : memref<8192xi32, #tpu.memory_space<vmem>>, vector<16xi32>,
      %get3A_262 = arith.index_cast %mul3A_257 : i32 to index
      %get3A_263 = tpu.vector_load %arg8[%get3A_262] {strides = array<i32>} : memref<8192xi32, #tpu.memory_space<vmem>>, vector<16xi32>,
      %get3A_264 = arith.index_cast %mul3A_257 : i32 to index
      %get3A_265 = tpu.vector_load %arg9[%get3A_264] {strides = array<i32>} : memref<8192xf32, #tpu.memory_space<vmem>>, vector<16xf32>,
      %sub3A_266 = vector.broadcast %add3A_189 : i32 to vector<16xi32>
      %sub3A_267 = arith.subi %get3A_261, %sub3A_266 : vector<16xi32>
      %lt3A_268 = vector.broadcast %reduce_max3A_83 : i32 to vector<16xi32>
      %lt3A_269 = arith.cmpi slt, %add3A_259, %lt3A_268 : vector<16xi32>
      %lt3A_270 = arith.constant 56 : i32
      %lt3A_271 = vector.broadcast %lt3A_270 : i32 to vector<16xi32>
      %lt3A_272 = arith.cmpi ult, %sub3A_267, %lt3A_271 : vector<16xi32>
      %and3A_273 = arith.andi %lt3A_269, %lt3A_272 : vector<16xi1>
      %jit3A_274 = arith.constant 0 : i32
      %broadcast_in_dim3A_275 = vector.broadcast %jit3A_274 : i32 to vector<16xi32>
      %select_n3A_276 = arith.select %and3A_273, %sub3A_267, %broadcast_in_dim3A_275 : vector<16xi1>, vector<16xi32>
      %mul3A_277 = arith.constant 16 : i32
      %mul3A_278 = arith.muli %while3A_251, %mul3A_277 : i32
      %add3A_279 = arith.constant 1 : i32
      %add3A_280 = arith.addi %mul3A_278, %add3A_279 : i32
      %mul3A_281 = arith.constant 16 : i32
      %mul3A_282 = arith.muli %add3A_280, %mul3A_281 : i32
      %add3A_283 = vector.broadcast %mul3A_282 : i32 to vector<16xi32>
      %add3A_284 = arith.addi %iota3A, %add3A_283 : vector<16xi32>
      %get3A_285 = arith.index_cast %mul3A_282 : i32 to index
      %get3A_286 = tpu.vector_load %arg7[%get3A_285] {strides = array<i32>} : memref<8192xi32, #tpu.memory_space<vmem>>, vector<16xi32>,
      %get3A_287 = arith.index_cast %mul3A_282 : i32 to index
      %get3A_288 = tpu.vector_load %arg8[%get3A_287] {strides = array<i32>} : memref<8192xi32, #tpu.memory_space<vmem>>, vector<16xi32>,
      %get3A_289 = arith.index_cast %mul3A_282 : i32 to index
      %get3A_290 = tpu.vector_load %arg9[%get3A_289] {strides = array<i32>} : memref<8192xf32, #tpu.memory_space<vmem>>, vector<16xf32>,
      %sub3A_291 = vector.broadcast %add3A_189 : i32 to vector<16xi32>
      %sub3A_292 = arith.subi %get3A_286, %sub3A_291 : vector<16xi32>
      %lt3A_293 = vector.broadcast %reduce_max3A_83 : i32 to vector<16xi32>
      %lt3A_294 = arith.cmpi slt, %add3A_284, %lt3A_293 : vector<16xi32>
      %lt3A_295 = arith.constant 56 : i32
      %lt3A_296 = vector.broadcast %lt3A_295 : i32 to vector<16xi32>
      %lt3A_297 = arith.cmpi ult, %sub3A_292, %lt3A_296 : vector<16xi32>
      %and3A_298 = arith.andi %lt3A_294, %lt3A_297 : vector<16xi1>
      %jit3A_299 = arith.constant 0 : i32
      %broadcast_in_dim3A_300 = vector.broadcast %jit3A_299 : i32 to vector<16xi32>
      %select_n3A_301 = arith.select %and3A_298, %sub3A_292, %broadcast_in_dim3A_300 : vector<16xi1>, vector<16xi32>
      %mul3A_302 = arith.constant 16 : i32
      %mul3A_303 = arith.muli %while3A_251, %mul3A_302 : i32
      %add3A_304 = arith.constant 2 : i32
      %add3A_305 = arith.addi %mul3A_303, %add3A_304 : i32
      %mul3A_306 = arith.constant 16 : i32
      %mul3A_307 = arith.muli %add3A_305, %mul3A_306 : i32
      %add3A_308 = vector.broadcast %mul3A_307 : i32 to vector<16xi32>
      %add3A_309 = arith.addi %iota3A, %add3A_308 : vector<16xi32>
      %get3A_310 = arith.index_cast %mul3A_307 : i32 to index
      %get3A_311 = tpu.vector_load %arg7[%get3A_310] {strides = array<i32>} : memref<8192xi32, #tpu.memory_space<vmem>>, vector<16xi32>,
      %get3A_312 = arith.index_cast %mul3A_307 : i32 to index
      %get3A_313 = tpu.vector_load %arg8[%get3A_312] {strides = array<i32>} : memref<8192xi32, #tpu.memory_space<vmem>>, vector<16xi32>,
      %get3A_314 = arith.index_cast %mul3A_307 : i32 to index
      %get3A_315 = tpu.vector_load %arg9[%get3A_314] {strides = array<i32>} : memref<8192xf32, #tpu.memory_space<vmem>>, vector<16xf32>,
      %sub3A_316 = vector.broadcast %add3A_189 : i32 to vector<16xi32>
      %sub3A_317 = arith.subi %get3A_311, %sub3A_316 : vector<16xi32>
      %lt3A_318 = vector.broadcast %reduce_max3A_83 : i32 to vector<16xi32>
      %lt3A_319 = arith.cmpi slt, %add3A_309, %lt3A_318 : vector<16xi32>
      %lt3A_320 = arith.constant 56 : i32
      %lt3A_321 = vector.broadcast %lt3A_320 : i32 to vector<16xi32>
      %lt3A_322 = arith.cmpi ult, %sub3A_317, %lt3A_321 : vector<16xi32>
      %and3A_323 = arith.andi %lt3A_319, %lt3A_322 : vector<16xi1>
      %jit3A_324 = arith.constant 0 : i32
      %broadcast_in_dim3A_325 = vector.broadcast %jit3A_324 : i32 to vector<16xi32>
      %select_n3A_326 = arith.select %and3A_323, %sub3A_317, %broadcast_in_dim3A_325 : vector<16xi1>, vector<16xi32>
      %mul3A_327 = arith.constant 16 : i32
      %mul3A_328 = arith.muli %while3A_251, %mul3A_327 : i32
      %add3A_329 = arith.constant 3 : i32
      %add3A_330 = arith.addi %mul3A_328, %add3A_329 : i32
      %mul3A_331 = arith.constant 16 : i32
      %mul3A_332 = arith.muli %add3A_330, %mul3A_331 : i32
      %add3A_333 = vector.broadcast %mul3A_332 : i32 to vector<16xi32>
      %add3A_334 = arith.addi %iota3A, %add3A_333 : vector<16xi32>
      %get3A_335 = arith.index_cast %mul3A_332 : i32 to index
      %get3A_336 = tpu.vector_load %arg7[%get3A_335] {strides = array<i32>} : memref<8192xi32, #tpu.memory_space<vmem>>, vector<16xi32>,
      %get3A_337 = arith.index_cast %mul3A_332 : i32 to index
      %get3A_338 = tpu.vector_load %arg8[%get3A_337] {strides = array<i32>} : memref<8192xi32, #tpu.memory_space<vmem>>, vector<16xi32>,
      %get3A_339 = arith.index_cast %mul3A_332 : i32 to index
      %get3A_340 = tpu.vector_load %arg9[%get3A_339] {strides = array<i32>} : memref<8192xf32, #tpu.memory_space<vmem>>, vector<16xf32>,
      %sub3A_341 = vector.broadcast %add3A_189 : i32 to vector<16xi32>
      %sub3A_342 = arith.subi %get3A_336, %sub3A_341 : vector<16xi32>
      %lt3A_343 = vector.broadcast %reduce_max3A_83 : i32 to vector<16xi32>
      %lt3A_344 = arith.cmpi slt, %add3A_334, %lt3A_343 : vector<16xi32>
      %lt3A_345 = arith.constant 56 : i32
      %lt3A_346 = vector.broadcast %lt3A_345 : i32 to vector<16xi32>
      %lt3A_347 = arith.cmpi ult, %sub3A_342, %lt3A_346 : vector<16xi32>
      %and3A_348 = arith.andi %lt3A_344, %lt3A_347 : vector<16xi1>
      %jit3A_349 = arith.constant 0 : i32
      %broadcast_in_dim3A_350 = vector.broadcast %jit3A_349 : i32 to vector<16xi32>
      %select_n3A_351 = arith.select %and3A_348, %sub3A_342, %broadcast_in_dim3A_350 : vector<16xi1>, vector<16xi32>
      %mul3A_352 = arith.constant 16 : i32
      %mul3A_353 = arith.muli %while3A_251, %mul3A_352 : i32
      %add3A_354 = arith.constant 4 : i32
      %add3A_355 = arith.addi %mul3A_353, %add3A_354 : i32
      %mul3A_356 = arith.constant 16 : i32
      %mul3A_357 = arith.muli %add3A_355, %mul3A_356 : i32
      %add3A_358 = vector.broadcast %mul3A_357 : i32 to vector<16xi32>
      %add3A_359 = arith.addi %iota3A, %add3A_358 : vector<16xi32>
      %get3A_360 = arith.index_cast %mul3A_357 : i32 to index
      %get3A_361 = tpu.vector_load %arg7[%get3A_360] {strides = array<i32>} : memref<8192xi32, #tpu.memory_space<vmem>>, vector<16xi32>,
      %get3A_362 = arith.index_cast %mul3A_357 : i32 to index
      %get3A_363 = tpu.vector_load %arg8[%get3A_362] {strides = array<i32>} : memref<8192xi32, #tpu.memory_space<vmem>>, vector<16xi32>,
      %get3A_364 = arith.index_cast %mul3A_357 : i32 to index
      %get3A_365 = tpu.vector_load %arg9[%get3A_364] {strides = array<i32>} : memref<8192xf32, #tpu.memory_space<vmem>>, vector<16xf32>,
      %sub3A_366 = vector.broadcast %add3A_189 : i32 to vector<16xi32>
      %sub3A_367 = arith.subi %get3A_361, %sub3A_366 : vector<16xi32>
      %lt3A_368 = vector.broadcast %reduce_max3A_83 : i32 to vector<16xi32>
      %lt3A_369 = arith.cmpi slt, %add3A_359, %lt3A_368 : vector<16xi32>
      %lt3A_370 = arith.constant 56 : i32
      %lt3A_371 = vector.broadcast %lt3A_370 : i32 to vector<16xi32>
      %lt3A_372 = arith.cmpi ult, %sub3A_367, %lt3A_371 : vector<16xi32>
      %and3A_373 = arith.andi %lt3A_369, %lt3A_372 : vector<16xi1>
      %jit3A_374 = arith.constant 0 : i32
      %broadcast_in_dim3A_375 = vector.broadcast %jit3A_374 : i32 to vector<16xi32>
      %select_n3A_376 = arith.select %and3A_373, %sub3A_367, %broadcast_in_dim3A_375 : vector<16xi1>, vector<16xi32>
      %mul3A_377 = arith.constant 16 : i32
      %mul3A_378 = arith.muli %while3A_251, %mul3A_377 : i32
      %add3A_379 = arith.constant 5 : i32
      %add3A_380 = arith.addi %mul3A_378, %add3A_379 : i32
      %mul3A_381 = arith.constant 16 : i32
      %mul3A_382 = arith.muli %add3A_380, %mul3A_381 : i32
      %add3A_383 = vector.broadcast %mul3A_382 : i32 to vector<16xi32>
      %add3A_384 = arith.addi %iota3A, %add3A_383 : vector<16xi32>
      %get3A_385 = arith.index_cast %mul3A_382 : i32 to index
      %get3A_386 = tpu.vector_load %arg7[%get3A_385] {strides = array<i32>} : memref<8192xi32, #tpu.memory_space<vmem>>, vector<16xi32>,
      %get3A_387 = arith.index_cast %mul3A_382 : i32 to index
      %get3A_388 = tpu.vector_load %arg8[%get3A_387] {strides = array<i32>} : memref<8192xi32, #tpu.memory_space<vmem>>, vector<16xi32>,
      %get3A_389 = arith.index_cast %mul3A_382 : i32 to index
      %get3A_390 = tpu.vector_load %arg9[%get3A_389] {strides = array<i32>} : memref<8192xf32, #tpu.memory_space<vmem>>, vector<16xf32>,
      %sub3A_391 = vector.broadcast %add3A_189 : i32 to vector<16xi32>
      %sub3A_392 = arith.subi %get3A_386, %sub3A_391 : vector<16xi32>
      %lt3A_393 = vector.broadcast %reduce_max3A_83 : i32 to vector<16xi32>
      %lt3A_394 = arith.cmpi slt, %add3A_384, %lt3A_393 : vector<16xi32>
      %lt3A_395 = arith.constant 56 : i32
      %lt3A_396 = vector.broadcast %lt3A_395 : i32 to vector<16xi32>
      %lt3A_397 = arith.cmpi ult, %sub3A_392, %lt3A_396 : vector<16xi32>
      %and3A_398 = arith.andi %lt3A_394, %lt3A_397 : vector<16xi1>
      %jit3A_399 = arith.constant 0 : i32
      %broadcast_in_dim3A_400 = vector.broadcast %jit3A_399 : i32 to vector<16xi32>
      %select_n3A_401 = arith.select %and3A_398, %sub3A_392, %broadcast_in_dim3A_400 : vector<16xi1>, vector<16xi32>
      %mul3A_402 = arith.constant 16 : i32
      %mul3A_403 = arith.muli %while3A_251, %mul3A_402 : i32
      %add3A_404 = arith.constant 6 : i32
      %add3A_405 = arith.addi %mul3A_403, %add3A_404 : i32
      %mul3A_406 = arith.constant 16 : i32
      %mul3A_407 = arith.muli %add3A_405, %mul3A_406 : i32
      %add3A_408 = vector.broadcast %mul3A_407 : i32 to vector<16xi32>
      %add3A_409 = arith.addi %iota3A, %add3A_408 : vector<16xi32>
      %get3A_410 = arith.index_cast %mul3A_407 : i32 to index
      %get3A_411 = tpu.vector_load %arg7[%get3A_410] {strides = array<i32>} : memref<8192xi32, #tpu.memory_space<vmem>>, vector<16xi32>,
      %get3A_412 = arith.index_cast %mul3A_407 : i32 to index
      %get3A_413 = tpu.vector_load %arg8[%get3A_412] {strides = array<i32>} : memref<8192xi32, #tpu.memory_space<vmem>>, vector<16xi32>,
      %get3A_414 = arith.index_cast %mul3A_407 : i32 to index
      %get3A_415 = tpu.vector_load %arg9[%get3A_414] {strides = array<i32>} : memref<8192xf32, #tpu.memory_space<vmem>>, vector<16xf32>,
      %sub3A_416 = vector.broadcast %add3A_189 : i32 to vector<16xi32>
      %sub3A_417 = arith.subi %get3A_411, %sub3A_416 : vector<16xi32>
      %lt3A_418 = vector.broadcast %reduce_max3A_83 : i32 to vector<16xi32>
      %lt3A_419 = arith.cmpi slt, %add3A_409, %lt3A_418 : vector<16xi32>
      %lt3A_420 = arith.constant 56 : i32
      %lt3A_421 = vector.broadcast %lt3A_420 : i32 to vector<16xi32>
      %lt3A_422 = arith.cmpi ult, %sub3A_417, %lt3A_421 : vector<16xi32>
      %and3A_423 = arith.andi %lt3A_419, %lt3A_422 : vector<16xi1>
      %jit3A_424 = arith.constant 0 : i32
      %broadcast_in_dim3A_425 = vector.broadcast %jit3A_424 : i32 to vector<16xi32>
      %select_n3A_426 = arith.select %and3A_423, %sub3A_417, %broadcast_in_dim3A_425 : vector<16xi1>, vector<16xi32>
      %mul3A_427 = arith.constant 16 : i32
      %mul3A_428 = arith.muli %while3A_251, %mul3A_427 : i32
      %add3A_429 = arith.constant 7 : i32
      %add3A_430 = arith.addi %mul3A_428, %add3A_429 : i32
      %mul3A_431 = arith.constant 16 : i32
      %mul3A_432 = arith.muli %add3A_430, %mul3A_431 : i32
      %add3A_433 = vector.broadcast %mul3A_432 : i32 to vector<16xi32>
      %add3A_434 = arith.addi %iota3A, %add3A_433 : vector<16xi32>
      %get3A_435 = arith.index_cast %mul3A_432 : i32 to index
      %get3A_436 = tpu.vector_load %arg7[%get3A_435] {strides = array<i32>} : memref<8192xi32, #tpu.memory_space<vmem>>, vector<16xi32>,
      %get3A_437 = arith.index_cast %mul3A_432 : i32 to index
      %get3A_438 = tpu.vector_load %arg8[%get3A_437] {strides = array<i32>} : memref<8192xi32, #tpu.memory_space<vmem>>, vector<16xi32>,
      %get3A_439 = arith.index_cast %mul3A_432 : i32 to index
      %get3A_440 = tpu.vector_load %arg9[%get3A_439] {strides = array<i32>} : memref<8192xf32, #tpu.memory_space<vmem>>, vector<16xf32>,
      %sub3A_441 = vector.broadcast %add3A_189 : i32 to vector<16xi32>
      %sub3A_442 = arith.subi %get3A_436, %sub3A_441 : vector<16xi32>
      %lt3A_443 = vector.broadcast %reduce_max3A_83 : i32 to vector<16xi32>
      %lt3A_444 = arith.cmpi slt, %add3A_434, %lt3A_443 : vector<16xi32>
      %lt3A_445 = arith.constant 56 : i32
      %lt3A_446 = vector.broadcast %lt3A_445 : i32 to vector<16xi32>
      %lt3A_447 = arith.cmpi ult, %sub3A_442, %lt3A_446 : vector<16xi32>
      %and3A_448 = arith.andi %lt3A_444, %lt3A_447 : vector<16xi1>
      %jit3A_449 = arith.constant 0 : i32
      %broadcast_in_dim3A_450 = vector.broadcast %jit3A_449 : i32 to vector<16xi32>
      %select_n3A_451 = arith.select %and3A_448, %sub3A_442, %broadcast_in_dim3A_450 : vector<16xi1>, vector<16xi32>
      %mul3A_452 = arith.constant 16 : i32
      %mul3A_453 = arith.muli %while3A_251, %mul3A_452 : i32
      %add3A_454 = arith.constant 8 : i32
      %add3A_455 = arith.addi %mul3A_453, %add3A_454 : i32
      %mul3A_456 = arith.constant 16 : i32
      %mul3A_457 = arith.muli %add3A_455, %mul3A_456 : i32
      %add3A_458 = vector.broadcast %mul3A_457 : i32 to vector<16xi32>
      %add3A_459 = arith.addi %iota3A, %add3A_458 : vector<16xi32>
      %get3A_460 = arith.index_cast %mul3A_457 : i32 to index
      %get3A_461 = tpu.vector_load %arg7[%get3A_460] {strides = array<i32>} : memref<8192xi32, #tpu.memory_space<vmem>>, vector<16xi32>,
      %get3A_462 = arith.index_cast %mul3A_457 : i32 to index
      %get3A_463 = tpu.vector_load %arg8[%get3A_462] {strides = array<i32>} : memref<8192xi32, #tpu.memory_space<vmem>>, vector<16xi32>,
      %get3A_464 = arith.index_cast %mul3A_457 : i32 to index
      %get3A_465 = tpu.vector_load %arg9[%get3A_464] {strides = array<i32>} : memref<8192xf32, #tpu.memory_space<vmem>>, vector<16xf32>,
      %sub3A_466 = vector.broadcast %add3A_189 : i32 to vector<16xi32>
      %sub3A_467 = arith.subi %get3A_461, %sub3A_466 : vector<16xi32>
      %lt3A_468 = vector.broadcast %reduce_max3A_83 : i32 to vector<16xi32>
      %lt3A_469 = arith.cmpi slt, %add3A_459, %lt3A_468 : vector<16xi32>
      %lt3A_470 = arith.constant 56 : i32
      %lt3A_471 = vector.broadcast %lt3A_470 : i32 to vector<16xi32>
      %lt3A_472 = arith.cmpi ult, %sub3A_467, %lt3A_471 : vector<16xi32>
      %and3A_473 = arith.andi %lt3A_469, %lt3A_472 : vector<16xi1>
      %jit3A_474 = arith.constant 0 : i32
      %broadcast_in_dim3A_475 = vector.broadcast %jit3A_474 : i32 to vector<16xi32>
      %select_n3A_476 = arith.select %and3A_473, %sub3A_467, %broadcast_in_dim3A_475 : vector<16xi1>, vector<16xi32>
      %mul3A_477 = arith.constant 16 : i32
      %mul3A_478 = arith.muli %while3A_251, %mul3A_477 : i32
      %add3A_479 = arith.constant 9 : i32
      %add3A_480 = arith.addi %mul3A_478, %add3A_479 : i32
      %mul3A_481 = arith.constant 16 : i32
      %mul3A_482 = arith.muli %add3A_480, %mul3A_481 : i32
      %add3A_483 = vector.broadcast %mul3A_482 : i32 to vector<16xi32>
      %add3A_484 = arith.addi %iota3A, %add3A_483 : vector<16xi32>
      %get3A_485 = arith.index_cast %mul3A_482 : i32 to index
      %get3A_486 = tpu.vector_load %arg7[%get3A_485] {strides = array<i32>} : memref<8192xi32, #tpu.memory_space<vmem>>, vector<16xi32>,
      %get3A_487 = arith.index_cast %mul3A_482 : i32 to index
      %get3A_488 = tpu.vector_load %arg8[%get3A_487] {strides = array<i32>} : memref<8192xi32, #tpu.memory_space<vmem>>, vector<16xi32>,
      %get3A_489 = arith.index_cast %mul3A_482 : i32 to index
      %get3A_490 = tpu.vector_load %arg9[%get3A_489] {strides = array<i32>} : memref<8192xf32, #tpu.memory_space<vmem>>, vector<16xf32>,
      %sub3A_491 = vector.broadcast %add3A_189 : i32 to vector<16xi32>
      %sub3A_492 = arith.subi %get3A_486, %sub3A_491 : vector<16xi32>
      %lt3A_493 = vector.broadcast %reduce_max3A_83 : i32 to vector<16xi32>
      %lt3A_494 = arith.cmpi slt, %add3A_484, %lt3A_493 : vector<16xi32>
      %lt3A_495 = arith.constant 56 : i32
      %lt3A_496 = vector.broadcast %lt3A_495 : i32 to vector<16xi32>
      %lt3A_497 = arith.cmpi ult, %sub3A_492, %lt3A_496 : vector<16xi32>
      %and3A_498 = arith.andi %lt3A_494, %lt3A_497 : vector<16xi1>
      %jit3A_499 = arith.constant 0 : i32
      %broadcast_in_dim3A_500 = vector.broadcast %jit3A_499 : i32 to vector<16xi32>
      %select_n3A_501 = arith.select %and3A_498, %sub3A_492, %broadcast_in_dim3A_500 : vector<16xi1>, vector<16xi32>
      %mul3A_502 = arith.constant 16 : i32
      %mul3A_503 = arith.muli %while3A_251, %mul3A_502 : i32
      %add3A_504 = arith.constant 10 : i32
      %add3A_505 = arith.addi %mul3A_503, %add3A_504 : i32
      %mul3A_506 = arith.constant 16 : i32
      %mul3A_507 = arith.muli %add3A_505, %mul3A_506 : i32
      %add3A_508 = vector.broadcast %mul3A_507 : i32 to vector<16xi32>
      %add3A_509 = arith.addi %iota3A, %add3A_508 : vector<16xi32>
      %get3A_510 = arith.index_cast %mul3A_507 : i32 to index
      %get3A_511 = tpu.vector_load %arg7[%get3A_510] {strides = array<i32>} : memref<8192xi32, #tpu.memory_space<vmem>>, vector<16xi32>,
      %get3A_512 = arith.index_cast %mul3A_507 : i32 to index
      %get3A_513 = tpu.vector_load %arg8[%get3A_512] {strides = array<i32>} : memref<8192xi32, #tpu.memory_space<vmem>>, vector<16xi32>,
      %get3A_514 = arith.index_cast %mul3A_507 : i32 to index
      %get3A_515 = tpu.vector_load %arg9[%get3A_514] {strides = array<i32>} : memref<8192xf32, #tpu.memory_space<vmem>>, vector<16xf32>,
      %sub3A_516 = vector.broadcast %add3A_189 : i32 to vector<16xi32>
      %sub3A_517 = arith.subi %get3A_511, %sub3A_516 : vector<16xi32>
      %lt3A_518 = vector.broadcast %reduce_max3A_83 : i32 to vector<16xi32>
      %lt3A_519 = arith.cmpi slt, %add3A_509, %lt3A_518 : vector<16xi32>
      %lt3A_520 = arith.constant 56 : i32
      %lt3A_521 = vector.broadcast %lt3A_520 : i32 to vector<16xi32>
      %lt3A_522 = arith.cmpi ult, %sub3A_517, %lt3A_521 : vector<16xi32>
      %and3A_523 = arith.andi %lt3A_519, %lt3A_522 : vector<16xi1>
      %jit3A_524 = arith.constant 0 : i32
      %broadcast_in_dim3A_525 = vector.broadcast %jit3A_524 : i32 to vector<16xi32>
      %select_n3A_526 = arith.select %and3A_523, %sub3A_517, %broadcast_in_dim3A_525 : vector<16xi1>, vector<16xi32>
      %mul3A_527 = arith.constant 16 : i32
      %mul3A_528 = arith.muli %while3A_251, %mul3A_527 : i32
      %add3A_529 = arith.constant 11 : i32
      %add3A_530 = arith.addi %mul3A_528, %add3A_529 : i32
      %mul3A_531 = arith.constant 16 : i32
      %mul3A_532 = arith.muli %add3A_530, %mul3A_531 : i32
      %add3A_533 = vector.broadcast %mul3A_532 : i32 to vector<16xi32>
      %add3A_534 = arith.addi %iota3A, %add3A_533 : vector<16xi32>
      %get3A_535 = arith.index_cast %mul3A_532 : i32 to index
      %get3A_536 = tpu.vector_load %arg7[%get3A_535] {strides = array<i32>} : memref<8192xi32, #tpu.memory_space<vmem>>, vector<16xi32>,
      %get3A_537 = arith.index_cast %mul3A_532 : i32 to index
      %get3A_538 = tpu.vector_load %arg8[%get3A_537] {strides = array<i32>} : memref<8192xi32, #tpu.memory_space<vmem>>, vector<16xi32>,
      %get3A_539 = arith.index_cast %mul3A_532 : i32 to index
      %get3A_540 = tpu.vector_load %arg9[%get3A_539] {strides = array<i32>} : memref<8192xf32, #tpu.memory_space<vmem>>, vector<16xf32>,
      %sub3A_541 = vector.broadcast %add3A_189 : i32 to vector<16xi32>
      %sub3A_542 = arith.subi %get3A_536, %sub3A_541 : vector<16xi32>
      %lt3A_543 = vector.broadcast %reduce_max3A_83 : i32 to vector<16xi32>
      %lt3A_544 = arith.cmpi slt, %add3A_534, %lt3A_543 : vector<16xi32>
      %lt3A_545 = arith.constant 56 : i32
      %lt3A_546 = vector.broadcast %lt3A_545 : i32 to vector<16xi32>
      %lt3A_547 = arith.cmpi ult, %sub3A_542, %lt3A_546 : vector<16xi32>
      %and3A_548 = arith.andi %lt3A_544, %lt3A_547 : vector<16xi1>
      %jit3A_549 = arith.constant 0 : i32
      %broadcast_in_dim3A_550 = vector.broadcast %jit3A_549 : i32 to vector<16xi32>
      %select_n3A_551 = arith.select %and3A_548, %sub3A_542, %broadcast_in_dim3A_550 : vector<16xi1>, vector<16xi32>
      %mul3A_552 = arith.constant 16 : i32
      %mul3A_553 = arith.muli %while3A_251, %mul3A_552 : i32
      %add3A_554 = arith.constant 12 : i32
      %add3A_555 = arith.addi %mul3A_553, %add3A_554 : i32
      %mul3A_556 = arith.constant 16 : i32
      %mul3A_557 = arith.muli %add3A_555, %mul3A_556 : i32
      %add3A_558 = vector.broadcast %mul3A_557 : i32 to vector<16xi32>
      %add3A_559 = arith.addi %iota3A, %add3A_558 : vector<16xi32>
      %get3A_560 = arith.index_cast %mul3A_557 : i32 to index
      %get3A_561 = tpu.vector_load %arg7[%get3A_560] {strides = array<i32>} : memref<8192xi32, #tpu.memory_space<vmem>>, vector<16xi32>,
      %get3A_562 = arith.index_cast %mul3A_557 : i32 to index
      %get3A_563 = tpu.vector_load %arg8[%get3A_562] {strides = array<i32>} : memref<8192xi32, #tpu.memory_space<vmem>>, vector<16xi32>,
      %get3A_564 = arith.index_cast %mul3A_557 : i32 to index
      %get3A_565 = tpu.vector_load %arg9[%get3A_564] {strides = array<i32>} : memref<8192xf32, #tpu.memory_space<vmem>>, vector<16xf32>,
      %sub3A_566 = vector.broadcast %add3A_189 : i32 to vector<16xi32>
      %sub3A_567 = arith.subi %get3A_561, %sub3A_566 : vector<16xi32>
      %lt3A_568 = vector.broadcast %reduce_max3A_83 : i32 to vector<16xi32>
      %lt3A_569 = arith.cmpi slt, %add3A_559, %lt3A_568 : vector<16xi32>
      %lt3A_570 = arith.constant 56 : i32
      %lt3A_571 = vector.broadcast %lt3A_570 : i32 to vector<16xi32>
      %lt3A_572 = arith.cmpi ult, %sub3A_567, %lt3A_571 : vector<16xi32>
      %and3A_573 = arith.andi %lt3A_569, %lt3A_572 : vector<16xi1>
      %jit3A_574 = arith.constant 0 : i32
      %broadcast_in_dim3A_575 = vector.broadcast %jit3A_574 : i32 to vector<16xi32>
      %select_n3A_576 = arith.select %and3A_573, %sub3A_567, %broadcast_in_dim3A_575 : vector<16xi1>, vector<16xi32>
      %mul3A_577 = arith.constant 16 : i32
      %mul3A_578 = arith.muli %while3A_251, %mul3A_577 : i32
      %add3A_579 = arith.constant 13 : i32
      %add3A_580 = arith.addi %mul3A_578, %add3A_579 : i32
      %mul3A_581 = arith.constant 16 : i32
      %mul3A_582 = arith.muli %add3A_580, %mul3A_581 : i32
      %add3A_583 = vector.broadcast %mul3A_582 : i32 to vector<16xi32>
      %add3A_584 = arith.addi %iota3A, %add3A_583 : vector<16xi32>
      %get3A_585 = arith.index_cast %mul3A_582 : i32 to index
      %get3A_586 = tpu.vector_load %arg7[%get3A_585] {strides = array<i32>} : memref<8192xi32, #tpu.memory_space<vmem>>, vector<16xi32>,
      %get3A_587 = arith.index_cast %mul3A_582 : i32 to index
      %get3A_588 = tpu.vector_load %arg8[%get3A_587] {strides = array<i32>} : memref<8192xi32, #tpu.memory_space<vmem>>, vector<16xi32>,
      %get3A_589 = arith.index_cast %mul3A_582 : i32 to index
      %get3A_590 = tpu.vector_load %arg9[%get3A_589] {strides = array<i32>} : memref<8192xf32, #tpu.memory_space<vmem>>, vector<16xf32>,
      %sub3A_591 = vector.broadcast %add3A_189 : i32 to vector<16xi32>
      %sub3A_592 = arith.subi %get3A_586, %sub3A_591 : vector<16xi32>
      %lt3A_593 = vector.broadcast %reduce_max3A_83 : i32 to vector<16xi32>
      %lt3A_594 = arith.cmpi slt, %add3A_584, %lt3A_593 : vector<16xi32>
      %lt3A_595 = arith.constant 56 : i32
      %lt3A_596 = vector.broadcast %lt3A_595 : i32 to vector<16xi32>
      %lt3A_597 = arith.cmpi ult, %sub3A_592, %lt3A_596 : vector<16xi32>
      %and3A_598 = arith.andi %lt3A_594, %lt3A_597 : vector<16xi1>
      %jit3A_599 = arith.constant 0 : i32
      %broadcast_in_dim3A_600 = vector.broadcast %jit3A_599 : i32 to vector<16xi32>
      %select_n3A_601 = arith.select %and3A_598, %sub3A_592, %broadcast_in_dim3A_600 : vector<16xi1>, vector<16xi32>
      %mul3A_602 = arith.constant 16 : i32
      %mul3A_603 = arith.muli %while3A_251, %mul3A_602 : i32
      %add3A_604 = arith.constant 14 : i32
      %add3A_605 = arith.addi %mul3A_603, %add3A_604 : i32
      %mul3A_606 = arith.constant 16 : i32
      %mul3A_607 = arith.muli %add3A_605, %mul3A_606 : i32
      %add3A_608 = vector.broadcast %mul3A_607 : i32 to vector<16xi32>
      %add3A_609 = arith.addi %iota3A, %add3A_608 : vector<16xi32>
      %get3A_610 = arith.index_cast %mul3A_607 : i32 to index
      %get3A_611 = tpu.vector_load %arg7[%get3A_610] {strides = array<i32>} : memref<8192xi32, #tpu.memory_space<vmem>>, vector<16xi32>,
      %get3A_612 = arith.index_cast %mul3A_607 : i32 to index
      %get3A_613 = tpu.vector_load %arg8[%get3A_612] {strides = array<i32>} : memref<8192xi32, #tpu.memory_space<vmem>>, vector<16xi32>,
      %get3A_614 = arith.index_cast %mul3A_607 : i32 to index
      %get3A_615 = tpu.vector_load %arg9[%get3A_614] {strides = array<i32>} : memref<8192xf32, #tpu.memory_space<vmem>>, vector<16xf32>,
      %sub3A_616 = vector.broadcast %add3A_189 : i32 to vector<16xi32>
      %sub3A_617 = arith.subi %get3A_611, %sub3A_616 : vector<16xi32>
      %lt3A_618 = vector.broadcast %reduce_max3A_83 : i32 to vector<16xi32>
      %lt3A_619 = arith.cmpi slt, %add3A_609, %lt3A_618 : vector<16xi32>
      %lt3A_620 = arith.constant 56 : i32
      %lt3A_621 = vector.broadcast %lt3A_620 : i32 to vector<16xi32>
      %lt3A_622 = arith.cmpi ult, %sub3A_617, %lt3A_621 : vector<16xi32>
      %and3A_623 = arith.andi %lt3A_619, %lt3A_622 : vector<16xi1>
      %jit3A_624 = arith.constant 0 : i32
      %broadcast_in_dim3A_625 = vector.broadcast %jit3A_624 : i32 to vector<16xi32>
      %select_n3A_626 = arith.select %and3A_623, %sub3A_617, %broadcast_in_dim3A_625 : vector<16xi1>, vector<16xi32>
      %mul3A_627 = arith.constant 16 : i32
      %mul3A_628 = arith.muli %while3A_251, %mul3A_627 : i32
      %add3A_629 = arith.constant 15 : i32
      %add3A_630 = arith.addi %mul3A_628, %add3A_629 : i32
      %mul3A_631 = arith.constant 16 : i32
      %mul3A_632 = arith.muli %add3A_630, %mul3A_631 : i32
      %add3A_633 = vector.broadcast %mul3A_632 : i32 to vector<16xi32>
      %add3A_634 = arith.addi %iota3A, %add3A_633 : vector<16xi32>
      %get3A_635 = arith.index_cast %mul3A_632 : i32 to index
      %get3A_636 = tpu.vector_load %arg7[%get3A_635] {strides = array<i32>} : memref<8192xi32, #tpu.memory_space<vmem>>, vector<16xi32>,
      %get3A_637 = arith.index_cast %mul3A_632 : i32 to index
      %get3A_638 = tpu.vector_load %arg8[%get3A_637] {strides = array<i32>} : memref<8192xi32, #tpu.memory_space<vmem>>, vector<16xi32>,
      %get3A_639 = arith.index_cast %mul3A_632 : i32 to index
      %get3A_640 = tpu.vector_load %arg9[%get3A_639] {strides = array<i32>} : memref<8192xf32, #tpu.memory_space<vmem>>, vector<16xf32>,
      %sub3A_641 = vector.broadcast %add3A_189 : i32 to vector<16xi32>
      %sub3A_642 = arith.subi %get3A_636, %sub3A_641 : vector<16xi32>
      %lt3A_643 = vector.broadcast %reduce_max3A_83 : i32 to vector<16xi32>
      %lt3A_644 = arith.cmpi slt, %add3A_634, %lt3A_643 : vector<16xi32>
      %lt3A_645 = arith.constant 56 : i32
      %lt3A_646 = vector.broadcast %lt3A_645 : i32 to vector<16xi32>
      %lt3A_647 = arith.cmpi ult, %sub3A_642, %lt3A_646 : vector<16xi32>
      %and3A_648 = arith.andi %lt3A_644, %lt3A_647 : vector<16xi1>
      %jit3A_649 = arith.constant 0 : i32
      %broadcast_in_dim3A_650 = vector.broadcast %jit3A_649 : i32 to vector<16xi32>
      %select_n3A_651 = arith.select %and3A_648, %sub3A_642, %broadcast_in_dim3A_650 : vector<16xi1>, vector<16xi32>
      tpu.vector_store_idx %arg11[%select_n3A_276, %get3A_263], %get3A_265 masked %and3A_273 : memref<104x512xf32, #tpu.memory_space<vmem>>[vector<16xi32>, vector<16xi32>], vector<16xf32>, vector<16xi1>
      tpu.vector_store_idx %arg11[%select_n3A_301, %get3A_288], %get3A_290 masked %and3A_298 : memref<104x512xf32, #tpu.memory_space<vmem>>[vector<16xi32>, vector<16xi32>], vector<16xf32>, vector<16xi1>
      tpu.vector_store_idx %arg11[%select_n3A_326, %get3A_313], %get3A_315 masked %and3A_323 : memref<104x512xf32, #tpu.memory_space<vmem>>[vector<16xi32>, vector<16xi32>], vector<16xf32>, vector<16xi1>
      tpu.vector_store_idx %arg11[%select_n3A_351, %get3A_338], %get3A_340 masked %and3A_348 : memref<104x512xf32, #tpu.memory_space<vmem>>[vector<16xi32>, vector<16xi32>], vector<16xf32>, vector<16xi1>
      tpu.vector_store_idx %arg11[%select_n3A_376, %get3A_363], %get3A_365 masked %and3A_373 : memref<104x512xf32, #tpu.memory_space<vmem>>[vector<16xi32>, vector<16xi32>], vector<16xf32>, vector<16xi1>
      tpu.vector_store_idx %arg11[%select_n3A_401, %get3A_388], %get3A_390 masked %and3A_398 : memref<104x512xf32, #tpu.memory_space<vmem>>[vector<16xi32>, vector<16xi32>], vector<16xf32>, vector<16xi1>
      tpu.vector_store_idx %arg11[%select_n3A_426, %get3A_413], %get3A_415 masked %and3A_423 : memref<104x512xf32, #tpu.memory_space<vmem>>[vector<16xi32>, vector<16xi32>], vector<16xf32>, vector<16xi1>
      tpu.vector_store_idx %arg11[%select_n3A_451, %get3A_438], %get3A_440 masked %and3A_448 : memref<104x512xf32, #tpu.memory_space<vmem>>[vector<16xi32>, vector<16xi32>], vector<16xf32>, vector<16xi1>
      tpu.vector_store_idx %arg11[%select_n3A_476, %get3A_463], %get3A_465 masked %and3A_473 : memref<104x512xf32, #tpu.memory_space<vmem>>[vector<16xi32>, vector<16xi32>], vector<16xf32>, vector<16xi1>
      tpu.vector_store_idx %arg11[%select_n3A_501, %get3A_488], %get3A_490 masked %and3A_498 : memref<104x512xf32, #tpu.memory_space<vmem>>[vector<16xi32>, vector<16xi32>], vector<16xf32>, vector<16xi1>
      tpu.vector_store_idx %arg11[%select_n3A_526, %get3A_513], %get3A_515 masked %and3A_523 : memref<104x512xf32, #tpu.memory_space<vmem>>[vector<16xi32>, vector<16xi32>], vector<16xf32>, vector<16xi1>
      tpu.vector_store_idx %arg11[%select_n3A_551, %get3A_538], %get3A_540 masked %and3A_548 : memref<104x512xf32, #tpu.memory_space<vmem>>[vector<16xi32>, vector<16xi32>], vector<16xf32>, vector<16xi1>
      tpu.vector_store_idx %arg11[%select_n3A_576, %get3A_563], %get3A_565 masked %and3A_573 : memref<104x512xf32, #tpu.memory_space<vmem>>[vector<16xi32>, vector<16xi32>], vector<16xf32>, vector<16xi1>
      tpu.vector_store_idx %arg11[%select_n3A_601, %get3A_588], %get3A_590 masked %and3A_598 : memref<104x512xf32, #tpu.memory_space<vmem>>[vector<16xi32>, vector<16xi32>], vector<16xf32>, vector<16xi1>
      tpu.vector_store_idx %arg11[%select_n3A_626, %get3A_613], %get3A_615 masked %and3A_623 : memref<104x512xf32, #tpu.memory_space<vmem>>[vector<16xi32>, vector<16xi32>], vector<16xf32>, vector<16xi1>
      tpu.vector_store_idx %arg11[%select_n3A_651, %get3A_638], %get3A_640 masked %and3A_648 : memref<104x512xf32, #tpu.memory_space<vmem>>[vector<16xi32>, vector<16xi32>], vector<16xf32>, vector<16xi1>
    }
    %dma_start3A_215 = arith.constant 0 : i32
    %dma_start3A_216 = arith.constant 0 : i32
    %dma_start3A_217 = tpu.memref_slice %arg11[%dma_start3A_215, %dma_start3A_216] : memref<104x512xf32, #tpu.memory_space<vmem>> -> memref<56x512xf32, #tpu.memory_space<vmem>>
    %dma_start3A_218 = arith.constant 0 : i32
    %dma_start3A_219 = tpu.memref_slice %arg6[%select_n3A, %add3A_189, %dma_start3A_218] : memref<16x512x512xf32, #tpu.memory_space<hbm>> -> memref<1x56x512xf32, #tpu.memory_space<hbm>>
    %dma_start3A_220 = tpu.memref_squeeze %dma_start3A_219 : memref<1x56x512xf32, #tpu.memory_space<hbm>> -> memref<56x512xf32, #tpu.memory_space<hbm>>
    %dma_start3A_221 = arith.constant 0 : i32
    %dma_start3A_222 = tpu.memref_slice %arg6[%select_n3A, %add3A_189, %dma_start3A_221] : memref<16x512x512xf32, #tpu.memory_space<hbm>> -> memref<1x56x512xf32, #tpu.memory_space<hbm>>
    %dma_start3A_223 = tpu.memref_squeeze %dma_start3A_222 : memref<1x56x512xf32, #tpu.memory_space<hbm>> -> memref<56x512xf32, #tpu.memory_space<hbm>>
    %dma_start3A_224 = arith.constant 0 : i32
    %dma_start3A_225 = arith.constant 0 : i32
    %dma_start3A_226 = tpu.memref_slice %arg11[%dma_start3A_224, %dma_start3A_225] : memref<104x512xf32, #tpu.memory_space<vmem>> -> memref<56x512xf32, #tpu.memory_space<vmem>>
    tpu.enqueue_dma source(%dma_start3A_226 : memref<56x512xf32, #tpu.memory_space<vmem>>) target(%dma_start3A_223 : memref<56x512xf32, #tpu.memory_space<hbm>>) target_semaphore(%arg14 : memref<!tpu.dma_semaphore, #tpu.memory_space<semaphore_mem>>)
    %dma_wait3A_227 = arith.constant 0 : i32
    %dma_wait3A_228 = arith.constant 0 : i32
    %dma_wait3A_229 = tpu.memref_slice %arg12[%dma_wait3A_227, %dma_wait3A_228] : memref<96x512xf32, #tpu.memory_space<vmem>> -> memref<96x512xf32, #tpu.memory_space<vmem>>
    %dma_wait3A_230 = arith.constant 0 : i32
    %dma_wait3A_231 = tpu.memref_slice %arg6[%select_n3A, %add3A_165, %dma_wait3A_230] : memref<16x512x512xf32, #tpu.memory_space<hbm>> -> memref<1x96x512xf32, #tpu.memory_space<hbm>>
    %dma_wait3A_232 = tpu.memref_squeeze %dma_wait3A_231 : memref<1x96x512xf32, #tpu.memory_space<hbm>> -> memref<96x512xf32, #tpu.memory_space<hbm>>
    %dma_wait3A_233 = arith.constant 0 : i32
    %dma_wait3A_234 = tpu.memref_slice %arg6[%select_n3A, %add3A_165, %dma_wait3A_233] : memref<16x512x512xf32, #tpu.memory_space<hbm>> -> memref<1x96x512xf32, #tpu.memory_space<hbm>>
    %dma_wait3A_235 = tpu.memref_squeeze %dma_wait3A_234 : memref<1x96x512xf32, #tpu.memory_space<hbm>> -> memref<96x512xf32, #tpu.memory_space<hbm>>
    %dma_wait3A_236 = arith.constant 0 : i32
    %dma_wait3A_237 = arith.constant 0 : i32
    %dma_wait3A_238 = tpu.memref_slice %arg12[%dma_wait3A_236, %dma_wait3A_237] : memref<96x512xf32, #tpu.memory_space<vmem>> -> memref<96x512xf32, #tpu.memory_space<vmem>>
    tpu.wait_dma2 semaphore(%arg15 : memref<!tpu.dma_semaphore, #tpu.memory_space<semaphore_mem>>) src(%dma_wait3A_238 : memref<96x512xf32, #tpu.memory_space<vmem>>) dst(%dma_wait3A_235 : memref<96x512xf32, #tpu.memory_space<hbm>>)
    %dma_wait3A_239 = arith.constant 0 : i32
    %dma_wait3A_240 = arith.constant 0 : i32
    %dma_wait3A_241 = tpu.memref_slice %arg11[%dma_wait3A_239, %dma_wait3A_240] : memref<104x512xf32, #tpu.memory_space<vmem>> -> memref<56x512xf32, #tpu.memory_space<vmem>>
    %dma_wait3A_242 = arith.constant 0 : i32
    %dma_wait3A_243 = tpu.memref_slice %arg6[%select_n3A, %add3A_189, %dma_wait3A_242] : memref<16x512x512xf32, #tpu.memory_space<hbm>> -> memref<1x56x512xf32, #tpu.memory_space<hbm>>
    %dma_wait3A_244 = tpu.memref_squeeze %dma_wait3A_243 : memref<1x56x512xf32, #tpu.memory_space<hbm>> -> memref<56x512xf32, #tpu.memory_space<hbm>>
    %dma_wait3A_245 = arith.constant 0 : i32
    %dma_wait3A_246 = tpu.memref_slice %arg6[%select_n3A, %add3A_189, %dma_wait3A_245] : memref<16x512x512xf32, #tpu.memory_space<hbm>> -> memref<1x56x512xf32, #tpu.memory_space<hbm>>
    %dma_wait3A_247 = tpu.memref_squeeze %dma_wait3A_246 : memref<1x56x512xf32, #tpu.memory_space<hbm>> -> memref<56x512xf32, #tpu.memory_space<hbm>>
    %dma_wait3A_248 = arith.constant 0 : i32
    %dma_wait3A_249 = arith.constant 0 : i32
    %dma_wait3A_250 = tpu.memref_slice %arg11[%dma_wait3A_248, %dma_wait3A_249] : memref<104x512xf32, #tpu.memory_space<vmem>> -> memref<56x512xf32, #tpu.memory_space<vmem>>
    tpu.wait_dma2 semaphore(%arg14 : memref<!tpu.dma_semaphore, #tpu.memory_space<semaphore_mem>>) src(%dma_wait3A_250 : memref<56x512xf32, #tpu.memory_space<vmem>>) dst(%dma_wait3A_247 : memref<56x512xf32, #tpu.memory_space<hbm>>)
    return
  }
}

</mosaic_0001>

<sc_bundles>
// kernel: kernel.3.cloned.1.call-start
scs
__scs_entry_jumppad:
0x0: {  	(pc) =	sbr.rel $0x88, $3  }
0x1: {  	(tag) =	ssettag $0x0;
	lr =	simm.s32 $0x1  }
0x2: {  	[smem:$0x3F9E] =	sst lr;
	_ =	strace $0xD0000000  }
0x3: {  	_ = 	snop  }
0x4: {  	_ = 	snop  }
0x5: {  	_ = 	snop  }
0x6: {  	_ = 	snop  }
0x7: {  	_ = 	snop  }
__scs_overlays_trampoline_lowered:
0x8: {  	[smem:$0x3FAD] =	sst s0  }
0x9: {  	[smem:$0x3FAE] =	sst s1  }
0xa: {  	[smem:$0x3FAF] =	sst s2  }
0xb: {  	[smem:$0x3FB0] =	sst s3  }
0xc: {  	[smem:$0x3FB1] =	sst s4  }
0xd: {  	[smem:$0x3FB2] =	sst s5  }
0xe: {  	[smem:$0x3FB3] =	sst s6  }
0xf: {  	[smem:$0x3FB4] =	sst s7  }
0x10: {  	[smem:$0x3FB5] =	sst s8  }
0x11: {  	[smem:$0x3FB6] =	sst s9;
	s0 =	simm.s32 @!p0 $0x0  }
0x12: {  	s1 =	sld [smem:$0x3F9C];
	s0 =	simm.s32 @p0 $0x1  }
0x13: {  	[smem:$0x3FB7] =	sst s0;
	s0 =	simm.s32 @!p1 $0x0  }
0x14: {  	s2 =	sld [smem:$0x3F9B];
	s0 =	simm.s32 @p1 $0x1  }
0x15: {  	[smem:$0x3FB8] =	sst s0;
	s0 =	simm.s32 @!p2 $0x0  }
0x16: {  	s3 =	sld [smem:$0x3FDB];
	s0 =	simm.s32 @p2 $0x1  }
0x17: {  	s4 =	simm.s32 $0x1BF5;
	[smem:$0x3FBA] =	sst s0  }
0x18: {  	s0 =	sld [smem:$0x3F9D];
	_ =	swait.ge [sflag:s4], $0x0  }
0x19: {  	s7 =	sld [smem:$0x3F9E]  }
0x1a: {  	s8 =	sadd.s32 $0xFFFFE003, lr  }
0x1b: {  	s9 =	sadd.s32 $0xFFFFFEF7, lr;
	s5 =	simm.s32 $0xFFFFFFFF;
	p2 =	slt.u32 s8, $0xFFFFF086  }
0x1c: {  	p1 =	slt.u32 s9, $0xF7A;
	s5 =	simm.s32 @!p2 $0x0  }
0x1d: {  	s5 =	simm.s32 @p1 $0x1;
	p0 =	seq.s32 s7, s2  }
0x1e: {  	s7 =	smul.u32 @!p0 $0xF7A, s2;
	p2 =	seq.s32 @!p0 s5, $0x0  }
0x1f: {  	s9 =	smul.u32 $0xF7A, s1;
	s8 =	simm.s32 @!p0 $0x1BF5;
	p2 =	por !p2, p0  }
0x20: {  	[sflag:s8] =	ssyncset.s32 @!p0 $0xFFFFF086;
	s6 =	sadd.s32 @!p0 s3, s7;
	s7 =	simm.s32 @!p0 $0x108  }
0x21: {  	s3 =	sadd.s32 s3, s9;
	s6 =	sadd.s32 @!p0 $0x88, s6;
	s7 =	simm.s32 @p2 $0x1082  }
0x22: {  	[simem:s7], [sflag:s8] =	dma.local @!p0 [hbm:s6], $0xF7A  }
0x23: {  	s9 =	sor.u32 $0xD0000000, s2;
	s6 =	simm.s32 $0x108;
	_ =	swait.ge @!p0 [sflag:s8], $0x0  }
0x24: {  	s3 =	sadd.s32 $0x88, s3;
	s6 =	simm.s32 @!p1 $0x1082;
	[sflag:s4] =	ssyncset.s32 $0xFFFFF086  }
0x25: {  	[simem:s6], [sflag:s4] =	dma.local [hbm:s3], $0xF7A  }
0x26: {  	[smem:$0x3F9E] =	sst s1;
	(tag) =	ssettag s2;
	_ =	strace s9  }
0x27: {  	s1 =	sld [smem:$0x3FAE]  }
0x28: {  	s2 =	sld [smem:$0x3FAF]  }
0x29: {  	s4 =	sld [smem:$0x3FB1]  }
0x2a: {  	p0 =	seq.s32 s5, $0x0;
	s5 =	sld [smem:$0x3FB2]  }
0x2b: {  	s6 =	sld [smem:$0x3FB3]  }
0x2c: {  	s7 =	sld [smem:$0x3FB4]  }
0x2d: {  	s3 =	simm.s32 $0x108;
	s8 =	sld [smem:$0x3FB5]  }
0x2e: {  	s3 =	simm.s32 @!p0 $0x1082;
	s9 =	sld [smem:$0x3FB6]  }
0x2f: {  	lr =	sadd.s32 s0, s3;
	s0 =	sld [smem:$0x3FAD]  }
0x30: {  	s3 =	sld [smem:$0x3FB0]  }
0x31: {  	[smem:$0x3FB9] =	sst s10  }
0x32: {  	s10 =	sld [smem:$0x3FB7];
	_ =	sdelay $0x3  }
0x33: {  	p0 =	seq.s32 s10, $0x1;
	s10 =	sld [smem:$0x3FB9];
	_ =	sdelay $0x3  }
0x34: {  	[smem:$0x3FB9] =	sst s10  }
0x35: {  	s10 =	sld [smem:$0x3FB8];
	_ =	sdelay $0x3  }
0x36: {  	p1 =	seq.s32 s10, $0x1;
	s10 =	sld [smem:$0x3FB9];
	_ =	sdelay $0x3  }
0x37: {  	[smem:$0x3FB9] =	sst s10  }
0x38: {  	s10 =	sld [smem:$0x3FBA]  }
0x39: {  	_ = 	snop;
	(pc) =	sbr.ind lr, $3  }
0x3a: {  	_ = 	snop  }
0x3b: {  	_ = 	snop  }
0x3c: {  	p2 =	seq.s32 s10, $0x1;
	s10 =	sld [smem:$0x3FB9]  }
0x3d: {  	_ =	shalt  }
0x3e: {  	_ =	shalt  }
0x3f: {  	_ =	shalt  }
0x40: {  	_ =	shalt  }
0x41: {  	_ =	shalt  }
0x42: {  	_ =	shalt  }
0x43: {  	_ =	shalt  }
0x44: {  	_ =	shalt  }
0x45: {  	_ =	shalt  }
0x46: {  	_ =	shalt  }
0x47: {  	_ =	shalt  }
0x48: {  	_ =	shalt  }
0x49: {  	_ =	shalt  }
0x4a: {  	_ =	shalt  }
0x4b: {  	_ =	shalt  }
0x4c: {  	_ =	shalt  }
0x4d: {  	_ =	shalt  }
0x4e: {  	_ =	shalt  }
0x4f: {  	_ =	shalt  }
0x50: {  	_ =	shalt  }
0x51: {  	_ =	shalt  }
0x52: {  	_ =	shalt  }
0x53: {  	_ =	shalt  }
0x54: {  	_ =	shalt  }
0x55: {  	_ =	shalt  }
0x56: {  	_ =	shalt  }
0x57: {  	_ =	shalt  }
0x58: {  	_ =	shalt  }
0x59: {  	_ =	shalt  }
0x5a: {  	_ =	shalt  }
0x5b: {  	_ =	shalt  }
0x5c: {  	_ =	shalt  }
0x5d: {  	_ =	shalt  }
0x5e: {  	_ =	shalt  }
0x5f: {  	_ =	shalt  }
0x60: {  	_ =	shalt  }
0x61: {  	_ =	shalt  }
0x62: {  	_ =	shalt  }
0x63: {  	_ =	shalt  }
0x64: {  	_ =	shalt  }
0x65: {  	_ =	shalt  }
0x66: {  	_ =	shalt  }
0x67: {  	_ =	shalt  }
0x68: {  	_ =	shalt  }
0x69: {  	_ =	shalt  }
0x6a: {  	_ =	shalt  }
0x6b: {  	_ =	shalt  }
0x6c: {  	_ =	shalt  }
0x6d: {  	_ =	shalt  }
0x6e: {  	_ =	shalt  }
0x6f: {  	_ =	shalt  }
0x70: {  	_ =	shalt  }
0x71: {  	_ =	shalt  }
0x72: {  	_ =	shalt  }
0x73: {  	_ =	shalt  }
0x74: {  	_ =	shalt  }
0x75: {  	_ =	shalt  }
0x76: {  	_ =	shalt  }
0x77: {  	_ =	shalt  }
0x78: {  	_ =	shalt  }
0x79: {  	_ =	shalt  }
0x7a: {  	_ =	shalt  }
0x7b: {  	_ =	shalt  }
0x7c: {  	_ =	shalt  }
0x7d: {  	_ =	shalt  }
0x7e: {  	_ =	shalt  }
0x7f: {  	_ =	shalt  }
0x80: {  	_ =	shalt  }
0x81: {  	_ =	shalt  }
0x82: {  	_ =	shalt  }
0x83: {  	_ =	shalt  }
0x84: {  	_ =	shalt  }
0x85: {  	_ =	shalt  }
0x86: {  	_ =	shalt  }
0x87: {  	_ =	shalt  }
.Lfunc_end0:
.L_simem_size_0:
called_computation_lowered:
.L_overlay_start_0:
0x88: {  	s2 =	sld [smem:$0x3FD9]  }
0x89: {  	s3 =	sld [smem:$0x3FFE];
	_ =	sdelay $0x1  }
0x8a: {  	s1 =	srdreg.scid  }
0x8b: {  	s0 =	sand.u32 $0x1, s1  }
0x8c: {  	s17 =	sshll.u32 s0, $0xA;
	s2 =	sadd.s32 s3, s2  }
0x8d: {  	s2 =	sadd.s32 s2, s17  }
0x8e: {  	[smem:$0x3FC5] =	sst s2  }
0x8f: {  	_ = 	snop  }
0x90: {  	s2 =	sld [smem:$0x3FC8]  }
0x91: {  	s18 =	sld [smem:$0x3FD0];
	(tm) =	ssettm $0x1  }
0x92: {  	s4 =	sld [smem:$0x3FFB];
	_ =	sdelay $0x3  }
0x93: {  	_ =	strace s4  }
0x94: {  	s4 =	sld [smem:$0x3FFC];
	_ =	sdelay $0x3  }
0x95: {  	_ =	strace s4  }
0x96: {  	s4 =	sld [smem:$0x3FFD];
	_ =	sdelay $0x3  }
0x97: {  	_ =	strace s4  }
0x98: {  	_ =	strace $0x8FFFFFFF  }
0x99: {  	s19 =	sld [smem:$0x3FDB];
	_ =	sdelay $0x1  }
0x9a: {  	s5 =	simm.s32 $_scs_section_size  }
0x9b: {  	s6 =	simm.s32 $_size__tile_overlayer_lowered;
	s7 =	simm.s32 $_tile_overlayer_lowered  }
0x9c: {  	s22 =	simm.s32 $0x1BFF;
	s21 =	sshll.u32 s7, $0x1;
	s4 =	sadd.s32 s5, s19  }
0x9d: {  	s8 =	simm.s32 $0x0;
	s20 =	sshll.u32 s6, $0x1;
	s6 =	sadd.s32 s21, s4  }
0x9e: {  	[timem:s8], [sflag:s22] =	dma.local [hbm:s6], s20  }
0x9f: {  	_ =	swait.ge [sflag:s22], s20  }
0xa0: {  	s5 =	ssub.s32 $0x0, s20;
	[sflag:s22] =	ssyncset.done $0x0  }
0xa1: {  	[sflag:s22] =	ssyncadd.s32 s5;
	_ =	sdelay $0x1  }
0xa2: {  	s23 =	simm.s32 $0x1B8B  }
0xa3: {  	_ =	swait.ge [sflag:s23], $0x1  }
0xa4: {  	[sflag:s23] =	ssyncset.done $0x0  }
0xa5: {  	s25 =	simm.s32 $0x1B8E;
	s24 =	sld [smem:$0x3FFE];
	[sflag:s23] =	ssyncadd.s32 $0xFFFFFFFF  }
0xa6: {  	s26 =	simm.s32 $execute0_lowered;
	[smem:$0x3FD2] =	sst s25  }
0xa7: {  	s6 =	sshll.u32 s26, $0x1;
	_ =	strace $0x80000046;
	[dreg:$0x1] =	wrdreg $0xFFFFFFFF  }
0xa8: {  	s28 =	simm.s32 $_size_execute0_lowered;
	s4 =	sadd.s32 s4, s6;
	[dreg:$0x0] =	wrdreg $0x0  }
0xa9: {  	s6 =	sshll.u32 s28, $0x1;
	[dreg:$0x2] =	wrdreg s4  }
0xaa: {  	[dreg:$0x3] =	wrdreg s6  }
0xab: {  	[dreg:$0x4] =	wrdreg $0xC0  }
0xac: {  	_ =	task [dreg:s8], $0x5FFFF  }
0xad: {  	[dreg:$0x1] =	wrdreg $0xFFFFFFFF  }
0xae: {  	[dreg:$0x0] =	wrdreg $0x60  }
0xaf: {  	[dreg:$0x2] =	wrdreg s24  }
0xb0: {  	[dreg:$0x3] =	wrdreg s2  }
0xb1: {  	[dreg:$0x4] =	wrdreg s18  }
0xb2: {  	[dreg:$0x5] =	wrdreg $0x9  }
0xb3: {  	_ =	task.clear_ibuf [dreg:s8], $0x6FFFF;
	_ =	strace $0x90000046  }
0xb4: {  	s29 =	simm.s32 $0x9;
	_ =	strace $0x80000048  }
0xb5: {  	_ =	swait.ge [sflag:s29], $0x1  }
0xb6: {  	[sflag:s29] =	ssyncadd.s32 $0xFFFFFFFF  }
0xb7: {  	_ =	strace $0x90000048  }
0xb8: {  	_ =	sfence  }
0xb9: {  	s30 =	sld [smem:$0x0];
	_ =	sdelay $0x2  }
0xba: {  	s31 =	sshll.u32 s1, $0xD;
	s1 =	sshrl.u32 s1, $0x2  }
0xbb: {  	s3 =	sand.u32 $0x4000, s31;
	s1 =	sadd.s32 s1, s30  }
0xbc: {  	s0 =	sor.u32 s3, s0;
	s1 =	sshll.u32 s1, $0x11  }
0xbd: {  	s0 =	sor.u32 s1, s0  }
0xbe: {  	s0 =	sadd.s32 $0x8F2B, s0  }
0xbf: {  	[sflag:s0] =	ssyncadd.remote.s32 $0x1  }
0xc0: {  	_ =	sfence.sel $0xFFFF  }
0xc1: {  	[dreg:$0x0] =	wrdreg $0xFFFFFFFF;
	(pc) =	sbr.abs _section_cstart, $3  }
0xc2: {  	[dreg:$0x1] =	wrdreg $0xFFFFFFFF  }
0xc3: {  	_ =	task.clear_ibuf [dreg:s8], $0x2FFFF;
	_ =	strace $0x9FFFFFFF  }
0xc4: {  	(tm) =	ssettm $0x7FFFFFFF  }
0xc5: {  	_ =	shalt  }
tec
execute0_lowered:
.L_overlay_start_1:
0x0: {  	(tag) =	ssettag $0x1  }
0x1: {  	s5 =	rddreg [dreg:$0x0]  }
0x2: {  	s1 =	srdreg.scid;
	s2 =	rddreg [dreg:$0x1]  }
0x3: {  	s0 =	stileid.u32;
	s10 =	rddreg [dreg:$0x2];
	s3 =	simm.s32 $0x0  }
0x4: {  	s15 =	simm.s32 $0x4000;
	s18 =	simm.s32 $0x13080;
	s20 =	simm.s32 $0x3  }
0x5: {  	s21 =	simm.s32 $0x0;
	s8 =	sand.u32 $0x1, s1;
	[smem:$0x7FF] =	sst s3  }
0x6: {  	s1 =	sor.u32 s8, s0;
	p1 =	seq.s32 s8, $0x1;
	s29 =	ssub.s32 $0x2, s8  }
0x7: {  	s16 =	sshll.u32 s8, $0x8;
	s8 =	sshll.u32 s8, $0x11;
	p0 =	seq.s32 s1, $0x0  }
0x8: {  	s1 =	simm.s32 $0x1;
	s9 =	sshrl.u32 s29, $0x1;
	s17 =	sor.u32 $0x68, s16  }
0x9: {  	s19 =	sor.u32 $0xC8, s16;
	v0 =	vmov s16;
	s16 =	simm.s32 $0x6000;
	p0 =	por !p0, !p1  }
0xa: {  	s11 =	ssub.s32 s29, s9;
	s12 =	sshll.u32 s17, $0x9;
	p0 =	por !p0, !p0  }
0xb: {  	s14 =	sshll.u32 s19, $0x9;
	v1 =	vmov s17;
	s17 =	simm.s32 $0x6080;
	s1 =	simm.s32 @!p0 $0x0  }
0xc: {  	v3 =	vmov s19;
	s19 =	simm.s32 $0x2;
	s11 =	smax.u32 s11, $0x1;
	s13 =	ssub.s32 s0, s1  }
0xd: {  	s1 =	rddreg [dreg:$0x3];
	_ =	strace $0x80000047;
	s4 =	sshll.u32 s13, $0xD  }
0xe: {  	s6 =	sshll.u32 s13, $0x7;
	s30 =	sshll.u32 s13, $0x12;
	v5 =	vmov s13;
	s13 =	simm.s32 $0x400  }
0xf: {  	s4 =	sand.u32 $0xFFFF0000, s4;
	s6 =	sand.u32 $0x380, s6;
	s8 =	sor.u32 s8, s30  }
0x10: {  	s12 =	sor.u32 s12, s30;
	s14 =	sor.u32 s14, s30;
	s4 =	sor.u32 s6, s4  }
.Ltmp0:
0x11: {  	s8 =	sshrl.u32 s8, $0x3;
	s12 =	sshrl.u32 s12, $0x3;
	(pc) =	sbr.rel .LBB2_1-.Ltmp0, $4  }
0x12: {  	v2 =	vlaneseq.u32;
	s31 =	sshrl.u32 s14, $0x3;
	s14 =	simm.s32 $0x2000;
	s7 =	sshrl.u32 s4, $0x3  }
0x13: {  	vm0 =	veq.s32 v5, v2;
	v5 =	vimm.s32 $0x0;
	s4 =	simm.s32 $0x1;
	s8 =	sadd.s32 s10, s8;
	s9 =	sadd.s32 s10, s12  }
0x14: {  	v5 =	vsel vm0, $0xFFFFFFFF, v5;
	s10 =	sadd.s32 s10, s31;
	s12 =	simm.s32 $0x80;
	s7 =	sadd.s32 s7, s5  }
0x15: {  	v4 =	vimm.f32 $0.0e+00;
	[tilespmem:$0x1FFF0] =	vst v5;
	s5 =	sadd.s32 $0x8800, s7;
	s6 =	sadd.s32 $0x4800, s7;
	s7 =	sadd.s32 $0x800, s7  }
.LBB2_16:
0x16: {  	[hbm4b:s10+s3] =	stream.linear.scatter [tilespmem:s17], [sflag:$0x2], $0x7000, $0x38;
	[tilespmem:$0x1F080] =	vst v63  }
0x17: {  	s21 =	sadd.s32 $0x1, s21  }
0x18: {  	_ =	swait.ge [sflag:s20], $0xC000;
	p0 =	sne.s32 s21, s11  }
.Ltmp1:
0x19: {  	[sflag:s20] =	ssyncset.done $0x0;
	(pc) =	sbr.rel @!p0 .LBB2_17-.Ltmp1, $4  }
0x1a: {  	[sflag:s20] =	ssyncadd.s32 $0xFFFF4000  }
0x1b: {  	_ =	swait.ge [sflag:s19], $0x7000  }
0x1c: {  	[sflag:s19] =	ssyncset.done $0x0  }
0x1d: {  	[sflag:s19] =	ssyncadd.s32 $0xFFFF9000  }
.LBB2_1:
0x1e: {  	[tilespmem:s3], [sflag:$0x1] =	stream.strided.gather [hbm4b:s5+s12], $0x2000, s13, s12, $0x38;
	[tilespmem:$0x1F080] =	vst v63  }
0x1f: {  	_ = 	snop  }
0x20: {  	[tilespmem:s14], [sflag:$0x1] =	stream.strided.gather [hbm4b:s6+s12], $0x2000, s13, s12, $0x38;
	[tilespmem:$0x1F080] =	vst v63  }
0x21: {  	s22 =	simm.s32 $0xFFFFFFFC;
	p0 =	por $0x0, $0x0;
	p1 =	por $0x0, $0x0  }
0x22: {  	[tilespmem:s15], [sflag:$0x1] =	stream.strided.gather [hbm4b:s7+s12], $0x2000, s13, s12, $0x38;
	[tilespmem:$0x1F080] =	vst v63  }
0x23: {  	s24 =	simm.s32 $0x0;
	s25 =	simm.s32 $0x0;
	s26 =	simm.s32 $0xFFFFFFFC  }
0x24: {  	[tilespmem:s16], [sflag:$0x1] =	stream.linear.gather [hbm4b:s2+s3], $0x80, $0x38;
	[tilespmem:$0x1F080] =	vst v63  }
.LBB2_2:
0x25: {  	s23 =	sand.u32 $0xF000, s24;
	s28 =	sand.u32 $0x200, s25  }
0x26: {  	s23 =	sor.u32 s28, s23  }
0x27: {  	[tilespmem:s23+$0x6080] =	vst v4  }
0x28: {  	[tilespmem:s23+$0x6090] =	vst v4  }
0x29: {  	[tilespmem:s23+$0x60A0] =	vst v4  }
0x2a: {  	[tilespmem:s23+$0x60B0] =	vst v4  }
0x2b: {  	[tilespmem:s23+$0x60C0] =	vst v4  }
0x2c: {  	[tilespmem:s23+$0x60D0] =	vst v4  }
0x2d: {  	[tilespmem:s23+$0x60E0] =	vst v4  }
0x2e: {  	[tilespmem:s23+$0x60F0] =	vst v4  }
0x2f: {  	[tilespmem:s23+$0x6480] =	vst v4  }
0x30: {  	[tilespmem:s23+$0x6490] =	vst v4  }
0x31: {  	[tilespmem:s23+$0x64A0] =	vst v4  }
0x32: {  	[tilespmem:s23+$0x64B0] =	vst v4  }
0x33: {  	[tilespmem:s23+$0x64C0] =	vst v4  }
0x34: {  	[tilespmem:s23+$0x64D0] =	vst v4  }
0x35: {  	[tilespmem:s23+$0x64E0] =	vst v4  }
0x36: {  	[tilespmem:s23+$0x64F0] =	vst v4  }
0x37: {  	[tilespmem:s23+$0x6100] =	vst v4  }
0x38: {  	[tilespmem:s23+$0x6110] =	vst v4  }
0x39: {  	[tilespmem:s23+$0x6120] =	vst v4  }
0x3a: {  	[tilespmem:s23+$0x6130] =	vst v4  }
0x3b: {  	[tilespmem:s23+$0x6140] =	vst v4  }
0x3c: {  	[tilespmem:s23+$0x6150] =	vst v4  }
0x3d: {  	[tilespmem:s23+$0x6160] =	vst v4  }
0x3e: {  	[tilespmem:s23+$0x6170] =	vst v4  }
0x3f: {  	[tilespmem:s23+$0x6500] =	vst v4  }
0x40: {  	[tilespmem:s23+$0x6510] =	vst v4  }
0x41: {  	[tilespmem:s23+$0x6520] =	vst v4  }
0x42: {  	[tilespmem:s23+$0x6530] =	vst v4  }
0x43: {  	[tilespmem:s23+$0x6540] =	vst v4  }
0x44: {  	[tilespmem:s23+$0x6550] =	vst v4  }
0x45: {  	[tilespmem:s23+$0x6560] =	vst v4  }
0x46: {  	[tilespmem:s23+$0x6570] =	vst v4  }
0x47: {  	[tilespmem:s23+$0x6180] =	vst v4  }
0x48: {  	[tilespmem:s23+$0x6190] =	vst v4  }
0x49: {  	[tilespmem:s23+$0x61A0] =	vst v4  }
0x4a: {  	[tilespmem:s23+$0x61B0] =	vst v4  }
0x4b: {  	[tilespmem:s23+$0x61C0] =	vst v4  }
0x4c: {  	[tilespmem:s23+$0x61D0] =	vst v4  }
0x4d: {  	[tilespmem:s23+$0x61E0] =	vst v4  }
0x4e: {  	[tilespmem:s23+$0x61F0] =	vst v4  }
0x4f: {  	[tilespmem:s23+$0x6580] =	vst v4  }
0x50: {  	[tilespmem:s23+$0x6590] =	vst v4  }
0x51: {  	[tilespmem:s23+$0x65A0] =	vst v4  }
0x52: {  	[tilespmem:s23+$0x65B0] =	vst v4  }
0x53: {  	[tilespmem:s23+$0x65C0] =	vst v4  }
0x54: {  	[tilespmem:s23+$0x65D0] =	vst v4  }
0x55: {  	[tilespmem:s23+$0x65E0] =	vst v4  }
0x56: {  	[tilespmem:s23+$0x65F0] =	vst v4  }
0x57: {  	[tilespmem:s23+$0x6200] =	vst v4  }
0x58: {  	[tilespmem:s23+$0x6210] =	vst v4  }
0x59: {  	[tilespmem:s23+$0x6220] =	vst v4  }
0x5a: {  	[tilespmem:s23+$0x6230] =	vst v4  }
0x5b: {  	[tilespmem:s23+$0x6240] =	vst v4  }
0x5c: {  	[tilespmem:s23+$0x6250] =	vst v4  }
0x5d: {  	[tilespmem:s23+$0x6260] =	vst v4  }
0x5e: {  	[tilespmem:s23+$0x6270] =	vst v4  }
0x5f: {  	[tilespmem:s23+$0x6600] =	vst v4  }
0x60: {  	[tilespmem:s23+$0x6610] =	vst v4  }
0x61: {  	s28 =	simm.s32 $0x1;
	[tilespmem:s23+$0x6620] =	vst v4  }
0x62: {  	s28 =	simm.s32 @!p1 $0x0;
	[tilespmem:s23+$0x6630] =	vst v4  }
0x63: {  	[tilespmem:s23+$0x6640] =	vst v4;
	s28 =	sshll.u32 s28, $0x9  }
0x64: {  	[tilespmem:s23+$0x6650] =	vst v4;
	s28 =	sadd.s32 s28, s24  }
0x65: {  	[tilespmem:s23+$0x6660] =	vst v4;
	s29 =	sor.u32 $0x800, s28  }
0x66: {  	s30 =	sor.u32 $0x810, s28;
	[tilespmem:s29+$0x6080] =	vst v4  }
0x67: {  	s31 =	sor.u32 $0x820, s28;
	[tilespmem:s30+$0x6080] =	vst v4  }
0x68: {  	s30 =	sor.u32 $0x830, s28;
	[tilespmem:s31+$0x6080] =	vst v4  }
0x69: {  	s31 =	sor.u32 $0x840, s28;
	[tilespmem:s30+$0x6080] =	vst v4  }
0x6a: {  	s30 =	sor.u32 $0x850, s28;
	[tilespmem:s31+$0x6080] =	vst v4  }
0x6b: {  	s31 =	sor.u32 $0x860, s28;
	[tilespmem:s30+$0x6080] =	vst v4  }
0x6c: {  	s30 =	sor.u32 $0x870, s28;
	[tilespmem:s31+$0x6080] =	vst v4  }
0x6d: {  	s31 =	sor.u32 $0xC00, s28;
	[tilespmem:s30+$0x6080] =	vst v4  }
0x6e: {  	s30 =	sor.u32 $0xC10, s28;
	[tilespmem:s31+$0x6080] =	vst v4  }
0x6f: {  	s31 =	sor.u32 $0xC20, s28;
	[tilespmem:s30+$0x6080] =	vst v4  }
0x70: {  	s30 =	sor.u32 $0xC30, s28;
	[tilespmem:s31+$0x6080] =	vst v4  }
0x71: {  	s31 =	sor.u32 $0xC40, s28;
	[tilespmem:s30+$0x6080] =	vst v4  }
0x72: {  	s30 =	sor.u32 $0xC50, s28;
	[tilespmem:s31+$0x6080] =	vst v4  }
0x73: {  	s31 =	sor.u32 $0xC60, s28;
	[tilespmem:s30+$0x6080] =	vst v4  }
0x74: {  	s29 =	sadd.s32 $0x80, s28;
	s30 =	sor.u32 $0xC70, s28;
	[tilespmem:s31+$0x6080] =	vst v4  }
0x75: {  	[tilespmem:s30+$0x6080] =	vst v4;
	s30 =	sor.u32 $0x800, s29  }
0x76: {  	s31 =	sor.u32 $0x810, s29;
	[tilespmem:s30+$0x6080] =	vst v4  }
0x77: {  	[tilespmem:s31+$0x6080] =	vst v4;
	s31 =	sor.u32 $0x820, s29  }
0x78: {  	[tilespmem:s31+$0x6080] =	vst v4;
	s31 =	sor.u32 $0x830, s29  }
0x79: {  	[tilespmem:s31+$0x6080] =	vst v4;
	s31 =	sor.u32 $0x840, s29  }
0x7a: {  	[tilespmem:s31+$0x6080] =	vst v4;
	s31 =	sor.u32 $0x850, s29  }
0x7b: {  	[tilespmem:s31+$0x6080] =	vst v4;
	s31 =	sor.u32 $0x860, s29  }
0x7c: {  	[tilespmem:s31+$0x6080] =	vst v4;
	s31 =	sor.u32 $0x870, s29  }
0x7d: {  	[tilespmem:s31+$0x6080] =	vst v4;
	s31 =	sor.u32 $0xC00, s29  }
0x7e: {  	[tilespmem:s31+$0x6080] =	vst v4;
	s31 =	sor.u32 $0xC10, s29  }
0x7f: {  	[tilespmem:s31+$0x6080] =	vst v4;
	s31 =	sor.u32 $0xC20, s29  }
0x80: {  	[tilespmem:s31+$0x6080] =	vst v4;
	s31 =	sor.u32 $0xC30, s29  }
0x81: {  	[tilespmem:s31+$0x6080] =	vst v4;
	s31 =	sor.u32 $0xC40, s29  }
0x82: {  	[tilespmem:s31+$0x6080] =	vst v4;
	s31 =	sor.u32 $0xC50, s29  }
0x83: {  	[tilespmem:s31+$0x6080] =	vst v4;
	s31 =	sor.u32 $0xC60, s29  }
0x84: {  	s29 =	sor.u32 $0xC70, s29;
	[tilespmem:s31+$0x6080] =	vst v4  }
0x85: {  	[tilespmem:s29+$0x6080] =	vst v4;
	s29 =	sadd.s32 $0x100, s28  }
0x86: {  	[tilespmem:s23+$0x6670] =	vst v4;
	s31 =	sor.u32 $0x800, s29  }
0x87: {  	[tilespmem:s31+$0x6080] =	vst v4;
	s31 =	sor.u32 $0x810, s29  }
0x88: {  	[tilespmem:s31+$0x6080] =	vst v4;
	s31 =	sor.u32 $0x820, s29  }
0x89: {  	[tilespmem:s31+$0x6080] =	vst v4;
	s31 =	sor.u32 $0x830, s29  }
0x8a: {  	[tilespmem:s31+$0x6080] =	vst v4;
	s31 =	sor.u32 $0x840, s29  }
0x8b: {  	[tilespmem:s31+$0x6080] =	vst v4;
	s31 =	sor.u32 $0x850, s29  }
0x8c: {  	[tilespmem:s31+$0x6080] =	vst v4;
	s31 =	sor.u32 $0x860, s29  }
0x8d: {  	[tilespmem:s31+$0x6080] =	vst v4;
	s31 =	sor.u32 $0x870, s29  }
0x8e: {  	[tilespmem:s31+$0x6080] =	vst v4;
	s31 =	sor.u32 $0xC00, s29  }
0x8f: {  	[tilespmem:s31+$0x6080] =	vst v4;
	s31 =	sor.u32 $0xC10, s29  }
0x90: {  	[tilespmem:s31+$0x6080] =	vst v4;
	s31 =	sor.u32 $0xC20, s29  }
0x91: {  	[tilespmem:s31+$0x6080] =	vst v4;
	s31 =	sor.u32 $0xC30, s29  }
0x92: {  	[tilespmem:s31+$0x6080] =	vst v4;
	s31 =	sor.u32 $0xC40, s29  }
0x93: {  	[tilespmem:s31+$0x6080] =	vst v4;
	s31 =	sor.u32 $0xC50, s29  }
0x94: {  	[tilespmem:s31+$0x6080] =	vst v4;
	s31 =	sor.u32 $0xC60, s29  }
0x95: {  	s28 =	sadd.s32 $0x180, s28;
	s29 =	sor.u32 $0xC70, s29;
	[tilespmem:s31+$0x6080] =	vst v4  }
0x96: {  	s31 =	sor.u32 $0x800, s28;
	[tilespmem:s29+$0x6080] =	vst v4  }
0x97: {  	[tilespmem:s31+$0x6080] =	vst v4;
	s29 =	sor.u32 $0x810, s28  }
0x98: {  	s30 =	sor.u32 $0x820, s28;
	[tilespmem:s29+$0x6080] =	vst v4  }
0x99: {  	s31 =	sor.u32 $0x830, s28;
	[tilespmem:s30+$0x6080] =	vst v4  }
0x9a: {  	s29 =	sor.u32 $0x840, s28;
	[tilespmem:s31+$0x6080] =	vst v4  }
0x9b: {  	s30 =	sor.u32 $0x850, s28;
	[tilespmem:s29+$0x6080] =	vst v4  }
0x9c: {  	s31 =	sor.u32 $0x860, s28;
	[tilespmem:s30+$0x6080] =	vst v4  }
0x9d: {  	s29 =	sor.u32 $0x870, s28;
	[tilespmem:s31+$0x6080] =	vst v4  }
0x9e: {  	s30 =	sor.u32 $0xC00, s28;
	[tilespmem:s29+$0x6080] =	vst v4  }
0x9f: {  	s31 =	sor.u32 $0xC10, s28;
	[tilespmem:s30+$0x6080] =	vst v4  }
0xa0: {  	s26 =	sadd.s32 $0x4, s26;
	s29 =	sor.u32 $0xC20, s28;
	[tilespmem:s31+$0x6080] =	vst v4  }
0xa1: {  	p2 =	slt.u32 s26, $0x64;
	s30 =	sor.u32 $0xC30, s28;
	[tilespmem:s29+$0x6080] =	vst v4  }
.Ltmp2:
0xa2: {  	s31 =	sor.u32 $0xC40, s28;
	[tilespmem:s30+$0x6080] =	vst v4;
	(pc) =	sbr.rel @p2 .LBB2_2-.Ltmp2, $4  }
0xa3: {  	s29 =	sor.u32 $0xC50, s28;
	[tilespmem:s31+$0x6080] =	vst v4  }
0xa4: {  	s30 =	sor.u32 $0xC60, s28;
	[tilespmem:s29+$0x6080] =	vst v4  }
0xa5: {  	s25 =	sadd.s32 $0x200, s25;
	s31 =	sor.u32 $0xC70, s28;
	[tilespmem:s30+$0x6080] =	vst v4  }
0xa6: {  	p1 =	por !p1, !p1;
	s23 =	simm.s32 $0x0;
	s24 =	sadd.s32 $0x800, s24;
	[tilespmem:s31+$0x6080] =	vst v4  }
0xa7: {  	s24 =	simm.s32 $0x0  }
.LBB2_4:
0xa8: {  	s25 =	sand.u32 $0xF000, s23;
	s26 =	sand.u32 $0x200, s24  }
0xa9: {  	s25 =	sor.u32 s26, s25  }
0xaa: {  	[tilespmem:s25+$0x13080] =	vst v4;
	s25 =	sadd.s32 $0x13080, s25  }
0xab: {  	[tilespmem:s25+$0x10] =	vst v4  }
0xac: {  	[tilespmem:s25+$0x20] =	vst v4  }
0xad: {  	[tilespmem:s25+$0x30] =	vst v4  }
0xae: {  	[tilespmem:s25+$0x40] =	vst v4  }
0xaf: {  	[tilespmem:s25+$0x50] =	vst v4  }
0xb0: {  	[tilespmem:s25+$0x60] =	vst v4  }
0xb1: {  	[tilespmem:s25+$0x70] =	vst v4  }
0xb2: {  	[tilespmem:s25+$0x400] =	vst v4  }
0xb3: {  	[tilespmem:s25+$0x410] =	vst v4  }
0xb4: {  	[tilespmem:s25+$0x420] =	vst v4  }
0xb5: {  	[tilespmem:s25+$0x430] =	vst v4  }
0xb6: {  	[tilespmem:s25+$0x440] =	vst v4  }
0xb7: {  	[tilespmem:s25+$0x450] =	vst v4  }
0xb8: {  	[tilespmem:s25+$0x460] =	vst v4  }
0xb9: {  	[tilespmem:s25+$0x470] =	vst v4  }
0xba: {  	[tilespmem:s25+$0x80] =	vst v4  }
0xbb: {  	[tilespmem:s25+$0x90] =	vst v4  }
0xbc: {  	[tilespmem:s25+$0xA0] =	vst v4  }
0xbd: {  	[tilespmem:s25+$0xB0] =	vst v4  }
0xbe: {  	[tilespmem:s25+$0xC0] =	vst v4  }
0xbf: {  	[tilespmem:s25+$0xD0] =	vst v4  }
0xc0: {  	[tilespmem:s25+$0xE0] =	vst v4  }
0xc1: {  	[tilespmem:s25+$0xF0] =	vst v4  }
0xc2: {  	[tilespmem:s25+$0x480] =	vst v4  }
0xc3: {  	[tilespmem:s25+$0x490] =	vst v4  }
0xc4: {  	[tilespmem:s25+$0x4A0] =	vst v4  }
0xc5: {  	[tilespmem:s25+$0x4B0] =	vst v4  }
0xc6: {  	[tilespmem:s25+$0x4C0] =	vst v4  }
0xc7: {  	[tilespmem:s25+$0x4D0] =	vst v4  }
0xc8: {  	[tilespmem:s25+$0x4E0] =	vst v4  }
0xc9: {  	[tilespmem:s25+$0x4F0] =	vst v4  }
0xca: {  	[tilespmem:s25+$0x100] =	vst v4  }
0xcb: {  	[tilespmem:s25+$0x110] =	vst v4  }
0xcc: {  	[tilespmem:s25+$0x120] =	vst v4  }
0xcd: {  	[tilespmem:s25+$0x130] =	vst v4  }
0xce: {  	[tilespmem:s25+$0x140] =	vst v4  }
0xcf: {  	[tilespmem:s25+$0x150] =	vst v4  }
0xd0: {  	[tilespmem:s25+$0x160] =	vst v4  }
0xd1: {  	[tilespmem:s25+$0x170] =	vst v4  }
0xd2: {  	[tilespmem:s25+$0x500] =	vst v4  }
0xd3: {  	[tilespmem:s25+$0x510] =	vst v4  }
0xd4: {  	[tilespmem:s25+$0x520] =	vst v4  }
0xd5: {  	[tilespmem:s25+$0x530] =	vst v4  }
0xd6: {  	[tilespmem:s25+$0x540] =	vst v4  }
0xd7: {  	[tilespmem:s25+$0x550] =	vst v4  }
0xd8: {  	[tilespmem:s25+$0x560] =	vst v4  }
0xd9: {  	[tilespmem:s25+$0x570] =	vst v4  }
0xda: {  	[tilespmem:s25+$0x180] =	vst v4  }
0xdb: {  	[tilespmem:s25+$0x190] =	vst v4  }
0xdc: {  	[tilespmem:s25+$0x1A0] =	vst v4  }
0xdd: {  	[tilespmem:s25+$0x1B0] =	vst v4  }
0xde: {  	[tilespmem:s25+$0x1C0] =	vst v4  }
0xdf: {  	[tilespmem:s25+$0x1D0] =	vst v4  }
0xe0: {  	[tilespmem:s25+$0x1E0] =	vst v4  }
0xe1: {  	[tilespmem:s25+$0x1F0] =	vst v4  }
0xe2: {  	[tilespmem:s25+$0x580] =	vst v4  }
0xe3: {  	[tilespmem:s25+$0x590] =	vst v4  }
0xe4: {  	s26 =	simm.s32 $0x1;
	[tilespmem:s25+$0x5A0] =	vst v4  }
0xe5: {  	s26 =	simm.s32 @!p0 $0x0;
	[tilespmem:s25+$0x5B0] =	vst v4  }
0xe6: {  	s26 =	sshll.u32 s26, $0x9;
	[tilespmem:s25+$0x5C0] =	vst v4  }
0xe7: {  	[tilespmem:s25+$0x5D0] =	vst v4;
	s26 =	sadd.s32 s26, s23  }
0xe8: {  	[tilespmem:s25+$0x5E0] =	vst v4;
	s28 =	sor.u32 $0x800, s26  }
0xe9: {  	s31 =	sor.u32 $0x810, s26;
	[tilespmem:s28+$0x13080] =	vst v4  }
0xea: {  	s29 =	sor.u32 $0x820, s26;
	[tilespmem:s31+$0x13080] =	vst v4  }
0xeb: {  	s30 =	sor.u32 $0x830, s26;
	[tilespmem:s29+$0x13080] =	vst v4  }
0xec: {  	s31 =	sor.u32 $0x840, s26;
	[tilespmem:s30+$0x13080] =	vst v4  }
0xed: {  	s29 =	sor.u32 $0x850, s26;
	[tilespmem:s31+$0x13080] =	vst v4  }
0xee: {  	s30 =	sor.u32 $0x860, s26;
	[tilespmem:s29+$0x13080] =	vst v4  }
0xef: {  	s31 =	sor.u32 $0x870, s26;
	[tilespmem:s30+$0x13080] =	vst v4  }
0xf0: {  	s29 =	sor.u32 $0xC00, s26;
	[tilespmem:s31+$0x13080] =	vst v4  }
0xf1: {  	s30 =	sor.u32 $0xC10, s26;
	[tilespmem:s29+$0x13080] =	vst v4  }
0xf2: {  	s31 =	sor.u32 $0xC20, s26;
	[tilespmem:s30+$0x13080] =	vst v4  }
0xf3: {  	s29 =	sor.u32 $0xC30, s26;
	[tilespmem:s31+$0x13080] =	vst v4  }
0xf4: {  	s30 =	sor.u32 $0xC40, s26;
	[tilespmem:s29+$0x13080] =	vst v4  }
0xf5: {  	s31 =	sor.u32 $0xC50, s26;
	[tilespmem:s30+$0x13080] =	vst v4  }
0xf6: {  	s29 =	sor.u32 $0xC60, s26;
	[tilespmem:s31+$0x13080] =	vst v4  }
0xf7: {  	s28 =	sadd.s32 $0x80, s26;
	s30 =	sor.u32 $0xC70, s26;
	[tilespmem:s29+$0x13080] =	vst v4  }
0xf8: {  	s29 =	sor.u32 $0x800, s28;
	[tilespmem:s30+$0x13080] =	vst v4  }
0xf9: {  	s31 =	sor.u32 $0x810, s28;
	[tilespmem:s29+$0x13080] =	vst v4  }
0xfa: {  	s30 =	sor.u32 $0x820, s28;
	[tilespmem:s31+$0x13080] =	vst v4  }
0xfb: {  	s31 =	sor.u32 $0x830, s28;
	[tilespmem:s30+$0x13080] =	vst v4  }
0xfc: {  	s30 =	sor.u32 $0x840, s28;
	[tilespmem:s31+$0x13080] =	vst v4  }
0xfd: {  	s31 =	sor.u32 $0x850, s28;
	[tilespmem:s30+$0x13080] =	vst v4  }
0xfe: {  	s30 =	sor.u32 $0x860, s28;
	[tilespmem:s31+$0x13080] =	vst v4  }
0xff: {  	s31 =	sor.u32 $0x870, s28;
	[tilespmem:s30+$0x13080] =	vst v4  }
0x100: {  	s30 =	sor.u32 $0xC00, s28;
	[tilespmem:s31+$0x13080] =	vst v4  }
0x101: {  	s31 =	sor.u32 $0xC10, s28;
	[tilespmem:s30+$0x13080] =	vst v4  }
0x102: {  	s30 =	sor.u32 $0xC20, s28;
	[tilespmem:s31+$0x13080] =	vst v4  }
0x103: {  	s31 =	sor.u32 $0xC30, s28;
	[tilespmem:s30+$0x13080] =	vst v4  }
0x104: {  	s30 =	sor.u32 $0xC40, s28;
	[tilespmem:s31+$0x13080] =	vst v4  }
0x105: {  	s31 =	sor.u32 $0xC50, s28;
	[tilespmem:s30+$0x13080] =	vst v4  }
0x106: {  	s30 =	sor.u32 $0xC60, s28;
	[tilespmem:s31+$0x13080] =	vst v4  }
0x107: {  	s28 =	sor.u32 $0xC70, s28;
	[tilespmem:s30+$0x13080] =	vst v4  }
0x108: {  	[tilespmem:s28+$0x13080] =	vst v4;
	s28 =	sadd.s32 $0x100, s26  }
0x109: {  	[tilespmem:s25+$0x5F0] =	vst v4;
	s31 =	sor.u32 $0x800, s28  }
0x10a: {  	s30 =	sor.u32 $0x810, s28;
	[tilespmem:s31+$0x13080] =	vst v4  }
0x10b: {  	s31 =	sor.u32 $0x820, s28;
	[tilespmem:s30+$0x13080] =	vst v4  }
0x10c: {  	s30 =	sor.u32 $0x830, s28;
	[tilespmem:s31+$0x13080] =	vst v4  }
0x10d: {  	s31 =	sor.u32 $0x840, s28;
	[tilespmem:s30+$0x13080] =	vst v4  }
0x10e: {  	s30 =	sor.u32 $0x850, s28;
	[tilespmem:s31+$0x13080] =	vst v4  }
0x10f: {  	s31 =	sor.u32 $0x860, s28;
	[tilespmem:s30+$0x13080] =	vst v4  }
0x110: {  	s30 =	sor.u32 $0x870, s28;
	[tilespmem:s31+$0x13080] =	vst v4  }
0x111: {  	s31 =	sor.u32 $0xC00, s28;
	[tilespmem:s30+$0x13080] =	vst v4  }
0x112: {  	s30 =	sor.u32 $0xC10, s28;
	[tilespmem:s31+$0x13080] =	vst v4  }
0x113: {  	s31 =	sor.u32 $0xC20, s28;
	[tilespmem:s30+$0x13080] =	vst v4  }
0x114: {  	s30 =	sor.u32 $0xC30, s28;
	[tilespmem:s31+$0x13080] =	vst v4  }
0x115: {  	s31 =	sor.u32 $0xC40, s28;
	[tilespmem:s30+$0x13080] =	vst v4  }
0x116: {  	s30 =	sor.u32 $0xC50, s28;
	[tilespmem:s31+$0x13080] =	vst v4  }
0x117: {  	s31 =	sor.u32 $0xC60, s28;
	[tilespmem:s30+$0x13080] =	vst v4  }
0x118: {  	s26 =	sadd.s32 $0x180, s26;
	s28 =	sor.u32 $0xC70, s28;
	[tilespmem:s31+$0x13080] =	vst v4  }
0x119: {  	[tilespmem:s28+$0x13080] =	vst v4;
	s28 =	sor.u32 $0x800, s26  }
0x11a: {  	s29 =	sor.u32 $0x810, s26;
	[tilespmem:s28+$0x13080] =	vst v4  }
0x11b: {  	s30 =	sor.u32 $0x820, s26;
	[tilespmem:s29+$0x13080] =	vst v4  }
0x11c: {  	s31 =	sor.u32 $0x830, s26;
	[tilespmem:s30+$0x13080] =	vst v4  }
0x11d: {  	s28 =	sor.u32 $0x840, s26;
	[tilespmem:s31+$0x13080] =	vst v4  }
0x11e: {  	s29 =	sor.u32 $0x850, s26;
	[tilespmem:s28+$0x13080] =	vst v4  }
0x11f: {  	s30 =	sor.u32 $0x860, s26;
	[tilespmem:s29+$0x13080] =	vst v4  }
0x120: {  	s31 =	sor.u32 $0x870, s26;
	[tilespmem:s30+$0x13080] =	vst v4  }
0x121: {  	s28 =	sor.u32 $0xC00, s26;
	[tilespmem:s31+$0x13080] =	vst v4  }
0x122: {  	s29 =	sor.u32 $0xC10, s26;
	[tilespmem:s28+$0x13080] =	vst v4  }
0x123: {  	s22 =	sadd.s32 $0x4, s22;
	s30 =	sor.u32 $0xC20, s26;
	[tilespmem:s29+$0x13080] =	vst v4  }
0x124: {  	p1 =	slt.u32 s22, $0x5C;
	s31 =	sor.u32 $0xC30, s26;
	[tilespmem:s30+$0x13080] =	vst v4  }
.Ltmp3:
0x125: {  	s28 =	sor.u32 $0xC40, s26;
	[tilespmem:s31+$0x13080] =	vst v4;
	(pc) =	sbr.rel @p1 .LBB2_4-.Ltmp3, $4  }
0x126: {  	s29 =	sor.u32 $0xC50, s26;
	[tilespmem:s28+$0x13080] =	vst v4  }
0x127: {  	s30 =	sor.u32 $0xC60, s26;
	[tilespmem:s29+$0x13080] =	vst v4  }
0x128: {  	s31 =	sor.u32 $0xC70, s26;
	[tilespmem:s30+$0x13080] =	vst v4  }
0x129: {  	s24 =	sadd.s32 $0x200, s24;
	p0 =	por !p0, !p0;
	s23 =	sadd.s32 $0x800, s23;
	[tilespmem:s31+$0x13080] =	vst v4  }
0x12a: {  	_ =	swait.ge [sflag:s4], $0x2000  }
0x12b: {  	[sflag:s4] =	ssyncset.done $0x0  }
0x12c: {  	[sflag:s4] =	ssyncadd.s32 $0xFFFFE000  }
0x12d: {  	_ =	swait.ge [sflag:s4], $0x2000  }
0x12e: {  	[sflag:s4] =	ssyncset.done $0x0  }
0x12f: {  	[sflag:s4] =	ssyncadd.s32 $0xFFFFE000  }
0x130: {  	_ =	swait.ge [sflag:s4], $0x2000  }
0x131: {  	[sflag:s4] =	ssyncset.done $0x0  }
0x132: {  	[sflag:s4] =	ssyncadd.s32 $0xFFFFE000  }
0x133: {  	_ =	swait.ge [sflag:s4], $0x80  }
0x134: {  	[sflag:s4] =	ssyncset.done $0x0  }
0x135: {  	v6 =	vld [tilespmem:$0x1FFF0];
	[sflag:s4] =	ssyncadd.s32 $0xFFFFFF80  }
0x136: {  	v5 =	vld [tilespmem:$0x6000];
	_ =	sdelay $0x4  }
0x137: {  	vm0 =	vnez.u8 v6;
	v5 =	vxor.u32 $0x80000000, v5  }
0x138: {  	v5 =	vnsel vm0, $0x80000000, v5  }
0x139: {  	(xrf0) =	vmax.scan.msk.u32 $0xffff, v5;
	_ =	sdelay $0x5  }
0x13a: {  	v5, _, _ =	vpop (xrf0)  }
0x13b: {  	(v2sf) =	vpush v5, $0xF;
	_ =	sdelay $0xe  }
0x13c: {  	s23 =	spop (v2sf)  }
0x13d: {  	s22 =	sadd.s32 $0x8000000F, s23  }
0x13e: {  	s24 =	sand.u32 $0xF, s22  }
0x13f: {  	s29 =	sshra.s32 s22, $0x1F;
	p1 =	slt.s32 s22, $0x1;
	p0 =	sne.s32 s24, $0x0  }
0x140: {  	s24 =	sshrl.u32 s29, $0x1C;
	p0 =	por !p1, !p0  }
0x141: {  	s22 =	sadd.s32 s24, s22;
	s24 =	simm.s32 $0x1;
	p0 =	por !p0, !p0  }
0x142: {  	s22 =	sshra.s32 s22, $0x4;
	s24 =	simm.s32 @!p0 $0x0  }
0x143: {  	s22 =	ssub.s32 s22, s24  }
0x144: {  	p0 =	slt.s32 s22, $0x200  }
0x145: {  	p5 =	slt.s32 s22, $0xFFFFFFF2;
	s22 =	simm.s32 @!p0 $0x200  }
0x146: {  	s22 =	sadd.s32 $0xF, s22  }
0x147: {  	s30 =	sand.u32 $0xF, s22  }
0x148: {  	s31 =	sshra.s32 s22, $0x1F;
	p6 =	sne.s32 s30, $0x0  }
0x149: {  	s24 =	sshrl.u32 s31, $0x1C;
	p0 =	por !p5, !p6  }
0x14a: {  	s22 =	sadd.s32 s24, s22;
	s24 =	simm.s32 $0x1;
	p0 =	por !p0, !p0  }
0x14b: {  	s22 =	sshra.s32 s22, $0x4;
	s24 =	simm.s32 @!p0 $0x0  }
0x14c: {  	s22 =	ssub.s32 s22, s24  }
0x14d: {  	p0 =	slt.s32 s22, $0x1  }
.Ltmp4:
0x14e: {  	_ = 	snop;
	(pc) =	sbr.rel @p0 .LBB2_10-.Ltmp4, $3  }
0x14f: {  	_ =	sdelay $0x1  }
0x150: {  	s23 =	sxor.u32 $0x80000000, s23  }
0x151: {  	v5 =	vmov s23  }
0x152: {  	s23 =	simm.s32 $0x80;
	s24 =	simm.s32 $0x4080  }
0x153: {  	s25 =	simm.s32 $0x2080;
	s26 =	simm.s32 $0x80;
	s28 =	smov.u32 s22  }
.LBB2_7:
0x154: {  	v6 =	vld [tilespmem:s23+$0xFFFFFF80]  }
0x155: {  	v7 =	vld [tilespmem:s23+$0xFFFFFF90]  }
0x156: {  	v8 =	vld [tilespmem:s23+$0xFFFFFFA0]  }
0x157: {  	v30 =	vld [tilespmem:s23+$0xFFFFFFB0]  }
0x158: {  	v11 =	vld [tilespmem:s23+$0xFFFFFFC0]  }
0x159: {  	v14 =	vld [tilespmem:s23+$0xFFFFFFF0]  }
0x15a: {  	v15 =	vld [tilespmem:s23+$0x0]  }
0x15b: {  	v38 =	vld [tilespmem:s23+$0x10]  }
0x15c: {  	v17 =	vld [tilespmem:s23+$0x20]  }
0x15d: {  	s29 =	sadd.s32 $0xFFFFFF80, s26;
	s30 =	sadd.s32 $0xFFFFFF90, s26;
	v12 =	vimm.s32 $0x0;
	s31 =	sadd.s32 $0xFFFFFFA0, s26;
	v31 =	vimm.s32 $0x0;
	v39 =	vor.u32 s26, v2;
	v18 =	vld [tilespmem:s23+$0x30]  }
0x15e: {  	v41 =	vld [tilespmem:s23+$0x40];
	v9 =	vor.u32 s29, v2;
	v10 =	vor.u32 s30, v2;
	v32 =	vor.u32 s31, v2;
	s30 =	sadd.s32 $0xFFFFFFB0, s26  }
0x15f: {  	v20 =	vld [tilespmem:s23+$0x50];
	s31 =	sadd.s32 $0xFFFFFFC0, s26;
	vm0 =	vlt.s32 v9, v5;
	vm12 =	vlt.s32 v10, v5;
	v34 =	vor.u32 s30, v2  }
0x160: {  	v21 =	vld [tilespmem:s23+$0x60];
	vm13 =	vlt.s32 v32, v5;
	v13 =	vor.u32 s31, v2;
	s30 =	sadd.s32 $0xFFFFFFD0, s26;
	s31 =	sadd.s32 $0xFFFFFFE0, s26;
	vm14 =	vlt.s32 v34, v5  }
0x161: {  	v22 =	vld [tilespmem:s23+$0x70];
	vm15 =	vlt.s32 v13, v5;
	v36 =	vor.u32 s30, v2;
	v37 =	vor.u32 s31, v2;
	s30 =	sadd.s32 $0xFFFFFFF0, s26  }
0x162: {  	v47 =	vld [tilespmem:s25+$0xFFFFFF80];
	s31 =	sadd.s32 $0x10, s26;
	vm9 =	vlt.s32 v36, v5;
	vm10 =	vlt.s32 v37, v5;
	v16 =	vor.u32 s30, v2  }
0x163: {  	v49 =	vld [tilespmem:s25+$0xFFFFFF90];
	v40 =	vor.u32 s31, v2;
	v6 =	vsub.s32 v6, v0;
	v7 =	vsub.s32 v7, v0  }
0x164: {  	v52 =	vld [tilespmem:s25+$0xFFFFFFA0];
	v8 =	vsub.s32 v8, v0;
	v9 =	vsub.s32 v30, v0;
	v11 =	vsub.s32 v11, v0  }
0x165: {  	v57 =	vld [tilespmem:s25+$0xFFFFFFB0];
	s30 =	sadd.s32 $0x20, s26;
	v14 =	vsub.s32 v14, v0;
	vm11 =	vlt.s32 v16, v5;
	v15 =	vsub.s32 v15, v0  }
0x166: {  	s31 =	sadd.s32 $0x30, s26;
	v13 =	vsub.s32 v38, v0;
	v19 =	vor.u32 s30, v2;
	v17 =	vsub.s32 v17, v0  }
0x167: {  	v42 =	vor.u32 s31, v2;
	v18 =	vsub.s32 v18, v0;
	v16 =	vsub.s32 v41, v0  }
0x168: {  	v20 =	vsub.s32 v20, v0;
	v21 =	vsub.s32 v21, v0;
	v22 =	vsub.s32 v22, v0  }
0x169: {  	v50 =	vshll.u32 v47, $0x3;
	v54 =	vand.u32 $0x7F, v47;
	v56 =	vshll.u32 v49, $0x3  }
0x16a: {  	v61 =	vshll.u32 v52, $0x3;
	v38 =	vand.u32 $0x7F, v57;
	vm1 =	vlt.u32 v6, $0x68  }
0x16b: {  	s30 =	sadd.s32 $0x40, s26;
	s31 =	sadd.s32 $0x50, s26;
	vm2 =	vlt.u32 v7, $0x68;
	vm3 =	vlt.u32 v8, $0x68;
	vm4 =	vlt.u32 v9, $0x68  }
0x16c: {  	vm5 =	vlt.u32 v11, $0x68;
	v43 =	vor.u32 s30, v2;
	v44 =	vor.u32 s31, v2  }
0x16d: {  	v63 =	vand.u32 $0xFFFFFC00, v61;
	vm0 =	vmand vm0, vm1;
	vm8 =	vmand vm13, vm3  }
0x16e: {  	v33 =	vld [tilespmem:s23+$0xFFFFFFD0];
	s30 =	sadd.s32 $0x60, s26;
	vm4 =	vmand vm14, vm4;
	vm5 =	vmand vm15, vm5;
	vm13 =	vlt.s32 v39, v5  }
0x16f: {  	s31 =	sadd.s32 $0x70, s26;
	vm14 =	vlt.s32 v40, v5;
	vm15 =	vlt.s32 v19, v5;
	v45 =	vor.u32 s30, v2  }
0x170: {  	v46 =	vor.u32 s31, v2;
	v12 =	vsel vm0, $0xFFFFFFFF, v12;
	vm0 =	vmand vm12, vm2  }
0x171: {  	v35 =	vld [tilespmem:s23+$0xFFFFFFE0];
	vm12 =	vlt.u32 v14, $0x68;
	vm2 =	vlt.s32 v45, v5;
	vm1 =	vlt.s32 v46, v5  }
0x172: {  	v30 =	vld [tilespmem:s25+$0xFFFFFFC0];
	v24 =	vnsel vm8, $0x0, v8;
	v25 =	vnsel vm4, $0x0, v9;
	v26 =	vnsel vm5, $0x0, v11  }
0x173: {  	[tilespmem:$0x1FFD0] =	vst v12;
	v10 =	vsel vm0, $0xFFFFFFFF, v31;
	v12 =	vsub.s32 v33, v0;
	vm0 =	vlt.s32 v42, v5  }
0x174: {  	v60 =	vshll.u32 v24, $0x9;
	v31 =	vshll.u32 v24, $0x7;
	v32 =	vshll.u32 v25, $0x9  }
0x175: {  	v33 =	vshll.u32 v57, $0x3;
	v34 =	vshll.u32 v25, $0x7;
	v39 =	vshll.u32 v26, $0x9  }
0x176: {  	v42 =	vshll.u32 v26, $0x7;
	[tilespmem:$0x1FFE0] =	vst v10;
	vm6 =	vlt.u32 v12, $0x68;
	v10 =	vsub.s32 v35, v0  }
0x177: {  	v62 =	vand.u32 $0xFFFFF000, v60;
	v37 =	vand.u32 $0x380, v34;
	v40 =	vshll.u32 v30, $0x3  }
0x178: {  	vm6 =	vmand vm9, vm6;
	vm7 =	vlt.u32 v10, $0x68;
	vm9 =	vlt.u32 v15, $0x68  }
0x179: {  	v19 =	vand.u32 $0xFFFFFC00, v40;
	vm3 =	vmand vm10, vm7;
	vm7 =	vmand vm11, vm12  }
0x17a: {  	vm9 =	vmand vm13, vm9;
	vm10 =	vlt.u32 v13, $0x68;
	vm11 =	vlt.u32 v17, $0x68  }
0x17b: {  	vm12 =	vlt.u32 v18, $0x68;
	vm13 =	vlt.u32 v16, $0x68;
	v27 =	vnsel vm6, $0x0, v12  }
0x17c: {  	v12 =	vand.u32 $0x7F, v49;
	vm10 =	vmand vm14, vm10;
	vm11 =	vmand vm15, vm11  }
0x17d: {  	vm12 =	vmand vm0, vm12;
	vm0 =	vlt.s32 v43, v5;
	vm14 =	vlt.u32 v20, $0x68  }
0x17e: {  	vm15 =	vlt.u32 v21, $0x68;
	v28 =	vnsel vm3, $0x0, v10;
	v14 =	vnsel vm7, $0x0, v14  }
0x17f: {  	v15 =	vnsel vm9, $0x0, v15;
	v10 =	vand.u32 $0xFFFFFC00, v50;
	v43 =	vand.u32 $0x380, v42  }
0x180: {  	v35 =	vld [tilespmem:s25+$0xFFFFFFD0];
	v49 =	vshll.u32 v27, $0x7;
	vm13 =	vmand vm0, vm13;
	vm0 =	vlt.s32 v44, v5  }
0x181: {  	vm2 =	vmand vm2, vm15;
	v29 =	vnsel vm10, $0x0, v13;
	v13 =	vnsel vm11, $0x0, v17  }
0x182: {  	v23 =	vld [tilespmem:$0x1FFD0];
	v11 =	vnsel vm12, $0x0, v18;
	v18 =	vand.u32 $0xFFFFFC00, v56;
	v17 =	vand.u32 $0x7F, v52  }
0x183: {  	v48 =	vld [tilespmem:$0x1FFE0];
	v44 =	vshll.u32 v27, $0x9;
	v50 =	vshll.u32 v28, $0x9;
	v28 =	vshll.u32 v28, $0x7  }
0x184: {  	v57 =	vshll.u32 v15, $0x9;
	v15 =	vshll.u32 v15, $0x7;
	vm14 =	vmand vm0, vm14  }
0x185: {  	vm0 =	vlt.u32 v22, $0x68;
	v9 =	vnsel vm13, $0x0, v16;
	v45 =	vshll.u32 v35, $0x3  }
0x186: {  	v25 =	vand.u32 $0xFFFFF000, v50;
	v15 =	vand.u32 $0x380, v15;
	v34 =	vshll.u32 v29, $0x9  }
0x187: {  	v29 =	vshll.u32 v29, $0x7;
	v61 =	vshll.u32 v13, $0x9;
	v13 =	vshll.u32 v13, $0x7  }
0x188: {  	vm15 =	vmand vm1, vm0;
	vm0 =	vnez.u8 v23;
	vm1 =	vnez.u8 v48  }
0x189: {  	v8 =	vnsel vm14, $0x0, v20;
	v20 =	vand.u32 $0x7F, v30;
	v46 =	vand.u32 $0xFFFFFC00, v45  }
0x18a: {  	v47 =	vld [tilespmem:s25+$0xFFFFFFF0];
	v48 =	vand.u32 $0x7F, v35;
	v34 =	vand.u32 $0xFFFFF000, v34;
	v29 =	vand.u32 $0x380, v29  }
0x18b: {  	v56 =	vld [tilespmem:s25+$0x10];
	v13 =	vand.u32 $0x380, v13;
	v6 =	vnsel vm0, $0x0, v6;
	v23 =	vnsel vm1, $0x0, v7  }
0x18c: {  	v7 =	vshll.u32 v6, $0x9;
	v6 =	vshll.u32 v6, $0x7;
	v55 =	vshll.u32 v23, $0x9  }
0x18d: {  	v41 =	vld [tilespmem:s25+$0xFFFFFFE0];
	v58 =	vshll.u32 v23, $0x7;
	v51 =	vand.u32 $0xFFFFF000, v7;
	v7 =	vnsel vm2, $0x0, v21  }
0x18e: {  	v53 =	vand.u32 $0x380, v6;
	v6 =	vnsel vm15, $0x0, v22;
	v16 =	vand.u32 $0xFFFFF000, v55  }
0x18f: {  	v59 =	vand.u32 $0x380, v58;
	v21 =	vand.u32 $0xFFFFF000, v32;
	v22 =	vand.u32 $0xFFFFFC00, v33  }
0x190: {  	v30 =	vld [tilespmem:s25+$0x0];
	v55 =	vshll.u32 v47, $0x3;
	v35 =	vshll.u32 v56, $0x3;
	v10 =	vadd.s32 v10, v51  }
0x191: {  	v16 =	vadd.s32 v18, v16;
	v18 =	vand.u32 $0x380, v31;
	v36 =	vadd.s32 v22, v21  }
0x192: {  	v51 =	vshll.u32 v41, $0x3;
	v21 =	vand.u32 $0x7F, v41;
	v22 =	vand.u32 $0x7F, v47  }
0x193: {  	v35 =	vand.u32 $0xFFFFFC00, v35;
	v41 =	vshll.u32 v9, $0x9;
	v9 =	vshll.u32 v9, $0x7  }
0x194: {  	v10 =	vor.u32 v53, v10;
	v16 =	vor.u32 v59, v16;
	v26 =	vand.u32 $0xFFFFFC00, v51  }
0x195: {  	v40 =	vld [tilespmem:s25+$0x50];
	v53 =	vand.u32 $0x380, v28;
	v32 =	vshll.u32 v30, $0x3;
	v30 =	vand.u32 $0x7F, v30  }
0x196: {  	v24 =	vld [tilespmem:s24+$0xFFFFFF80];
	v60 =	vadd.s32 v35, v34;
	v28 =	vand.u32 $0x7F, v56;
	v41 =	vand.u32 $0xFFFFF000, v41  }
0x197: {  	v27 =	vld [tilespmem:s24+$0xFFFFFF90];
	v9 =	vand.u32 $0x380, v9;
	v56 =	vshll.u32 v7, $0x9;
	v7 =	vshll.u32 v7, $0x7  }
0x198: {  	v23 =	vld [tilespmem:s24+$0xFFFFFFB0];
	v10 =	vor.u32 v54, v10;
	v12 =	vor.u32 v12, v16;
	v16 =	vadd.s32 v63, v62  }
0x199: {  	v59 =	vld [tilespmem:s25+$0x20];
	v52 =	vadd.s32 v26, v25;
	v54 =	vshll.u32 v14, $0x9;
	v25 =	vand.u32 $0xFFFFFC00, v55  }
0x19a: {  	v33 =	vld [tilespmem:s24+$0xFFFFFFE0];
	v14 =	vshll.u32 v14, $0x7;
	v58 =	vand.u32 $0xFFFFFC00, v32;
	v55 =	vand.u32 $0x7F, v40  }
0x19b: {  	v31 =	vld [tilespmem:s24+$0xFFFFFFC0];
	v7 =	vand.u32 $0x380, v7;
	v16 =	vor.u32 v18, v16;
	v18 =	vor.u32 v37, v36  }
0x19c: {  	v63 =	vld [tilespmem:s25+$0x40];
	v16 =	vor.u32 v17, v16;
	v17 =	vor.u32 v38, v18;
	v18 =	vand.u32 $0xFFFFF000, v39  }
0x19d: {  	v34 =	vld [tilespmem:s24+$0x10];
	v14 =	vand.u32 $0x380, v14;
	v18 =	vadd.s32 v19, v18;
	v19 =	vand.u32 $0xFFFFF000, v44  }
0x19e: {  	v51 =	vld [tilespmem:s24+$0x70];
	v18 =	vor.u32 v43, v18;
	v19 =	vadd.s32 v46, v19;
	v62 =	vshll.u32 v59, $0x3  }
0x19f: {  	v37 =	vld [tilespmem:s25+$0x30];
	v32 =	vand.u32 $0x7F, v59;
	v46 =	vshll.u32 v11, $0x9;
	v11 =	vshll.u32 v11, $0x7  }
0x1a0: {  	v26 =	vld [tilespmem:s24+$0xFFFFFFA0];
	v59 =	vshll.u32 v6, $0x9;
	v6 =	vshll.u32 v6, $0x7;
	v18 =	vor.u32 v20, v18  }
0x1a1: {  	v36 =	vld [tilespmem:s24+$0x0];
	v20 =	vand.u32 $0x380, v49;
	v11 =	vand.u32 $0x380, v11;
	v42 =	vshll.u32 v63, $0x3  }
0x1a2: {  	v38 =	vld [tilespmem:s24+$0x30];
	v35 =	vand.u32 $0x7F, v63;
	v19 =	vor.u32 v20, v19;
	v20 =	vor.u32 v53, v52  }
0x1a3: {  	v44 =	vld [tilespmem:s25+$0x70];
	v6 =	vand.u32 $0x380, v6;
	v20 =	vor.u32 v21, v20;
	v21 =	vand.u32 $0xFFFFF000, v54  }
0x1a4: {  	v43 =	vld [tilespmem:s24+$0x60];
	v39 =	vshll.u32 v37, $0x3;
	v37 =	vand.u32 $0x7F, v37;
	v21 =	vadd.s32 v25, v21  }
0x1a5: {  	v49 =	vld [tilespmem:s25+$0x60];
	v42 =	vand.u32 $0xFFFFFC00, v42;
	v14 =	vor.u32 v14, v21;
	v21 =	vand.u32 $0xFFFFF000, v57  }
0x1a6: {  	v52 =	vshll.u32 v8, $0x9;
	v19 =	vor.u32 v48, v19;
	v48 =	vld [tilespmem:s24+$0x50];
	v21 =	vadd.s32 v58, v21  }
0x1a7: {  	v53 =	vshll.u32 v40, $0x3;
	v8 =	vshll.u32 v8, $0x7;
	v25 =	vld [tilespmem:s24+$0xFFFFFFD0];
	v15 =	vor.u32 v15, v21  }
0x1a8: {  	v14 =	vor.u32 v22, v14;
	v22 =	vld [tilespmem:s24+$0xFFFFFFF0];
	v21 =	vor.u32 v29, v60;
	v15 =	vor.u32 v30, v15  }
0x1a9: {  	v29 =	vld [tilespmem:s24+$0x20];
	v21 =	vor.u32 v28, v21;
	v28 =	vand.u32 $0xFFFFF000, v61;
	v30 =	vand.u32 $0xFFFFFC00, v62  }
0x1aa: {  	v47 =	vand.u32 $0xFFFFFC00, v39;
	v50 =	vadd.s32 v42, v41;
	v28 =	vadd.s32 v30, v28;
	v30 =	vld [tilespmem:s24+$0x40];
	[tilespmem:v10+s17+$0x0] =	vst.idx.msk vm0, v24  }
0x1ab: {  	v54 =	vand.u32 $0xFFFFFC00, v53;
	v8 =	vand.u32 $0x380, v8;
	v9 =	vor.u32 v9, v50;
	[tilespmem:v12+s17+$0x0] =	vst.idx.msk vm1, v27  }
0x1ac: {  	v9 =	vor.u32 v35, v9;
	v57 =	vshll.u32 v49, $0x3;
	v60 =	vshll.u32 v44, $0x3;
	[tilespmem:v16+s17+$0x0] =	vst.idx.msk vm8, v26  }
0x1ad: {  	v10 =	vand.u32 $0xFFFFF000, v52;
	v13 =	vor.u32 v13, v28;
	v28 =	vand.u32 $0xFFFFF000, v46;
	[tilespmem:v17+s17+$0x0] =	vst.idx.msk vm4, v23  }
0x1ae: {  	v61 =	vand.u32 $0xFFFFFC00, v60;
	v10 =	vadd.s32 v54, v10;
	v28 =	vadd.s32 v47, v28;
	[tilespmem:v18+s17+$0x0] =	vst.idx.msk vm5, v31  }
0x1af: {  	v12 =	vand.u32 $0xFFFFFC00, v57;
	v13 =	vor.u32 v32, v13;
	v11 =	vor.u32 v11, v28;
	[tilespmem:v19+s17+$0x0] =	vst.idx.msk vm6, v25  }
0x1b0: {  	v8 =	vor.u32 v8, v10;
	v10 =	vand.u32 $0xFFFFF000, v56;
	v11 =	vor.u32 v37, v11;
	[tilespmem:v20+s17+$0x0] =	vst.idx.msk vm3, v33  }
0x1b1: {  	v8 =	vor.u32 v55, v8;
	v10 =	vadd.s32 v12, v10;
	v12 =	vand.u32 $0xFFFFF000, v59;
	[tilespmem:v14+s17+$0x0] =	vst.idx.msk vm7, v22  }
0x1b2: {  	v58 =	vand.u32 $0x7F, v49;
	v7 =	vor.u32 v7, v10;
	v62 =	vadd.s32 v61, v12;
	[tilespmem:v15+s17+$0x0] =	vst.idx.msk vm9, v36  }
0x1b3: {  	v63 =	vand.u32 $0x7F, v44;
	v7 =	vor.u32 v58, v7;
	v6 =	vor.u32 v6, v62;
	[tilespmem:v21+s17+$0x0] =	vst.idx.msk vm10, v34  }
0x1b4: {  	p1 =	sne.s32 s28, $0x1;
	v6 =	vor.u32 v63, v6;
	[tilespmem:v13+s17+$0x0] =	vst.idx.msk vm11, v29  }
.Ltmp5:
0x1b5: {  	[tilespmem:v11+s17+$0x0] =	vst.idx.msk vm12, v38;
	(pc) =	sbr.rel @p1 .LBB2_7-.Ltmp5, $4  }
0x1b6: {  	[tilespmem:v9+s17+$0x0] =	vst.idx.msk vm13, v30  }
0x1b7: {  	[tilespmem:v8+s17+$0x0] =	vst.idx.msk vm14, v48  }
0x1b8: {  	s23 =	sadd.s32 $0x100, s23;
	s28 =	sadd.s32 $0xFFFFFFFF, s28;
	[tilespmem:v7+s17+$0x0] =	vst.idx.msk vm2, v43  }
0x1b9: {  	s26 =	sadd.s32 $0x100, s26;
	s25 =	sadd.s32 $0x100, s25;
	s24 =	sadd.s32 $0x100, s24;
	[tilespmem:v6+s17+$0x0] =	vst.idx.msk vm15, v51  }
0x1ba: {  	[hbm4b:s8+s3] =	stream.linear.scatter [tilespmem:s17], [sflag:$0x2], $0xD000, $0x38;
	[tilespmem:$0x1F080] =	vst v63  }
0x1bb: {  	s23 =	simm.s32 $0x80;
	s24 =	simm.s32 $0x4080  }
0x1bc: {  	s25 =	simm.s32 $0x2080;
	s26 =	simm.s32 $0x80;
	s28 =	smov.u32 s22  }
.LBB2_9:
0x1bd: {  	v6 =	vld [tilespmem:s23+$0xFFFFFF80]  }
0x1be: {  	v7 =	vld [tilespmem:s23+$0xFFFFFF90]  }
0x1bf: {  	v8 =	vld [tilespmem:s23+$0xFFFFFFA0]  }
0x1c0: {  	v30 =	vld [tilespmem:s23+$0xFFFFFFB0]  }
0x1c1: {  	v11 =	vld [tilespmem:s23+$0xFFFFFFC0]  }
0x1c2: {  	v14 =	vld [tilespmem:s23+$0xFFFFFFF0]  }
0x1c3: {  	v15 =	vld [tilespmem:s23+$0x0]  }
0x1c4: {  	v38 =	vld [tilespmem:s23+$0x10]  }
0x1c5: {  	v17 =	vld [tilespmem:s23+$0x20]  }
0x1c6: {  	s29 =	sadd.s32 $0xFFFFFF80, s26;
	s30 =	sadd.s32 $0xFFFFFF90, s26;
	v12 =	vimm.s32 $0x0;
	s31 =	sadd.s32 $0xFFFFFFA0, s26;
	v31 =	vimm.s32 $0x0;
	v39 =	vor.u32 s26, v2;
	v18 =	vld [tilespmem:s23+$0x30]  }
0x1c7: {  	v41 =	vld [tilespmem:s23+$0x40];
	v9 =	vor.u32 s29, v2;
	v10 =	vor.u32 s30, v2;
	v32 =	vor.u32 s31, v2;
	s30 =	sadd.s32 $0xFFFFFFB0, s26  }
0x1c8: {  	v20 =	vld [tilespmem:s23+$0x50];
	s31 =	sadd.s32 $0xFFFFFFC0, s26;
	vm0 =	vlt.s32 v9, v5;
	vm12 =	vlt.s32 v10, v5;
	v34 =	vor.u32 s30, v2  }
0x1c9: {  	v21 =	vld [tilespmem:s23+$0x60];
	vm13 =	vlt.s32 v32, v5;
	v13 =	vor.u32 s31, v2;
	s30 =	sadd.s32 $0xFFFFFFD0, s26;
	s31 =	sadd.s32 $0xFFFFFFE0, s26;
	vm14 =	vlt.s32 v34, v5  }
0x1ca: {  	v22 =	vld [tilespmem:s23+$0x70];
	vm15 =	vlt.s32 v13, v5;
	v36 =	vor.u32 s30, v2;
	v37 =	vor.u32 s31, v2;
	s30 =	sadd.s32 $0xFFFFFFF0, s26  }
0x1cb: {  	v47 =	vld [tilespmem:s25+$0xFFFFFF80];
	s31 =	sadd.s32 $0x10, s26;
	vm9 =	vlt.s32 v36, v5;
	vm10 =	vlt.s32 v37, v5;
	v16 =	vor.u32 s30, v2  }
0x1cc: {  	v49 =	vld [tilespmem:s25+$0xFFFFFF90];
	v40 =	vor.u32 s31, v2;
	v6 =	vsub.s32 v6, v1;
	v7 =	vsub.s32 v7, v1  }
0x1cd: {  	v52 =	vld [tilespmem:s25+$0xFFFFFFA0];
	v8 =	vsub.s32 v8, v1;
	v9 =	vsub.s32 v30, v1;
	v11 =	vsub.s32 v11, v1  }
0x1ce: {  	v57 =	vld [tilespmem:s25+$0xFFFFFFB0];
	s30 =	sadd.s32 $0x20, s26;
	v14 =	vsub.s32 v14, v1;
	vm11 =	vlt.s32 v16, v5;
	v15 =	vsub.s32 v15, v1  }
0x1cf: {  	s31 =	sadd.s32 $0x30, s26;
	v13 =	vsub.s32 v38, v1;
	v19 =	vor.u32 s30, v2;
	v17 =	vsub.s32 v17, v1  }
0x1d0: {  	v42 =	vor.u32 s31, v2;
	v18 =	vsub.s32 v18, v1;
	v16 =	vsub.s32 v41, v1  }
0x1d1: {  	v20 =	vsub.s32 v20, v1;
	v21 =	vsub.s32 v21, v1;
	v22 =	vsub.s32 v22, v1  }
0x1d2: {  	v50 =	vshll.u32 v47, $0x3;
	v54 =	vand.u32 $0x7F, v47;
	v56 =	vshll.u32 v49, $0x3  }
0x1d3: {  	v61 =	vshll.u32 v52, $0x3;
	v38 =	vand.u32 $0x7F, v57;
	vm1 =	vlt.u32 v6, $0x60  }
0x1d4: {  	s30 =	sadd.s32 $0x40, s26;
	s31 =	sadd.s32 $0x50, s26;
	vm2 =	vlt.u32 v7, $0x60;
	vm3 =	vlt.u32 v8, $0x60;
	vm4 =	vlt.u32 v9, $0x60  }
0x1d5: {  	vm5 =	vlt.u32 v11, $0x60;
	v43 =	vor.u32 s30, v2;
	v44 =	vor.u32 s31, v2  }
0x1d6: {  	v63 =	vand.u32 $0xFFFFFC00, v61;
	vm0 =	vmand vm0, vm1;
	vm8 =	vmand vm13, vm3  }
0x1d7: {  	v33 =	vld [tilespmem:s23+$0xFFFFFFD0];
	s30 =	sadd.s32 $0x60, s26;
	vm4 =	vmand vm14, vm4;
	vm5 =	vmand vm15, vm5;
	vm13 =	vlt.s32 v39, v5  }
0x1d8: {  	s31 =	sadd.s32 $0x70, s26;
	vm14 =	vlt.s32 v40, v5;
	vm15 =	vlt.s32 v19, v5;
	v45 =	vor.u32 s30, v2  }
0x1d9: {  	v46 =	vor.u32 s31, v2;
	v12 =	vsel vm0, $0xFFFFFFFF, v12;
	vm0 =	vmand vm12, vm2  }
0x1da: {  	v35 =	vld [tilespmem:s23+$0xFFFFFFE0];
	vm12 =	vlt.u32 v14, $0x60;
	vm2 =	vlt.s32 v45, v5;
	vm1 =	vlt.s32 v46, v5  }
0x1db: {  	v30 =	vld [tilespmem:s25+$0xFFFFFFC0];
	v24 =	vnsel vm8, $0x0, v8;
	v25 =	vnsel vm4, $0x0, v9;
	v26 =	vnsel vm5, $0x0, v11  }
0x1dc: {  	[tilespmem:$0x1FFB0] =	vst v12;
	v10 =	vsel vm0, $0xFFFFFFFF, v31;
	v12 =	vsub.s32 v33, v1;
	vm0 =	vlt.s32 v42, v5  }
0x1dd: {  	v60 =	vshll.u32 v24, $0x9;
	v31 =	vshll.u32 v24, $0x7;
	v32 =	vshll.u32 v25, $0x9  }
0x1de: {  	v33 =	vshll.u32 v57, $0x3;
	v34 =	vshll.u32 v25, $0x7;
	v39 =	vshll.u32 v26, $0x9  }
0x1df: {  	v42 =	vshll.u32 v26, $0x7;
	[tilespmem:$0x1FFC0] =	vst v10;
	vm6 =	vlt.u32 v12, $0x60;
	v10 =	vsub.s32 v35, v1  }
0x1e0: {  	v62 =	vand.u32 $0xFFFFF000, v60;
	v37 =	vand.u32 $0x380, v34;
	v40 =	vshll.u32 v30, $0x3  }
0x1e1: {  	vm6 =	vmand vm9, vm6;
	vm7 =	vlt.u32 v10, $0x60;
	vm9 =	vlt.u32 v15, $0x60  }
0x1e2: {  	v19 =	vand.u32 $0xFFFFFC00, v40;
	vm3 =	vmand vm10, vm7;
	vm7 =	vmand vm11, vm12  }
0x1e3: {  	vm9 =	vmand vm13, vm9;
	vm10 =	vlt.u32 v13, $0x60;
	vm11 =	vlt.u32 v17, $0x60  }
0x1e4: {  	vm12 =	vlt.u32 v18, $0x60;
	vm13 =	vlt.u32 v16, $0x60;
	v27 =	vnsel vm6, $0x0, v12  }
0x1e5: {  	v12 =	vand.u32 $0x7F, v49;
	vm10 =	vmand vm14, vm10;
	vm11 =	vmand vm15, vm11  }
0x1e6: {  	vm12 =	vmand vm0, vm12;
	vm0 =	vlt.s32 v43, v5;
	vm14 =	vlt.u32 v20, $0x60  }
0x1e7: {  	vm15 =	vlt.u32 v21, $0x60;
	v28 =	vnsel vm3, $0x0, v10;
	v14 =	vnsel vm7, $0x0, v14  }
0x1e8: {  	v15 =	vnsel vm9, $0x0, v15;
	v10 =	vand.u32 $0xFFFFFC00, v50;
	v43 =	vand.u32 $0x380, v42  }
0x1e9: {  	v35 =	vld [tilespmem:s25+$0xFFFFFFD0];
	v49 =	vshll.u32 v27, $0x7;
	vm13 =	vmand vm0, vm13;
	vm0 =	vlt.s32 v44, v5  }
0x1ea: {  	vm2 =	vmand vm2, vm15;
	v29 =	vnsel vm10, $0x0, v13;
	v13 =	vnsel vm11, $0x0, v17  }
0x1eb: {  	v23 =	vld [tilespmem:$0x1FFB0];
	v11 =	vnsel vm12, $0x0, v18;
	v18 =	vand.u32 $0xFFFFFC00, v56;
	v17 =	vand.u32 $0x7F, v52  }
0x1ec: {  	v48 =	vld [tilespmem:$0x1FFC0];
	v44 =	vshll.u32 v27, $0x9;
	v50 =	vshll.u32 v28, $0x9;
	v28 =	vshll.u32 v28, $0x7  }
0x1ed: {  	v57 =	vshll.u32 v15, $0x9;
	v15 =	vshll.u32 v15, $0x7;
	vm14 =	vmand vm0, vm14  }
0x1ee: {  	vm0 =	vlt.u32 v22, $0x60;
	v9 =	vnsel vm13, $0x0, v16;
	v45 =	vshll.u32 v35, $0x3  }
0x1ef: {  	v25 =	vand.u32 $0xFFFFF000, v50;
	v15 =	vand.u32 $0x380, v15;
	v34 =	vshll.u32 v29, $0x9  }
0x1f0: {  	v29 =	vshll.u32 v29, $0x7;
	v61 =	vshll.u32 v13, $0x9;
	v13 =	vshll.u32 v13, $0x7  }
0x1f1: {  	vm15 =	vmand vm1, vm0;
	vm0 =	vnez.u8 v23;
	vm1 =	vnez.u8 v48  }
0x1f2: {  	v8 =	vnsel vm14, $0x0, v20;
	v20 =	vand.u32 $0x7F, v30;
	v46 =	vand.u32 $0xFFFFFC00, v45  }
0x1f3: {  	v47 =	vld [tilespmem:s25+$0xFFFFFFF0];
	v48 =	vand.u32 $0x7F, v35;
	v34 =	vand.u32 $0xFFFFF000, v34;
	v29 =	vand.u32 $0x380, v29  }
0x1f4: {  	v56 =	vld [tilespmem:s25+$0x10];
	v13 =	vand.u32 $0x380, v13;
	v6 =	vnsel vm0, $0x0, v6;
	v23 =	vnsel vm1, $0x0, v7  }
0x1f5: {  	v7 =	vshll.u32 v6, $0x9;
	v6 =	vshll.u32 v6, $0x7;
	v55 =	vshll.u32 v23, $0x9  }
0x1f6: {  	v41 =	vld [tilespmem:s25+$0xFFFFFFE0];
	v58 =	vshll.u32 v23, $0x7;
	v51 =	vand.u32 $0xFFFFF000, v7;
	v7 =	vnsel vm2, $0x0, v21  }
0x1f7: {  	v53 =	vand.u32 $0x380, v6;
	v6 =	vnsel vm15, $0x0, v22;
	v16 =	vand.u32 $0xFFFFF000, v55  }
0x1f8: {  	v59 =	vand.u32 $0x380, v58;
	v21 =	vand.u32 $0xFFFFF000, v32;
	v22 =	vand.u32 $0xFFFFFC00, v33  }
0x1f9: {  	v30 =	vld [tilespmem:s25+$0x0];
	v55 =	vshll.u32 v47, $0x3;
	v35 =	vshll.u32 v56, $0x3;
	v10 =	vadd.s32 v10, v51  }
0x1fa: {  	v16 =	vadd.s32 v18, v16;
	v18 =	vand.u32 $0x380, v31;
	v36 =	vadd.s32 v22, v21  }
0x1fb: {  	v51 =	vshll.u32 v41, $0x3;
	v21 =	vand.u32 $0x7F, v41;
	v22 =	vand.u32 $0x7F, v47  }
0x1fc: {  	v35 =	vand.u32 $0xFFFFFC00, v35;
	v41 =	vshll.u32 v9, $0x9;
	v9 =	vshll.u32 v9, $0x7  }
0x1fd: {  	v10 =	vor.u32 v53, v10;
	v16 =	vor.u32 v59, v16;
	v26 =	vand.u32 $0xFFFFFC00, v51  }
0x1fe: {  	v40 =	vld [tilespmem:s25+$0x50];
	v53 =	vand.u32 $0x380, v28;
	v32 =	vshll.u32 v30, $0x3;
	v30 =	vand.u32 $0x7F, v30  }
0x1ff: {  	v24 =	vld [tilespmem:s24+$0xFFFFFF80];
	v60 =	vadd.s32 v35, v34;
	v28 =	vand.u32 $0x7F, v56;
	v41 =	vand.u32 $0xFFFFF000, v41  }
0x200: {  	v27 =	vld [tilespmem:s24+$0xFFFFFF90];
	v9 =	vand.u32 $0x380, v9;
	v56 =	vshll.u32 v7, $0x9;
	v7 =	vshll.u32 v7, $0x7  }
0x201: {  	v23 =	vld [tilespmem:s24+$0xFFFFFFB0];
	v10 =	vor.u32 v54, v10;
	v12 =	vor.u32 v12, v16;
	v16 =	vadd.s32 v63, v62  }
0x202: {  	v59 =	vld [tilespmem:s25+$0x20];
	v52 =	vadd.s32 v26, v25;
	v54 =	vshll.u32 v14, $0x9;
	v25 =	vand.u32 $0xFFFFFC00, v55  }
0x203: {  	v33 =	vld [tilespmem:s24+$0xFFFFFFE0];
	v14 =	vshll.u32 v14, $0x7;
	v58 =	vand.u32 $0xFFFFFC00, v32;
	v55 =	vand.u32 $0x7F, v40  }
0x204: {  	v31 =	vld [tilespmem:s24+$0xFFFFFFC0];
	v7 =	vand.u32 $0x380, v7;
	v16 =	vor.u32 v18, v16;
	v18 =	vor.u32 v37, v36  }
0x205: {  	v63 =	vld [tilespmem:s25+$0x40];
	v16 =	vor.u32 v17, v16;
	v17 =	vor.u32 v38, v18;
	v18 =	vand.u32 $0xFFFFF000, v39  }
0x206: {  	v34 =	vld [tilespmem:s24+$0x10];
	v14 =	vand.u32 $0x380, v14;
	v18 =	vadd.s32 v19, v18;
	v19 =	vand.u32 $0xFFFFF000, v44  }
0x207: {  	v51 =	vld [tilespmem:s24+$0x70];
	v18 =	vor.u32 v43, v18;
	v19 =	vadd.s32 v46, v19;
	v62 =	vshll.u32 v59, $0x3  }
0x208: {  	v37 =	vld [tilespmem:s25+$0x30];
	v32 =	vand.u32 $0x7F, v59;
	v46 =	vshll.u32 v11, $0x9;
	v11 =	vshll.u32 v11, $0x7  }
0x209: {  	v26 =	vld [tilespmem:s24+$0xFFFFFFA0];
	v59 =	vshll.u32 v6, $0x9;
	v6 =	vshll.u32 v6, $0x7;
	v18 =	vor.u32 v20, v18  }
0x20a: {  	v36 =	vld [tilespmem:s24+$0x0];
	v20 =	vand.u32 $0x380, v49;
	v11 =	vand.u32 $0x380, v11;
	v42 =	vshll.u32 v63, $0x3  }
0x20b: {  	v38 =	vld [tilespmem:s24+$0x30];
	v35 =	vand.u32 $0x7F, v63;
	v19 =	vor.u32 v20, v19;
	v20 =	vor.u32 v53, v52  }
0x20c: {  	v44 =	vld [tilespmem:s25+$0x70];
	v6 =	vand.u32 $0x380, v6;
	v20 =	vor.u32 v21, v20;
	v21 =	vand.u32 $0xFFFFF000, v54  }
0x20d: {  	v43 =	vld [tilespmem:s24+$0x60];
	v39 =	vshll.u32 v37, $0x3;
	v37 =	vand.u32 $0x7F, v37;
	v21 =	vadd.s32 v25, v21  }
0x20e: {  	v49 =	vld [tilespmem:s25+$0x60];
	v42 =	vand.u32 $0xFFFFFC00, v42;
	v14 =	vor.u32 v14, v21;
	v21 =	vand.u32 $0xFFFFF000, v57  }
0x20f: {  	v52 =	vshll.u32 v8, $0x9;
	v19 =	vor.u32 v48, v19;
	v48 =	vld [tilespmem:s24+$0x50];
	v21 =	vadd.s32 v58, v21  }
0x210: {  	v53 =	vshll.u32 v40, $0x3;
	v8 =	vshll.u32 v8, $0x7;
	v25 =	vld [tilespmem:s24+$0xFFFFFFD0];
	v15 =	vor.u32 v15, v21  }
0x211: {  	v14 =	vor.u32 v22, v14;
	v22 =	vld [tilespmem:s24+$0xFFFFFFF0];
	v21 =	vor.u32 v29, v60;
	v15 =	vor.u32 v30, v15  }
0x212: {  	v29 =	vld [tilespmem:s24+$0x20];
	v21 =	vor.u32 v28, v21;
	v28 =	vand.u32 $0xFFFFF000, v61;
	v30 =	vand.u32 $0xFFFFFC00, v62  }
0x213: {  	v47 =	vand.u32 $0xFFFFFC00, v39;
	v50 =	vadd.s32 v42, v41;
	v28 =	vadd.s32 v30, v28;
	v30 =	vld [tilespmem:s24+$0x40];
	[tilespmem:v10+s18+$0x0] =	vst.idx.msk vm0, v24  }
0x214: {  	v54 =	vand.u32 $0xFFFFFC00, v53;
	v8 =	vand.u32 $0x380, v8;
	v9 =	vor.u32 v9, v50;
	[tilespmem:v12+s18+$0x0] =	vst.idx.msk vm1, v27  }
0x215: {  	v9 =	vor.u32 v35, v9;
	v57 =	vshll.u32 v49, $0x3;
	v60 =	vshll.u32 v44, $0x3;
	[tilespmem:v16+s18+$0x0] =	vst.idx.msk vm8, v26  }
0x216: {  	v10 =	vand.u32 $0xFFFFF000, v52;
	v13 =	vor.u32 v13, v28;
	v28 =	vand.u32 $0xFFFFF000, v46;
	[tilespmem:v17+s18+$0x0] =	vst.idx.msk vm4, v23  }
0x217: {  	v61 =	vand.u32 $0xFFFFFC00, v60;
	v10 =	vadd.s32 v54, v10;
	v28 =	vadd.s32 v47, v28;
	[tilespmem:v18+s18+$0x0] =	vst.idx.msk vm5, v31  }
0x218: {  	v12 =	vand.u32 $0xFFFFFC00, v57;
	v13 =	vor.u32 v32, v13;
	v11 =	vor.u32 v11, v28;
	[tilespmem:v19+s18+$0x0] =	vst.idx.msk vm6, v25  }
0x219: {  	v8 =	vor.u32 v8, v10;
	v10 =	vand.u32 $0xFFFFF000, v56;
	v11 =	vor.u32 v37, v11;
	[tilespmem:v20+s18+$0x0] =	vst.idx.msk vm3, v33  }
0x21a: {  	v8 =	vor.u32 v55, v8;
	v10 =	vadd.s32 v12, v10;
	v12 =	vand.u32 $0xFFFFF000, v59;
	[tilespmem:v14+s18+$0x0] =	vst.idx.msk vm7, v22  }
0x21b: {  	v58 =	vand.u32 $0x7F, v49;
	v7 =	vor.u32 v7, v10;
	v62 =	vadd.s32 v61, v12;
	[tilespmem:v15+s18+$0x0] =	vst.idx.msk vm9, v36  }
0x21c: {  	v63 =	vand.u32 $0x7F, v44;
	v7 =	vor.u32 v58, v7;
	v6 =	vor.u32 v6, v62;
	[tilespmem:v21+s18+$0x0] =	vst.idx.msk vm10, v34  }
0x21d: {  	p1 =	seq.s32 s28, $0x1;
	v6 =	vor.u32 v63, v6;
	[tilespmem:v13+s18+$0x0] =	vst.idx.msk vm11, v29  }
.Ltmp6:
0x21e: {  	[tilespmem:v11+s18+$0x0] =	vst.idx.msk vm12, v38;
	(pc) =	sbr.rel @!p1 .LBB2_9-.Ltmp6, $4  }
0x21f: {  	[tilespmem:v9+s18+$0x0] =	vst.idx.msk vm13, v30  }
0x220: {  	[tilespmem:v8+s18+$0x0] =	vst.idx.msk vm14, v48  }
0x221: {  	s23 =	sadd.s32 $0x100, s23;
	s28 =	sadd.s32 $0xFFFFFFFF, s28;
	[tilespmem:v7+s18+$0x0] =	vst.idx.msk vm2, v43  }
0x222: {  	s26 =	sadd.s32 $0x100, s26;
	s25 =	sadd.s32 $0x100, s25;
	s24 =	sadd.s32 $0x100, s24;
	[tilespmem:v6+s18+$0x0] =	vst.idx.msk vm15, v51  }
.Ltmp7:
0x223: {  	_ = 	snop;
	(pc) =	sbr.rel .LBB2_11-.Ltmp7, $1  }
0x224: {  	_ =	sdelay $0x3  }
.LBB2_10:
0x225: {  	[hbm4b:s8+s3] =	stream.linear.scatter [tilespmem:s17], [sflag:$0x2], $0xD000, $0x38;
	[tilespmem:$0x1F080] =	vst v63  }
.LBB2_11:
0x226: {  	s23 =	simm.s32 $0x0  }
0x227: {  	[hbm4b:s9+s23] =	stream.linear.scatter [tilespmem:s18], [sflag:$0x3], $0xC000, $0x38;
	[tilespmem:$0x1F080] =	vst v63  }
0x228: {  	_ =	swait.ge [sflag:s19], $0xD000  }
0x229: {  	s24 =	simm.s32 $0xFFFFFFFC;
	[sflag:s19] =	ssyncset.done $0x0  }
0x22a: {  	p1 =	por $0x0, $0x0;
	s25 =	simm.s32 $0x0;
	[sflag:s19] =	ssyncadd.s32 $0xFFFF3000  }
.LBB2_12:
0x22b: {  	s26 =	sand.u32 $0x7000, s23;
	s28 =	sand.u32 $0x200, s25  }
0x22c: {  	s26 =	sor.u32 s28, s26  }
0x22d: {  	[tilespmem:s26+$0x6080] =	vst v4  }
0x22e: {  	[tilespmem:s26+$0x6090] =	vst v4  }
0x22f: {  	[tilespmem:s26+$0x60A0] =	vst v4  }
0x230: {  	[tilespmem:s26+$0x60B0] =	vst v4  }
0x231: {  	[tilespmem:s26+$0x60C0] =	vst v4  }
0x232: {  	[tilespmem:s26+$0x60D0] =	vst v4  }
0x233: {  	[tilespmem:s26+$0x60E0] =	vst v4  }
0x234: {  	[tilespmem:s26+$0x60F0] =	vst v4  }
0x235: {  	[tilespmem:s26+$0x6480] =	vst v4  }
0x236: {  	[tilespmem:s26+$0x6490] =	vst v4  }
0x237: {  	[tilespmem:s26+$0x64A0] =	vst v4  }
0x238: {  	[tilespmem:s26+$0x64B0] =	vst v4  }
0x239: {  	[tilespmem:s26+$0x64C0] =	vst v4  }
0x23a: {  	[tilespmem:s26+$0x64D0] =	vst v4  }
0x23b: {  	[tilespmem:s26+$0x64E0] =	vst v4  }
0x23c: {  	[tilespmem:s26+$0x64F0] =	vst v4  }
0x23d: {  	[tilespmem:s26+$0x6100] =	vst v4  }
0x23e: {  	[tilespmem:s26+$0x6110] =	vst v4  }
0x23f: {  	[tilespmem:s26+$0x6120] =	vst v4  }
0x240: {  	[tilespmem:s26+$0x6130] =	vst v4  }
0x241: {  	[tilespmem:s26+$0x6140] =	vst v4  }
0x242: {  	[tilespmem:s26+$0x6150] =	vst v4  }
0x243: {  	[tilespmem:s26+$0x6160] =	vst v4  }
0x244: {  	[tilespmem:s26+$0x6170] =	vst v4  }
0x245: {  	[tilespmem:s26+$0x6500] =	vst v4  }
0x246: {  	[tilespmem:s26+$0x6510] =	vst v4  }
0x247: {  	[tilespmem:s26+$0x6520] =	vst v4  }
0x248: {  	[tilespmem:s26+$0x6530] =	vst v4  }
0x249: {  	[tilespmem:s26+$0x6540] =	vst v4  }
0x24a: {  	[tilespmem:s26+$0x6550] =	vst v4  }
0x24b: {  	[tilespmem:s26+$0x6560] =	vst v4  }
0x24c: {  	[tilespmem:s26+$0x6570] =	vst v4  }
0x24d: {  	[tilespmem:s26+$0x6180] =	vst v4  }
0x24e: {  	[tilespmem:s26+$0x6190] =	vst v4  }
0x24f: {  	[tilespmem:s26+$0x61A0] =	vst v4  }
0x250: {  	[tilespmem:s26+$0x61B0] =	vst v4  }
0x251: {  	[tilespmem:s26+$0x61C0] =	vst v4  }
0x252: {  	[tilespmem:s26+$0x61D0] =	vst v4  }
0x253: {  	[tilespmem:s26+$0x61E0] =	vst v4  }
0x254: {  	[tilespmem:s26+$0x61F0] =	vst v4  }
0x255: {  	[tilespmem:s26+$0x6580] =	vst v4  }
0x256: {  	[tilespmem:s26+$0x6590] =	vst v4  }
0x257: {  	[tilespmem:s26+$0x65A0] =	vst v4  }
0x258: {  	[tilespmem:s26+$0x65B0] =	vst v4  }
0x259: {  	[tilespmem:s26+$0x65C0] =	vst v4  }
0x25a: {  	[tilespmem:s26+$0x65D0] =	vst v4  }
0x25b: {  	[tilespmem:s26+$0x65E0] =	vst v4  }
0x25c: {  	[tilespmem:s26+$0x65F0] =	vst v4  }
0x25d: {  	[tilespmem:s26+$0x6200] =	vst v4  }
0x25e: {  	[tilespmem:s26+$0x6210] =	vst v4  }
0x25f: {  	[tilespmem:s26+$0x6220] =	vst v4  }
0x260: {  	[tilespmem:s26+$0x6230] =	vst v4  }
0x261: {  	[tilespmem:s26+$0x6240] =	vst v4  }
0x262: {  	[tilespmem:s26+$0x6250] =	vst v4  }
0x263: {  	[tilespmem:s26+$0x6260] =	vst v4  }
0x264: {  	[tilespmem:s26+$0x6270] =	vst v4  }
0x265: {  	[tilespmem:s26+$0x6600] =	vst v4  }
0x266: {  	[tilespmem:s26+$0x6610] =	vst v4  }
0x267: {  	s28 =	simm.s32 $0x1;
	[tilespmem:s26+$0x6620] =	vst v4  }
0x268: {  	s28 =	simm.s32 @!p1 $0x0;
	[tilespmem:s26+$0x6630] =	vst v4  }
0x269: {  	[tilespmem:s26+$0x6640] =	vst v4;
	s28 =	sshll.u32 s28, $0x9  }
0x26a: {  	[tilespmem:s26+$0x6650] =	vst v4;
	s28 =	sadd.s32 s28, s23  }
0x26b: {  	[tilespmem:s26+$0x6660] =	vst v4;
	s29 =	sor.u32 $0x800, s28  }
0x26c: {  	s30 =	sor.u32 $0x810, s28;
	[tilespmem:s29+$0x6080] =	vst v4  }
0x26d: {  	s31 =	sor.u32 $0x820, s28;
	[tilespmem:s30+$0x6080] =	vst v4  }
0x26e: {  	s30 =	sor.u32 $0x830, s28;
	[tilespmem:s31+$0x6080] =	vst v4  }
0x26f: {  	s31 =	sor.u32 $0x840, s28;
	[tilespmem:s30+$0x6080] =	vst v4  }
0x270: {  	s30 =	sor.u32 $0x850, s28;
	[tilespmem:s31+$0x6080] =	vst v4  }
0x271: {  	s31 =	sor.u32 $0x860, s28;
	[tilespmem:s30+$0x6080] =	vst v4  }
0x272: {  	s30 =	sor.u32 $0x870, s28;
	[tilespmem:s31+$0x6080] =	vst v4  }
0x273: {  	s31 =	sor.u32 $0xC00, s28;
	[tilespmem:s30+$0x6080] =	vst v4  }
0x274: {  	s30 =	sor.u32 $0xC10, s28;
	[tilespmem:s31+$0x6080] =	vst v4  }
0x275: {  	s31 =	sor.u32 $0xC20, s28;
	[tilespmem:s30+$0x6080] =	vst v4  }
0x276: {  	s30 =	sor.u32 $0xC30, s28;
	[tilespmem:s31+$0x6080] =	vst v4  }
0x277: {  	s31 =	sor.u32 $0xC40, s28;
	[tilespmem:s30+$0x6080] =	vst v4  }
0x278: {  	s30 =	sor.u32 $0xC50, s28;
	[tilespmem:s31+$0x6080] =	vst v4  }
0x279: {  	s31 =	sor.u32 $0xC60, s28;
	[tilespmem:s30+$0x6080] =	vst v4  }
0x27a: {  	s29 =	sadd.s32 $0x80, s28;
	s30 =	sor.u32 $0xC70, s28;
	[tilespmem:s31+$0x6080] =	vst v4  }
0x27b: {  	[tilespmem:s30+$0x6080] =	vst v4;
	s30 =	sor.u32 $0x800, s29  }
0x27c: {  	s31 =	sor.u32 $0x810, s29;
	[tilespmem:s30+$0x6080] =	vst v4  }
0x27d: {  	[tilespmem:s31+$0x6080] =	vst v4;
	s31 =	sor.u32 $0x820, s29  }
0x27e: {  	[tilespmem:s31+$0x6080] =	vst v4;
	s31 =	sor.u32 $0x830, s29  }
0x27f: {  	[tilespmem:s31+$0x6080] =	vst v4;
	s31 =	sor.u32 $0x840, s29  }
0x280: {  	[tilespmem:s31+$0x6080] =	vst v4;
	s31 =	sor.u32 $0x850, s29  }
0x281: {  	[tilespmem:s31+$0x6080] =	vst v4;
	s31 =	sor.u32 $0x860, s29  }
0x282: {  	[tilespmem:s31+$0x6080] =	vst v4;
	s31 =	sor.u32 $0x870, s29  }
0x283: {  	[tilespmem:s31+$0x6080] =	vst v4;
	s31 =	sor.u32 $0xC00, s29  }
0x284: {  	[tilespmem:s31+$0x6080] =	vst v4;
	s31 =	sor.u32 $0xC10, s29  }
0x285: {  	[tilespmem:s31+$0x6080] =	vst v4;
	s31 =	sor.u32 $0xC20, s29  }
0x286: {  	[tilespmem:s31+$0x6080] =	vst v4;
	s31 =	sor.u32 $0xC30, s29  }
0x287: {  	[tilespmem:s31+$0x6080] =	vst v4;
	s31 =	sor.u32 $0xC40, s29  }
0x288: {  	[tilespmem:s31+$0x6080] =	vst v4;
	s31 =	sor.u32 $0xC50, s29  }
0x289: {  	[tilespmem:s31+$0x6080] =	vst v4;
	s31 =	sor.u32 $0xC60, s29  }
0x28a: {  	s29 =	sor.u32 $0xC70, s29;
	[tilespmem:s31+$0x6080] =	vst v4  }
0x28b: {  	[tilespmem:s29+$0x6080] =	vst v4;
	s29 =	sadd.s32 $0x100, s28  }
0x28c: {  	[tilespmem:s26+$0x6670] =	vst v4;
	s31 =	sor.u32 $0x800, s29  }
0x28d: {  	[tilespmem:s31+$0x6080] =	vst v4;
	s31 =	sor.u32 $0x810, s29  }
0x28e: {  	[tilespmem:s31+$0x6080] =	vst v4;
	s31 =	sor.u32 $0x820, s29  }
0x28f: {  	[tilespmem:s31+$0x6080] =	vst v4;
	s31 =	sor.u32 $0x830, s29  }
0x290: {  	[tilespmem:s31+$0x6080] =	vst v4;
	s31 =	sor.u32 $0x840, s29  }
0x291: {  	[tilespmem:s31+$0x6080] =	vst v4;
	s31 =	sor.u32 $0x850, s29  }
0x292: {  	[tilespmem:s31+$0x6080] =	vst v4;
	s31 =	sor.u32 $0x860, s29  }
0x293: {  	[tilespmem:s31+$0x6080] =	vst v4;
	s31 =	sor.u32 $0x870, s29  }
0x294: {  	[tilespmem:s31+$0x6080] =	vst v4;
	s31 =	sor.u32 $0xC00, s29  }
0x295: {  	[tilespmem:s31+$0x6080] =	vst v4;
	s31 =	sor.u32 $0xC10, s29  }
0x296: {  	[tilespmem:s31+$0x6080] =	vst v4;
	s31 =	sor.u32 $0xC20, s29  }
0x297: {  	[tilespmem:s31+$0x6080] =	vst v4;
	s31 =	sor.u32 $0xC30, s29  }
0x298: {  	[tilespmem:s31+$0x6080] =	vst v4;
	s31 =	sor.u32 $0xC40, s29  }
0x299: {  	[tilespmem:s31+$0x6080] =	vst v4;
	s31 =	sor.u32 $0xC50, s29  }
0x29a: {  	[tilespmem:s31+$0x6080] =	vst v4;
	s31 =	sor.u32 $0xC60, s29  }
0x29b: {  	s28 =	sadd.s32 $0x180, s28;
	s29 =	sor.u32 $0xC70, s29;
	[tilespmem:s31+$0x6080] =	vst v4  }
0x29c: {  	s31 =	sor.u32 $0x800, s28;
	[tilespmem:s29+$0x6080] =	vst v4  }
0x29d: {  	[tilespmem:s31+$0x6080] =	vst v4;
	s29 =	sor.u32 $0x810, s28  }
0x29e: {  	s30 =	sor.u32 $0x820, s28;
	[tilespmem:s29+$0x6080] =	vst v4  }
0x29f: {  	s31 =	sor.u32 $0x830, s28;
	[tilespmem:s30+$0x6080] =	vst v4  }
0x2a0: {  	s29 =	sor.u32 $0x840, s28;
	[tilespmem:s31+$0x6080] =	vst v4  }
0x2a1: {  	s30 =	sor.u32 $0x850, s28;
	[tilespmem:s29+$0x6080] =	vst v4  }
0x2a2: {  	s31 =	sor.u32 $0x860, s28;
	[tilespmem:s30+$0x6080] =	vst v4  }
0x2a3: {  	s29 =	sor.u32 $0x870, s28;
	[tilespmem:s31+$0x6080] =	vst v4  }
0x2a4: {  	s30 =	sor.u32 $0xC00, s28;
	[tilespmem:s29+$0x6080] =	vst v4  }
0x2a5: {  	s31 =	sor.u32 $0xC10, s28;
	[tilespmem:s30+$0x6080] =	vst v4  }
0x2a6: {  	s24 =	sadd.s32 $0x4, s24;
	s29 =	sor.u32 $0xC20, s28;
	[tilespmem:s31+$0x6080] =	vst v4  }
0x2a7: {  	p2 =	slt.u32 s24, $0x34;
	s30 =	sor.u32 $0xC30, s28;
	[tilespmem:s29+$0x6080] =	vst v4  }
.Ltmp8:
0x2a8: {  	s31 =	sor.u32 $0xC40, s28;
	[tilespmem:s30+$0x6080] =	vst v4;
	(pc) =	sbr.rel @p2 .LBB2_12-.Ltmp8, $4  }
0x2a9: {  	s29 =	sor.u32 $0xC50, s28;
	[tilespmem:s31+$0x6080] =	vst v4  }
0x2aa: {  	s30 =	sor.u32 $0xC60, s28;
	[tilespmem:s29+$0x6080] =	vst v4  }
0x2ab: {  	s31 =	sor.u32 $0xC70, s28;
	[tilespmem:s30+$0x6080] =	vst v4  }
0x2ac: {  	s25 =	sadd.s32 $0x200, s25;
	p1 =	por !p1, !p1;
	s23 =	sadd.s32 $0x800, s23;
	[tilespmem:s31+$0x6080] =	vst v4  }
.Ltmp9:
0x2ad: {  	(pc) =	sbr.rel @p0 .LBB2_16-.Ltmp9, $1  }
0x2ae: {  	_ =	sdelay $0x3  }
0x2af: {  	s23 =	simm.s32 $0x80  }
0x2b0: {  	s24 =	simm.s32 $0x4080;
	s25 =	simm.s32 $0x2080;
	s26 =	simm.s32 $0x80  }
.LBB2_15:
0x2b1: {  	v6 =	vld [tilespmem:s23+$0xFFFFFF80]  }
0x2b2: {  	v7 =	vld [tilespmem:s23+$0xFFFFFF90]  }
0x2b3: {  	v8 =	vld [tilespmem:s23+$0xFFFFFFA0]  }
0x2b4: {  	v30 =	vld [tilespmem:s23+$0xFFFFFFB0]  }
0x2b5: {  	v11 =	vld [tilespmem:s23+$0xFFFFFFC0]  }
0x2b6: {  	v14 =	vld [tilespmem:s23+$0xFFFFFFF0]  }
0x2b7: {  	v15 =	vld [tilespmem:s23+$0x0]  }
0x2b8: {  	v38 =	vld [tilespmem:s23+$0x10]  }
0x2b9: {  	s28 =	sadd.s32 $0xFFFFFF80, s26;
	s30 =	sadd.s32 $0xFFFFFF90, s26;
	v12 =	vimm.s32 $0x0;
	s31 =	sadd.s32 $0xFFFFFFA0, s26;
	v31 =	vimm.s32 $0x0;
	v17 =	vld [tilespmem:s23+$0x20];
	v39 =	vor.u32 s26, v2  }
0x2ba: {  	s29 =	sadd.s32 $0xFFFFFFB0, s26;
	v18 =	vld [tilespmem:s23+$0x30];
	v9 =	vor.u32 s28, v2;
	v10 =	vor.u32 s30, v2;
	v32 =	vor.u32 s31, v2  }
0x2bb: {  	v41 =	vld [tilespmem:s23+$0x40];
	v34 =	vor.u32 s29, v2;
	s30 =	sadd.s32 $0xFFFFFFC0, s26;
	vm0 =	vlt.s32 v9, v5;
	vm12 =	vlt.s32 v10, v5  }
0x2bc: {  	v20 =	vld [tilespmem:s23+$0x50];
	s31 =	sadd.s32 $0xFFFFFFD0, s26;
	s29 =	sadd.s32 $0xFFFFFFE0, s26;
	vm13 =	vlt.s32 v32, v5;
	vm14 =	vlt.s32 v34, v5;
	v13 =	vor.u32 s30, v2  }
0x2bd: {  	v21 =	vld [tilespmem:s23+$0x60];
	v36 =	vor.u32 s31, v2;
	v37 =	vor.u32 s29, v2;
	s30 =	sadd.s32 $0xFFFFFFF0, s26;
	vm15 =	vlt.s32 v13, v5  }
0x2be: {  	v22 =	vld [tilespmem:s23+$0x70];
	s31 =	sadd.s32 $0x10, s26;
	s29 =	sadd.s32 $0x20, s26;
	vm9 =	vlt.s32 v36, v5;
	vm10 =	vlt.s32 v37, v5;
	v16 =	vor.u32 s30, v2  }
0x2bf: {  	v47 =	vld [tilespmem:s25+$0xFFFFFF80];
	v40 =	vor.u32 s31, v2;
	v19 =	vor.u32 s29, v2;
	s30 =	sadd.s32 $0x30, s26;
	s31 =	sadd.s32 $0x40, s26;
	s29 =	sadd.s32 $0x50, s26;
	vm11 =	vlt.s32 v16, v5  }
0x2c0: {  	v49 =	vld [tilespmem:s25+$0xFFFFFF90];
	v42 =	vor.u32 s30, v2;
	v43 =	vor.u32 s31, v2;
	v44 =	vor.u32 s29, v2  }
0x2c1: {  	v52 =	vld [tilespmem:s25+$0xFFFFFFA0];
	v6 =	vsub.s32 v6, v3;
	v7 =	vsub.s32 v7, v3;
	v8 =	vsub.s32 v8, v3  }
0x2c2: {  	v57 =	vld [tilespmem:s25+$0xFFFFFFB0];
	v9 =	vsub.s32 v30, v3;
	v11 =	vsub.s32 v11, v3;
	v14 =	vsub.s32 v14, v3  }
0x2c3: {  	v15 =	vsub.s32 v15, v3;
	v13 =	vsub.s32 v38, v3;
	v17 =	vsub.s32 v17, v3  }
0x2c4: {  	s30 =	sadd.s32 $0x60, s26;
	s31 =	sadd.s32 $0x70, s26;
	v18 =	vsub.s32 v18, v3;
	v16 =	vsub.s32 v41, v3;
	v20 =	vsub.s32 v20, v3  }
0x2c5: {  	v45 =	vor.u32 s30, v2;
	v21 =	vsub.s32 v21, v3;
	v46 =	vor.u32 s31, v2  }
0x2c6: {  	v22 =	vsub.s32 v22, v3;
	v50 =	vshll.u32 v47, $0x3;
	v54 =	vand.u32 $0x7F, v47  }
0x2c7: {  	v56 =	vshll.u32 v49, $0x3;
	v61 =	vshll.u32 v52, $0x3;
	v38 =	vand.u32 $0x7F, v57  }
0x2c8: {  	vm1 =	vlt.u32 v6, $0x38;
	vm2 =	vlt.u32 v7, $0x38;
	vm3 =	vlt.u32 v8, $0x38  }
0x2c9: {  	vm4 =	vlt.u32 v9, $0x38;
	vm5 =	vlt.u32 v11, $0x38;
	v63 =	vand.u32 $0xFFFFFC00, v61  }
0x2ca: {  	v33 =	vld [tilespmem:s23+$0xFFFFFFD0];
	vm0 =	vmand vm0, vm1;
	vm8 =	vmand vm13, vm3;
	vm4 =	vmand vm14, vm4  }
0x2cb: {  	vm5 =	vmand vm15, vm5;
	vm13 =	vlt.s32 v39, v5;
	vm14 =	vlt.s32 v40, v5  }
0x2cc: {  	vm15 =	vlt.s32 v19, v5;
	vm1 =	vlt.s32 v46, v5;
	v12 =	vsel vm0, $0xFFFFFFFF, v12  }
0x2cd: {  	v35 =	vld [tilespmem:s23+$0xFFFFFFE0];
	vm0 =	vmand vm12, vm2;
	vm12 =	vlt.u32 v14, $0x38;
	vm2 =	vlt.s32 v45, v5  }
0x2ce: {  	v30 =	vld [tilespmem:s25+$0xFFFFFFC0];
	v24 =	vnsel vm8, $0x0, v8;
	v25 =	vnsel vm4, $0x0, v9;
	v26 =	vnsel vm5, $0x0, v11  }
0x2cf: {  	[tilespmem:$0x1FF90] =	vst v12;
	v10 =	vsel vm0, $0xFFFFFFFF, v31;
	v12 =	vsub.s32 v33, v3;
	vm0 =	vlt.s32 v42, v5  }
0x2d0: {  	v60 =	vshll.u32 v24, $0x9;
	v31 =	vshll.u32 v24, $0x7;
	v32 =	vshll.u32 v25, $0x9  }
0x2d1: {  	v33 =	vshll.u32 v57, $0x3;
	v34 =	vshll.u32 v25, $0x7;
	v39 =	vshll.u32 v26, $0x9  }
0x2d2: {  	v42 =	vshll.u32 v26, $0x7;
	[tilespmem:$0x1FFA0] =	vst v10;
	vm6 =	vlt.u32 v12, $0x38;
	v10 =	vsub.s32 v35, v3  }
0x2d3: {  	v62 =	vand.u32 $0xFFFFF000, v60;
	v37 =	vand.u32 $0x380, v34;
	v40 =	vshll.u32 v30, $0x3  }
0x2d4: {  	vm6 =	vmand vm9, vm6;
	vm7 =	vlt.u32 v10, $0x38;
	vm9 =	vlt.u32 v15, $0x38  }
0x2d5: {  	v19 =	vand.u32 $0xFFFFFC00, v40;
	vm3 =	vmand vm10, vm7;
	vm7 =	vmand vm11, vm12  }
0x2d6: {  	vm9 =	vmand vm13, vm9;
	vm10 =	vlt.u32 v13, $0x38;
	vm11 =	vlt.u32 v17, $0x38  }
0x2d7: {  	vm12 =	vlt.u32 v18, $0x38;
	vm13 =	vlt.u32 v16, $0x38;
	v27 =	vnsel vm6, $0x0, v12  }
0x2d8: {  	v12 =	vand.u32 $0x7F, v49;
	vm10 =	vmand vm14, vm10;
	vm11 =	vmand vm15, vm11  }
0x2d9: {  	vm12 =	vmand vm0, vm12;
	vm0 =	vlt.s32 v43, v5;
	vm14 =	vlt.u32 v20, $0x38  }
0x2da: {  	vm15 =	vlt.u32 v21, $0x38;
	v28 =	vnsel vm3, $0x0, v10;
	v14 =	vnsel vm7, $0x0, v14  }
0x2db: {  	v15 =	vnsel vm9, $0x0, v15;
	v10 =	vand.u32 $0xFFFFFC00, v50;
	v43 =	vand.u32 $0x380, v42  }
0x2dc: {  	v35 =	vld [tilespmem:s25+$0xFFFFFFD0];
	v49 =	vshll.u32 v27, $0x7;
	vm13 =	vmand vm0, vm13;
	vm0 =	vlt.s32 v44, v5  }
0x2dd: {  	vm2 =	vmand vm2, vm15;
	v29 =	vnsel vm10, $0x0, v13;
	v13 =	vnsel vm11, $0x0, v17  }
0x2de: {  	v23 =	vld [tilespmem:$0x1FF90];
	v11 =	vnsel vm12, $0x0, v18;
	v18 =	vand.u32 $0xFFFFFC00, v56;
	v17 =	vand.u32 $0x7F, v52  }
0x2df: {  	v48 =	vld [tilespmem:$0x1FFA0];
	v44 =	vshll.u32 v27, $0x9;
	v50 =	vshll.u32 v28, $0x9;
	v28 =	vshll.u32 v28, $0x7  }
0x2e0: {  	v57 =	vshll.u32 v15, $0x9;
	v15 =	vshll.u32 v15, $0x7;
	vm14 =	vmand vm0, vm14  }
0x2e1: {  	vm0 =	vlt.u32 v22, $0x38;
	v9 =	vnsel vm13, $0x0, v16;
	v45 =	vshll.u32 v35, $0x3  }
0x2e2: {  	v25 =	vand.u32 $0xFFFFF000, v50;
	v15 =	vand.u32 $0x380, v15;
	v34 =	vshll.u32 v29, $0x9  }
0x2e3: {  	v29 =	vshll.u32 v29, $0x7;
	v61 =	vshll.u32 v13, $0x9;
	v13 =	vshll.u32 v13, $0x7  }
0x2e4: {  	vm15 =	vmand vm1, vm0;
	vm0 =	vnez.u8 v23;
	vm1 =	vnez.u8 v48  }
0x2e5: {  	v8 =	vnsel vm14, $0x0, v20;
	v20 =	vand.u32 $0x7F, v30;
	v46 =	vand.u32 $0xFFFFFC00, v45  }
0x2e6: {  	v47 =	vld [tilespmem:s25+$0xFFFFFFF0];
	v48 =	vand.u32 $0x7F, v35;
	v34 =	vand.u32 $0xFFFFF000, v34;
	v29 =	vand.u32 $0x380, v29  }
0x2e7: {  	v56 =	vld [tilespmem:s25+$0x10];
	v13 =	vand.u32 $0x380, v13;
	v6 =	vnsel vm0, $0x0, v6;
	v23 =	vnsel vm1, $0x0, v7  }
0x2e8: {  	v7 =	vshll.u32 v6, $0x9;
	v6 =	vshll.u32 v6, $0x7;
	v55 =	vshll.u32 v23, $0x9  }
0x2e9: {  	v41 =	vld [tilespmem:s25+$0xFFFFFFE0];
	v58 =	vshll.u32 v23, $0x7;
	v51 =	vand.u32 $0xFFFFF000, v7;
	v7 =	vnsel vm2, $0x0, v21  }
0x2ea: {  	v53 =	vand.u32 $0x380, v6;
	v6 =	vnsel vm15, $0x0, v22;
	v16 =	vand.u32 $0xFFFFF000, v55  }
0x2eb: {  	v59 =	vand.u32 $0x380, v58;
	v21 =	vand.u32 $0xFFFFF000, v32;
	v22 =	vand.u32 $0xFFFFFC00, v33  }
0x2ec: {  	v30 =	vld [tilespmem:s25+$0x0];
	v55 =	vshll.u32 v47, $0x3;
	v35 =	vshll.u32 v56, $0x3;
	v10 =	vadd.s32 v10, v51  }
0x2ed: {  	v16 =	vadd.s32 v18, v16;
	v18 =	vand.u32 $0x380, v31;
	v36 =	vadd.s32 v22, v21  }
0x2ee: {  	v51 =	vshll.u32 v41, $0x3;
	v21 =	vand.u32 $0x7F, v41;
	v22 =	vand.u32 $0x7F, v47  }
0x2ef: {  	v35 =	vand.u32 $0xFFFFFC00, v35;
	v41 =	vshll.u32 v9, $0x9;
	v9 =	vshll.u32 v9, $0x7  }
0x2f0: {  	v10 =	vor.u32 v53, v10;
	v16 =	vor.u32 v59, v16;
	v26 =	vand.u32 $0xFFFFFC00, v51  }
0x2f1: {  	v40 =	vld [tilespmem:s25+$0x50];
	v53 =	vand.u32 $0x380, v28;
	v32 =	vshll.u32 v30, $0x3;
	v30 =	vand.u32 $0x7F, v30  }
0x2f2: {  	v24 =	vld [tilespmem:s24+$0xFFFFFF80];
	v60 =	vadd.s32 v35, v34;
	v28 =	vand.u32 $0x7F, v56;
	v41 =	vand.u32 $0xFFFFF000, v41  }
0x2f3: {  	v27 =	vld [tilespmem:s24+$0xFFFFFF90];
	v9 =	vand.u32 $0x380, v9;
	v56 =	vshll.u32 v7, $0x9;
	v7 =	vshll.u32 v7, $0x7  }
0x2f4: {  	v23 =	vld [tilespmem:s24+$0xFFFFFFB0];
	v10 =	vor.u32 v54, v10;
	v12 =	vor.u32 v12, v16;
	v16 =	vadd.s32 v63, v62  }
0x2f5: {  	v59 =	vld [tilespmem:s25+$0x20];
	v52 =	vadd.s32 v26, v25;
	v54 =	vshll.u32 v14, $0x9;
	v25 =	vand.u32 $0xFFFFFC00, v55  }
0x2f6: {  	v33 =	vld [tilespmem:s24+$0xFFFFFFE0];
	v14 =	vshll.u32 v14, $0x7;
	v58 =	vand.u32 $0xFFFFFC00, v32;
	v55 =	vand.u32 $0x7F, v40  }
0x2f7: {  	v31 =	vld [tilespmem:s24+$0xFFFFFFC0];
	v7 =	vand.u32 $0x380, v7;
	v16 =	vor.u32 v18, v16;
	v18 =	vor.u32 v37, v36  }
0x2f8: {  	v63 =	vld [tilespmem:s25+$0x40];
	v16 =	vor.u32 v17, v16;
	v17 =	vor.u32 v38, v18;
	v18 =	vand.u32 $0xFFFFF000, v39  }
0x2f9: {  	v34 =	vld [tilespmem:s24+$0x10];
	v14 =	vand.u32 $0x380, v14;
	v18 =	vadd.s32 v19, v18;
	v19 =	vand.u32 $0xFFFFF000, v44  }
0x2fa: {  	v51 =	vld [tilespmem:s24+$0x70];
	v18 =	vor.u32 v43, v18;
	v19 =	vadd.s32 v46, v19;
	v62 =	vshll.u32 v59, $0x3  }
0x2fb: {  	v37 =	vld [tilespmem:s25+$0x30];
	v32 =	vand.u32 $0x7F, v59;
	v46 =	vshll.u32 v11, $0x9;
	v11 =	vshll.u32 v11, $0x7  }
0x2fc: {  	v26 =	vld [tilespmem:s24+$0xFFFFFFA0];
	v59 =	vshll.u32 v6, $0x9;
	v6 =	vshll.u32 v6, $0x7;
	v18 =	vor.u32 v20, v18  }
0x2fd: {  	v36 =	vld [tilespmem:s24+$0x0];
	v20 =	vand.u32 $0x380, v49;
	v11 =	vand.u32 $0x380, v11;
	v42 =	vshll.u32 v63, $0x3  }
0x2fe: {  	v38 =	vld [tilespmem:s24+$0x30];
	v35 =	vand.u32 $0x7F, v63;
	v19 =	vor.u32 v20, v19;
	v20 =	vor.u32 v53, v52  }
0x2ff: {  	v44 =	vld [tilespmem:s25+$0x70];
	v6 =	vand.u32 $0x380, v6;
	v20 =	vor.u32 v21, v20;
	v21 =	vand.u32 $0xFFFFF000, v54  }
0x300: {  	v43 =	vld [tilespmem:s24+$0x60];
	v39 =	vshll.u32 v37, $0x3;
	v37 =	vand.u32 $0x7F, v37;
	v21 =	vadd.s32 v25, v21  }
0x301: {  	v49 =	vld [tilespmem:s25+$0x60];
	v42 =	vand.u32 $0xFFFFFC00, v42;
	v14 =	vor.u32 v14, v21;
	v21 =	vand.u32 $0xFFFFF000, v57  }
0x302: {  	v52 =	vshll.u32 v8, $0x9;
	v19 =	vor.u32 v48, v19;
	v48 =	vld [tilespmem:s24+$0x50];
	v21 =	vadd.s32 v58, v21  }
0x303: {  	v53 =	vshll.u32 v40, $0x3;
	v8 =	vshll.u32 v8, $0x7;
	v25 =	vld [tilespmem:s24+$0xFFFFFFD0];
	v15 =	vor.u32 v15, v21  }
0x304: {  	v14 =	vor.u32 v22, v14;
	v22 =	vld [tilespmem:s24+$0xFFFFFFF0];
	v21 =	vor.u32 v29, v60;
	v15 =	vor.u32 v30, v15  }
0x305: {  	v29 =	vld [tilespmem:s24+$0x20];
	v21 =	vor.u32 v28, v21;
	v28 =	vand.u32 $0xFFFFF000, v61;
	v30 =	vand.u32 $0xFFFFFC00, v62  }
0x306: {  	v47 =	vand.u32 $0xFFFFFC00, v39;
	v50 =	vadd.s32 v42, v41;
	v28 =	vadd.s32 v30, v28;
	v30 =	vld [tilespmem:s24+$0x40];
	[tilespmem:v10+s17+$0x0] =	vst.idx.msk vm0, v24  }
0x307: {  	v54 =	vand.u32 $0xFFFFFC00, v53;
	v8 =	vand.u32 $0x380, v8;
	v9 =	vor.u32 v9, v50;
	[tilespmem:v12+s17+$0x0] =	vst.idx.msk vm1, v27  }
0x308: {  	v9 =	vor.u32 v35, v9;
	v57 =	vshll.u32 v49, $0x3;
	v60 =	vshll.u32 v44, $0x3;
	[tilespmem:v16+s17+$0x0] =	vst.idx.msk vm8, v26  }
0x309: {  	v10 =	vand.u32 $0xFFFFF000, v52;
	v13 =	vor.u32 v13, v28;
	v28 =	vand.u32 $0xFFFFF000, v46;
	[tilespmem:v17+s17+$0x0] =	vst.idx.msk vm4, v23  }
0x30a: {  	v61 =	vand.u32 $0xFFFFFC00, v60;
	v10 =	vadd.s32 v54, v10;
	v28 =	vadd.s32 v47, v28;
	[tilespmem:v18+s17+$0x0] =	vst.idx.msk vm5, v31  }
0x30b: {  	v12 =	vand.u32 $0xFFFFFC00, v57;
	v13 =	vor.u32 v32, v13;
	v11 =	vor.u32 v11, v28;
	[tilespmem:v19+s17+$0x0] =	vst.idx.msk vm6, v25  }
0x30c: {  	v8 =	vor.u32 v8, v10;
	v10 =	vand.u32 $0xFFFFF000, v56;
	v11 =	vor.u32 v37, v11;
	[tilespmem:v20+s17+$0x0] =	vst.idx.msk vm3, v33  }
0x30d: {  	v8 =	vor.u32 v55, v8;
	v10 =	vadd.s32 v12, v10;
	v12 =	vand.u32 $0xFFFFF000, v59;
	[tilespmem:v14+s17+$0x0] =	vst.idx.msk vm7, v22  }
0x30e: {  	v58 =	vand.u32 $0x7F, v49;
	v7 =	vor.u32 v7, v10;
	v62 =	vadd.s32 v61, v12;
	[tilespmem:v15+s17+$0x0] =	vst.idx.msk vm9, v36  }
0x30f: {  	v63 =	vand.u32 $0x7F, v44;
	v7 =	vor.u32 v58, v7;
	v6 =	vor.u32 v6, v62;
	[tilespmem:v21+s17+$0x0] =	vst.idx.msk vm10, v34  }
0x310: {  	p0 =	sne.s32 s22, $0x1;
	v6 =	vor.u32 v63, v6;
	[tilespmem:v13+s17+$0x0] =	vst.idx.msk vm11, v29  }
.Ltmp10:
0x311: {  	[tilespmem:v11+s17+$0x0] =	vst.idx.msk vm12, v38;
	(pc) =	sbr.rel @p0 .LBB2_15-.Ltmp10, $4  }
0x312: {  	[tilespmem:v9+s17+$0x0] =	vst.idx.msk vm13, v30  }
0x313: {  	[tilespmem:v8+s17+$0x0] =	vst.idx.msk vm14, v48  }
0x314: {  	s23 =	sadd.s32 $0x100, s23;
	s22 =	sadd.s32 $0xFFFFFFFF, s22;
	[tilespmem:v7+s17+$0x0] =	vst.idx.msk vm2, v43  }
0x315: {  	s26 =	sadd.s32 $0x100, s26;
	s25 =	sadd.s32 $0x100, s25;
	s24 =	sadd.s32 $0x100, s24;
	[tilespmem:v6+s17+$0x0] =	vst.idx.msk vm15, v51  }
.Ltmp11:
0x316: {  	_ = 	snop;
	(pc) =	sbr.rel .LBB2_16-.Ltmp11, $1  }
0x317: {  	_ =	sdelay $0x3  }
.LBB2_17:
0x318: {  	_ =	sfence.sel $0x180000  }
0x319: {  	[bflag:$0x0] =	sbarrier.arrive $0xFFFF  }
0x31a: {  	p0 =	sne.s32 s0, $0x0;
	_ =	strace $0x90000047  }
0x31b: {  	s0 =	sadd.s32 @!p0 $0x100000, s1;
	[bflag:$0x2] =	sbarrier.arrive $0xFFFF  }
0x31c: {  	[sflag:s0] =	ssyncadd.tile.s32 @!p0 $0x1;
	_ =	shalt  }
.Lfunc_end2:
_tile_overlayer_lowered:
.L_overlay_start_2:
0x31d: {  	(tag) =	ssettag $0x2  }
0x31e: {  	s0 =	rddreg [dreg:$0x0];
	s2 =	stileid.u32  }
0x31f: {  	s1 =	rddreg [dreg:$0x1];
	p0 =	sne.s32 s2, $0x0  }
0x320: {  	s3 =	rddreg [dreg:$0x2];
	[bflag:$0x3] =	sbarrier.arrive $0xFFFF;
	s2 =	simm.s32 @!p0 $0x1C04  }
0x321: {  	[timem:s3], [sflag:s2] =	dma.local @!p0 [hbm:s0], s1  }
0x322: {  	s0 =	simm.s32 @!p0 $0x4  }
0x323: {  	_ =	swait.ge @!p0 [sflag:s0], s1  }
0x324: {  	s1 =	ssub.s32 @!p0 $0x0, s1;
	[sflag:s0] =	ssyncset.done @!p0 $0x0  }
0x325: {  	[sflag:s0] =	ssyncadd.s32 @!p0 s1  }
0x326: {  	[bflag:$0x3] =	sbarrier.arrive $0xFFFF  }
0x327: {  	_ =	shalt  }

</sc_bundles>
